<compile_context>
chip_gen: v7x
topology: tpu7x:2x2x1
jax: 0.10.2.dev20260603
libtpu: 0.0.44.dev20260713+nightly
codegen_flags: <defaults>
</compile_context>

<pallas_src>
import dataclasses
import functools

import jax
import jax.numpy as jnp
from jax import lax
from jax.experimental import pallas as pl
from jax.experimental.pallas import tpu as pltpu
from jax.experimental.pallas import tpu_sc as plsc

N = 10000
D = 128
NC = 2
NS = 16
NW = NC * NS
EB = 128
NG = 9
GB = 9
NBLK = NG * GB
CH = NBLK * EB
EPAD = NW * CH
NPAD = 10240
RPT = NPAD // NS
BN = 1024
GRID = NPAD // BN

_sc_params = pltpu.CompilerParams()
if "needs_layout_passes" in pltpu.CompilerParams.__dataclass_fields__:
    _sc_params = dataclasses.replace(_sc_params, needs_layout_passes=False)

_vector_mesh = plsc.VectorSubcoreMesh(core_axis_name="c", subcore_axis_name="s")



def _tc_embed_body(x_ref, W_ref, as_ref, ad_ref, h_ref, s_ref, d_ref, m_ref):
    h = jnp.dot(x_ref[...], W_ref[...], preferred_element_type=jnp.float32)
    h_ref[...] = h
    s = jnp.dot(h, as_ref[...], preferred_element_type=jnp.float32)
    d = jnp.dot(h, ad_ref[...], preferred_element_type=jnp.float32)
    s_ref[...] = s
    d_ref[...] = d
    sd = s + d
    m_ref[...] = jnp.where(sd > 0.0, sd, 0.2 * sd)


def _tc_embed(x, W, a_s, a_d):
    return pl.pallas_call(
        _tc_embed_body,
        grid=(GRID,),
        in_specs=[
            pl.BlockSpec((BN, D), lambda i: (i, 0)),
            pl.BlockSpec((D, D), lambda i: (0, 0)),
            pl.BlockSpec((D, 1), lambda i: (0, 0)),
            pl.BlockSpec((D, 1), lambda i: (0, 0)),
        ],
        out_specs=[
            pl.BlockSpec((BN, D), lambda i: (i, 0)),
            pl.BlockSpec((BN, 1), lambda i: (i, 0)),
            pl.BlockSpec((BN, 1), lambda i: (i, 0)),
            pl.BlockSpec((BN, 1), lambda i: (i, 0)),
        ],
        out_shape=[
            jax.ShapeDtypeStruct((NPAD, D), jnp.float32),
            jax.ShapeDtypeStruct((NPAD, 1), jnp.float32),
            jax.ShapeDtypeStruct((NPAD, 1), jnp.float32),
            jax.ShapeDtypeStruct((NPAD, 1), jnp.float32),
        ],
    )(x, W, a_s, a_d)


def _normalize(p_ref, den_ref, b_ref):
    i = pl.program_id(0)
    den = den_ref[:, pl.ds(i * BN, BN)]
    dsum = jnp.sum(den, axis=0)
    inv = 1.0 / (dsum + 1e-16)
    agg = (p_ref[0] + p_ref[1]) * inv[:, None] + b_ref[...]
    return jnp.maximum(agg, 0.0)


def _tc_merge_body(p_ref, den_ref, b_ref, W_ref, as_ref, ad_ref,
                   h_ref, s_ref, d_ref, m_ref):
    g = _normalize(p_ref, den_ref, b_ref)
    h = jnp.dot(g, W_ref[...], preferred_element_type=jnp.float32)
    h_ref[...] = h
    s = jnp.dot(h, as_ref[...], preferred_element_type=jnp.float32)
    d = jnp.dot(h, ad_ref[...], preferred_element_type=jnp.float32)
    s_ref[...] = s
    d_ref[...] = d
    sd = s + d
    m_ref[...] = jnp.where(sd > 0.0, sd, 0.2 * sd)


def _tc_merge(p, den, b, W, a_s, a_d):
    return pl.pallas_call(
        _tc_merge_body,
        grid=(GRID,),
        in_specs=[
            pl.BlockSpec((NC, BN, D), lambda i: (0, i, 0)),
            pl.BlockSpec((NW, NPAD), lambda i: (0, 0)),
            pl.BlockSpec((1, D), lambda i: (0, 0)),
            pl.BlockSpec((D, D), lambda i: (0, 0)),
            pl.BlockSpec((D, 1), lambda i: (0, 0)),
            pl.BlockSpec((D, 1), lambda i: (0, 0)),
        ],
        out_specs=[
            pl.BlockSpec((BN, D), lambda i: (i, 0)),
            pl.BlockSpec((BN, 1), lambda i: (i, 0)),
            pl.BlockSpec((BN, 1), lambda i: (i, 0)),
            pl.BlockSpec((BN, 1), lambda i: (i, 0)),
        ],
        out_shape=[
            jax.ShapeDtypeStruct((NPAD, D), jnp.float32),
            jax.ShapeDtypeStruct((NPAD, 1), jnp.float32),
            jax.ShapeDtypeStruct((NPAD, 1), jnp.float32),
            jax.ShapeDtypeStruct((NPAD, 1), jnp.float32),
        ],
    )(p, den, b, W, a_s, a_d)


def _tc_final_body(p_ref, den_ref, b_ref, Wl_ref, bl_ref, y_ref):
    g = _normalize(p_ref, den_ref, b_ref)
    y_ref[...] = (jnp.dot(g, Wl_ref[...], preferred_element_type=jnp.float32)
                  + bl_ref[...])


def _tc_final(p, den, b, Wl, bl):
    return pl.pallas_call(
        _tc_final_body,
        grid=(GRID,),
        in_specs=[
            pl.BlockSpec((NC, BN, D), lambda i: (0, i, 0)),
            pl.BlockSpec((NW, NPAD), lambda i: (0, 0)),
            pl.BlockSpec((1, D), lambda i: (0, 0)),
            pl.BlockSpec((D, 1), lambda i: (0, 0)),
            pl.BlockSpec((1, 1), lambda i: (0, 0)),
        ],
        out_specs=pl.BlockSpec((BN, 1), lambda i: (i, 0)),
        out_shape=jax.ShapeDtypeStruct((NPAD, 1), jnp.float32),
    )(p, den, b, Wl, bl)



def _sc_weights_body(e_true, s_hbm, d_hbm, m_hbm, src_hbm, dst_hbm,
                     w_hbm, denp_hbm,
                     s_v, d_v, m_v, den_v, src_v, dst_v, w_v):
    cid = lax.axis_index("c")
    sid = lax.axis_index("s")
    wid = sid * NC + cid

    pltpu.sync_copy(s_hbm, s_v)
    pltpu.sync_copy(d_hbm, d_v)
    pltpu.sync_copy(m_hbm, m_v)
    base = pl.multiple_of(wid * CH, 8)
    pltpu.sync_copy(src_hbm.at[pl.ds(base, CH)], src_v)
    pltpu.sync_copy(dst_hbm.at[pl.ds(base, CH)], dst_v)

    zeros16 = jnp.zeros((16,), jnp.float32)

    @pl.loop(0, NPAD // 16)
    def _zero_den(i):
        den_v[pl.ds(i * 16, 16)] = zeros16

    @pl.loop(0, NBLK)
    def _block(j):
        for c in range(8):
            off = j * EB + c * 16
            sidx = src_v[pl.ds(off, 16)]
            didx = dst_v[pl.ds(off, 16)]
            sg = plsc.load_gather(s_v, [sidx])
            dg = plsc.load_gather(d_v, [didx])
            mg = plsc.load_gather(m_v, [didx])
            e = sg + dg
            e = jnp.where(e > 0.0, e, 0.2 * e)
            w = jnp.exp(jnp.minimum(e - mg, 80.0))
            gid = base + off + lax.iota(jnp.int32, 16)
            w = jnp.where(gid < e_true, w, 0.0)
            w_v[pl.ds(off, 16)] = w
            plsc.addupdate_scatter(den_v, [didx], w)

    pltpu.sync_copy(w_v, w_hbm.at[pl.ds(base, CH)])
    pltpu.sync_copy(den_v,
                    denp_hbm.at[pl.ds(pl.multiple_of(wid * NPAD, 8), NPAD)])


def _sc_rows_body(h_hbm, src_hbm, dst_hbm, w_hbm, outp_hbm,
                  src_v, dst_v, w_v, rows_v, acc_sh):
    cid = lax.axis_index("c")
    sid = lax.axis_index("s")
    wid = sid * NC + cid

    zeros16 = jnp.zeros((16,), jnp.float32)

    @pl.loop(0, EB)
    def _zero_rows(r):
        for c in range(8):
            rows_v[r, pl.ds(c * 16, 16)] = zeros16

    @pl.loop(0, RPT // EB)
    def _zero_acc(k):
        pltpu.sync_copy(rows_v,
                        acc_sh.at[pl.ds(pl.multiple_of(sid * RPT + k * EB, 8),
                                        EB)])

    plsc.subcore_barrier()

    @pl.loop(0, NG)
    def _group(g):
        pltpu.sync_copy(src_hbm.at[wid, g], src_v)
        pltpu.sync_copy(dst_hbm.at[wid, g], dst_v)
        pltpu.sync_copy(w_hbm.at[wid, g], w_v)

        for jj in range(GB):
            pltpu.sync_copy(h_hbm.at[src_v.at[jj]], rows_v)

            @pl.loop(0, EB)
            def _scale(r):
                wb = plsc.load_gather(
                    w_v, [jnp.full((16,), jj, jnp.int32),
                          jnp.full((16,), r, jnp.int32)])
                for c in range(8):
                    rows_v[r, pl.ds(c * 16, 16)] = (
                        rows_v[r, pl.ds(c * 16, 16)] * wb)

            pltpu.sync_copy(rows_v, acc_sh.at[dst_v.at[jj]], add=True)

    plsc.subcore_barrier()

    row0 = pl.multiple_of(sid * RPT, 8)
    pltpu.sync_copy(acc_sh.at[pl.ds(row0, RPT)],
                    outp_hbm.at[cid, pl.ds(row0, RPT)])


def _sc_gat(e_true, h, s, d, m, src, dst):
    wkern = pl.kernel(
        functools.partial(_sc_weights_body, e_true),
        out_type=[
            jax.ShapeDtypeStruct((EPAD,), jnp.float32),
            jax.ShapeDtypeStruct((NW * NPAD,), jnp.float32),
        ],
        mesh=_vector_mesh,
        scratch_types=[
            pltpu.VMEM((NPAD,), jnp.float32),
            pltpu.VMEM((NPAD,), jnp.float32),
            pltpu.VMEM((NPAD,), jnp.float32),
            pltpu.VMEM((NPAD,), jnp.float32),
            pltpu.VMEM((CH,), jnp.int32),
            pltpu.VMEM((CH,), jnp.int32),
            pltpu.VMEM((CH,), jnp.float32),
        ],
        compiler_params=_sc_params,
    )
    w, denp = wkern(s, d, m, src.reshape(-1), dst.reshape(-1))
    w = w.reshape(NW, NG, GB, EB)

    rkern = pl.kernel(
        _sc_rows_body,
        out_type=jax.ShapeDtypeStruct((NC, NPAD, D), jnp.float32),
        mesh=_vector_mesh,
        scratch_types=[
            pltpu.VMEM((GB, EB), jnp.int32),
            pltpu.VMEM((GB, EB), jnp.int32),
            pltpu.VMEM((GB, EB), jnp.float32),
            pltpu.VMEM((EB, D), jnp.float32),
            pltpu.VMEM_SHARED((NPAD, D), jnp.float32),
        ],
        compiler_params=_sc_params,
    )
    outp = rkern(h, src, dst, w)
    return outp, denp



def kernel(x, edge_index, edge_attr, W1, a_src1, a_dst1, b1,
           W2, a_src2, a_dst2, b2, Wl, bl):
    del edge_attr
    n = x.shape[0]
    e_true = edge_index.shape[1] + n
    loop = jnp.arange(n, dtype=edge_index.dtype)
    pad = jnp.zeros((EPAD - e_true,), edge_index.dtype)
    src = jnp.concatenate([edge_index[0], loop, pad]).reshape(NW, NG, GB, EB)
    dst = jnp.concatenate([edge_index[1], loop, pad]).reshape(NW, NG, GB, EB)

    a_s1 = a_src1.reshape(D, 1)
    a_d1 = a_dst1.reshape(D, 1)
    a_s2 = a_src2.reshape(D, 1)
    a_d2 = a_dst2.reshape(D, 1)

    x_pad = jnp.concatenate([x, jnp.zeros((NPAD - N, D), x.dtype)])
    h1, s1, d1, m1 = _tc_embed(x_pad, W1, a_s1, a_d1)
    p1, den1 = _sc_gat(e_true, h1, s1.reshape(-1), d1.reshape(-1),
                       m1.reshape(-1), src, dst)
    h2, s2, d2, m2 = _tc_merge(p1, den1.reshape(NW, NPAD), b1.reshape(1, D),
                               W2, a_s2, a_d2)
    p2, den2 = _sc_gat(e_true, h2, s2.reshape(-1), d2.reshape(-1),
                       m2.reshape(-1), src, dst)
    y = _tc_final(p2, den2.reshape(NW, NPAD), b2.reshape(1, D),
                  Wl, bl.reshape(1, 1))
    return y[:N]

# --- scband reference (transcript-rebuilt; emitter-appended) ---
"""Pipeline reference for scband-baseline-gdpmodel-30812095381804 (READ-ONLY COPY).

The authoritative reference and input builder live on the scoring server;
editing this copy changes nothing except your own understanding.
"""

import jax, jax.numpy as jnp
import numpy as np

N = 10000
E = 320000
D = 128
H = 128


def gat_conv(x, src, dst, W, a_src, a_dst, b, num_nodes):
    # PyG GATConv, heads=1, concat=True, negative_slope=0.2, add_self_loops done by caller
    h = x @ W                      # [N, H]
    e_src = h @ a_src              # [N]
    e_dst = h @ a_dst              # [N]
    e = e_src[src] + e_dst[dst]    # [E']
    e = jnp.where(e > 0, e, 0.2 * e)  # leaky_relu(0.2)
    m = jax.ops.segment_max(e, dst, num_segments=num_nodes)
    m = jnp.where(jnp.isfinite(m), m, 0.0)
    ex = jnp.exp(e - m[dst])
    denom = jax.ops.segment_sum(ex, dst, num_segments=num_nodes)
    alpha = ex / (denom[dst] + 1e-16)
    out = jax.ops.segment_sum(alpha[:, None] * h[src], dst, num_segments=num_nodes)
    return out + b


def setup_inputs(seed: int = 0) -> dict:
    key = jax.random.key(seed)
    ks = jax.random.split(key, 14)
    x = jax.random.normal(ks[0], (N, D), dtype=jnp.float32)
    edge_index = jax.random.randint(ks[1], (2, E), 0, N, dtype=jnp.int32)
    edge_attr = jax.random.normal(ks[2], (E, 4), dtype=jnp.float32)
    W1 = jax.random.normal(ks[3], (D, H), dtype=jnp.float32) * (1.0 / np.sqrt(D))
    a_src1 = jax.random.normal(ks[4], (H,), dtype=jnp.float32) * 0.1
    a_dst1 = jax.random.normal(ks[5], (H,), dtype=jnp.float32) * 0.1
    b1 = jnp.zeros((H,), dtype=jnp.float32)
    W2 = jax.random.normal(ks[6], (H, H), dtype=jnp.float32) * (1.0 / np.sqrt(H))
    a_src2 = jax.random.normal(ks[7], (H,), dtype=jnp.float32) * 0.1
    a_dst2 = jax.random.normal(ks[8], (H,), dtype=jnp.float32) * 0.1
    b2 = jnp.zeros((H,), dtype=jnp.float32)
    Wl = jax.random.normal(ks[9], (H, 1), dtype=jnp.float32) * (1.0 / np.sqrt(H))
    bl = jnp.zeros((1,), dtype=jnp.float32)
    return {"x": x, "edge_index": edge_index, "edge_attr": edge_attr,
            "W1": W1, "a_src1": a_src1, "a_dst1": a_dst1, "b1": b1,
            "W2": W2, "a_src2": a_src2, "a_dst2": a_dst2, "b2": b2,
            "Wl": Wl, "bl": bl}


def reference(x, edge_index, edge_attr, W1, a_src1, a_dst1, b1, W2, a_src2, a_dst2, b2, Wl, bl):
    n = x.shape[0]
    loop = jnp.arange(n, dtype=edge_index.dtype)
    src = jnp.concatenate([edge_index[0], loop])
    dst = jnp.concatenate([edge_index[1], loop])
    h = gat_conv(x, src, dst, W1, a_src1, a_dst1, b1, n)
    h = jax.nn.relu(h)
    # dropout in eval mode is identity
    h = gat_conv(h, src, dst, W2, a_src2, a_dst2, b2, n)
    h = jax.nn.relu(h)
    return h @ Wl + bl

if __name__ == "__main__":
    import jax
    _d = setup_inputs()
    print(jax.jit(kernel)(*tuple(_d.values())))

</pallas_src>

<mosaic_0001>
#map = affine_map<(d0, d1) -> (0)>
module attributes {stable_mosaic.version = 14 : i64} {
  func.func @_sc_weights_body(%arg0: i32, %arg1: i32, %arg2: memref<10240xf32, #tpu.memory_space<hbm>>, %arg3: memref<10240xf32, #tpu.memory_space<hbm>>, %arg4: memref<10240xf32, #tpu.memory_space<hbm>>, %arg5: memref<331776xi32, #tpu.memory_space<hbm>>, %arg6: memref<331776xi32, #tpu.memory_space<hbm>>, %arg7: memref<331776xf32, #tpu.memory_space<hbm>>, %arg8: memref<327680xf32, #tpu.memory_space<hbm>>, %arg9: memref<10240xf32, #tpu.memory_space<vmem>>, %arg10: memref<10240xf32, #tpu.memory_space<vmem>>, %arg11: memref<10240xf32, #tpu.memory_space<vmem>>, %arg12: memref<10240xf32, #tpu.memory_space<vmem>>, %arg13: memref<10368xi32, #tpu.memory_space<vmem>>, %arg14: memref<10368xi32, #tpu.memory_space<vmem>>, %arg15: memref<10368xf32, #tpu.memory_space<vmem>>) attributes {dimension_semantics = [#tpu.dimension_semantics<core_parallel>, #tpu.dimension_semantics<subcore_parallel>], iteration_bounds = array<i64: 2, 16>, scalar_prefetch = 0 : i64, scratch_operands = 7 : i64, tpu.core_type = #tpu.core_type<sc_vector_subcore>, window_params = [{transform_indices = #map}, {transform_indices = #map}, {transform_indices = #map}, {transform_indices = #map}, {transform_indices = #map}, {transform_indices = #map}, {transform_indices = #map}]} {
    %mul3A = arith.constant 2 : i32
    %mul3A_0 = arith.muli %arg1, %mul3A : i32
    %add3A = arith.addi %mul3A_0, %arg0 : i32
    "tpu.region"() ({
      %run_scoped3A = tpu.sem_alloc : memref<!tpu.dma_semaphore, #tpu.memory_space<semaphore_mem>>
      tpu.enqueue_dma source(%arg2 : memref<10240xf32, #tpu.memory_space<hbm>>) target(%arg9 : memref<10240xf32, #tpu.memory_space<vmem>>) target_semaphore(%run_scoped3A : memref<!tpu.dma_semaphore, #tpu.memory_space<semaphore_mem>>)
      tpu.wait_dma2 semaphore(%run_scoped3A : memref<!tpu.dma_semaphore, #tpu.memory_space<semaphore_mem>>) src(%arg2 : memref<10240xf32, #tpu.memory_space<hbm>>) dst(%arg9 : memref<10240xf32, #tpu.memory_space<vmem>>)
      tpu.yield
    }) : () -> ()
    "tpu.region"() ({
      %run_scoped3A = tpu.sem_alloc : memref<!tpu.dma_semaphore, #tpu.memory_space<semaphore_mem>>
      tpu.enqueue_dma source(%arg3 : memref<10240xf32, #tpu.memory_space<hbm>>) target(%arg10 : memref<10240xf32, #tpu.memory_space<vmem>>) target_semaphore(%run_scoped3A : memref<!tpu.dma_semaphore, #tpu.memory_space<semaphore_mem>>)
      tpu.wait_dma2 semaphore(%run_scoped3A : memref<!tpu.dma_semaphore, #tpu.memory_space<semaphore_mem>>) src(%arg3 : memref<10240xf32, #tpu.memory_space<hbm>>) dst(%arg10 : memref<10240xf32, #tpu.memory_space<vmem>>)
      tpu.yield
    }) : () -> ()
    "tpu.region"() ({
      %run_scoped3A = tpu.sem_alloc : memref<!tpu.dma_semaphore, #tpu.memory_space<semaphore_mem>>
      tpu.enqueue_dma source(%arg4 : memref<10240xf32, #tpu.memory_space<hbm>>) target(%arg11 : memref<10240xf32, #tpu.memory_space<vmem>>) target_semaphore(%run_scoped3A : memref<!tpu.dma_semaphore, #tpu.memory_space<semaphore_mem>>)
      tpu.wait_dma2 semaphore(%run_scoped3A : memref<!tpu.dma_semaphore, #tpu.memory_space<semaphore_mem>>) src(%arg4 : memref<10240xf32, #tpu.memory_space<hbm>>) dst(%arg11 : memref<10240xf32, #tpu.memory_space<vmem>>)
      tpu.yield
    }) : () -> ()
    %mul3A_1 = arith.constant 10368 : i32
    %mul3A_2 = arith.muli %add3A, %mul3A_1 : i32
    %multiple_of3A = tpu.assume_multiple %mul3A_2, 8 : i32
    "tpu.region"() ({
      %run_scoped3A = tpu.sem_alloc : memref<!tpu.dma_semaphore, #tpu.memory_space<semaphore_mem>>
      %dma_start3A = tpu.memref_slice %arg5[%multiple_of3A] : memref<331776xi32, #tpu.memory_space<hbm>> -> memref<10368xi32, #tpu.memory_space<hbm>>
      %dma_start3A_16 = tpu.memref_slice %arg5[%multiple_of3A] : memref<331776xi32, #tpu.memory_space<hbm>> -> memref<10368xi32, #tpu.memory_space<hbm>>
      tpu.enqueue_dma source(%dma_start3A_16 : memref<10368xi32, #tpu.memory_space<hbm>>) target(%arg13 : memref<10368xi32, #tpu.memory_space<vmem>>) target_semaphore(%run_scoped3A : memref<!tpu.dma_semaphore, #tpu.memory_space<semaphore_mem>>)
      %dma_wait3A = tpu.memref_slice %arg5[%multiple_of3A] : memref<331776xi32, #tpu.memory_space<hbm>> -> memref<10368xi32, #tpu.memory_space<hbm>>
      %dma_wait3A_17 = tpu.memref_slice %arg5[%multiple_of3A] : memref<331776xi32, #tpu.memory_space<hbm>> -> memref<10368xi32, #tpu.memory_space<hbm>>
      tpu.wait_dma2 semaphore(%run_scoped3A : memref<!tpu.dma_semaphore, #tpu.memory_space<semaphore_mem>>) src(%dma_wait3A_17 : memref<10368xi32, #tpu.memory_space<hbm>>) dst(%arg13 : memref<10368xi32, #tpu.memory_space<vmem>>)
      tpu.yield
    }) : () -> ()
    "tpu.region"() ({
      %run_scoped3A = tpu.sem_alloc : memref<!tpu.dma_semaphore, #tpu.memory_space<semaphore_mem>>
      %dma_start3A = tpu.memref_slice %arg6[%multiple_of3A] : memref<331776xi32, #tpu.memory_space<hbm>> -> memref<10368xi32, #tpu.memory_space<hbm>>
      %dma_start3A_16 = tpu.memref_slice %arg6[%multiple_of3A] : memref<331776xi32, #tpu.memory_space<hbm>> -> memref<10368xi32, #tpu.memory_space<hbm>>
      tpu.enqueue_dma source(%dma_start3A_16 : memref<10368xi32, #tpu.memory_space<hbm>>) target(%arg14 : memref<10368xi32, #tpu.memory_space<vmem>>) target_semaphore(%run_scoped3A : memref<!tpu.dma_semaphore, #tpu.memory_space<semaphore_mem>>)
      %dma_wait3A = tpu.memref_slice %arg6[%multiple_of3A] : memref<331776xi32, #tpu.memory_space<hbm>> -> memref<10368xi32, #tpu.memory_space<hbm>>
      %dma_wait3A_17 = tpu.memref_slice %arg6[%multiple_of3A] : memref<331776xi32, #tpu.memory_space<hbm>> -> memref<10368xi32, #tpu.memory_space<hbm>>
      tpu.wait_dma2 semaphore(%run_scoped3A : memref<!tpu.dma_semaphore, #tpu.memory_space<semaphore_mem>>) src(%dma_wait3A_17 : memref<10368xi32, #tpu.memory_space<hbm>>) dst(%arg14 : memref<10368xi32, #tpu.memory_space<vmem>>)
      tpu.yield
    }) : () -> ()
    %broadcast_in_dim3A = arith.constant 0.000000e+00 : f32
    %broadcast_in_dim3A_3 = vector.broadcast %broadcast_in_dim3A : f32 to vector<16xf32>
    %scan3A = arith.constant 0 : i32
    %scan3A_4 = arith.constant 640 : i32
    %scan3A_5 = arith.addi %scan3A, %scan3A_4 : i32
    %scan3A_6 = arith.constant 1 : i32
    scf.for %scan3A_16 = %scan3A to %scan3A_5 step %scan3A_6  : i32 {
      %mul3A_17 = arith.constant 1 : i32
      %mul3A_18 = arith.muli %scan3A_16, %mul3A_17 : i32
      %add3A_19 = arith.constant 0 : i32
      %add3A_20 = arith.addi %add3A_19, %mul3A_18 : i32
      %mul3A_21 = arith.constant 16 : i32
      %mul3A_22 = arith.muli %add3A_20, %mul3A_21 : i32
      %swap3A = arith.index_cast %mul3A_22 : i32 to index
      %swap3A_23 = tpu.vector_load %arg12[%swap3A] {strides = array<i32>} : memref<10240xf32, #tpu.memory_space<vmem>>, vector<16xf32>,
      tpu.vector_store %arg12[%swap3A], %broadcast_in_dim3A_3 {strides = array<i32>} : memref<10240xf32, #tpu.memory_space<vmem>>, vector<16xf32>,
    }
    %scan3A_7 = arith.constant 640 : i32
    %scan3A_8 = arith.constant 0 : i32
    %scan3A_9 = arith.constant 81 : i32
    %scan3A_10 = arith.addi %scan3A_8, %scan3A_9 : i32
    %scan3A_11 = arith.constant 1 : i32
    scf.for %scan3A_16 = %scan3A_8 to %scan3A_10 step %scan3A_11  : i32 {
      %mul3A_17 = arith.constant 1 : i32
      %mul3A_18 = arith.muli %scan3A_16, %mul3A_17 : i32
      %add3A_19 = arith.constant 0 : i32
      %add3A_20 = arith.addi %add3A_19, %mul3A_18 : i32
      %mul3A_21 = arith.constant 128 : i32
      %mul3A_22 = arith.muli %add3A_20, %mul3A_21 : i32
      %add3A_23 = arith.constant 0 : i32
      %add3A_24 = arith.addi %mul3A_22, %add3A_23 : i32
      %get3A = arith.index_cast %add3A_24 : i32 to index
      %get3A_25 = tpu.vector_load %arg13[%get3A] {strides = array<i32>} : memref<10368xi32, #tpu.memory_space<vmem>>, vector<16xi32>,
      %get3A_26 = arith.index_cast %add3A_24 : i32 to index
      %get3A_27 = tpu.vector_load %arg14[%get3A_26] {strides = array<i32>} : memref<10368xi32, #tpu.memory_space<vmem>>, vector<16xi32>,
      %gather3A = tpu.vector_load_idx %arg9[%get3A_25] : memref<10240xf32, #tpu.memory_space<vmem>>[vector<16xi32>], vector<16xf32>,
      %gather3A_28 = tpu.vector_load_idx %arg10[%get3A_27] : memref<10240xf32, #tpu.memory_space<vmem>>[vector<16xi32>], vector<16xf32>,
      %gather3A_29 = tpu.vector_load_idx %arg11[%get3A_27] : memref<10240xf32, #tpu.memory_space<vmem>>[vector<16xi32>], vector<16xf32>,
      %add3A_30 = arith.addf %gather3A, %gather3A_28 : vector<16xf32>
      %gt3A = arith.constant 0.000000e+00 : f32
      %gt3A_31 = vector.broadcast %gt3A : f32 to vector<16xf32>
      %gt3A_32 = arith.cmpf ogt, %add3A_30, %gt3A_31 : vector<16xf32>
      %mul3A_33 = arith.constant 2.000000e-01 : f32
      %mul3A_34 = vector.broadcast %mul3A_33 : f32 to vector<16xf32>
      %mul3A_35 = arith.mulf %mul3A_34, %add3A_30 : vector<16xf32>
      %select_n3A = arith.select %gt3A_32, %add3A_30, %mul3A_35 : vector<16xi1>, vector<16xf32>
      %sub3A = arith.subf %select_n3A, %gather3A_29 : vector<16xf32>
      %min3A = arith.constant 8.000000e+01 : f32
      %min3A_36 = vector.broadcast %min3A : f32 to vector<16xf32>
      %min3A_37 = arith.minimumf %sub3A, %min3A_36 : vector<16xf32>
      %exp3A = math.exp %min3A_37 : vector<16xf32>
      %add3A_38 = arith.addi %multiple_of3A, %add3A_24 : i32
      %iota3A = tpu.iota {dimensions = array<i32: 0>} : vector<16xi32>
      %add3A_39 = vector.broadcast %add3A_38 : i32 to vector<16xi32>
      %add3A_40 = arith.addi %add3A_39, %iota3A : vector<16xi32>
      %lt3A = arith.constant 330000 : i32
      %lt3A_41 = vector.broadcast %lt3A : i32 to vector<16xi32>
      %lt3A_42 = arith.cmpi slt, %add3A_40, %lt3A_41 : vector<16xi32>
      %jit3A = arith.constant 0.000000e+00 : f32
      %broadcast_in_dim3A_43 = vector.broadcast %jit3A : f32 to vector<16xf32>
      %select_n3A_44 = arith.select %lt3A_42, %exp3A, %broadcast_in_dim3A_43 : vector<16xi1>, vector<16xf32>
      %swap3A = arith.index_cast %add3A_24 : i32 to index
      %swap3A_45 = tpu.vector_load %arg15[%swap3A] {strides = array<i32>} : memref<10368xf32, #tpu.memory_space<vmem>>, vector<16xf32>,
      tpu.vector_store %arg15[%swap3A], %select_n3A_44 {strides = array<i32>} : memref<10368xf32, #tpu.memory_space<vmem>>, vector<16xf32>,
      tpu.vector_store_idx %arg12[%get3A_27], %select_n3A_44 {add = true} : memref<10240xf32, #tpu.memory_space<vmem>>[vector<16xi32>], vector<16xf32>,
      %mul3A_46 = arith.constant 128 : i32
      %mul3A_47 = arith.muli %add3A_20, %mul3A_46 : i32
      %add3A_48 = arith.constant 16 : i32
      %add3A_49 = arith.addi %mul3A_47, %add3A_48 : i32
      %get3A_50 = arith.index_cast %add3A_49 : i32 to index
      %get3A_51 = tpu.vector_load %arg13[%get3A_50] {strides = array<i32>} : memref<10368xi32, #tpu.memory_space<vmem>>, vector<16xi32>,
      %get3A_52 = arith.index_cast %add3A_49 : i32 to index
      %get3A_53 = tpu.vector_load %arg14[%get3A_52] {strides = array<i32>} : memref<10368xi32, #tpu.memory_space<vmem>>, vector<16xi32>,
      %gather3A_54 = tpu.vector_load_idx %arg9[%get3A_51] : memref<10240xf32, #tpu.memory_space<vmem>>[vector<16xi32>], vector<16xf32>,
      %gather3A_55 = tpu.vector_load_idx %arg10[%get3A_53] : memref<10240xf32, #tpu.memory_space<vmem>>[vector<16xi32>], vector<16xf32>,
      %gather3A_56 = tpu.vector_load_idx %arg11[%get3A_53] : memref<10240xf32, #tpu.memory_space<vmem>>[vector<16xi32>], vector<16xf32>,
      %add3A_57 = arith.addf %gather3A_54, %gather3A_55 : vector<16xf32>
      %gt3A_58 = arith.constant 0.000000e+00 : f32
      %gt3A_59 = vector.broadcast %gt3A_58 : f32 to vector<16xf32>
      %gt3A_60 = arith.cmpf ogt, %add3A_57, %gt3A_59 : vector<16xf32>
      %mul3A_61 = arith.constant 2.000000e-01 : f32
      %mul3A_62 = vector.broadcast %mul3A_61 : f32 to vector<16xf32>
      %mul3A_63 = arith.mulf %mul3A_62, %add3A_57 : vector<16xf32>
      %select_n3A_64 = arith.select %gt3A_60, %add3A_57, %mul3A_63 : vector<16xi1>, vector<16xf32>
      %sub3A_65 = arith.subf %select_n3A_64, %gather3A_56 : vector<16xf32>
      %min3A_66 = arith.constant 8.000000e+01 : f32
      %min3A_67 = vector.broadcast %min3A_66 : f32 to vector<16xf32>
      %min3A_68 = arith.minimumf %sub3A_65, %min3A_67 : vector<16xf32>
      %exp3A_69 = math.exp %min3A_68 : vector<16xf32>
      %add3A_70 = arith.addi %multiple_of3A, %add3A_49 : i32
      %iota3A_71 = tpu.iota {dimensions = array<i32: 0>} : vector<16xi32>
      %add3A_72 = vector.broadcast %add3A_70 : i32 to vector<16xi32>
      %add3A_73 = arith.addi %add3A_72, %iota3A_71 : vector<16xi32>
      %lt3A_74 = arith.constant 330000 : i32
      %lt3A_75 = vector.broadcast %lt3A_74 : i32 to vector<16xi32>
      %lt3A_76 = arith.cmpi slt, %add3A_73, %lt3A_75 : vector<16xi32>
      %jit3A_77 = arith.constant 0.000000e+00 : f32
      %broadcast_in_dim3A_78 = vector.broadcast %jit3A_77 : f32 to vector<16xf32>
      %select_n3A_79 = arith.select %lt3A_76, %exp3A_69, %broadcast_in_dim3A_78 : vector<16xi1>, vector<16xf32>
      %swap3A_80 = arith.index_cast %add3A_49 : i32 to index
      %swap3A_81 = tpu.vector_load %arg15[%swap3A_80] {strides = array<i32>} : memref<10368xf32, #tpu.memory_space<vmem>>, vector<16xf32>,
      tpu.vector_store %arg15[%swap3A_80], %select_n3A_79 {strides = array<i32>} : memref<10368xf32, #tpu.memory_space<vmem>>, vector<16xf32>,
      tpu.vector_store_idx %arg12[%get3A_53], %select_n3A_79 {add = true} : memref<10240xf32, #tpu.memory_space<vmem>>[vector<16xi32>], vector<16xf32>,
      %mul3A_82 = arith.constant 128 : i32
      %mul3A_83 = arith.muli %add3A_20, %mul3A_82 : i32
      %add3A_84 = arith.constant 32 : i32
      %add3A_85 = arith.addi %mul3A_83, %add3A_84 : i32
      %get3A_86 = arith.index_cast %add3A_85 : i32 to index
      %get3A_87 = tpu.vector_load %arg13[%get3A_86] {strides = array<i32>} : memref<10368xi32, #tpu.memory_space<vmem>>, vector<16xi32>,
      %get3A_88 = arith.index_cast %add3A_85 : i32 to index
      %get3A_89 = tpu.vector_load %arg14[%get3A_88] {strides = array<i32>} : memref<10368xi32, #tpu.memory_space<vmem>>, vector<16xi32>,
      %gather3A_90 = tpu.vector_load_idx %arg9[%get3A_87] : memref<10240xf32, #tpu.memory_space<vmem>>[vector<16xi32>], vector<16xf32>,
      %gather3A_91 = tpu.vector_load_idx %arg10[%get3A_89] : memref<10240xf32, #tpu.memory_space<vmem>>[vector<16xi32>], vector<16xf32>,
      %gather3A_92 = tpu.vector_load_idx %arg11[%get3A_89] : memref<10240xf32, #tpu.memory_space<vmem>>[vector<16xi32>], vector<16xf32>,
      %add3A_93 = arith.addf %gather3A_90, %gather3A_91 : vector<16xf32>
      %gt3A_94 = arith.constant 0.000000e+00 : f32
      %gt3A_95 = vector.broadcast %gt3A_94 : f32 to vector<16xf32>
      %gt3A_96 = arith.cmpf ogt, %add3A_93, %gt3A_95 : vector<16xf32>
      %mul3A_97 = arith.constant 2.000000e-01 : f32
      %mul3A_98 = vector.broadcast %mul3A_97 : f32 to vector<16xf32>
      %mul3A_99 = arith.mulf %mul3A_98, %add3A_93 : vector<16xf32>
      %select_n3A_100 = arith.select %gt3A_96, %add3A_93, %mul3A_99 : vector<16xi1>, vector<16xf32>
      %sub3A_101 = arith.subf %select_n3A_100, %gather3A_92 : vector<16xf32>
      %min3A_102 = arith.constant 8.000000e+01 : f32
      %min3A_103 = vector.broadcast %min3A_102 : f32 to vector<16xf32>
      %min3A_104 = arith.minimumf %sub3A_101, %min3A_103 : vector<16xf32>
      %exp3A_105 = math.exp %min3A_104 : vector<16xf32>
      %add3A_106 = arith.addi %multiple_of3A, %add3A_85 : i32
      %iota3A_107 = tpu.iota {dimensions = array<i32: 0>} : vector<16xi32>
      %add3A_108 = vector.broadcast %add3A_106 : i32 to vector<16xi32>
      %add3A_109 = arith.addi %add3A_108, %iota3A_107 : vector<16xi32>
      %lt3A_110 = arith.constant 330000 : i32
      %lt3A_111 = vector.broadcast %lt3A_110 : i32 to vector<16xi32>
      %lt3A_112 = arith.cmpi slt, %add3A_109, %lt3A_111 : vector<16xi32>
      %jit3A_113 = arith.constant 0.000000e+00 : f32
      %broadcast_in_dim3A_114 = vector.broadcast %jit3A_113 : f32 to vector<16xf32>
      %select_n3A_115 = arith.select %lt3A_112, %exp3A_105, %broadcast_in_dim3A_114 : vector<16xi1>, vector<16xf32>
      %swap3A_116 = arith.index_cast %add3A_85 : i32 to index
      %swap3A_117 = tpu.vector_load %arg15[%swap3A_116] {strides = array<i32>} : memref<10368xf32, #tpu.memory_space<vmem>>, vector<16xf32>,
      tpu.vector_store %arg15[%swap3A_116], %select_n3A_115 {strides = array<i32>} : memref<10368xf32, #tpu.memory_space<vmem>>, vector<16xf32>,
      tpu.vector_store_idx %arg12[%get3A_89], %select_n3A_115 {add = true} : memref<10240xf32, #tpu.memory_space<vmem>>[vector<16xi32>], vector<16xf32>,
      %mul3A_118 = arith.constant 128 : i32
      %mul3A_119 = arith.muli %add3A_20, %mul3A_118 : i32
      %add3A_120 = arith.constant 48 : i32
      %add3A_121 = arith.addi %mul3A_119, %add3A_120 : i32
      %get3A_122 = arith.index_cast %add3A_121 : i32 to index
      %get3A_123 = tpu.vector_load %arg13[%get3A_122] {strides = array<i32>} : memref<10368xi32, #tpu.memory_space<vmem>>, vector<16xi32>,
      %get3A_124 = arith.index_cast %add3A_121 : i32 to index
      %get3A_125 = tpu.vector_load %arg14[%get3A_124] {strides = array<i32>} : memref<10368xi32, #tpu.memory_space<vmem>>, vector<16xi32>,
      %gather3A_126 = tpu.vector_load_idx %arg9[%get3A_123] : memref<10240xf32, #tpu.memory_space<vmem>>[vector<16xi32>], vector<16xf32>,
      %gather3A_127 = tpu.vector_load_idx %arg10[%get3A_125] : memref<10240xf32, #tpu.memory_space<vmem>>[vector<16xi32>], vector<16xf32>,
      %gather3A_128 = tpu.vector_load_idx %arg11[%get3A_125] : memref<10240xf32, #tpu.memory_space<vmem>>[vector<16xi32>], vector<16xf32>,
      %add3A_129 = arith.addf %gather3A_126, %gather3A_127 : vector<16xf32>
      %gt3A_130 = arith.constant 0.000000e+00 : f32
      %gt3A_131 = vector.broadcast %gt3A_130 : f32 to vector<16xf32>
      %gt3A_132 = arith.cmpf ogt, %add3A_129, %gt3A_131 : vector<16xf32>
      %mul3A_133 = arith.constant 2.000000e-01 : f32
      %mul3A_134 = vector.broadcast %mul3A_133 : f32 to vector<16xf32>
      %mul3A_135 = arith.mulf %mul3A_134, %add3A_129 : vector<16xf32>
      %select_n3A_136 = arith.select %gt3A_132, %add3A_129, %mul3A_135 : vector<16xi1>, vector<16xf32>
      %sub3A_137 = arith.subf %select_n3A_136, %gather3A_128 : vector<16xf32>
      %min3A_138 = arith.constant 8.000000e+01 : f32
      %min3A_139 = vector.broadcast %min3A_138 : f32 to vector<16xf32>
      %min3A_140 = arith.minimumf %sub3A_137, %min3A_139 : vector<16xf32>
      %exp3A_141 = math.exp %min3A_140 : vector<16xf32>
      %add3A_142 = arith.addi %multiple_of3A, %add3A_121 : i32
      %iota3A_143 = tpu.iota {dimensions = array<i32: 0>} : vector<16xi32>
      %add3A_144 = vector.broadcast %add3A_142 : i32 to vector<16xi32>
      %add3A_145 = arith.addi %add3A_144, %iota3A_143 : vector<16xi32>
      %lt3A_146 = arith.constant 330000 : i32
      %lt3A_147 = vector.broadcast %lt3A_146 : i32 to vector<16xi32>
      %lt3A_148 = arith.cmpi slt, %add3A_145, %lt3A_147 : vector<16xi32>
      %jit3A_149 = arith.constant 0.000000e+00 : f32
      %broadcast_in_dim3A_150 = vector.broadcast %jit3A_149 : f32 to vector<16xf32>
      %select_n3A_151 = arith.select %lt3A_148, %exp3A_141, %broadcast_in_dim3A_150 : vector<16xi1>, vector<16xf32>
      %swap3A_152 = arith.index_cast %add3A_121 : i32 to index
      %swap3A_153 = tpu.vector_load %arg15[%swap3A_152] {strides = array<i32>} : memref<10368xf32, #tpu.memory_space<vmem>>, vector<16xf32>,
      tpu.vector_store %arg15[%swap3A_152], %select_n3A_151 {strides = array<i32>} : memref<10368xf32, #tpu.memory_space<vmem>>, vector<16xf32>,
      tpu.vector_store_idx %arg12[%get3A_125], %select_n3A_151 {add = true} : memref<10240xf32, #tpu.memory_space<vmem>>[vector<16xi32>], vector<16xf32>,
      %mul3A_154 = arith.constant 128 : i32
      %mul3A_155 = arith.muli %add3A_20, %mul3A_154 : i32
      %add3A_156 = arith.constant 64 : i32
      %add3A_157 = arith.addi %mul3A_155, %add3A_156 : i32
      %get3A_158 = arith.index_cast %add3A_157 : i32 to index
      %get3A_159 = tpu.vector_load %arg13[%get3A_158] {strides = array<i32>} : memref<10368xi32, #tpu.memory_space<vmem>>, vector<16xi32>,
      %get3A_160 = arith.index_cast %add3A_157 : i32 to index
      %get3A_161 = tpu.vector_load %arg14[%get3A_160] {strides = array<i32>} : memref<10368xi32, #tpu.memory_space<vmem>>, vector<16xi32>,
      %gather3A_162 = tpu.vector_load_idx %arg9[%get3A_159] : memref<10240xf32, #tpu.memory_space<vmem>>[vector<16xi32>], vector<16xf32>,
      %gather3A_163 = tpu.vector_load_idx %arg10[%get3A_161] : memref<10240xf32, #tpu.memory_space<vmem>>[vector<16xi32>], vector<16xf32>,
      %gather3A_164 = tpu.vector_load_idx %arg11[%get3A_161] : memref<10240xf32, #tpu.memory_space<vmem>>[vector<16xi32>], vector<16xf32>,
      %add3A_165 = arith.addf %gather3A_162, %gather3A_163 : vector<16xf32>
      %gt3A_166 = arith.constant 0.000000e+00 : f32
      %gt3A_167 = vector.broadcast %gt3A_166 : f32 to vector<16xf32>
      %gt3A_168 = arith.cmpf ogt, %add3A_165, %gt3A_167 : vector<16xf32>
      %mul3A_169 = arith.constant 2.000000e-01 : f32
      %mul3A_170 = vector.broadcast %mul3A_169 : f32 to vector<16xf32>
      %mul3A_171 = arith.mulf %mul3A_170, %add3A_165 : vector<16xf32>
      %select_n3A_172 = arith.select %gt3A_168, %add3A_165, %mul3A_171 : vector<16xi1>, vector<16xf32>
      %sub3A_173 = arith.subf %select_n3A_172, %gather3A_164 : vector<16xf32>
      %min3A_174 = arith.constant 8.000000e+01 : f32
      %min3A_175 = vector.broadcast %min3A_174 : f32 to vector<16xf32>
      %min3A_176 = arith.minimumf %sub3A_173, %min3A_175 : vector<16xf32>
      %exp3A_177 = math.exp %min3A_176 : vector<16xf32>
      %add3A_178 = arith.addi %multiple_of3A, %add3A_157 : i32
      %iota3A_179 = tpu.iota {dimensions = array<i32: 0>} : vector<16xi32>
      %add3A_180 = vector.broadcast %add3A_178 : i32 to vector<16xi32>
      %add3A_181 = arith.addi %add3A_180, %iota3A_179 : vector<16xi32>
      %lt3A_182 = arith.constant 330000 : i32
      %lt3A_183 = vector.broadcast %lt3A_182 : i32 to vector<16xi32>
      %lt3A_184 = arith.cmpi slt, %add3A_181, %lt3A_183 : vector<16xi32>
      %jit3A_185 = arith.constant 0.000000e+00 : f32
      %broadcast_in_dim3A_186 = vector.broadcast %jit3A_185 : f32 to vector<16xf32>
      %select_n3A_187 = arith.select %lt3A_184, %exp3A_177, %broadcast_in_dim3A_186 : vector<16xi1>, vector<16xf32>
      %swap3A_188 = arith.index_cast %add3A_157 : i32 to index
      %swap3A_189 = tpu.vector_load %arg15[%swap3A_188] {strides = array<i32>} : memref<10368xf32, #tpu.memory_space<vmem>>, vector<16xf32>,
      tpu.vector_store %arg15[%swap3A_188], %select_n3A_187 {strides = array<i32>} : memref<10368xf32, #tpu.memory_space<vmem>>, vector<16xf32>,
      tpu.vector_store_idx %arg12[%get3A_161], %select_n3A_187 {add = true} : memref<10240xf32, #tpu.memory_space<vmem>>[vector<16xi32>], vector<16xf32>,
      %mul3A_190 = arith.constant 128 : i32
      %mul3A_191 = arith.muli %add3A_20, %mul3A_190 : i32
      %add3A_192 = arith.constant 80 : i32
      %add3A_193 = arith.addi %mul3A_191, %add3A_192 : i32
      %get3A_194 = arith.index_cast %add3A_193 : i32 to index
      %get3A_195 = tpu.vector_load %arg13[%get3A_194] {strides = array<i32>} : memref<10368xi32, #tpu.memory_space<vmem>>, vector<16xi32>,
      %get3A_196 = arith.index_cast %add3A_193 : i32 to index
      %get3A_197 = tpu.vector_load %arg14[%get3A_196] {strides = array<i32>} : memref<10368xi32, #tpu.memory_space<vmem>>, vector<16xi32>,
      %gather3A_198 = tpu.vector_load_idx %arg9[%get3A_195] : memref<10240xf32, #tpu.memory_space<vmem>>[vector<16xi32>], vector<16xf32>,
      %gather3A_199 = tpu.vector_load_idx %arg10[%get3A_197] : memref<10240xf32, #tpu.memory_space<vmem>>[vector<16xi32>], vector<16xf32>,
      %gather3A_200 = tpu.vector_load_idx %arg11[%get3A_197] : memref<10240xf32, #tpu.memory_space<vmem>>[vector<16xi32>], vector<16xf32>,
      %add3A_201 = arith.addf %gather3A_198, %gather3A_199 : vector<16xf32>
      %gt3A_202 = arith.constant 0.000000e+00 : f32
      %gt3A_203 = vector.broadcast %gt3A_202 : f32 to vector<16xf32>
      %gt3A_204 = arith.cmpf ogt, %add3A_201, %gt3A_203 : vector<16xf32>
      %mul3A_205 = arith.constant 2.000000e-01 : f32
      %mul3A_206 = vector.broadcast %mul3A_205 : f32 to vector<16xf32>
      %mul3A_207 = arith.mulf %mul3A_206, %add3A_201 : vector<16xf32>
      %select_n3A_208 = arith.select %gt3A_204, %add3A_201, %mul3A_207 : vector<16xi1>, vector<16xf32>
      %sub3A_209 = arith.subf %select_n3A_208, %gather3A_200 : vector<16xf32>
      %min3A_210 = arith.constant 8.000000e+01 : f32
      %min3A_211 = vector.broadcast %min3A_210 : f32 to vector<16xf32>
      %min3A_212 = arith.minimumf %sub3A_209, %min3A_211 : vector<16xf32>
      %exp3A_213 = math.exp %min3A_212 : vector<16xf32>
      %add3A_214 = arith.addi %multiple_of3A, %add3A_193 : i32
      %iota3A_215 = tpu.iota {dimensions = array<i32: 0>} : vector<16xi32>
      %add3A_216 = vector.broadcast %add3A_214 : i32 to vector<16xi32>
      %add3A_217 = arith.addi %add3A_216, %iota3A_215 : vector<16xi32>
      %lt3A_218 = arith.constant 330000 : i32
      %lt3A_219 = vector.broadcast %lt3A_218 : i32 to vector<16xi32>
      %lt3A_220 = arith.cmpi slt, %add3A_217, %lt3A_219 : vector<16xi32>
      %jit3A_221 = arith.constant 0.000000e+00 : f32
      %broadcast_in_dim3A_222 = vector.broadcast %jit3A_221 : f32 to vector<16xf32>
      %select_n3A_223 = arith.select %lt3A_220, %exp3A_213, %broadcast_in_dim3A_222 : vector<16xi1>, vector<16xf32>
      %swap3A_224 = arith.index_cast %add3A_193 : i32 to index
      %swap3A_225 = tpu.vector_load %arg15[%swap3A_224] {strides = array<i32>} : memref<10368xf32, #tpu.memory_space<vmem>>, vector<16xf32>,
      tpu.vector_store %arg15[%swap3A_224], %select_n3A_223 {strides = array<i32>} : memref<10368xf32, #tpu.memory_space<vmem>>, vector<16xf32>,
      tpu.vector_store_idx %arg12[%get3A_197], %select_n3A_223 {add = true} : memref<10240xf32, #tpu.memory_space<vmem>>[vector<16xi32>], vector<16xf32>,
      %mul3A_226 = arith.constant 128 : i32
      %mul3A_227 = arith.muli %add3A_20, %mul3A_226 : i32
      %add3A_228 = arith.constant 96 : i32
      %add3A_229 = arith.addi %mul3A_227, %add3A_228 : i32
      %get3A_230 = arith.index_cast %add3A_229 : i32 to index
      %get3A_231 = tpu.vector_load %arg13[%get3A_230] {strides = array<i32>} : memref<10368xi32, #tpu.memory_space<vmem>>, vector<16xi32>,
      %get3A_232 = arith.index_cast %add3A_229 : i32 to index
      %get3A_233 = tpu.vector_load %arg14[%get3A_232] {strides = array<i32>} : memref<10368xi32, #tpu.memory_space<vmem>>, vector<16xi32>,
      %gather3A_234 = tpu.vector_load_idx %arg9[%get3A_231] : memref<10240xf32, #tpu.memory_space<vmem>>[vector<16xi32>], vector<16xf32>,
      %gather3A_235 = tpu.vector_load_idx %arg10[%get3A_233] : memref<10240xf32, #tpu.memory_space<vmem>>[vector<16xi32>], vector<16xf32>,
      %gather3A_236 = tpu.vector_load_idx %arg11[%get3A_233] : memref<10240xf32, #tpu.memory_space<vmem>>[vector<16xi32>], vector<16xf32>,
      %add3A_237 = arith.addf %gather3A_234, %gather3A_235 : vector<16xf32>
      %gt3A_238 = arith.constant 0.000000e+00 : f32
      %gt3A_239 = vector.broadcast %gt3A_238 : f32 to vector<16xf32>
      %gt3A_240 = arith.cmpf ogt, %add3A_237, %gt3A_239 : vector<16xf32>
      %mul3A_241 = arith.constant 2.000000e-01 : f32
      %mul3A_242 = vector.broadcast %mul3A_241 : f32 to vector<16xf32>
      %mul3A_243 = arith.mulf %mul3A_242, %add3A_237 : vector<16xf32>
      %select_n3A_244 = arith.select %gt3A_240, %add3A_237, %mul3A_243 : vector<16xi1>, vector<16xf32>
      %sub3A_245 = arith.subf %select_n3A_244, %gather3A_236 : vector<16xf32>
      %min3A_246 = arith.constant 8.000000e+01 : f32
      %min3A_247 = vector.broadcast %min3A_246 : f32 to vector<16xf32>
      %min3A_248 = arith.minimumf %sub3A_245, %min3A_247 : vector<16xf32>
      %exp3A_249 = math.exp %min3A_248 : vector<16xf32>
      %add3A_250 = arith.addi %multiple_of3A, %add3A_229 : i32
      %iota3A_251 = tpu.iota {dimensions = array<i32: 0>} : vector<16xi32>
      %add3A_252 = vector.broadcast %add3A_250 : i32 to vector<16xi32>
      %add3A_253 = arith.addi %add3A_252, %iota3A_251 : vector<16xi32>
      %lt3A_254 = arith.constant 330000 : i32
      %lt3A_255 = vector.broadcast %lt3A_254 : i32 to vector<16xi32>
      %lt3A_256 = arith.cmpi slt, %add3A_253, %lt3A_255 : vector<16xi32>
      %jit3A_257 = arith.constant 0.000000e+00 : f32
      %broadcast_in_dim3A_258 = vector.broadcast %jit3A_257 : f32 to vector<16xf32>
      %select_n3A_259 = arith.select %lt3A_256, %exp3A_249, %broadcast_in_dim3A_258 : vector<16xi1>, vector<16xf32>
      %swap3A_260 = arith.index_cast %add3A_229 : i32 to index
      %swap3A_261 = tpu.vector_load %arg15[%swap3A_260] {strides = array<i32>} : memref<10368xf32, #tpu.memory_space<vmem>>, vector<16xf32>,
      tpu.vector_store %arg15[%swap3A_260], %select_n3A_259 {strides = array<i32>} : memref<10368xf32, #tpu.memory_space<vmem>>, vector<16xf32>,
      tpu.vector_store_idx %arg12[%get3A_233], %select_n3A_259 {add = true} : memref<10240xf32, #tpu.memory_space<vmem>>[vector<16xi32>], vector<16xf32>,
      %mul3A_262 = arith.constant 128 : i32
      %mul3A_263 = arith.muli %add3A_20, %mul3A_262 : i32
      %add3A_264 = arith.constant 112 : i32
      %add3A_265 = arith.addi %mul3A_263, %add3A_264 : i32
      %get3A_266 = arith.index_cast %add3A_265 : i32 to index
      %get3A_267 = tpu.vector_load %arg13[%get3A_266] {strides = array<i32>} : memref<10368xi32, #tpu.memory_space<vmem>>, vector<16xi32>,
      %get3A_268 = arith.index_cast %add3A_265 : i32 to index
      %get3A_269 = tpu.vector_load %arg14[%get3A_268] {strides = array<i32>} : memref<10368xi32, #tpu.memory_space<vmem>>, vector<16xi32>,
      %gather3A_270 = tpu.vector_load_idx %arg9[%get3A_267] : memref<10240xf32, #tpu.memory_space<vmem>>[vector<16xi32>], vector<16xf32>,
      %gather3A_271 = tpu.vector_load_idx %arg10[%get3A_269] : memref<10240xf32, #tpu.memory_space<vmem>>[vector<16xi32>], vector<16xf32>,
      %gather3A_272 = tpu.vector_load_idx %arg11[%get3A_269] : memref<10240xf32, #tpu.memory_space<vmem>>[vector<16xi32>], vector<16xf32>,
      %add3A_273 = arith.addf %gather3A_270, %gather3A_271 : vector<16xf32>
      %gt3A_274 = arith.constant 0.000000e+00 : f32
      %gt3A_275 = vector.broadcast %gt3A_274 : f32 to vector<16xf32>
      %gt3A_276 = arith.cmpf ogt, %add3A_273, %gt3A_275 : vector<16xf32>
      %mul3A_277 = arith.constant 2.000000e-01 : f32
      %mul3A_278 = vector.broadcast %mul3A_277 : f32 to vector<16xf32>
      %mul3A_279 = arith.mulf %mul3A_278, %add3A_273 : vector<16xf32>
      %select_n3A_280 = arith.select %gt3A_276, %add3A_273, %mul3A_279 : vector<16xi1>, vector<16xf32>
      %sub3A_281 = arith.subf %select_n3A_280, %gather3A_272 : vector<16xf32>
      %min3A_282 = arith.constant 8.000000e+01 : f32
      %min3A_283 = vector.broadcast %min3A_282 : f32 to vector<16xf32>
      %min3A_284 = arith.minimumf %sub3A_281, %min3A_283 : vector<16xf32>
      %exp3A_285 = math.exp %min3A_284 : vector<16xf32>
      %add3A_286 = arith.addi %multiple_of3A, %add3A_265 : i32
      %iota3A_287 = tpu.iota {dimensions = array<i32: 0>} : vector<16xi32>
      %add3A_288 = vector.broadcast %add3A_286 : i32 to vector<16xi32>
      %add3A_289 = arith.addi %add3A_288, %iota3A_287 : vector<16xi32>
      %lt3A_290 = arith.constant 330000 : i32
      %lt3A_291 = vector.broadcast %lt3A_290 : i32 to vector<16xi32>
      %lt3A_292 = arith.cmpi slt, %add3A_289, %lt3A_291 : vector<16xi32>
      %jit3A_293 = arith.constant 0.000000e+00 : f32
      %broadcast_in_dim3A_294 = vector.broadcast %jit3A_293 : f32 to vector<16xf32>
      %select_n3A_295 = arith.select %lt3A_292, %exp3A_285, %broadcast_in_dim3A_294 : vector<16xi1>, vector<16xf32>
      %swap3A_296 = arith.index_cast %add3A_265 : i32 to index
      %swap3A_297 = tpu.vector_load %arg15[%swap3A_296] {strides = array<i32>} : memref<10368xf32, #tpu.memory_space<vmem>>, vector<16xf32>,
      tpu.vector_store %arg15[%swap3A_296], %select_n3A_295 {strides = array<i32>} : memref<10368xf32, #tpu.memory_space<vmem>>, vector<16xf32>,
      tpu.vector_store_idx %arg12[%get3A_269], %select_n3A_295 {add = true} : memref<10240xf32, #tpu.memory_space<vmem>>[vector<16xi32>], vector<16xf32>,
    }
    %scan3A_12 = arith.constant 81 : i32
    "tpu.region"() ({
      %run_scoped3A = tpu.sem_alloc : memref<!tpu.dma_semaphore, #tpu.memory_space<semaphore_mem>>
      %dma_start3A = tpu.memref_slice %arg7[%multiple_of3A] : memref<331776xf32, #tpu.memory_space<hbm>> -> memref<10368xf32, #tpu.memory_space<hbm>>
      %dma_start3A_16 = tpu.memref_slice %arg7[%multiple_of3A] : memref<331776xf32, #tpu.memory_space<hbm>> -> memref<10368xf32, #tpu.memory_space<hbm>>
      tpu.enqueue_dma source(%arg15 : memref<10368xf32, #tpu.memory_space<vmem>>) target(%dma_start3A_16 : memref<10368xf32, #tpu.memory_space<hbm>>) target_semaphore(%run_scoped3A : memref<!tpu.dma_semaphore, #tpu.memory_space<semaphore_mem>>)
      %dma_wait3A = tpu.memref_slice %arg7[%multiple_of3A] : memref<331776xf32, #tpu.memory_space<hbm>> -> memref<10368xf32, #tpu.memory_space<hbm>>
      %dma_wait3A_17 = tpu.memref_slice %arg7[%multiple_of3A] : memref<331776xf32, #tpu.memory_space<hbm>> -> memref<10368xf32, #tpu.memory_space<hbm>>
      tpu.wait_dma2 semaphore(%run_scoped3A : memref<!tpu.dma_semaphore, #tpu.memory_space<semaphore_mem>>) src(%arg15 : memref<10368xf32, #tpu.memory_space<vmem>>) dst(%dma_wait3A_17 : memref<10368xf32, #tpu.memory_space<hbm>>)
      tpu.yield
    }) : () -> ()
    %mul3A_13 = arith.constant 10240 : i32
    %mul3A_14 = arith.muli %add3A, %mul3A_13 : i32
    %multiple_of3A_15 = tpu.assume_multiple %mul3A_14, 8 : i32
    "tpu.region"() ({
      %run_scoped3A = tpu.sem_alloc : memref<!tpu.dma_semaphore, #tpu.memory_space<semaphore_mem>>
      %dma_start3A = tpu.memref_slice %arg8[%multiple_of3A_15] : memref<327680xf32, #tpu.memory_space<hbm>> -> memref<10240xf32, #tpu.memory_space<hbm>>
      %dma_start3A_16 = tpu.memref_slice %arg8[%multiple_of3A_15] : memref<327680xf32, #tpu.memory_space<hbm>> -> memref<10240xf32, #tpu.memory_space<hbm>>
      tpu.enqueue_dma source(%arg12 : memref<10240xf32, #tpu.memory_space<vmem>>) target(%dma_start3A_16 : memref<10240xf32, #tpu.memory_space<hbm>>) target_semaphore(%run_scoped3A : memref<!tpu.dma_semaphore, #tpu.memory_space<semaphore_mem>>)
      %dma_wait3A = tpu.memref_slice %arg8[%multiple_of3A_15] : memref<327680xf32, #tpu.memory_space<hbm>> -> memref<10240xf32, #tpu.memory_space<hbm>>
      %dma_wait3A_17 = tpu.memref_slice %arg8[%multiple_of3A_15] : memref<327680xf32, #tpu.memory_space<hbm>> -> memref<10240xf32, #tpu.memory_space<hbm>>
      tpu.wait_dma2 semaphore(%run_scoped3A : memref<!tpu.dma_semaphore, #tpu.memory_space<semaphore_mem>>) src(%arg12 : memref<10240xf32, #tpu.memory_space<vmem>>) dst(%dma_wait3A_17 : memref<10240xf32, #tpu.memory_space<hbm>>)
      tpu.yield
    }) : () -> ()
    return
  }
}

#map = affine_map<(d0, d1) -> (0)>
module attributes {stable_mosaic.version = 14 : i64} {
  func.func @_sc_weights_body(%arg0: i32, %arg1: i32, %arg2: memref<10240xf32, #tpu.memory_space<hbm>>, %arg3: memref<10240xf32, #tpu.memory_space<hbm>>, %arg4: memref<10240xf32, #tpu.memory_space<hbm>>, %arg5: memref<331776xi32, #tpu.memory_space<hbm>>, %arg6: memref<331776xi32, #tpu.memory_space<hbm>>, %arg7: memref<331776xf32, #tpu.memory_space<hbm>>, %arg8: memref<327680xf32, #tpu.memory_space<hbm>>, %arg9: memref<10240xf32, #tpu.memory_space<vmem>>, %arg10: memref<10240xf32, #tpu.memory_space<vmem>>, %arg11: memref<10240xf32, #tpu.memory_space<vmem>>, %arg12: memref<10240xf32, #tpu.memory_space<vmem>>, %arg13: memref<10368xi32, #tpu.memory_space<vmem>>, %arg14: memref<10368xi32, #tpu.memory_space<vmem>>, %arg15: memref<10368xf32, #tpu.memory_space<vmem>>) attributes {dimension_semantics = [#tpu.dimension_semantics<core_parallel>, #tpu.dimension_semantics<subcore_parallel>], iteration_bounds = array<i64: 2, 16>, scalar_prefetch = 0 : i64, scratch_operands = 7 : i64, tpu.core_type = #tpu.core_type<sc_vector_subcore>, window_params = [{transform_indices = #map}, {transform_indices = #map}, {transform_indices = #map}, {transform_indices = #map}, {transform_indices = #map}, {transform_indices = #map}, {transform_indices = #map}]} {
    %mul3A = arith.constant 2 : i32
    %mul3A_0 = arith.muli %arg1, %mul3A : i32
    %add3A = arith.addi %mul3A_0, %arg0 : i32
    "tpu.region"() ({
      %run_scoped3A = tpu.sem_alloc : memref<!tpu.dma_semaphore, #tpu.memory_space<semaphore_mem>>
      tpu.enqueue_dma source(%arg2 : memref<10240xf32, #tpu.memory_space<hbm>>) target(%arg9 : memref<10240xf32, #tpu.memory_space<vmem>>) target_semaphore(%run_scoped3A : memref<!tpu.dma_semaphore, #tpu.memory_space<semaphore_mem>>)
      tpu.wait_dma2 semaphore(%run_scoped3A : memref<!tpu.dma_semaphore, #tpu.memory_space<semaphore_mem>>) src(%arg2 : memref<10240xf32, #tpu.memory_space<hbm>>) dst(%arg9 : memref<10240xf32, #tpu.memory_space<vmem>>)
      tpu.yield
    }) : () -> ()
    "tpu.region"() ({
      %run_scoped3A = tpu.sem_alloc : memref<!tpu.dma_semaphore, #tpu.memory_space<semaphore_mem>>
      tpu.enqueue_dma source(%arg3 : memref<10240xf32, #tpu.memory_space<hbm>>) target(%arg10 : memref<10240xf32, #tpu.memory_space<vmem>>) target_semaphore(%run_scoped3A : memref<!tpu.dma_semaphore, #tpu.memory_space<semaphore_mem>>)
      tpu.wait_dma2 semaphore(%run_scoped3A : memref<!tpu.dma_semaphore, #tpu.memory_space<semaphore_mem>>) src(%arg3 : memref<10240xf32, #tpu.memory_space<hbm>>) dst(%arg10 : memref<10240xf32, #tpu.memory_space<vmem>>)
      tpu.yield
    }) : () -> ()
    "tpu.region"() ({
      %run_scoped3A = tpu.sem_alloc : memref<!tpu.dma_semaphore, #tpu.memory_space<semaphore_mem>>
      tpu.enqueue_dma source(%arg4 : memref<10240xf32, #tpu.memory_space<hbm>>) target(%arg11 : memref<10240xf32, #tpu.memory_space<vmem>>) target_semaphore(%run_scoped3A : memref<!tpu.dma_semaphore, #tpu.memory_space<semaphore_mem>>)
      tpu.wait_dma2 semaphore(%run_scoped3A : memref<!tpu.dma_semaphore, #tpu.memory_space<semaphore_mem>>) src(%arg4 : memref<10240xf32, #tpu.memory_space<hbm>>) dst(%arg11 : memref<10240xf32, #tpu.memory_space<vmem>>)
      tpu.yield
    }) : () -> ()
    %mul3A_1 = arith.constant 10368 : i32
    %mul3A_2 = arith.muli %add3A, %mul3A_1 : i32
    %multiple_of3A = tpu.assume_multiple %mul3A_2, 8 : i32
    "tpu.region"() ({
      %run_scoped3A = tpu.sem_alloc : memref<!tpu.dma_semaphore, #tpu.memory_space<semaphore_mem>>
      %dma_start3A = tpu.memref_slice %arg5[%multiple_of3A] : memref<331776xi32, #tpu.memory_space<hbm>> -> memref<10368xi32, #tpu.memory_space<hbm>>
      %dma_start3A_16 = tpu.memref_slice %arg5[%multiple_of3A] : memref<331776xi32, #tpu.memory_space<hbm>> -> memref<10368xi32, #tpu.memory_space<hbm>>
      tpu.enqueue_dma source(%dma_start3A_16 : memref<10368xi32, #tpu.memory_space<hbm>>) target(%arg13 : memref<10368xi32, #tpu.memory_space<vmem>>) target_semaphore(%run_scoped3A : memref<!tpu.dma_semaphore, #tpu.memory_space<semaphore_mem>>)
      %dma_wait3A = tpu.memref_slice %arg5[%multiple_of3A] : memref<331776xi32, #tpu.memory_space<hbm>> -> memref<10368xi32, #tpu.memory_space<hbm>>
      %dma_wait3A_17 = tpu.memref_slice %arg5[%multiple_of3A] : memref<331776xi32, #tpu.memory_space<hbm>> -> memref<10368xi32, #tpu.memory_space<hbm>>
      tpu.wait_dma2 semaphore(%run_scoped3A : memref<!tpu.dma_semaphore, #tpu.memory_space<semaphore_mem>>) src(%dma_wait3A_17 : memref<10368xi32, #tpu.memory_space<hbm>>) dst(%arg13 : memref<10368xi32, #tpu.memory_space<vmem>>)
      tpu.yield
    }) : () -> ()
    "tpu.region"() ({
      %run_scoped3A = tpu.sem_alloc : memref<!tpu.dma_semaphore, #tpu.memory_space<semaphore_mem>>
      %dma_start3A = tpu.memref_slice %arg6[%multiple_of3A] : memref<331776xi32, #tpu.memory_space<hbm>> -> memref<10368xi32, #tpu.memory_space<hbm>>
      %dma_start3A_16 = tpu.memref_slice %arg6[%multiple_of3A] : memref<331776xi32, #tpu.memory_space<hbm>> -> memref<10368xi32, #tpu.memory_space<hbm>>
      tpu.enqueue_dma source(%dma_start3A_16 : memref<10368xi32, #tpu.memory_space<hbm>>) target(%arg14 : memref<10368xi32, #tpu.memory_space<vmem>>) target_semaphore(%run_scoped3A : memref<!tpu.dma_semaphore, #tpu.memory_space<semaphore_mem>>)
      %dma_wait3A = tpu.memref_slice %arg6[%multiple_of3A] : memref<331776xi32, #tpu.memory_space<hbm>> -> memref<10368xi32, #tpu.memory_space<hbm>>
      %dma_wait3A_17 = tpu.memref_slice %arg6[%multiple_of3A] : memref<331776xi32, #tpu.memory_space<hbm>> -> memref<10368xi32, #tpu.memory_space<hbm>>
      tpu.wait_dma2 semaphore(%run_scoped3A : memref<!tpu.dma_semaphore, #tpu.memory_space<semaphore_mem>>) src(%dma_wait3A_17 : memref<10368xi32, #tpu.memory_space<hbm>>) dst(%arg14 : memref<10368xi32, #tpu.memory_space<vmem>>)
      tpu.yield
    }) : () -> ()
    %broadcast_in_dim3A = arith.constant 0.000000e+00 : f32
    %broadcast_in_dim3A_3 = vector.broadcast %broadcast_in_dim3A : f32 to vector<16xf32>
    %scan3A = arith.constant 0 : i32
    %scan3A_4 = arith.constant 640 : i32
    %scan3A_5 = arith.addi %scan3A, %scan3A_4 : i32
    %scan3A_6 = arith.constant 1 : i32
    scf.for %scan3A_16 = %scan3A to %scan3A_5 step %scan3A_6  : i32 {
      %mul3A_17 = arith.constant 1 : i32
      %mul3A_18 = arith.muli %scan3A_16, %mul3A_17 : i32
      %add3A_19 = arith.constant 0 : i32
      %add3A_20 = arith.addi %add3A_19, %mul3A_18 : i32
      %mul3A_21 = arith.constant 16 : i32
      %mul3A_22 = arith.muli %add3A_20, %mul3A_21 : i32
      %swap3A = arith.index_cast %mul3A_22 : i32 to index
      %swap3A_23 = tpu.vector_load %arg12[%swap3A] {strides = array<i32>} : memref<10240xf32, #tpu.memory_space<vmem>>, vector<16xf32>,
      tpu.vector_store %arg12[%swap3A], %broadcast_in_dim3A_3 {strides = array<i32>} : memref<10240xf32, #tpu.memory_space<vmem>>, vector<16xf32>,
    }
    %scan3A_7 = arith.constant 640 : i32
    %scan3A_8 = arith.constant 0 : i32
    %scan3A_9 = arith.constant 81 : i32
    %scan3A_10 = arith.addi %scan3A_8, %scan3A_9 : i32
    %scan3A_11 = arith.constant 1 : i32
    scf.for %scan3A_16 = %scan3A_8 to %scan3A_10 step %scan3A_11  : i32 {
      %mul3A_17 = arith.constant 1 : i32
      %mul3A_18 = arith.muli %scan3A_16, %mul3A_17 : i32
      %add3A_19 = arith.constant 0 : i32
      %add3A_20 = arith.addi %add3A_19, %mul3A_18 : i32
      %mul3A_21 = arith.constant 128 : i32
      %mul3A_22 = arith.muli %add3A_20, %mul3A_21 : i32
      %add3A_23 = arith.constant 0 : i32
      %add3A_24 = arith.addi %mul3A_22, %add3A_23 : i32
      %get3A = arith.index_cast %add3A_24 : i32 to index
      %get3A_25 = tpu.vector_load %arg13[%get3A] {strides = array<i32>} : memref<10368xi32, #tpu.memory_space<vmem>>, vector<16xi32>,
      %get3A_26 = arith.index_cast %add3A_24 : i32 to index
      %get3A_27 = tpu.vector_load %arg14[%get3A_26] {strides = array<i32>} : memref<10368xi32, #tpu.memory_space<vmem>>, vector<16xi32>,
      %gather3A = tpu.vector_load_idx %arg9[%get3A_25] : memref<10240xf32, #tpu.memory_space<vmem>>[vector<16xi32>], vector<16xf32>,
      %gather3A_28 = tpu.vector_load_idx %arg10[%get3A_27] : memref<10240xf32, #tpu.memory_space<vmem>>[vector<16xi32>], vector<16xf32>,
      %gather3A_29 = tpu.vector_load_idx %arg11[%get3A_27] : memref<10240xf32, #tpu.memory_space<vmem>>[vector<16xi32>], vector<16xf32>,
      %add3A_30 = arith.addf %gather3A, %gather3A_28 : vector<16xf32>
      %gt3A = arith.constant 0.000000e+00 : f32
      %gt3A_31 = vector.broadcast %gt3A : f32 to vector<16xf32>
      %gt3A_32 = arith.cmpf ogt, %add3A_30, %gt3A_31 : vector<16xf32>
      %mul3A_33 = arith.constant 2.000000e-01 : f32
      %mul3A_34 = vector.broadcast %mul3A_33 : f32 to vector<16xf32>
      %mul3A_35 = arith.mulf %mul3A_34, %add3A_30 : vector<16xf32>
      %select_n3A = arith.select %gt3A_32, %add3A_30, %mul3A_35 : vector<16xi1>, vector<16xf32>
      %sub3A = arith.subf %select_n3A, %gather3A_29 : vector<16xf32>
      %min3A = arith.constant 8.000000e+01 : f32
      %min3A_36 = vector.broadcast %min3A : f32 to vector<16xf32>
      %min3A_37 = arith.minimumf %sub3A, %min3A_36 : vector<16xf32>
      %exp3A = math.exp %min3A_37 : vector<16xf32>
      %add3A_38 = arith.addi %multiple_of3A, %add3A_24 : i32
      %iota3A = tpu.iota {dimensions = array<i32: 0>} : vector<16xi32>
      %add3A_39 = vector.broadcast %add3A_38 : i32 to vector<16xi32>
      %add3A_40 = arith.addi %add3A_39, %iota3A : vector<16xi32>
      %lt3A = arith.constant 330000 : i32
      %lt3A_41 = vector.broadcast %lt3A : i32 to vector<16xi32>
      %lt3A_42 = arith.cmpi slt, %add3A_40, %lt3A_41 : vector<16xi32>
      %jit3A = arith.constant 0.000000e+00 : f32
      %broadcast_in_dim3A_43 = vector.broadcast %jit3A : f32 to vector<16xf32>
      %select_n3A_44 = arith.select %lt3A_42, %exp3A, %broadcast_in_dim3A_43 : vector<16xi1>, vector<16xf32>
      %swap3A = arith.index_cast %add3A_24 : i32 to index
      %swap3A_45 = tpu.vector_load %arg15[%swap3A] {strides = array<i32>} : memref<10368xf32, #tpu.memory_space<vmem>>, vector<16xf32>,
      tpu.vector_store %arg15[%swap3A], %select_n3A_44 {strides = array<i32>} : memref<10368xf32, #tpu.memory_space<vmem>>, vector<16xf32>,
      tpu.vector_store_idx %arg12[%get3A_27], %select_n3A_44 {add = true} : memref<10240xf32, #tpu.memory_space<vmem>>[vector<16xi32>], vector<16xf32>,
      %mul3A_46 = arith.constant 128 : i32
      %mul3A_47 = arith.muli %add3A_20, %mul3A_46 : i32
      %add3A_48 = arith.constant 16 : i32
      %add3A_49 = arith.addi %mul3A_47, %add3A_48 : i32
      %get3A_50 = arith.index_cast %add3A_49 : i32 to index
      %get3A_51 = tpu.vector_load %arg13[%get3A_50] {strides = array<i32>} : memref<10368xi32, #tpu.memory_space<vmem>>, vector<16xi32>,
      %get3A_52 = arith.index_cast %add3A_49 : i32 to index
      %get3A_53 = tpu.vector_load %arg14[%get3A_52] {strides = array<i32>} : memref<10368xi32, #tpu.memory_space<vmem>>, vector<16xi32>,
      %gather3A_54 = tpu.vector_load_idx %arg9[%get3A_51] : memref<10240xf32, #tpu.memory_space<vmem>>[vector<16xi32>], vector<16xf32>,
      %gather3A_55 = tpu.vector_load_idx %arg10[%get3A_53] : memref<10240xf32, #tpu.memory_space<vmem>>[vector<16xi32>], vector<16xf32>,
      %gather3A_56 = tpu.vector_load_idx %arg11[%get3A_53] : memref<10240xf32, #tpu.memory_space<vmem>>[vector<16xi32>], vector<16xf32>,
      %add3A_57 = arith.addf %gather3A_54, %gather3A_55 : vector<16xf32>
      %gt3A_58 = arith.constant 0.000000e+00 : f32
      %gt3A_59 = vector.broadcast %gt3A_58 : f32 to vector<16xf32>
      %gt3A_60 = arith.cmpf ogt, %add3A_57, %gt3A_59 : vector<16xf32>
      %mul3A_61 = arith.constant 2.000000e-01 : f32
      %mul3A_62 = vector.broadcast %mul3A_61 : f32 to vector<16xf32>
      %mul3A_63 = arith.mulf %mul3A_62, %add3A_57 : vector<16xf32>
      %select_n3A_64 = arith.select %gt3A_60, %add3A_57, %mul3A_63 : vector<16xi1>, vector<16xf32>
      %sub3A_65 = arith.subf %select_n3A_64, %gather3A_56 : vector<16xf32>
      %min3A_66 = arith.constant 8.000000e+01 : f32
      %min3A_67 = vector.broadcast %min3A_66 : f32 to vector<16xf32>
      %min3A_68 = arith.minimumf %sub3A_65, %min3A_67 : vector<16xf32>
      %exp3A_69 = math.exp %min3A_68 : vector<16xf32>
      %add3A_70 = arith.addi %multiple_of3A, %add3A_49 : i32
      %iota3A_71 = tpu.iota {dimensions = array<i32: 0>} : vector<16xi32>
      %add3A_72 = vector.broadcast %add3A_70 : i32 to vector<16xi32>
      %add3A_73 = arith.addi %add3A_72, %iota3A_71 : vector<16xi32>
      %lt3A_74 = arith.constant 330000 : i32
      %lt3A_75 = vector.broadcast %lt3A_74 : i32 to vector<16xi32>
      %lt3A_76 = arith.cmpi slt, %add3A_73, %lt3A_75 : vector<16xi32>
      %jit3A_77 = arith.constant 0.000000e+00 : f32
      %broadcast_in_dim3A_78 = vector.broadcast %jit3A_77 : f32 to vector<16xf32>
      %select_n3A_79 = arith.select %lt3A_76, %exp3A_69, %broadcast_in_dim3A_78 : vector<16xi1>, vector<16xf32>
      %swap3A_80 = arith.index_cast %add3A_49 : i32 to index
      %swap3A_81 = tpu.vector_load %arg15[%swap3A_80] {strides = array<i32>} : memref<10368xf32, #tpu.memory_space<vmem>>, vector<16xf32>,
      tpu.vector_store %arg15[%swap3A_80], %select_n3A_79 {strides = array<i32>} : memref<10368xf32, #tpu.memory_space<vmem>>, vector<16xf32>,
      tpu.vector_store_idx %arg12[%get3A_53], %select_n3A_79 {add = true} : memref<10240xf32, #tpu.memory_space<vmem>>[vector<16xi32>], vector<16xf32>,
      %mul3A_82 = arith.constant 128 : i32
      %mul3A_83 = arith.muli %add3A_20, %mul3A_82 : i32
      %add3A_84 = arith.constant 32 : i32
      %add3A_85 = arith.addi %mul3A_83, %add3A_84 : i32
      %get3A_86 = arith.index_cast %add3A_85 : i32 to index
      %get3A_87 = tpu.vector_load %arg13[%get3A_86] {strides = array<i32>} : memref<10368xi32, #tpu.memory_space<vmem>>, vector<16xi32>,
      %get3A_88 = arith.index_cast %add3A_85 : i32 to index
      %get3A_89 = tpu.vector_load %arg14[%get3A_88] {strides = array<i32>} : memref<10368xi32, #tpu.memory_space<vmem>>, vector<16xi32>,
      %gather3A_90 = tpu.vector_load_idx %arg9[%get3A_87] : memref<10240xf32, #tpu.memory_space<vmem>>[vector<16xi32>], vector<16xf32>,
      %gather3A_91 = tpu.vector_load_idx %arg10[%get3A_89] : memref<10240xf32, #tpu.memory_space<vmem>>[vector<16xi32>], vector<16xf32>,
      %gather3A_92 = tpu.vector_load_idx %arg11[%get3A_89] : memref<10240xf32, #tpu.memory_space<vmem>>[vector<16xi32>], vector<16xf32>,
      %add3A_93 = arith.addf %gather3A_90, %gather3A_91 : vector<16xf32>
      %gt3A_94 = arith.constant 0.000000e+00 : f32
      %gt3A_95 = vector.broadcast %gt3A_94 : f32 to vector<16xf32>
      %gt3A_96 = arith.cmpf ogt, %add3A_93, %gt3A_95 : vector<16xf32>
      %mul3A_97 = arith.constant 2.000000e-01 : f32
      %mul3A_98 = vector.broadcast %mul3A_97 : f32 to vector<16xf32>
      %mul3A_99 = arith.mulf %mul3A_98, %add3A_93 : vector<16xf32>
      %select_n3A_100 = arith.select %gt3A_96, %add3A_93, %mul3A_99 : vector<16xi1>, vector<16xf32>
      %sub3A_101 = arith.subf %select_n3A_100, %gather3A_92 : vector<16xf32>
      %min3A_102 = arith.constant 8.000000e+01 : f32
      %min3A_103 = vector.broadcast %min3A_102 : f32 to vector<16xf32>
      %min3A_104 = arith.minimumf %sub3A_101, %min3A_103 : vector<16xf32>
      %exp3A_105 = math.exp %min3A_104 : vector<16xf32>
      %add3A_106 = arith.addi %multiple_of3A, %add3A_85 : i32
      %iota3A_107 = tpu.iota {dimensions = array<i32: 0>} : vector<16xi32>
      %add3A_108 = vector.broadcast %add3A_106 : i32 to vector<16xi32>
      %add3A_109 = arith.addi %add3A_108, %iota3A_107 : vector<16xi32>
      %lt3A_110 = arith.constant 330000 : i32
      %lt3A_111 = vector.broadcast %lt3A_110 : i32 to vector<16xi32>
      %lt3A_112 = arith.cmpi slt, %add3A_109, %lt3A_111 : vector<16xi32>
      %jit3A_113 = arith.constant 0.000000e+00 : f32
      %broadcast_in_dim3A_114 = vector.broadcast %jit3A_113 : f32 to vector<16xf32>
      %select_n3A_115 = arith.select %lt3A_112, %exp3A_105, %broadcast_in_dim3A_114 : vector<16xi1>, vector<16xf32>
      %swap3A_116 = arith.index_cast %add3A_85 : i32 to index
      %swap3A_117 = tpu.vector_load %arg15[%swap3A_116] {strides = array<i32>} : memref<10368xf32, #tpu.memory_space<vmem>>, vector<16xf32>,
      tpu.vector_store %arg15[%swap3A_116], %select_n3A_115 {strides = array<i32>} : memref<10368xf32, #tpu.memory_space<vmem>>, vector<16xf32>,
      tpu.vector_store_idx %arg12[%get3A_89], %select_n3A_115 {add = true} : memref<10240xf32, #tpu.memory_space<vmem>>[vector<16xi32>], vector<16xf32>,
      %mul3A_118 = arith.constant 128 : i32
      %mul3A_119 = arith.muli %add3A_20, %mul3A_118 : i32
      %add3A_120 = arith.constant 48 : i32
      %add3A_121 = arith.addi %mul3A_119, %add3A_120 : i32
      %get3A_122 = arith.index_cast %add3A_121 : i32 to index
      %get3A_123 = tpu.vector_load %arg13[%get3A_122] {strides = array<i32>} : memref<10368xi32, #tpu.memory_space<vmem>>, vector<16xi32>,
      %get3A_124 = arith.index_cast %add3A_121 : i32 to index
      %get3A_125 = tpu.vector_load %arg14[%get3A_124] {strides = array<i32>} : memref<10368xi32, #tpu.memory_space<vmem>>, vector<16xi32>,
      %gather3A_126 = tpu.vector_load_idx %arg9[%get3A_123] : memref<10240xf32, #tpu.memory_space<vmem>>[vector<16xi32>], vector<16xf32>,
      %gather3A_127 = tpu.vector_load_idx %arg10[%get3A_125] : memref<10240xf32, #tpu.memory_space<vmem>>[vector<16xi32>], vector<16xf32>,
      %gather3A_128 = tpu.vector_load_idx %arg11[%get3A_125] : memref<10240xf32, #tpu.memory_space<vmem>>[vector<16xi32>], vector<16xf32>,
      %add3A_129 = arith.addf %gather3A_126, %gather3A_127 : vector<16xf32>
      %gt3A_130 = arith.constant 0.000000e+00 : f32
      %gt3A_131 = vector.broadcast %gt3A_130 : f32 to vector<16xf32>
      %gt3A_132 = arith.cmpf ogt, %add3A_129, %gt3A_131 : vector<16xf32>
      %mul3A_133 = arith.constant 2.000000e-01 : f32
      %mul3A_134 = vector.broadcast %mul3A_133 : f32 to vector<16xf32>
      %mul3A_135 = arith.mulf %mul3A_134, %add3A_129 : vector<16xf32>
      %select_n3A_136 = arith.select %gt3A_132, %add3A_129, %mul3A_135 : vector<16xi1>, vector<16xf32>
      %sub3A_137 = arith.subf %select_n3A_136, %gather3A_128 : vector<16xf32>
      %min3A_138 = arith.constant 8.000000e+01 : f32
      %min3A_139 = vector.broadcast %min3A_138 : f32 to vector<16xf32>
      %min3A_140 = arith.minimumf %sub3A_137, %min3A_139 : vector<16xf32>
      %exp3A_141 = math.exp %min3A_140 : vector<16xf32>
      %add3A_142 = arith.addi %multiple_of3A, %add3A_121 : i32
      %iota3A_143 = tpu.iota {dimensions = array<i32: 0>} : vector<16xi32>
      %add3A_144 = vector.broadcast %add3A_142 : i32 to vector<16xi32>
      %add3A_145 = arith.addi %add3A_144, %iota3A_143 : vector<16xi32>
      %lt3A_146 = arith.constant 330000 : i32
      %lt3A_147 = vector.broadcast %lt3A_146 : i32 to vector<16xi32>
      %lt3A_148 = arith.cmpi slt, %add3A_145, %lt3A_147 : vector<16xi32>
      %jit3A_149 = arith.constant 0.000000e+00 : f32
      %broadcast_in_dim3A_150 = vector.broadcast %jit3A_149 : f32 to vector<16xf32>
      %select_n3A_151 = arith.select %lt3A_148, %exp3A_141, %broadcast_in_dim3A_150 : vector<16xi1>, vector<16xf32>
      %swap3A_152 = arith.index_cast %add3A_121 : i32 to index
      %swap3A_153 = tpu.vector_load %arg15[%swap3A_152] {strides = array<i32>} : memref<10368xf32, #tpu.memory_space<vmem>>, vector<16xf32>,
      tpu.vector_store %arg15[%swap3A_152], %select_n3A_151 {strides = array<i32>} : memref<10368xf32, #tpu.memory_space<vmem>>, vector<16xf32>,
      tpu.vector_store_idx %arg12[%get3A_125], %select_n3A_151 {add = true} : memref<10240xf32, #tpu.memory_space<vmem>>[vector<16xi32>], vector<16xf32>,
      %mul3A_154 = arith.constant 128 : i32
      %mul3A_155 = arith.muli %add3A_20, %mul3A_154 : i32
      %add3A_156 = arith.constant 64 : i32
      %add3A_157 = arith.addi %mul3A_155, %add3A_156 : i32
      %get3A_158 = arith.index_cast %add3A_157 : i32 to index
      %get3A_159 = tpu.vector_load %arg13[%get3A_158] {strides = array<i32>} : memref<10368xi32, #tpu.memory_space<vmem>>, vector<16xi32>,
      %get3A_160 = arith.index_cast %add3A_157 : i32 to index
      %get3A_161 = tpu.vector_load %arg14[%get3A_160] {strides = array<i32>} : memref<10368xi32, #tpu.memory_space<vmem>>, vector<16xi32>,
      %gather3A_162 = tpu.vector_load_idx %arg9[%get3A_159] : memref<10240xf32, #tpu.memory_space<vmem>>[vector<16xi32>], vector<16xf32>,
      %gather3A_163 = tpu.vector_load_idx %arg10[%get3A_161] : memref<10240xf32, #tpu.memory_space<vmem>>[vector<16xi32>], vector<16xf32>,
      %gather3A_164 = tpu.vector_load_idx %arg11[%get3A_161] : memref<10240xf32, #tpu.memory_space<vmem>>[vector<16xi32>], vector<16xf32>,
      %add3A_165 = arith.addf %gather3A_162, %gather3A_163 : vector<16xf32>
      %gt3A_166 = arith.constant 0.000000e+00 : f32
      %gt3A_167 = vector.broadcast %gt3A_166 : f32 to vector<16xf32>
      %gt3A_168 = arith.cmpf ogt, %add3A_165, %gt3A_167 : vector<16xf32>
      %mul3A_169 = arith.constant 2.000000e-01 : f32
      %mul3A_170 = vector.broadcast %mul3A_169 : f32 to vector<16xf32>
      %mul3A_171 = arith.mulf %mul3A_170, %add3A_165 : vector<16xf32>
      %select_n3A_172 = arith.select %gt3A_168, %add3A_165, %mul3A_171 : vector<16xi1>, vector<16xf32>
      %sub3A_173 = arith.subf %select_n3A_172, %gather3A_164 : vector<16xf32>
      %min3A_174 = arith.constant 8.000000e+01 : f32
      %min3A_175 = vector.broadcast %min3A_174 : f32 to vector<16xf32>
      %min3A_176 = arith.minimumf %sub3A_173, %min3A_175 : vector<16xf32>
      %exp3A_177 = math.exp %min3A_176 : vector<16xf32>
      %add3A_178 = arith.addi %multiple_of3A, %add3A_157 : i32
      %iota3A_179 = tpu.iota {dimensions = array<i32: 0>} : vector<16xi32>
      %add3A_180 = vector.broadcast %add3A_178 : i32 to vector<16xi32>
      %add3A_181 = arith.addi %add3A_180, %iota3A_179 : vector<16xi32>
      %lt3A_182 = arith.constant 330000 : i32
      %lt3A_183 = vector.broadcast %lt3A_182 : i32 to vector<16xi32>
      %lt3A_184 = arith.cmpi slt, %add3A_181, %lt3A_183 : vector<16xi32>
      %jit3A_185 = arith.constant 0.000000e+00 : f32
      %broadcast_in_dim3A_186 = vector.broadcast %jit3A_185 : f32 to vector<16xf32>
      %select_n3A_187 = arith.select %lt3A_184, %exp3A_177, %broadcast_in_dim3A_186 : vector<16xi1>, vector<16xf32>
      %swap3A_188 = arith.index_cast %add3A_157 : i32 to index
      %swap3A_189 = tpu.vector_load %arg15[%swap3A_188] {strides = array<i32>} : memref<10368xf32, #tpu.memory_space<vmem>>, vector<16xf32>,
      tpu.vector_store %arg15[%swap3A_188], %select_n3A_187 {strides = array<i32>} : memref<10368xf32, #tpu.memory_space<vmem>>, vector<16xf32>,
      tpu.vector_store_idx %arg12[%get3A_161], %select_n3A_187 {add = true} : memref<10240xf32, #tpu.memory_space<vmem>>[vector<16xi32>], vector<16xf32>,
      %mul3A_190 = arith.constant 128 : i32
      %mul3A_191 = arith.muli %add3A_20, %mul3A_190 : i32
      %add3A_192 = arith.constant 80 : i32
      %add3A_193 = arith.addi %mul3A_191, %add3A_192 : i32
      %get3A_194 = arith.index_cast %add3A_193 : i32 to index
      %get3A_195 = tpu.vector_load %arg13[%get3A_194] {strides = array<i32>} : memref<10368xi32, #tpu.memory_space<vmem>>, vector<16xi32>,
      %get3A_196 = arith.index_cast %add3A_193 : i32 to index
      %get3A_197 = tpu.vector_load %arg14[%get3A_196] {strides = array<i32>} : memref<10368xi32, #tpu.memory_space<vmem>>, vector<16xi32>,
      %gather3A_198 = tpu.vector_load_idx %arg9[%get3A_195] : memref<10240xf32, #tpu.memory_space<vmem>>[vector<16xi32>], vector<16xf32>,
      %gather3A_199 = tpu.vector_load_idx %arg10[%get3A_197] : memref<10240xf32, #tpu.memory_space<vmem>>[vector<16xi32>], vector<16xf32>,
      %gather3A_200 = tpu.vector_load_idx %arg11[%get3A_197] : memref<10240xf32, #tpu.memory_space<vmem>>[vector<16xi32>], vector<16xf32>,
      %add3A_201 = arith.addf %gather3A_198, %gather3A_199 : vector<16xf32>
      %gt3A_202 = arith.constant 0.000000e+00 : f32
      %gt3A_203 = vector.broadcast %gt3A_202 : f32 to vector<16xf32>
      %gt3A_204 = arith.cmpf ogt, %add3A_201, %gt3A_203 : vector<16xf32>
      %mul3A_205 = arith.constant 2.000000e-01 : f32
      %mul3A_206 = vector.broadcast %mul3A_205 : f32 to vector<16xf32>
      %mul3A_207 = arith.mulf %mul3A_206, %add3A_201 : vector<16xf32>
      %select_n3A_208 = arith.select %gt3A_204, %add3A_201, %mul3A_207 : vector<16xi1>, vector<16xf32>
      %sub3A_209 = arith.subf %select_n3A_208, %gather3A_200 : vector<16xf32>
      %min3A_210 = arith.constant 8.000000e+01 : f32
      %min3A_211 = vector.broadcast %min3A_210 : f32 to vector<16xf32>
      %min3A_212 = arith.minimumf %sub3A_209, %min3A_211 : vector<16xf32>
      %exp3A_213 = math.exp %min3A_212 : vector<16xf32>
      %add3A_214 = arith.addi %multiple_of3A, %add3A_193 : i32
      %iota3A_215 = tpu.iota {dimensions = array<i32: 0>} : vector<16xi32>
      %add3A_216 = vector.broadcast %add3A_214 : i32 to vector<16xi32>
      %add3A_217 = arith.addi %add3A_216, %iota3A_215 : vector<16xi32>
      %lt3A_218 = arith.constant 330000 : i32
      %lt3A_219 = vector.broadcast %lt3A_218 : i32 to vector<16xi32>
      %lt3A_220 = arith.cmpi slt, %add3A_217, %lt3A_219 : vector<16xi32>
      %jit3A_221 = arith.constant 0.000000e+00 : f32
      %broadcast_in_dim3A_222 = vector.broadcast %jit3A_221 : f32 to vector<16xf32>
      %select_n3A_223 = arith.select %lt3A_220, %exp3A_213, %broadcast_in_dim3A_222 : vector<16xi1>, vector<16xf32>
      %swap3A_224 = arith.index_cast %add3A_193 : i32 to index
      %swap3A_225 = tpu.vector_load %arg15[%swap3A_224] {strides = array<i32>} : memref<10368xf32, #tpu.memory_space<vmem>>, vector<16xf32>,
      tpu.vector_store %arg15[%swap3A_224], %select_n3A_223 {strides = array<i32>} : memref<10368xf32, #tpu.memory_space<vmem>>, vector<16xf32>,
      tpu.vector_store_idx %arg12[%get3A_197], %select_n3A_223 {add = true} : memref<10240xf32, #tpu.memory_space<vmem>>[vector<16xi32>], vector<16xf32>,
      %mul3A_226 = arith.constant 128 : i32
      %mul3A_227 = arith.muli %add3A_20, %mul3A_226 : i32
      %add3A_228 = arith.constant 96 : i32
      %add3A_229 = arith.addi %mul3A_227, %add3A_228 : i32
      %get3A_230 = arith.index_cast %add3A_229 : i32 to index
      %get3A_231 = tpu.vector_load %arg13[%get3A_230] {strides = array<i32>} : memref<10368xi32, #tpu.memory_space<vmem>>, vector<16xi32>,
      %get3A_232 = arith.index_cast %add3A_229 : i32 to index
      %get3A_233 = tpu.vector_load %arg14[%get3A_232] {strides = array<i32>} : memref<10368xi32, #tpu.memory_space<vmem>>, vector<16xi32>,
      %gather3A_234 = tpu.vector_load_idx %arg9[%get3A_231] : memref<10240xf32, #tpu.memory_space<vmem>>[vector<16xi32>], vector<16xf32>,
      %gather3A_235 = tpu.vector_load_idx %arg10[%get3A_233] : memref<10240xf32, #tpu.memory_space<vmem>>[vector<16xi32>], vector<16xf32>,
      %gather3A_236 = tpu.vector_load_idx %arg11[%get3A_233] : memref<10240xf32, #tpu.memory_space<vmem>>[vector<16xi32>], vector<16xf32>,
      %add3A_237 = arith.addf %gather3A_234, %gather3A_235 : vector<16xf32>
      %gt3A_238 = arith.constant 0.000000e+00 : f32
      %gt3A_239 = vector.broadcast %gt3A_238 : f32 to vector<16xf32>
      %gt3A_240 = arith.cmpf ogt, %add3A_237, %gt3A_239 : vector<16xf32>
      %mul3A_241 = arith.constant 2.000000e-01 : f32
      %mul3A_242 = vector.broadcast %mul3A_241 : f32 to vector<16xf32>
      %mul3A_243 = arith.mulf %mul3A_242, %add3A_237 : vector<16xf32>
      %select_n3A_244 = arith.select %gt3A_240, %add3A_237, %mul3A_243 : vector<16xi1>, vector<16xf32>
      %sub3A_245 = arith.subf %select_n3A_244, %gather3A_236 : vector<16xf32>
      %min3A_246 = arith.constant 8.000000e+01 : f32
      %min3A_247 = vector.broadcast %min3A_246 : f32 to vector<16xf32>
      %min3A_248 = arith.minimumf %sub3A_245, %min3A_247 : vector<16xf32>
      %exp3A_249 = math.exp %min3A_248 : vector<16xf32>
      %add3A_250 = arith.addi %multiple_of3A, %add3A_229 : i32
      %iota3A_251 = tpu.iota {dimensions = array<i32: 0>} : vector<16xi32>
      %add3A_252 = vector.broadcast %add3A_250 : i32 to vector<16xi32>
      %add3A_253 = arith.addi %add3A_252, %iota3A_251 : vector<16xi32>
      %lt3A_254 = arith.constant 330000 : i32
      %lt3A_255 = vector.broadcast %lt3A_254 : i32 to vector<16xi32>
      %lt3A_256 = arith.cmpi slt, %add3A_253, %lt3A_255 : vector<16xi32>
      %jit3A_257 = arith.constant 0.000000e+00 : f32
      %broadcast_in_dim3A_258 = vector.broadcast %jit3A_257 : f32 to vector<16xf32>
      %select_n3A_259 = arith.select %lt3A_256, %exp3A_249, %broadcast_in_dim3A_258 : vector<16xi1>, vector<16xf32>
      %swap3A_260 = arith.index_cast %add3A_229 : i32 to index
      %swap3A_261 = tpu.vector_load %arg15[%swap3A_260] {strides = array<i32>} : memref<10368xf32, #tpu.memory_space<vmem>>, vector<16xf32>,
      tpu.vector_store %arg15[%swap3A_260], %select_n3A_259 {strides = array<i32>} : memref<10368xf32, #tpu.memory_space<vmem>>, vector<16xf32>,
      tpu.vector_store_idx %arg12[%get3A_233], %select_n3A_259 {add = true} : memref<10240xf32, #tpu.memory_space<vmem>>[vector<16xi32>], vector<16xf32>,
      %mul3A_262 = arith.constant 128 : i32
      %mul3A_263 = arith.muli %add3A_20, %mul3A_262 : i32
      %add3A_264 = arith.constant 112 : i32
      %add3A_265 = arith.addi %mul3A_263, %add3A_264 : i32
      %get3A_266 = arith.index_cast %add3A_265 : i32 to index
      %get3A_267 = tpu.vector_load %arg13[%get3A_266] {strides = array<i32>} : memref<10368xi32, #tpu.memory_space<vmem>>, vector<16xi32>,
      %get3A_268 = arith.index_cast %add3A_265 : i32 to index
      %get3A_269 = tpu.vector_load %arg14[%get3A_268] {strides = array<i32>} : memref<10368xi32, #tpu.memory_space<vmem>>, vector<16xi32>,
      %gather3A_270 = tpu.vector_load_idx %arg9[%get3A_267] : memref<10240xf32, #tpu.memory_space<vmem>>[vector<16xi32>], vector<16xf32>,
      %gather3A_271 = tpu.vector_load_idx %arg10[%get3A_269] : memref<10240xf32, #tpu.memory_space<vmem>>[vector<16xi32>], vector<16xf32>,
      %gather3A_272 = tpu.vector_load_idx %arg11[%get3A_269] : memref<10240xf32, #tpu.memory_space<vmem>>[vector<16xi32>], vector<16xf32>,
      %add3A_273 = arith.addf %gather3A_270, %gather3A_271 : vector<16xf32>
      %gt3A_274 = arith.constant 0.000000e+00 : f32
      %gt3A_275 = vector.broadcast %gt3A_274 : f32 to vector<16xf32>
      %gt3A_276 = arith.cmpf ogt, %add3A_273, %gt3A_275 : vector<16xf32>
      %mul3A_277 = arith.constant 2.000000e-01 : f32
      %mul3A_278 = vector.broadcast %mul3A_277 : f32 to vector<16xf32>
      %mul3A_279 = arith.mulf %mul3A_278, %add3A_273 : vector<16xf32>
      %select_n3A_280 = arith.select %gt3A_276, %add3A_273, %mul3A_279 : vector<16xi1>, vector<16xf32>
      %sub3A_281 = arith.subf %select_n3A_280, %gather3A_272 : vector<16xf32>
      %min3A_282 = arith.constant 8.000000e+01 : f32
      %min3A_283 = vector.broadcast %min3A_282 : f32 to vector<16xf32>
      %min3A_284 = arith.minimumf %sub3A_281, %min3A_283 : vector<16xf32>
      %exp3A_285 = math.exp %min3A_284 : vector<16xf32>
      %add3A_286 = arith.addi %multiple_of3A, %add3A_265 : i32
      %iota3A_287 = tpu.iota {dimensions = array<i32: 0>} : vector<16xi32>
      %add3A_288 = vector.broadcast %add3A_286 : i32 to vector<16xi32>
      %add3A_289 = arith.addi %add3A_288, %iota3A_287 : vector<16xi32>
      %lt3A_290 = arith.constant 330000 : i32
      %lt3A_291 = vector.broadcast %lt3A_290 : i32 to vector<16xi32>
      %lt3A_292 = arith.cmpi slt, %add3A_289, %lt3A_291 : vector<16xi32>
      %jit3A_293 = arith.constant 0.000000e+00 : f32
      %broadcast_in_dim3A_294 = vector.broadcast %jit3A_293 : f32 to vector<16xf32>
      %select_n3A_295 = arith.select %lt3A_292, %exp3A_285, %broadcast_in_dim3A_294 : vector<16xi1>, vector<16xf32>
      %swap3A_296 = arith.index_cast %add3A_265 : i32 to index
      %swap3A_297 = tpu.vector_load %arg15[%swap3A_296] {strides = array<i32>} : memref<10368xf32, #tpu.memory_space<vmem>>, vector<16xf32>,
      tpu.vector_store %arg15[%swap3A_296], %select_n3A_295 {strides = array<i32>} : memref<10368xf32, #tpu.memory_space<vmem>>, vector<16xf32>,
      tpu.vector_store_idx %arg12[%get3A_269], %select_n3A_295 {add = true} : memref<10240xf32, #tpu.memory_space<vmem>>[vector<16xi32>], vector<16xf32>,
    }
    %scan3A_12 = arith.constant 81 : i32
    "tpu.region"() ({
      %run_scoped3A = tpu.sem_alloc : memref<!tpu.dma_semaphore, #tpu.memory_space<semaphore_mem>>
      %dma_start3A = tpu.memref_slice %arg7[%multiple_of3A] : memref<331776xf32, #tpu.memory_space<hbm>> -> memref<10368xf32, #tpu.memory_space<hbm>>
      %dma_start3A_16 = tpu.memref_slice %arg7[%multiple_of3A] : memref<331776xf32, #tpu.memory_space<hbm>> -> memref<10368xf32, #tpu.memory_space<hbm>>
      tpu.enqueue_dma source(%arg15 : memref<10368xf32, #tpu.memory_space<vmem>>) target(%dma_start3A_16 : memref<10368xf32, #tpu.memory_space<hbm>>) target_semaphore(%run_scoped3A : memref<!tpu.dma_semaphore, #tpu.memory_space<semaphore_mem>>)
      %dma_wait3A = tpu.memref_slice %arg7[%multiple_of3A] : memref<331776xf32, #tpu.memory_space<hbm>> -> memref<10368xf32, #tpu.memory_space<hbm>>
      %dma_wait3A_17 = tpu.memref_slice %arg7[%multiple_of3A] : memref<331776xf32, #tpu.memory_space<hbm>> -> memref<10368xf32, #tpu.memory_space<hbm>>
      tpu.wait_dma2 semaphore(%run_scoped3A : memref<!tpu.dma_semaphore, #tpu.memory_space<semaphore_mem>>) src(%arg15 : memref<10368xf32, #tpu.memory_space<vmem>>) dst(%dma_wait3A_17 : memref<10368xf32, #tpu.memory_space<hbm>>)
      tpu.yield
    }) : () -> ()
    %mul3A_13 = arith.constant 10240 : i32
    %mul3A_14 = arith.muli %add3A, %mul3A_13 : i32
    %multiple_of3A_15 = tpu.assume_multiple %mul3A_14, 8 : i32
    "tpu.region"() ({
      %run_scoped3A = tpu.sem_alloc : memref<!tpu.dma_semaphore, #tpu.memory_space<semaphore_mem>>
      %dma_start3A = tpu.memref_slice %arg8[%multiple_of3A_15] : memref<327680xf32, #tpu.memory_space<hbm>> -> memref<10240xf32, #tpu.memory_space<hbm>>
      %dma_start3A_16 = tpu.memref_slice %arg8[%multiple_of3A_15] : memref<327680xf32, #tpu.memory_space<hbm>> -> memref<10240xf32, #tpu.memory_space<hbm>>
      tpu.enqueue_dma source(%arg12 : memref<10240xf32, #tpu.memory_space<vmem>>) target(%dma_start3A_16 : memref<10240xf32, #tpu.memory_space<hbm>>) target_semaphore(%run_scoped3A : memref<!tpu.dma_semaphore, #tpu.memory_space<semaphore_mem>>)
      %dma_wait3A = tpu.memref_slice %arg8[%multiple_of3A_15] : memref<327680xf32, #tpu.memory_space<hbm>> -> memref<10240xf32, #tpu.memory_space<hbm>>
      %dma_wait3A_17 = tpu.memref_slice %arg8[%multiple_of3A_15] : memref<327680xf32, #tpu.memory_space<hbm>> -> memref<10240xf32, #tpu.memory_space<hbm>>
      tpu.wait_dma2 semaphore(%run_scoped3A : memref<!tpu.dma_semaphore, #tpu.memory_space<semaphore_mem>>) src(%arg12 : memref<10240xf32, #tpu.memory_space<vmem>>) dst(%dma_wait3A_17 : memref<10240xf32, #tpu.memory_space<hbm>>)
      tpu.yield
    }) : () -> ()
    return
  }
}

#map = affine_map<(d0, d1) -> (0, 0)>
#map1 = affine_map<(d0, d1) -> (0, 0, 0, 0)>
#map2 = affine_map<(d0, d1) -> (0, 0, 0)>
module attributes {stable_mosaic.version = 14 : i64} {
  func.func @_sc_rows_body(%arg0: i32, %arg1: i32, %arg2: memref<10240x128xf32, #tpu.memory_space<hbm>>, %arg3: memref<32x9x9x128xi32, #tpu.memory_space<hbm>>, %arg4: memref<32x9x9x128xi32, #tpu.memory_space<hbm>>, %arg5: memref<32x9x9x128xf32, #tpu.memory_space<hbm>>, %arg6: memref<2x10240x128xf32, #tpu.memory_space<hbm>>, %arg7: memref<9x128xi32, #tpu.memory_space<vmem>>, %arg8: memref<9x128xi32, #tpu.memory_space<vmem>>, %arg9: memref<9x128xf32, #tpu.memory_space<vmem>>, %arg10: memref<128x128xf32, #tpu.memory_space<vmem>>, %arg11: memref<10240x128xf32, #tpu.memory_space<vmem_shared>>) attributes {dimension_semantics = [#tpu.dimension_semantics<core_parallel>, #tpu.dimension_semantics<subcore_parallel>], iteration_bounds = array<i64: 2, 16>, scalar_prefetch = 0 : i64, scratch_operands = 5 : i64, tpu.core_type = #tpu.core_type<sc_vector_subcore>, window_params = [{transform_indices = #map}, {transform_indices = #map1}, {transform_indices = #map1}, {transform_indices = #map1}, {transform_indices = #map2}]} {
    %mul3A = arith.constant 2 : i32
    %mul3A_0 = arith.muli %arg1, %mul3A : i32
    %add3A = arith.addi %mul3A_0, %arg0 : i32
    %broadcast_in_dim3A = arith.constant 0.000000e+00 : f32
    %broadcast_in_dim3A_1 = vector.broadcast %broadcast_in_dim3A : f32 to vector<16xf32>
    %scan3A = arith.constant 0 : i32
    %scan3A_2 = arith.constant 128 : i32
    %scan3A_3 = arith.addi %scan3A, %scan3A_2 : i32
    %scan3A_4 = arith.constant 1 : i32
    scf.for %scan3A_19 = %scan3A to %scan3A_3 step %scan3A_4  : i32 {
      %mul3A_20 = arith.constant 1 : i32
      %mul3A_21 = arith.muli %scan3A_19, %mul3A_20 : i32
      %add3A_22 = arith.constant 0 : i32
      %add3A_23 = arith.addi %add3A_22, %mul3A_21 : i32
      %swap3A = arith.index_cast %add3A_23 : i32 to index
      %swap3A_24 = arith.constant 0 : index
      %swap3A_25 = tpu.vector_load %arg10[%swap3A, %swap3A_24] {strides = array<i32>} : memref<128x128xf32, #tpu.memory_space<vmem>>, vector<16xf32>,
      tpu.vector_store %arg10[%swap3A, %swap3A_24], %broadcast_in_dim3A_1 {strides = array<i32>} : memref<128x128xf32, #tpu.memory_space<vmem>>, vector<16xf32>,
      %swap3A_26 = arith.index_cast %add3A_23 : i32 to index
      %swap3A_27 = arith.constant 16 : index
      %swap3A_28 = tpu.vector_load %arg10[%swap3A_26, %swap3A_27] {strides = array<i32>} : memref<128x128xf32, #tpu.memory_space<vmem>>, vector<16xf32>,
      tpu.vector_store %arg10[%swap3A_26, %swap3A_27], %broadcast_in_dim3A_1 {strides = array<i32>} : memref<128x128xf32, #tpu.memory_space<vmem>>, vector<16xf32>,
      %swap3A_29 = arith.index_cast %add3A_23 : i32 to index
      %swap3A_30 = arith.constant 32 : index
      %swap3A_31 = tpu.vector_load %arg10[%swap3A_29, %swap3A_30] {strides = array<i32>} : memref<128x128xf32, #tpu.memory_space<vmem>>, vector<16xf32>,
      tpu.vector_store %arg10[%swap3A_29, %swap3A_30], %broadcast_in_dim3A_1 {strides = array<i32>} : memref<128x128xf32, #tpu.memory_space<vmem>>, vector<16xf32>,
      %swap3A_32 = arith.index_cast %add3A_23 : i32 to index
      %swap3A_33 = arith.constant 48 : index
      %swap3A_34 = tpu.vector_load %arg10[%swap3A_32, %swap3A_33] {strides = array<i32>} : memref<128x128xf32, #tpu.memory_space<vmem>>, vector<16xf32>,
      tpu.vector_store %arg10[%swap3A_32, %swap3A_33], %broadcast_in_dim3A_1 {strides = array<i32>} : memref<128x128xf32, #tpu.memory_space<vmem>>, vector<16xf32>,
      %swap3A_35 = arith.index_cast %add3A_23 : i32 to index
      %swap3A_36 = arith.constant 64 : index
      %swap3A_37 = tpu.vector_load %arg10[%swap3A_35, %swap3A_36] {strides = array<i32>} : memref<128x128xf32, #tpu.memory_space<vmem>>, vector<16xf32>,
      tpu.vector_store %arg10[%swap3A_35, %swap3A_36], %broadcast_in_dim3A_1 {strides = array<i32>} : memref<128x128xf32, #tpu.memory_space<vmem>>, vector<16xf32>,
      %swap3A_38 = arith.index_cast %add3A_23 : i32 to index
      %swap3A_39 = arith.constant 80 : index
      %swap3A_40 = tpu.vector_load %arg10[%swap3A_38, %swap3A_39] {strides = array<i32>} : memref<128x128xf32, #tpu.memory_space<vmem>>, vector<16xf32>,
      tpu.vector_store %arg10[%swap3A_38, %swap3A_39], %broadcast_in_dim3A_1 {strides = array<i32>} : memref<128x128xf32, #tpu.memory_space<vmem>>, vector<16xf32>,
      %swap3A_41 = arith.index_cast %add3A_23 : i32 to index
      %swap3A_42 = arith.constant 96 : index
      %swap3A_43 = tpu.vector_load %arg10[%swap3A_41, %swap3A_42] {strides = array<i32>} : memref<128x128xf32, #tpu.memory_space<vmem>>, vector<16xf32>,
      tpu.vector_store %arg10[%swap3A_41, %swap3A_42], %broadcast_in_dim3A_1 {strides = array<i32>} : memref<128x128xf32, #tpu.memory_space<vmem>>, vector<16xf32>,
      %swap3A_44 = arith.index_cast %add3A_23 : i32 to index
      %swap3A_45 = arith.constant 112 : index
      %swap3A_46 = tpu.vector_load %arg10[%swap3A_44, %swap3A_45] {strides = array<i32>} : memref<128x128xf32, #tpu.memory_space<vmem>>, vector<16xf32>,
      tpu.vector_store %arg10[%swap3A_44, %swap3A_45], %broadcast_in_dim3A_1 {strides = array<i32>} : memref<128x128xf32, #tpu.memory_space<vmem>>, vector<16xf32>,
    }
    %scan3A_5 = arith.constant 128 : i32
    %scan3A_6 = arith.constant 0 : i32
    %scan3A_7 = arith.constant 5 : i32
    %scan3A_8 = arith.addi %scan3A_6, %scan3A_7 : i32
    %scan3A_9 = arith.constant 1 : i32
    scf.for %scan3A_19 = %scan3A_6 to %scan3A_8 step %scan3A_9  : i32 {
      %mul3A_20 = arith.constant 1 : i32
      %mul3A_21 = arith.muli %scan3A_19, %mul3A_20 : i32
      %add3A_22 = arith.constant 0 : i32
      %add3A_23 = arith.addi %add3A_22, %mul3A_21 : i32
      %mul3A_24 = arith.constant 640 : i32
      %mul3A_25 = arith.muli %arg1, %mul3A_24 : i32
      %mul3A_26 = arith.constant 128 : i32
      %mul3A_27 = arith.muli %add3A_23, %mul3A_26 : i32
      %add3A_28 = arith.addi %mul3A_25, %mul3A_27 : i32
      %multiple_of3A_29 = tpu.assume_multiple %add3A_28, 8 : i32
      "tpu.region"() ({
        %run_scoped3A = tpu.sem_alloc : memref<!tpu.dma_semaphore, #tpu.memory_space<semaphore_mem>>
        %dma_start3A = arith.constant 0 : i32
        %dma_start3A_30 = tpu.memref_slice %arg11[%multiple_of3A_29, %dma_start3A] : memref<10240x128xf32, #tpu.memory_space<vmem_shared>> -> memref<128x128xf32, #tpu.memory_space<vmem_shared>>
        %dma_start3A_31 = arith.constant 0 : i32
        %dma_start3A_32 = tpu.memref_slice %arg11[%multiple_of3A_29, %dma_start3A_31] : memref<10240x128xf32, #tpu.memory_space<vmem_shared>> -> memref<128x128xf32, #tpu.memory_space<vmem_shared>>
        tpu.enqueue_dma source(%arg10 : memref<128x128xf32, #tpu.memory_space<vmem>>) target(%dma_start3A_32 : memref<128x128xf32, #tpu.memory_space<vmem_shared>>) target_semaphore(%run_scoped3A : memref<!tpu.dma_semaphore, #tpu.memory_space<semaphore_mem>>)
        %dma_wait3A = arith.constant 0 : i32
        %dma_wait3A_33 = tpu.memref_slice %arg11[%multiple_of3A_29, %dma_wait3A] : memref<10240x128xf32, #tpu.memory_space<vmem_shared>> -> memref<128x128xf32, #tpu.memory_space<vmem_shared>>
        %dma_wait3A_34 = arith.constant 0 : i32
        %dma_wait3A_35 = tpu.memref_slice %arg11[%multiple_of3A_29, %dma_wait3A_34] : memref<10240x128xf32, #tpu.memory_space<vmem_shared>> -> memref<128x128xf32, #tpu.memory_space<vmem_shared>>
        tpu.wait_dma2 semaphore(%run_scoped3A : memref<!tpu.dma_semaphore, #tpu.memory_space<semaphore_mem>>) src(%arg10 : memref<128x128xf32, #tpu.memory_space<vmem>>) dst(%dma_wait3A_35 : memref<128x128xf32, #tpu.memory_space<vmem_shared>>)
        tpu.yield
      }) : () -> ()
    }
    %scan3A_10 = arith.constant 5 : i32
    %barrier3A = arith.constant 0 : index
    tpu.barrier barrier_id(%barrier3A)
    %scan3A_11 = arith.constant 0 : i32
    %scan3A_12 = arith.constant 9 : i32
    %scan3A_13 = arith.addi %scan3A_11, %scan3A_12 : i32
    %scan3A_14 = arith.constant 1 : i32
    scf.for %scan3A_19 = %scan3A_11 to %scan3A_13 step %scan3A_14  : i32 {
      %mul3A_20 = arith.constant 1 : i32
      %mul3A_21 = arith.muli %scan3A_19, %mul3A_20 : i32
      %add3A_22 = arith.constant 0 : i32
      %add3A_23 = arith.addi %add3A_22, %mul3A_21 : i32
      "tpu.region"() ({
        %run_scoped3A_86 = tpu.sem_alloc : memref<!tpu.dma_semaphore, #tpu.memory_space<semaphore_mem>>
        %dma_start3A = arith.constant 0 : i32
        %dma_start3A_87 = arith.constant 0 : i32
        %dma_start3A_88 = tpu.memref_slice %arg3[%add3A, %add3A_23, %dma_start3A, %dma_start3A_87] : memref<32x9x9x128xi32, #tpu.memory_space<hbm>> -> memref<1x1x9x128xi32, #tpu.memory_space<hbm>>
        %dma_start3A_89 = tpu.memref_squeeze %dma_start3A_88 : memref<1x1x9x128xi32, #tpu.memory_space<hbm>> -> memref<9x128xi32, #tpu.memory_space<hbm>>
        %dma_start3A_90 = arith.constant 0 : i32
        %dma_start3A_91 = arith.constant 0 : i32
        %dma_start3A_92 = tpu.memref_slice %arg3[%add3A, %add3A_23, %dma_start3A_90, %dma_start3A_91] : memref<32x9x9x128xi32, #tpu.memory_space<hbm>> -> memref<1x1x9x128xi32, #tpu.memory_space<hbm>>
        %dma_start3A_93 = tpu.memref_squeeze %dma_start3A_92 : memref<1x1x9x128xi32, #tpu.memory_space<hbm>> -> memref<9x128xi32, #tpu.memory_space<hbm>>
        tpu.enqueue_dma source(%dma_start3A_93 : memref<9x128xi32, #tpu.memory_space<hbm>>) target(%arg7 : memref<9x128xi32, #tpu.memory_space<vmem>>) target_semaphore(%run_scoped3A_86 : memref<!tpu.dma_semaphore, #tpu.memory_space<semaphore_mem>>)
        %dma_wait3A = arith.constant 0 : i32
        %dma_wait3A_94 = arith.constant 0 : i32
        %dma_wait3A_95 = tpu.memref_slice %arg3[%add3A, %add3A_23, %dma_wait3A, %dma_wait3A_94] : memref<32x9x9x128xi32, #tpu.memory_space<hbm>> -> memref<1x1x9x128xi32, #tpu.memory_space<hbm>>
        %dma_wait3A_96 = tpu.memref_squeeze %dma_wait3A_95 : memref<1x1x9x128xi32, #tpu.memory_space<hbm>> -> memref<9x128xi32, #tpu.memory_space<hbm>>
        %dma_wait3A_97 = arith.constant 0 : i32
        %dma_wait3A_98 = arith.constant 0 : i32
        %dma_wait3A_99 = tpu.memref_slice %arg3[%add3A, %add3A_23, %dma_wait3A_97, %dma_wait3A_98] : memref<32x9x9x128xi32, #tpu.memory_space<hbm>> -> memref<1x1x9x128xi32, #tpu.memory_space<hbm>>
        %dma_wait3A_100 = tpu.memref_squeeze %dma_wait3A_99 : memref<1x1x9x128xi32, #tpu.memory_space<hbm>> -> memref<9x128xi32, #tpu.memory_space<hbm>>
        tpu.wait_dma2 semaphore(%run_scoped3A_86 : memref<!tpu.dma_semaphore, #tpu.memory_space<semaphore_mem>>) src(%dma_wait3A_100 : memref<9x128xi32, #tpu.memory_space<hbm>>) dst(%arg7 : memref<9x128xi32, #tpu.memory_space<vmem>>)
        tpu.yield
      }) : () -> ()
      "tpu.region"() ({
        %run_scoped3A_86 = tpu.sem_alloc : memref<!tpu.dma_semaphore, #tpu.memory_space<semaphore_mem>>
        %dma_start3A = arith.constant 0 : i32
        %dma_start3A_87 = arith.constant 0 : i32
        %dma_start3A_88 = tpu.memref_slice %arg4[%add3A, %add3A_23, %dma_start3A, %dma_start3A_87] : memref<32x9x9x128xi32, #tpu.memory_space<hbm>> -> memref<1x1x9x128xi32, #tpu.memory_space<hbm>>
        %dma_start3A_89 = tpu.memref_squeeze %dma_start3A_88 : memref<1x1x9x128xi32, #tpu.memory_space<hbm>> -> memref<9x128xi32, #tpu.memory_space<hbm>>
        %dma_start3A_90 = arith.constant 0 : i32
        %dma_start3A_91 = arith.constant 0 : i32
        %dma_start3A_92 = tpu.memref_slice %arg4[%add3A, %add3A_23, %dma_start3A_90, %dma_start3A_91] : memref<32x9x9x128xi32, #tpu.memory_space<hbm>> -> memref<1x1x9x128xi32, #tpu.memory_space<hbm>>
        %dma_start3A_93 = tpu.memref_squeeze %dma_start3A_92 : memref<1x1x9x128xi32, #tpu.memory_space<hbm>> -> memref<9x128xi32, #tpu.memory_space<hbm>>
        tpu.enqueue_dma source(%dma_start3A_93 : memref<9x128xi32, #tpu.memory_space<hbm>>) target(%arg8 : memref<9x128xi32, #tpu.memory_space<vmem>>) target_semaphore(%run_scoped3A_86 : memref<!tpu.dma_semaphore, #tpu.memory_space<semaphore_mem>>)
        %dma_wait3A = arith.constant 0 : i32
        %dma_wait3A_94 = arith.constant 0 : i32
        %dma_wait3A_95 = tpu.memref_slice %arg4[%add3A, %add3A_23, %dma_wait3A, %dma_wait3A_94] : memref<32x9x9x128xi32, #tpu.memory_space<hbm>> -> memref<1x1x9x128xi32, #tpu.memory_space<hbm>>
        %dma_wait3A_96 = tpu.memref_squeeze %dma_wait3A_95 : memref<1x1x9x128xi32, #tpu.memory_space<hbm>> -> memref<9x128xi32, #tpu.memory_space<hbm>>
        %dma_wait3A_97 = arith.constant 0 : i32
        %dma_wait3A_98 = arith.constant 0 : i32
        %dma_wait3A_99 = tpu.memref_slice %arg4[%add3A, %add3A_23, %dma_wait3A_97, %dma_wait3A_98] : memref<32x9x9x128xi32, #tpu.memory_space<hbm>> -> memref<1x1x9x128xi32, #tpu.memory_space<hbm>>
        %dma_wait3A_100 = tpu.memref_squeeze %dma_wait3A_99 : memref<1x1x9x128xi32, #tpu.memory_space<hbm>> -> memref<9x128xi32, #tpu.memory_space<hbm>>
        tpu.wait_dma2 semaphore(%run_scoped3A_86 : memref<!tpu.dma_semaphore, #tpu.memory_space<semaphore_mem>>) src(%dma_wait3A_100 : memref<9x128xi32, #tpu.memory_space<hbm>>) dst(%arg8 : memref<9x128xi32, #tpu.memory_space<vmem>>)
        tpu.yield
      }) : () -> ()
      "tpu.region"() ({
        %run_scoped3A_86 = tpu.sem_alloc : memref<!tpu.dma_semaphore, #tpu.memory_space<semaphore_mem>>
        %dma_start3A = arith.constant 0 : i32
        %dma_start3A_87 = arith.constant 0 : i32
        %dma_start3A_88 = tpu.memref_slice %arg5[%add3A, %add3A_23, %dma_start3A, %dma_start3A_87] : memref<32x9x9x128xf32, #tpu.memory_space<hbm>> -> memref<1x1x9x128xf32, #tpu.memory_space<hbm>>
        %dma_start3A_89 = tpu.memref_squeeze %dma_start3A_88 : memref<1x1x9x128xf32, #tpu.memory_space<hbm>> -> memref<9x128xf32, #tpu.memory_space<hbm>>
        %dma_start3A_90 = arith.constant 0 : i32
        %dma_start3A_91 = arith.constant 0 : i32
        %dma_start3A_92 = tpu.memref_slice %arg5[%add3A, %add3A_23, %dma_start3A_90, %dma_start3A_91] : memref<32x9x9x128xf32, #tpu.memory_space<hbm>> -> memref<1x1x9x128xf32, #tpu.memory_space<hbm>>
        %dma_start3A_93 = tpu.memref_squeeze %dma_start3A_92 : memref<1x1x9x128xf32, #tpu.memory_space<hbm>> -> memref<9x128xf32, #tpu.memory_space<hbm>>
        tpu.enqueue_dma source(%dma_start3A_93 : memref<9x128xf32, #tpu.memory_space<hbm>>) target(%arg9 : memref<9x128xf32, #tpu.memory_space<vmem>>) target_semaphore(%run_scoped3A_86 : memref<!tpu.dma_semaphore, #tpu.memory_space<semaphore_mem>>)
        %dma_wait3A = arith.constant 0 : i32
        %dma_wait3A_94 = arith.constant 0 : i32
        %dma_wait3A_95 = tpu.memref_slice %arg5[%add3A, %add3A_23, %dma_wait3A, %dma_wait3A_94] : memref<32x9x9x128xf32, #tpu.memory_space<hbm>> -> memref<1x1x9x128xf32, #tpu.memory_space<hbm>>
        %dma_wait3A_96 = tpu.memref_squeeze %dma_wait3A_95 : memref<1x1x9x128xf32, #tpu.memory_space<hbm>> -> memref<9x128xf32, #tpu.memory_space<hbm>>
        %dma_wait3A_97 = arith.constant 0 : i32
        %dma_wait3A_98 = arith.constant 0 : i32
        %dma_wait3A_99 = tpu.memref_slice %arg5[%add3A, %add3A_23, %dma_wait3A_97, %dma_wait3A_98] : memref<32x9x9x128xf32, #tpu.memory_space<hbm>> -> memref<1x1x9x128xf32, #tpu.memory_space<hbm>>
        %dma_wait3A_100 = tpu.memref_squeeze %dma_wait3A_99 : memref<1x1x9x128xf32, #tpu.memory_space<hbm>> -> memref<9x128xf32, #tpu.memory_space<hbm>>
        tpu.wait_dma2 semaphore(%run_scoped3A_86 : memref<!tpu.dma_semaphore, #tpu.memory_space<semaphore_mem>>) src(%dma_wait3A_100 : memref<9x128xf32, #tpu.memory_space<hbm>>) dst(%arg9 : memref<9x128xf32, #tpu.memory_space<vmem>>)
        tpu.yield
      }) : () -> ()
      %run_scoped3A = arith.constant 0 : i32
      "tpu.region"() ({
        %run_scoped3A_86 = tpu.sem_alloc : memref<!tpu.dma_semaphore, #tpu.memory_space<semaphore_mem>>
        %dma_start3A = arith.constant 0 : i32
        %dma_start3A_87 = tpu.memref_slice %arg7[%run_scoped3A, %dma_start3A] : memref<9x128xi32, #tpu.memory_space<vmem>> -> memref<1x128xi32, #tpu.memory_space<vmem>>
        %dma_start3A_88 = tpu.memref_squeeze %dma_start3A_87 : memref<1x128xi32, #tpu.memory_space<vmem>> -> memref<128xi32, #tpu.memory_space<vmem>>
        %dma_start3A_89 = arith.constant 0 : i32
        %dma_start3A_90 = arith.constant 0 : i32
        %dma_start3A_91 = tpu.memref_slice %arg2[%dma_start3A_89, %dma_start3A_90] : memref<10240x128xf32, #tpu.memory_space<hbm>> -> memref<10240x128xf32, #tpu.memory_space<hbm>>
        tpu.enqueue_indirect_dma source(%dma_start3A_91 : memref<10240x128xf32, #tpu.memory_space<hbm>>) target(%arg10 : memref<128x128xf32, #tpu.memory_space<vmem>>) offsets(%dma_start3A_88 : memref<128xi32, #tpu.memory_space<vmem>>) semaphore(%run_scoped3A_86 : memref<!tpu.dma_semaphore, #tpu.memory_space<semaphore_mem>>)
        %dma_wait3A = arith.constant 0 : i32
        %dma_wait3A_92 = tpu.memref_slice %arg7[%run_scoped3A, %dma_wait3A] : memref<9x128xi32, #tpu.memory_space<vmem>> -> memref<1x128xi32, #tpu.memory_space<vmem>>
        %dma_wait3A_93 = tpu.memref_squeeze %dma_wait3A_92 : memref<1x128xi32, #tpu.memory_space<vmem>> -> memref<128xi32, #tpu.memory_space<vmem>>
        %dma_wait3A_94 = arith.constant 0 : i32
        %dma_wait3A_95 = arith.constant 0 : i32
        %dma_wait3A_96 = tpu.memref_slice %arg2[%dma_wait3A_94, %dma_wait3A_95] : memref<10240x128xf32, #tpu.memory_space<hbm>> -> memref<10240x128xf32, #tpu.memory_space<hbm>>
        tpu.wait_indirect_dma semaphore(%run_scoped3A_86 : memref<!tpu.dma_semaphore, #tpu.memory_space<semaphore_mem>>) src(%dma_wait3A_96 : memref<10240x128xf32, #tpu.memory_space<hbm>>) dst(%arg10 : memref<128x128xf32, #tpu.memory_space<vmem>>)
        tpu.yield
      }) : () -> ()
      %scan3A_24 = arith.constant 0 : i32
      %scan3A_25 = arith.constant 128 : i32
      %scan3A_26 = arith.addi %scan3A_24, %scan3A_25 : i32
      %scan3A_27 = arith.constant 1 : i32
      scf.for %scan3A_86 = %scan3A_24 to %scan3A_26 step %scan3A_27  : i32 {
        %mul3A_87 = arith.constant 1 : i32
        %mul3A_88 = arith.muli %scan3A_86, %mul3A_87 : i32
        %add3A_89 = arith.constant 0 : i32
        %add3A_90 = arith.addi %add3A_89, %mul3A_88 : i32
        %broadcast_in_dim3A_91 = arith.constant 0 : i32
        %broadcast_in_dim3A_92 = vector.broadcast %broadcast_in_dim3A_91 : i32 to vector<16xi32>
        %broadcast_in_dim3A_93 = vector.broadcast %add3A_90 : i32 to vector<16xi32>
        %gather3A = tpu.vector_load_idx %arg9[%broadcast_in_dim3A_92, %broadcast_in_dim3A_93] : memref<9x128xf32, #tpu.memory_space<vmem>>[vector<16xi32>, vector<16xi32>], vector<16xf32>,
        %get3A = arith.index_cast %add3A_90 : i32 to index
        %get3A_94 = arith.constant 0 : index
        %get3A_95 = tpu.vector_load %arg10[%get3A, %get3A_94] {strides = array<i32>} : memref<128x128xf32, #tpu.memory_space<vmem>>, vector<16xf32>,
        %mul3A_96 = arith.mulf %get3A_95, %gather3A : vector<16xf32>
        %swap3A = arith.index_cast %add3A_90 : i32 to index
        %swap3A_97 = arith.constant 0 : index
        %swap3A_98 = tpu.vector_load %arg10[%swap3A, %swap3A_97] {strides = array<i32>} : memref<128x128xf32, #tpu.memory_space<vmem>>, vector<16xf32>,
        tpu.vector_store %arg10[%swap3A, %swap3A_97], %mul3A_96 {strides = array<i32>} : memref<128x128xf32, #tpu.memory_space<vmem>>, vector<16xf32>,
        %get3A_99 = arith.index_cast %add3A_90 : i32 to index
        %get3A_100 = arith.constant 16 : index
        %get3A_101 = tpu.vector_load %arg10[%get3A_99, %get3A_100] {strides = array<i32>} : memref<128x128xf32, #tpu.memory_space<vmem>>, vector<16xf32>,
        %mul3A_102 = arith.mulf %get3A_101, %gather3A : vector<16xf32>
        %swap3A_103 = arith.index_cast %add3A_90 : i32 to index
        %swap3A_104 = arith.constant 16 : index
        %swap3A_105 = tpu.vector_load %arg10[%swap3A_103, %swap3A_104] {strides = array<i32>} : memref<128x128xf32, #tpu.memory_space<vmem>>, vector<16xf32>,
        tpu.vector_store %arg10[%swap3A_103, %swap3A_104], %mul3A_102 {strides = array<i32>} : memref<128x128xf32, #tpu.memory_space<vmem>>, vector<16xf32>,
        %get3A_106 = arith.index_cast %add3A_90 : i32 to index
        %get3A_107 = arith.constant 32 : index
        %get3A_108 = tpu.vector_load %arg10[%get3A_106, %get3A_107] {strides = array<i32>} : memref<128x128xf32, #tpu.memory_space<vmem>>, vector<16xf32>,
        %mul3A_109 = arith.mulf %get3A_108, %gather3A : vector<16xf32>
        %swap3A_110 = arith.index_cast %add3A_90 : i32 to index
        %swap3A_111 = arith.constant 32 : index
        %swap3A_112 = tpu.vector_load %arg10[%swap3A_110, %swap3A_111] {strides = array<i32>} : memref<128x128xf32, #tpu.memory_space<vmem>>, vector<16xf32>,
        tpu.vector_store %arg10[%swap3A_110, %swap3A_111], %mul3A_109 {strides = array<i32>} : memref<128x128xf32, #tpu.memory_space<vmem>>, vector<16xf32>,
        %get3A_113 = arith.index_cast %add3A_90 : i32 to index
        %get3A_114 = arith.constant 48 : index
        %get3A_115 = tpu.vector_load %arg10[%get3A_113, %get3A_114] {strides = array<i32>} : memref<128x128xf32, #tpu.memory_space<vmem>>, vector<16xf32>,
        %mul3A_116 = arith.mulf %get3A_115, %gather3A : vector<16xf32>
        %swap3A_117 = arith.index_cast %add3A_90 : i32 to index
        %swap3A_118 = arith.constant 48 : index
        %swap3A_119 = tpu.vector_load %arg10[%swap3A_117, %swap3A_118] {strides = array<i32>} : memref<128x128xf32, #tpu.memory_space<vmem>>, vector<16xf32>,
        tpu.vector_store %arg10[%swap3A_117, %swap3A_118], %mul3A_116 {strides = array<i32>} : memref<128x128xf32, #tpu.memory_space<vmem>>, vector<16xf32>,
        %get3A_120 = arith.index_cast %add3A_90 : i32 to index
        %get3A_121 = arith.constant 64 : index
        %get3A_122 = tpu.vector_load %arg10[%get3A_120, %get3A_121] {strides = array<i32>} : memref<128x128xf32, #tpu.memory_space<vmem>>, vector<16xf32>,
        %mul3A_123 = arith.mulf %get3A_122, %gather3A : vector<16xf32>
        %swap3A_124 = arith.index_cast %add3A_90 : i32 to index
        %swap3A_125 = arith.constant 64 : index
        %swap3A_126 = tpu.vector_load %arg10[%swap3A_124, %swap3A_125] {strides = array<i32>} : memref<128x128xf32, #tpu.memory_space<vmem>>, vector<16xf32>,
        tpu.vector_store %arg10[%swap3A_124, %swap3A_125], %mul3A_123 {strides = array<i32>} : memref<128x128xf32, #tpu.memory_space<vmem>>, vector<16xf32>,
        %get3A_127 = arith.index_cast %add3A_90 : i32 to index
        %get3A_128 = arith.constant 80 : index
        %get3A_129 = tpu.vector_load %arg10[%get3A_127, %get3A_128] {strides = array<i32>} : memref<128x128xf32, #tpu.memory_space<vmem>>, vector<16xf32>,
        %mul3A_130 = arith.mulf %get3A_129, %gather3A : vector<16xf32>
        %swap3A_131 = arith.index_cast %add3A_90 : i32 to index
        %swap3A_132 = arith.constant 80 : index
        %swap3A_133 = tpu.vector_load %arg10[%swap3A_131, %swap3A_132] {strides = array<i32>} : memref<128x128xf32, #tpu.memory_space<vmem>>, vector<16xf32>,
        tpu.vector_store %arg10[%swap3A_131, %swap3A_132], %mul3A_130 {strides = array<i32>} : memref<128x128xf32, #tpu.memory_space<vmem>>, vector<16xf32>,
        %get3A_134 = arith.index_cast %add3A_90 : i32 to index
        %get3A_135 = arith.constant 96 : index
        %get3A_136 = tpu.vector_load %arg10[%get3A_134, %get3A_135] {strides = array<i32>} : memref<128x128xf32, #tpu.memory_space<vmem>>, vector<16xf32>,
        %mul3A_137 = arith.mulf %get3A_136, %gather3A : vector<16xf32>
        %swap3A_138 = arith.index_cast %add3A_90 : i32 to index
        %swap3A_139 = arith.constant 96 : index
        %swap3A_140 = tpu.vector_load %arg10[%swap3A_138, %swap3A_139] {strides = array<i32>} : memref<128x128xf32, #tpu.memory_space<vmem>>, vector<16xf32>,
        tpu.vector_store %arg10[%swap3A_138, %swap3A_139], %mul3A_137 {strides = array<i32>} : memref<128x128xf32, #tpu.memory_space<vmem>>, vector<16xf32>,
        %get3A_141 = arith.index_cast %add3A_90 : i32 to index
        %get3A_142 = arith.constant 112 : index
        %get3A_143 = tpu.vector_load %arg10[%get3A_141, %get3A_142] {strides = array<i32>} : memref<128x128xf32, #tpu.memory_space<vmem>>, vector<16xf32>,
        %mul3A_144 = arith.mulf %get3A_143, %gather3A : vector<16xf32>
        %swap3A_145 = arith.index_cast %add3A_90 : i32 to index
        %swap3A_146 = arith.constant 112 : index
        %swap3A_147 = tpu.vector_load %arg10[%swap3A_145, %swap3A_146] {strides = array<i32>} : memref<128x128xf32, #tpu.memory_space<vmem>>, vector<16xf32>,
        tpu.vector_store %arg10[%swap3A_145, %swap3A_146], %mul3A_144 {strides = array<i32>} : memref<128x128xf32, #tpu.memory_space<vmem>>, vector<16xf32>,
      }
      %scan3A_28 = arith.constant 128 : i32
      %run_scoped3A_29 = arith.constant 0 : i32
      "tpu.region"() ({
        %run_scoped3A_86 = tpu.sem_alloc : memref<!tpu.dma_semaphore, #tpu.memory_space<semaphore_mem>>
        %dma_start3A = arith.constant 0 : i32
        %dma_start3A_87 = tpu.memref_slice %arg8[%run_scoped3A_29, %dma_start3A] : memref<9x128xi32, #tpu.memory_space<vmem>> -> memref<1x128xi32, #tpu.memory_space<vmem>>
        %dma_start3A_88 = tpu.memref_squeeze %dma_start3A_87 : memref<1x128xi32, #tpu.memory_space<vmem>> -> memref<128xi32, #tpu.memory_space<vmem>>
        %dma_start3A_89 = arith.constant 0 : i32
        %dma_start3A_90 = arith.constant 0 : i32
        %dma_start3A_91 = tpu.memref_slice %arg11[%dma_start3A_89, %dma_start3A_90] : memref<10240x128xf32, #tpu.memory_space<vmem_shared>> -> memref<10240x128xf32, #tpu.memory_space<vmem_shared>>
        tpu.enqueue_indirect_dma source(%arg10 : memref<128x128xf32, #tpu.memory_space<vmem>>) target(%dma_start3A_91 : memref<10240x128xf32, #tpu.memory_space<vmem_shared>>) offsets(%dma_start3A_88 : memref<128xi32, #tpu.memory_space<vmem>>) semaphore(%run_scoped3A_86 : memref<!tpu.dma_semaphore, #tpu.memory_space<semaphore_mem>>) {add = true}
        %dma_wait3A = arith.constant 0 : i32
        %dma_wait3A_92 = tpu.memref_slice %arg8[%run_scoped3A_29, %dma_wait3A] : memref<9x128xi32, #tpu.memory_space<vmem>> -> memref<1x128xi32, #tpu.memory_space<vmem>>
        %dma_wait3A_93 = tpu.memref_squeeze %dma_wait3A_92 : memref<1x128xi32, #tpu.memory_space<vmem>> -> memref<128xi32, #tpu.memory_space<vmem>>
        %dma_wait3A_94 = arith.constant 0 : i32
        %dma_wait3A_95 = arith.constant 0 : i32
        %dma_wait3A_96 = tpu.memref_slice %arg11[%dma_wait3A_94, %dma_wait3A_95] : memref<10240x128xf32, #tpu.memory_space<vmem_shared>> -> memref<10240x128xf32, #tpu.memory_space<vmem_shared>>
        tpu.wait_indirect_dma semaphore(%run_scoped3A_86 : memref<!tpu.dma_semaphore, #tpu.memory_space<semaphore_mem>>) src(%arg10 : memref<128x128xf32, #tpu.memory_space<vmem>>) dst(%dma_wait3A_96 : memref<10240x128xf32, #tpu.memory_space<vmem_shared>>)
        tpu.yield
      }) : () -> ()
      %run_scoped3A_30 = arith.constant 1 : i32
      "tpu.region"() ({
        %run_scoped3A_86 = tpu.sem_alloc : memref<!tpu.dma_semaphore, #tpu.memory_space<semaphore_mem>>
        %dma_start3A = arith.constant 0 : i32
        %dma_start3A_87 = tpu.memref_slice %arg7[%run_scoped3A_30, %dma_start3A] : memref<9x128xi32, #tpu.memory_space<vmem>> -> memref<1x128xi32, #tpu.memory_space<vmem>>
        %dma_start3A_88 = tpu.memref_squeeze %dma_start3A_87 : memref<1x128xi32, #tpu.memory_space<vmem>> -> memref<128xi32, #tpu.memory_space<vmem>>
        %dma_start3A_89 = arith.constant 0 : i32
        %dma_start3A_90 = arith.constant 0 : i32
        %dma_start3A_91 = tpu.memref_slice %arg2[%dma_start3A_89, %dma_start3A_90] : memref<10240x128xf32, #tpu.memory_space<hbm>> -> memref<10240x128xf32, #tpu.memory_space<hbm>>
        tpu.enqueue_indirect_dma source(%dma_start3A_91 : memref<10240x128xf32, #tpu.memory_space<hbm>>) target(%arg10 : memref<128x128xf32, #tpu.memory_space<vmem>>) offsets(%dma_start3A_88 : memref<128xi32, #tpu.memory_space<vmem>>) semaphore(%run_scoped3A_86 : memref<!tpu.dma_semaphore, #tpu.memory_space<semaphore_mem>>)
        %dma_wait3A = arith.constant 0 : i32
        %dma_wait3A_92 = tpu.memref_slice %arg7[%run_scoped3A_30, %dma_wait3A] : memref<9x128xi32, #tpu.memory_space<vmem>> -> memref<1x128xi32, #tpu.memory_space<vmem>>
        %dma_wait3A_93 = tpu.memref_squeeze %dma_wait3A_92 : memref<1x128xi32, #tpu.memory_space<vmem>> -> memref<128xi32, #tpu.memory_space<vmem>>
        %dma_wait3A_94 = arith.constant 0 : i32
        %dma_wait3A_95 = arith.constant 0 : i32
        %dma_wait3A_96 = tpu.memref_slice %arg2[%dma_wait3A_94, %dma_wait3A_95] : memref<10240x128xf32, #tpu.memory_space<hbm>> -> memref<10240x128xf32, #tpu.memory_space<hbm>>
        tpu.wait_indirect_dma semaphore(%run_scoped3A_86 : memref<!tpu.dma_semaphore, #tpu.memory_space<semaphore_mem>>) src(%dma_wait3A_96 : memref<10240x128xf32, #tpu.memory_space<hbm>>) dst(%arg10 : memref<128x128xf32, #tpu.memory_space<vmem>>)
        tpu.yield
      }) : () -> ()
      %scan3A_31 = arith.constant 0 : i32
      %scan3A_32 = arith.constant 128 : i32
      %scan3A_33 = arith.addi %scan3A_31, %scan3A_32 : i32
      %scan3A_34 = arith.constant 1 : i32
      scf.for %scan3A_86 = %scan3A_31 to %scan3A_33 step %scan3A_34  : i32 {
        %mul3A_87 = arith.constant 1 : i32
        %mul3A_88 = arith.muli %scan3A_86, %mul3A_87 : i32
        %add3A_89 = arith.constant 0 : i32
        %add3A_90 = arith.addi %add3A_89, %mul3A_88 : i32
        %broadcast_in_dim3A_91 = arith.constant 1 : i32
        %broadcast_in_dim3A_92 = vector.broadcast %broadcast_in_dim3A_91 : i32 to vector<16xi32>
        %broadcast_in_dim3A_93 = vector.broadcast %add3A_90 : i32 to vector<16xi32>
        %gather3A = tpu.vector_load_idx %arg9[%broadcast_in_dim3A_92, %broadcast_in_dim3A_93] : memref<9x128xf32, #tpu.memory_space<vmem>>[vector<16xi32>, vector<16xi32>], vector<16xf32>,
        %get3A = arith.index_cast %add3A_90 : i32 to index
        %get3A_94 = arith.constant 0 : index
        %get3A_95 = tpu.vector_load %arg10[%get3A, %get3A_94] {strides = array<i32>} : memref<128x128xf32, #tpu.memory_space<vmem>>, vector<16xf32>,
        %mul3A_96 = arith.mulf %get3A_95, %gather3A : vector<16xf32>
        %swap3A = arith.index_cast %add3A_90 : i32 to index
        %swap3A_97 = arith.constant 0 : index
        %swap3A_98 = tpu.vector_load %arg10[%swap3A, %swap3A_97] {strides = array<i32>} : memref<128x128xf32, #tpu.memory_space<vmem>>, vector<16xf32>,
        tpu.vector_store %arg10[%swap3A, %swap3A_97], %mul3A_96 {strides = array<i32>} : memref<128x128xf32, #tpu.memory_space<vmem>>, vector<16xf32>,
        %get3A_99 = arith.index_cast %add3A_90 : i32 to index
        %get3A_100 = arith.constant 16 : index
        %get3A_101 = tpu.vector_load %arg10[%get3A_99, %get3A_100] {strides = array<i32>} : memref<128x128xf32, #tpu.memory_space<vmem>>, vector<16xf32>,
        %mul3A_102 = arith.mulf %get3A_101, %gather3A : vector<16xf32>
        %swap3A_103 = arith.index_cast %add3A_90 : i32 to index
        %swap3A_104 = arith.constant 16 : index
        %swap3A_105 = tpu.vector_load %arg10[%swap3A_103, %swap3A_104] {strides = array<i32>} : memref<128x128xf32, #tpu.memory_space<vmem>>, vector<16xf32>,
        tpu.vector_store %arg10[%swap3A_103, %swap3A_104], %mul3A_102 {strides = array<i32>} : memref<128x128xf32, #tpu.memory_space<vmem>>, vector<16xf32>,
        %get3A_106 = arith.index_cast %add3A_90 : i32 to index
        %get3A_107 = arith.constant 32 : index
        %get3A_108 = tpu.vector_load %arg10[%get3A_106, %get3A_107] {strides = array<i32>} : memref<128x128xf32, #tpu.memory_space<vmem>>, vector<16xf32>,
        %mul3A_109 = arith.mulf %get3A_108, %gather3A : vector<16xf32>
        %swap3A_110 = arith.index_cast %add3A_90 : i32 to index
        %swap3A_111 = arith.constant 32 : index
        %swap3A_112 = tpu.vector_load %arg10[%swap3A_110, %swap3A_111] {strides = array<i32>} : memref<128x128xf32, #tpu.memory_space<vmem>>, vector<16xf32>,
        tpu.vector_store %arg10[%swap3A_110, %swap3A_111], %mul3A_109 {strides = array<i32>} : memref<128x128xf32, #tpu.memory_space<vmem>>, vector<16xf32>,
        %get3A_113 = arith.index_cast %add3A_90 : i32 to index
        %get3A_114 = arith.constant 48 : index
        %get3A_115 = tpu.vector_load %arg10[%get3A_113, %get3A_114] {strides = array<i32>} : memref<128x128xf32, #tpu.memory_space<vmem>>, vector<16xf32>,
        %mul3A_116 = arith.mulf %get3A_115, %gather3A : vector<16xf32>
        %swap3A_117 = arith.index_cast %add3A_90 : i32 to index
        %swap3A_118 = arith.constant 48 : index
        %swap3A_119 = tpu.vector_load %arg10[%swap3A_117, %swap3A_118] {strides = array<i32>} : memref<128x128xf32, #tpu.memory_space<vmem>>, vector<16xf32>,
        tpu.vector_store %arg10[%swap3A_117, %swap3A_118], %mul3A_116 {strides = array<i32>} : memref<128x128xf32, #tpu.memory_space<vmem>>, vector<16xf32>,
        %get3A_120 = arith.index_cast %add3A_90 : i32 to index
        %get3A_121 = arith.constant 64 : index
        %get3A_122 = tpu.vector_load %arg10[%get3A_120, %get3A_121] {strides = array<i32>} : memref<128x128xf32, #tpu.memory_space<vmem>>, vector<16xf32>,
        %mul3A_123 = arith.mulf %get3A_122, %gather3A : vector<16xf32>
        %swap3A_124 = arith.index_cast %add3A_90 : i32 to index
        %swap3A_125 = arith.constant 64 : index
        %swap3A_126 = tpu.vector_load %arg10[%swap3A_124, %swap3A_125] {strides = array<i32>} : memref<128x128xf32, #tpu.memory_space<vmem>>, vector<16xf32>,
        tpu.vector_store %arg10[%swap3A_124, %swap3A_125], %mul3A_123 {strides = array<i32>} : memref<128x128xf32, #tpu.memory_space<vmem>>, vector<16xf32>,
        %get3A_127 = arith.index_cast %add3A_90 : i32 to index
        %get3A_128 = arith.constant 80 : index
        %get3A_129 = tpu.vector_load %arg10[%get3A_127, %get3A_128] {strides = array<i32>} : memref<128x128xf32, #tpu.memory_space<vmem>>, vector<16xf32>,
        %mul3A_130 = arith.mulf %get3A_129, %gather3A : vector<16xf32>
        %swap3A_131 = arith.index_cast %add3A_90 : i32 to index
        %swap3A_132 = arith.constant 80 : index
        %swap3A_133 = tpu.vector_load %arg10[%swap3A_131, %swap3A_132] {strides = array<i32>} : memref<128x128xf32, #tpu.memory_space<vmem>>, vector<16xf32>,
        tpu.vector_store %arg10[%swap3A_131, %swap3A_132], %mul3A_130 {strides = array<i32>} : memref<128x128xf32, #tpu.memory_space<vmem>>, vector<16xf32>,
        %get3A_134 = arith.index_cast %add3A_90 : i32 to index
        %get3A_135 = arith.constant 96 : index
        %get3A_136 = tpu.vector_load %arg10[%get3A_134, %get3A_135] {strides = array<i32>} : memref<128x128xf32, #tpu.memory_space<vmem>>, vector<16xf32>,
        %mul3A_137 = arith.mulf %get3A_136, %gather3A : vector<16xf32>
        %swap3A_138 = arith.index_cast %add3A_90 : i32 to index
        %swap3A_139 = arith.constant 96 : index
        %swap3A_140 = tpu.vector_load %arg10[%swap3A_138, %swap3A_139] {strides = array<i32>} : memref<128x128xf32, #tpu.memory_space<vmem>>, vector<16xf32>,
        tpu.vector_store %arg10[%swap3A_138, %swap3A_139], %mul3A_137 {strides = array<i32>} : memref<128x128xf32, #tpu.memory_space<vmem>>, vector<16xf32>,
        %get3A_141 = arith.index_cast %add3A_90 : i32 to index
        %get3A_142 = arith.constant 112 : index
        %get3A_143 = tpu.vector_load %arg10[%get3A_141, %get3A_142] {strides = array<i32>} : memref<128x128xf32, #tpu.memory_space<vmem>>, vector<16xf32>,
        %mul3A_144 = arith.mulf %get3A_143, %gather3A : vector<16xf32>
        %swap3A_145 = arith.index_cast %add3A_90 : i32 to index
        %swap3A_146 = arith.constant 112 : index
        %swap3A_147 = tpu.vector_load %arg10[%swap3A_145, %swap3A_146] {strides = array<i32>} : memref<128x128xf32, #tpu.memory_space<vmem>>, vector<16xf32>,
        tpu.vector_store %arg10[%swap3A_145, %swap3A_146], %mul3A_144 {strides = array<i32>} : memref<128x128xf32, #tpu.memory_space<vmem>>, vector<16xf32>,
      }
      %scan3A_35 = arith.constant 128 : i32
      %run_scoped3A_36 = arith.constant 1 : i32
      "tpu.region"() ({
        %run_scoped3A_86 = tpu.sem_alloc : memref<!tpu.dma_semaphore, #tpu.memory_space<semaphore_mem>>
        %dma_start3A = arith.constant 0 : i32
        %dma_start3A_87 = tpu.memref_slice %arg8[%run_scoped3A_36, %dma_start3A] : memref<9x128xi32, #tpu.memory_space<vmem>> -> memref<1x128xi32, #tpu.memory_space<vmem>>
        %dma_start3A_88 = tpu.memref_squeeze %dma_start3A_87 : memref<1x128xi32, #tpu.memory_space<vmem>> -> memref<128xi32, #tpu.memory_space<vmem>>
        %dma_start3A_89 = arith.constant 0 : i32
        %dma_start3A_90 = arith.constant 0 : i32
        %dma_start3A_91 = tpu.memref_slice %arg11[%dma_start3A_89, %dma_start3A_90] : memref<10240x128xf32, #tpu.memory_space<vmem_shared>> -> memref<10240x128xf32, #tpu.memory_space<vmem_shared>>
        tpu.enqueue_indirect_dma source(%arg10 : memref<128x128xf32, #tpu.memory_space<vmem>>) target(%dma_start3A_91 : memref<10240x128xf32, #tpu.memory_space<vmem_shared>>) offsets(%dma_start3A_88 : memref<128xi32, #tpu.memory_space<vmem>>) semaphore(%run_scoped3A_86 : memref<!tpu.dma_semaphore, #tpu.memory_space<semaphore_mem>>) {add = true}
        %dma_wait3A = arith.constant 0 : i32
        %dma_wait3A_92 = tpu.memref_slice %arg8[%run_scoped3A_36, %dma_wait3A] : memref<9x128xi32, #tpu.memory_space<vmem>> -> memref<1x128xi32, #tpu.memory_space<vmem>>
        %dma_wait3A_93 = tpu.memref_squeeze %dma_wait3A_92 : memref<1x128xi32, #tpu.memory_space<vmem>> -> memref<128xi32, #tpu.memory_space<vmem>>
        %dma_wait3A_94 = arith.constant 0 : i32
        %dma_wait3A_95 = arith.constant 0 : i32
        %dma_wait3A_96 = tpu.memref_slice %arg11[%dma_wait3A_94, %dma_wait3A_95] : memref<10240x128xf32, #tpu.memory_space<vmem_shared>> -> memref<10240x128xf32, #tpu.memory_space<vmem_shared>>
        tpu.wait_indirect_dma semaphore(%run_scoped3A_86 : memref<!tpu.dma_semaphore, #tpu.memory_space<semaphore_mem>>) src(%arg10 : memref<128x128xf32, #tpu.memory_space<vmem>>) dst(%dma_wait3A_96 : memref<10240x128xf32, #tpu.memory_space<vmem_shared>>)
        tpu.yield
      }) : () -> ()
      %run_scoped3A_37 = arith.constant 2 : i32
      "tpu.region"() ({
        %run_scoped3A_86 = tpu.sem_alloc : memref<!tpu.dma_semaphore, #tpu.memory_space<semaphore_mem>>
        %dma_start3A = arith.constant 0 : i32
        %dma_start3A_87 = tpu.memref_slice %arg7[%run_scoped3A_37, %dma_start3A] : memref<9x128xi32, #tpu.memory_space<vmem>> -> memref<1x128xi32, #tpu.memory_space<vmem>>
        %dma_start3A_88 = tpu.memref_squeeze %dma_start3A_87 : memref<1x128xi32, #tpu.memory_space<vmem>> -> memref<128xi32, #tpu.memory_space<vmem>>
        %dma_start3A_89 = arith.constant 0 : i32
        %dma_start3A_90 = arith.constant 0 : i32
        %dma_start3A_91 = tpu.memref_slice %arg2[%dma_start3A_89, %dma_start3A_90] : memref<10240x128xf32, #tpu.memory_space<hbm>> -> memref<10240x128xf32, #tpu.memory_space<hbm>>
        tpu.enqueue_indirect_dma source(%dma_start3A_91 : memref<10240x128xf32, #tpu.memory_space<hbm>>) target(%arg10 : memref<128x128xf32, #tpu.memory_space<vmem>>) offsets(%dma_start3A_88 : memref<128xi32, #tpu.memory_space<vmem>>) semaphore(%run_scoped3A_86 : memref<!tpu.dma_semaphore, #tpu.memory_space<semaphore_mem>>)
        %dma_wait3A = arith.constant 0 : i32
        %dma_wait3A_92 = tpu.memref_slice %arg7[%run_scoped3A_37, %dma_wait3A] : memref<9x128xi32, #tpu.memory_space<vmem>> -> memref<1x128xi32, #tpu.memory_space<vmem>>
        %dma_wait3A_93 = tpu.memref_squeeze %dma_wait3A_92 : memref<1x128xi32, #tpu.memory_space<vmem>> -> memref<128xi32, #tpu.memory_space<vmem>>
        %dma_wait3A_94 = arith.constant 0 : i32
        %dma_wait3A_95 = arith.constant 0 : i32
        %dma_wait3A_96 = tpu.memref_slice %arg2[%dma_wait3A_94, %dma_wait3A_95] : memref<10240x128xf32, #tpu.memory_space<hbm>> -> memref<10240x128xf32, #tpu.memory_space<hbm>>
        tpu.wait_indirect_dma semaphore(%run_scoped3A_86 : memref<!tpu.dma_semaphore, #tpu.memory_space<semaphore_mem>>) src(%dma_wait3A_96 : memref<10240x128xf32, #tpu.memory_space<hbm>>) dst(%arg10 : memref<128x128xf32, #tpu.memory_space<vmem>>)
        tpu.yield
      }) : () -> ()
      %scan3A_38 = arith.constant 0 : i32
      %scan3A_39 = arith.constant 128 : i32
      %scan3A_40 = arith.addi %scan3A_38, %scan3A_39 : i32
      %scan3A_41 = arith.constant 1 : i32
      scf.for %scan3A_86 = %scan3A_38 to %scan3A_40 step %scan3A_41  : i32 {
        %mul3A_87 = arith.constant 1 : i32
        %mul3A_88 = arith.muli %scan3A_86, %mul3A_87 : i32
        %add3A_89 = arith.constant 0 : i32
        %add3A_90 = arith.addi %add3A_89, %mul3A_88 : i32
        %broadcast_in_dim3A_91 = arith.constant 2 : i32
        %broadcast_in_dim3A_92 = vector.broadcast %broadcast_in_dim3A_91 : i32 to vector<16xi32>
        %broadcast_in_dim3A_93 = vector.broadcast %add3A_90 : i32 to vector<16xi32>
        %gather3A = tpu.vector_load_idx %arg9[%broadcast_in_dim3A_92, %broadcast_in_dim3A_93] : memref<9x128xf32, #tpu.memory_space<vmem>>[vector<16xi32>, vector<16xi32>], vector<16xf32>,
        %get3A = arith.index_cast %add3A_90 : i32 to index
        %get3A_94 = arith.constant 0 : index
        %get3A_95 = tpu.vector_load %arg10[%get3A, %get3A_94] {strides = array<i32>} : memref<128x128xf32, #tpu.memory_space<vmem>>, vector<16xf32>,
        %mul3A_96 = arith.mulf %get3A_95, %gather3A : vector<16xf32>
        %swap3A = arith.index_cast %add3A_90 : i32 to index
        %swap3A_97 = arith.constant 0 : index
        %swap3A_98 = tpu.vector_load %arg10[%swap3A, %swap3A_97] {strides = array<i32>} : memref<128x128xf32, #tpu.memory_space<vmem>>, vector<16xf32>,
        tpu.vector_store %arg10[%swap3A, %swap3A_97], %mul3A_96 {strides = array<i32>} : memref<128x128xf32, #tpu.memory_space<vmem>>, vector<16xf32>,
        %get3A_99 = arith.index_cast %add3A_90 : i32 to index
        %get3A_100 = arith.constant 16 : index
        %get3A_101 = tpu.vector_load %arg10[%get3A_99, %get3A_100] {strides = array<i32>} : memref<128x128xf32, #tpu.memory_space<vmem>>, vector<16xf32>,
        %mul3A_102 = arith.mulf %get3A_101, %gather3A : vector<16xf32>
        %swap3A_103 = arith.index_cast %add3A_90 : i32 to index
        %swap3A_104 = arith.constant 16 : index
        %swap3A_105 = tpu.vector_load %arg10[%swap3A_103, %swap3A_104] {strides = array<i32>} : memref<128x128xf32, #tpu.memory_space<vmem>>, vector<16xf32>,
        tpu.vector_store %arg10[%swap3A_103, %swap3A_104], %mul3A_102 {strides = array<i32>} : memref<128x128xf32, #tpu.memory_space<vmem>>, vector<16xf32>,
        %get3A_106 = arith.index_cast %add3A_90 : i32 to index
        %get3A_107 = arith.constant 32 : index
        %get3A_108 = tpu.vector_load %arg10[%get3A_106, %get3A_107] {strides = array<i32>} : memref<128x128xf32, #tpu.memory_space<vmem>>, vector<16xf32>,
        %mul3A_109 = arith.mulf %get3A_108, %gather3A : vector<16xf32>
        %swap3A_110 = arith.index_cast %add3A_90 : i32 to index
        %swap3A_111 = arith.constant 32 : index
        %swap3A_112 = tpu.vector_load %arg10[%swap3A_110, %swap3A_111] {strides = array<i32>} : memref<128x128xf32, #tpu.memory_space<vmem>>, vector<16xf32>,
        tpu.vector_store %arg10[%swap3A_110, %swap3A_111], %mul3A_109 {strides = array<i32>} : memref<128x128xf32, #tpu.memory_space<vmem>>, vector<16xf32>,
        %get3A_113 = arith.index_cast %add3A_90 : i32 to index
        %get3A_114 = arith.constant 48 : index
        %get3A_115 = tpu.vector_load %arg10[%get3A_113, %get3A_114] {strides = array<i32>} : memref<128x128xf32, #tpu.memory_space<vmem>>, vector<16xf32>,
        %mul3A_116 = arith.mulf %get3A_115, %gather3A : vector<16xf32>
        %swap3A_117 = arith.index_cast %add3A_90 : i32 to index
        %swap3A_118 = arith.constant 48 : index
        %swap3A_119 = tpu.vector_load %arg10[%swap3A_117, %swap3A_118] {strides = array<i32>} : memref<128x128xf32, #tpu.memory_space<vmem>>, vector<16xf32>,
        tpu.vector_store %arg10[%swap3A_117, %swap3A_118], %mul3A_116 {strides = array<i32>} : memref<128x128xf32, #tpu.memory_space<vmem>>, vector<16xf32>,
        %get3A_120 = arith.index_cast %add3A_90 : i32 to index
        %get3A_121 = arith.constant 64 : index
        %get3A_122 = tpu.vector_load %arg10[%get3A_120, %get3A_121] {strides = array<i32>} : memref<128x128xf32, #tpu.memory_space<vmem>>, vector<16xf32>,
        %mul3A_123 = arith.mulf %get3A_122, %gather3A : vector<16xf32>
        %swap3A_124 = arith.index_cast %add3A_90 : i32 to index
        %swap3A_125 = arith.constant 64 : index
        %swap3A_126 = tpu.vector_load %arg10[%swap3A_124, %swap3A_125] {strides = array<i32>} : memref<128x128xf32, #tpu.memory_space<vmem>>, vector<16xf32>,
        tpu.vector_store %arg10[%swap3A_124, %swap3A_125], %mul3A_123 {strides = array<i32>} : memref<128x128xf32, #tpu.memory_space<vmem>>, vector<16xf32>,
        %get3A_127 = arith.index_cast %add3A_90 : i32 to index
        %get3A_128 = arith.constant 80 : index
        %get3A_129 = tpu.vector_load %arg10[%get3A_127, %get3A_128] {strides = array<i32>} : memref<128x128xf32, #tpu.memory_space<vmem>>, vector<16xf32>,
        %mul3A_130 = arith.mulf %get3A_129, %gather3A : vector<16xf32>
        %swap3A_131 = arith.index_cast %add3A_90 : i32 to index
        %swap3A_132 = arith.constant 80 : index
        %swap3A_133 = tpu.vector_load %arg10[%swap3A_131, %swap3A_132] {strides = array<i32>} : memref<128x128xf32, #tpu.memory_space<vmem>>, vector<16xf32>,
        tpu.vector_store %arg10[%swap3A_131, %swap3A_132], %mul3A_130 {strides = array<i32>} : memref<128x128xf32, #tpu.memory_space<vmem>>, vector<16xf32>,
        %get3A_134 = arith.index_cast %add3A_90 : i32 to index
        %get3A_135 = arith.constant 96 : index
        %get3A_136 = tpu.vector_load %arg10[%get3A_134, %get3A_135] {strides = array<i32>} : memref<128x128xf32, #tpu.memory_space<vmem>>, vector<16xf32>,
        %mul3A_137 = arith.mulf %get3A_136, %gather3A : vector<16xf32>
        %swap3A_138 = arith.index_cast %add3A_90 : i32 to index
        %swap3A_139 = arith.constant 96 : index
        %swap3A_140 = tpu.vector_load %arg10[%swap3A_138, %swap3A_139] {strides = array<i32>} : memref<128x128xf32, #tpu.memory_space<vmem>>, vector<16xf32>,
        tpu.vector_store %arg10[%swap3A_138, %swap3A_139], %mul3A_137 {strides = array<i32>} : memref<128x128xf32, #tpu.memory_space<vmem>>, vector<16xf32>,
        %get3A_141 = arith.index_cast %add3A_90 : i32 to index
        %get3A_142 = arith.constant 112 : index
        %get3A_143 = tpu.vector_load %arg10[%get3A_141, %get3A_142] {strides = array<i32>} : memref<128x128xf32, #tpu.memory_space<vmem>>, vector<16xf32>,
        %mul3A_144 = arith.mulf %get3A_143, %gather3A : vector<16xf32>
        %swap3A_145 = arith.index_cast %add3A_90 : i32 to index
        %swap3A_146 = arith.constant 112 : index
        %swap3A_147 = tpu.vector_load %arg10[%swap3A_145, %swap3A_146] {strides = array<i32>} : memref<128x128xf32, #tpu.memory_space<vmem>>, vector<16xf32>,
        tpu.vector_store %arg10[%swap3A_145, %swap3A_146], %mul3A_144 {strides = array<i32>} : memref<128x128xf32, #tpu.memory_space<vmem>>, vector<16xf32>,
      }
      %scan3A_42 = arith.constant 128 : i32
      %run_scoped3A_43 = arith.constant 2 : i32
      "tpu.region"() ({
        %run_scoped3A_86 = tpu.sem_alloc : memref<!tpu.dma_semaphore, #tpu.memory_space<semaphore_mem>>
        %dma_start3A = arith.constant 0 : i32
        %dma_start3A_87 = tpu.memref_slice %arg8[%run_scoped3A_43, %dma_start3A] : memref<9x128xi32, #tpu.memory_space<vmem>> -> memref<1x128xi32, #tpu.memory_space<vmem>>
        %dma_start3A_88 = tpu.memref_squeeze %dma_start3A_87 : memref<1x128xi32, #tpu.memory_space<vmem>> -> memref<128xi32, #tpu.memory_space<vmem>>
        %dma_start3A_89 = arith.constant 0 : i32
        %dma_start3A_90 = arith.constant 0 : i32
        %dma_start3A_91 = tpu.memref_slice %arg11[%dma_start3A_89, %dma_start3A_90] : memref<10240x128xf32, #tpu.memory_space<vmem_shared>> -> memref<10240x128xf32, #tpu.memory_space<vmem_shared>>
        tpu.enqueue_indirect_dma source(%arg10 : memref<128x128xf32, #tpu.memory_space<vmem>>) target(%dma_start3A_91 : memref<10240x128xf32, #tpu.memory_space<vmem_shared>>) offsets(%dma_start3A_88 : memref<128xi32, #tpu.memory_space<vmem>>) semaphore(%run_scoped3A_86 : memref<!tpu.dma_semaphore, #tpu.memory_space<semaphore_mem>>) {add = true}
        %dma_wait3A = arith.constant 0 : i32
        %dma_wait3A_92 = tpu.memref_slice %arg8[%run_scoped3A_43, %dma_wait3A] : memref<9x128xi32, #tpu.memory_space<vmem>> -> memref<1x128xi32, #tpu.memory_space<vmem>>
        %dma_wait3A_93 = tpu.memref_squeeze %dma_wait3A_92 : memref<1x128xi32, #tpu.memory_space<vmem>> -> memref<128xi32, #tpu.memory_space<vmem>>
        %dma_wait3A_94 = arith.constant 0 : i32
        %dma_wait3A_95 = arith.constant 0 : i32
        %dma_wait3A_96 = tpu.memref_slice %arg11[%dma_wait3A_94, %dma_wait3A_95] : memref<10240x128xf32, #tpu.memory_space<vmem_shared>> -> memref<10240x128xf32, #tpu.memory_space<vmem_shared>>
        tpu.wait_indirect_dma semaphore(%run_scoped3A_86 : memref<!tpu.dma_semaphore, #tpu.memory_space<semaphore_mem>>) src(%arg10 : memref<128x128xf32, #tpu.memory_space<vmem>>) dst(%dma_wait3A_96 : memref<10240x128xf32, #tpu.memory_space<vmem_shared>>)
        tpu.yield
      }) : () -> ()
      %run_scoped3A_44 = arith.constant 3 : i32
      "tpu.region"() ({
        %run_scoped3A_86 = tpu.sem_alloc : memref<!tpu.dma_semaphore, #tpu.memory_space<semaphore_mem>>
        %dma_start3A = arith.constant 0 : i32
        %dma_start3A_87 = tpu.memref_slice %arg7[%run_scoped3A_44, %dma_start3A] : memref<9x128xi32, #tpu.memory_space<vmem>> -> memref<1x128xi32, #tpu.memory_space<vmem>>
        %dma_start3A_88 = tpu.memref_squeeze %dma_start3A_87 : memref<1x128xi32, #tpu.memory_space<vmem>> -> memref<128xi32, #tpu.memory_space<vmem>>
        %dma_start3A_89 = arith.constant 0 : i32
        %dma_start3A_90 = arith.constant 0 : i32
        %dma_start3A_91 = tpu.memref_slice %arg2[%dma_start3A_89, %dma_start3A_90] : memref<10240x128xf32, #tpu.memory_space<hbm>> -> memref<10240x128xf32, #tpu.memory_space<hbm>>
        tpu.enqueue_indirect_dma source(%dma_start3A_91 : memref<10240x128xf32, #tpu.memory_space<hbm>>) target(%arg10 : memref<128x128xf32, #tpu.memory_space<vmem>>) offsets(%dma_start3A_88 : memref<128xi32, #tpu.memory_space<vmem>>) semaphore(%run_scoped3A_86 : memref<!tpu.dma_semaphore, #tpu.memory_space<semaphore_mem>>)
        %dma_wait3A = arith.constant 0 : i32
        %dma_wait3A_92 = tpu.memref_slice %arg7[%run_scoped3A_44, %dma_wait3A] : memref<9x128xi32, #tpu.memory_space<vmem>> -> memref<1x128xi32, #tpu.memory_space<vmem>>
        %dma_wait3A_93 = tpu.memref_squeeze %dma_wait3A_92 : memref<1x128xi32, #tpu.memory_space<vmem>> -> memref<128xi32, #tpu.memory_space<vmem>>
        %dma_wait3A_94 = arith.constant 0 : i32
        %dma_wait3A_95 = arith.constant 0 : i32
        %dma_wait3A_96 = tpu.memref_slice %arg2[%dma_wait3A_94, %dma_wait3A_95] : memref<10240x128xf32, #tpu.memory_space<hbm>> -> memref<10240x128xf32, #tpu.memory_space<hbm>>
        tpu.wait_indirect_dma semaphore(%run_scoped3A_86 : memref<!tpu.dma_semaphore, #tpu.memory_space<semaphore_mem>>) src(%dma_wait3A_96 : memref<10240x128xf32, #tpu.memory_space<hbm>>) dst(%arg10 : memref<128x128xf32, #tpu.memory_space<vmem>>)
        tpu.yield
      }) : () -> ()
      %scan3A_45 = arith.constant 0 : i32
      %scan3A_46 = arith.constant 128 : i32
      %scan3A_47 = arith.addi %scan3A_45, %scan3A_46 : i32
      %scan3A_48 = arith.constant 1 : i32
      scf.for %scan3A_86 = %scan3A_45 to %scan3A_47 step %scan3A_48  : i32 {
        %mul3A_87 = arith.constant 1 : i32
        %mul3A_88 = arith.muli %scan3A_86, %mul3A_87 : i32
        %add3A_89 = arith.constant 0 : i32
        %add3A_90 = arith.addi %add3A_89, %mul3A_88 : i32
        %broadcast_in_dim3A_91 = arith.constant 3 : i32
        %broadcast_in_dim3A_92 = vector.broadcast %broadcast_in_dim3A_91 : i32 to vector<16xi32>
        %broadcast_in_dim3A_93 = vector.broadcast %add3A_90 : i32 to vector<16xi32>
        %gather3A = tpu.vector_load_idx %arg9[%broadcast_in_dim3A_92, %broadcast_in_dim3A_93] : memref<9x128xf32, #tpu.memory_space<vmem>>[vector<16xi32>, vector<16xi32>], vector<16xf32>,
        %get3A = arith.index_cast %add3A_90 : i32 to index
        %get3A_94 = arith.constant 0 : index
        %get3A_95 = tpu.vector_load %arg10[%get3A, %get3A_94] {strides = array<i32>} : memref<128x128xf32, #tpu.memory_space<vmem>>, vector<16xf32>,
        %mul3A_96 = arith.mulf %get3A_95, %gather3A : vector<16xf32>
        %swap3A = arith.index_cast %add3A_90 : i32 to index
        %swap3A_97 = arith.constant 0 : index
        %swap3A_98 = tpu.vector_load %arg10[%swap3A, %swap3A_97] {strides = array<i32>} : memref<128x128xf32, #tpu.memory_space<vmem>>, vector<16xf32>,
        tpu.vector_store %arg10[%swap3A, %swap3A_97], %mul3A_96 {strides = array<i32>} : memref<128x128xf32, #tpu.memory_space<vmem>>, vector<16xf32>,
        %get3A_99 = arith.index_cast %add3A_90 : i32 to index
        %get3A_100 = arith.constant 16 : index
        %get3A_101 = tpu.vector_load %arg10[%get3A_99, %get3A_100] {strides = array<i32>} : memref<128x128xf32, #tpu.memory_space<vmem>>, vector<16xf32>,
        %mul3A_102 = arith.mulf %get3A_101, %gather3A : vector<16xf32>
        %swap3A_103 = arith.index_cast %add3A_90 : i32 to index
        %swap3A_104 = arith.constant 16 : index
        %swap3A_105 = tpu.vector_load %arg10[%swap3A_103, %swap3A_104] {strides = array<i32>} : memref<128x128xf32, #tpu.memory_space<vmem>>, vector<16xf32>,
        tpu.vector_store %arg10[%swap3A_103, %swap3A_104], %mul3A_102 {strides = array<i32>} : memref<128x128xf32, #tpu.memory_space<vmem>>, vector<16xf32>,
        %get3A_106 = arith.index_cast %add3A_90 : i32 to index
        %get3A_107 = arith.constant 32 : index
        %get3A_108 = tpu.vector_load %arg10[%get3A_106, %get3A_107] {strides = array<i32>} : memref<128x128xf32, #tpu.memory_space<vmem>>, vector<16xf32>,
        %mul3A_109 = arith.mulf %get3A_108, %gather3A : vector<16xf32>
        %swap3A_110 = arith.index_cast %add3A_90 : i32 to index
        %swap3A_111 = arith.constant 32 : index
        %swap3A_112 = tpu.vector_load %arg10[%swap3A_110, %swap3A_111] {strides = array<i32>} : memref<128x128xf32, #tpu.memory_space<vmem>>, vector<16xf32>,
        tpu.vector_store %arg10[%swap3A_110, %swap3A_111], %mul3A_109 {strides = array<i32>} : memref<128x128xf32, #tpu.memory_space<vmem>>, vector<16xf32>,
        %get3A_113 = arith.index_cast %add3A_90 : i32 to index
        %get3A_114 = arith.constant 48 : index
        %get3A_115 = tpu.vector_load %arg10[%get3A_113, %get3A_114] {strides = array<i32>} : memref<128x128xf32, #tpu.memory_space<vmem>>, vector<16xf32>,
        %mul3A_116 = arith.mulf %get3A_115, %gather3A : vector<16xf32>
        %swap3A_117 = arith.index_cast %add3A_90 : i32 to index
        %swap3A_118 = arith.constant 48 : index
        %swap3A_119 = tpu.vector_load %arg10[%swap3A_117, %swap3A_118] {strides = array<i32>} : memref<128x128xf32, #tpu.memory_space<vmem>>, vector<16xf32>,
        tpu.vector_store %arg10[%swap3A_117, %swap3A_118], %mul3A_116 {strides = array<i32>} : memref<128x128xf32, #tpu.memory_space<vmem>>, vector<16xf32>,
        %get3A_120 = arith.index_cast %add3A_90 : i32 to index
        %get3A_121 = arith.constant 64 : index
        %get3A_122 = tpu.vector_load %arg10[%get3A_120, %get3A_121] {strides = array<i32>} : memref<128x128xf32, #tpu.memory_space<vmem>>, vector<16xf32>,
        %mul3A_123 = arith.mulf %get3A_122, %gather3A : vector<16xf32>
        %swap3A_124 = arith.index_cast %add3A_90 : i32 to index
        %swap3A_125 = arith.constant 64 : index
        %swap3A_126 = tpu.vector_load %arg10[%swap3A_124, %swap3A_125] {strides = array<i32>} : memref<128x128xf32, #tpu.memory_space<vmem>>, vector<16xf32>,
        tpu.vector_store %arg10[%swap3A_124, %swap3A_125], %mul3A_123 {strides = array<i32>} : memref<128x128xf32, #tpu.memory_space<vmem>>, vector<16xf32>,
        %get3A_127 = arith.index_cast %add3A_90 : i32 to index
        %get3A_128 = arith.constant 80 : index
        %get3A_129 = tpu.vector_load %arg10[%get3A_127, %get3A_128] {strides = array<i32>} : memref<128x128xf32, #tpu.memory_space<vmem>>, vector<16xf32>,
        %mul3A_130 = arith.mulf %get3A_129, %gather3A : vector<16xf32>
        %swap3A_131 = arith.index_cast %add3A_90 : i32 to index
        %swap3A_132 = arith.constant 80 : index
        %swap3A_133 = tpu.vector_load %arg10[%swap3A_131, %swap3A_132] {strides = array<i32>} : memref<128x128xf32, #tpu.memory_space<vmem>>, vector<16xf32>,
        tpu.vector_store %arg10[%swap3A_131, %swap3A_132], %mul3A_130 {strides = array<i32>} : memref<128x128xf32, #tpu.memory_space<vmem>>, vector<16xf32>,
        %get3A_134 = arith.index_cast %add3A_90 : i32 to index
        %get3A_135 = arith.constant 96 : index
        %get3A_136 = tpu.vector_load %arg10[%get3A_134, %get3A_135] {strides = array<i32>} : memref<128x128xf32, #tpu.memory_space<vmem>>, vector<16xf32>,
        %mul3A_137 = arith.mulf %get3A_136, %gather3A : vector<16xf32>
        %swap3A_138 = arith.index_cast %add3A_90 : i32 to index
        %swap3A_139 = arith.constant 96 : index
        %swap3A_140 = tpu.vector_load %arg10[%swap3A_138, %swap3A_139] {strides = array<i32>} : memref<128x128xf32, #tpu.memory_space<vmem>>, vector<16xf32>,
        tpu.vector_store %arg10[%swap3A_138, %swap3A_139], %mul3A_137 {strides = array<i32>} : memref<128x128xf32, #tpu.memory_space<vmem>>, vector<16xf32>,
        %get3A_141 = arith.index_cast %add3A_90 : i32 to index
        %get3A_142 = arith.constant 112 : index
        %get3A_143 = tpu.vector_load %arg10[%get3A_141, %get3A_142] {strides = array<i32>} : memref<128x128xf32, #tpu.memory_space<vmem>>, vector<16xf32>,
        %mul3A_144 = arith.mulf %get3A_143, %gather3A : vector<16xf32>
        %swap3A_145 = arith.index_cast %add3A_90 : i32 to index
        %swap3A_146 = arith.constant 112 : index
        %swap3A_147 = tpu.vector_load %arg10[%swap3A_145, %swap3A_146] {strides = array<i32>} : memref<128x128xf32, #tpu.memory_space<vmem>>, vector<16xf32>,
        tpu.vector_store %arg10[%swap3A_145, %swap3A_146], %mul3A_144 {strides = array<i32>} : memref<128x128xf32, #tpu.memory_space<vmem>>, vector<16xf32>,
      }
      %scan3A_49 = arith.constant 128 : i32
      %run_scoped3A_50 = arith.constant 3 : i32
      "tpu.region"() ({
        %run_scoped3A_86 = tpu.sem_alloc : memref<!tpu.dma_semaphore, #tpu.memory_space<semaphore_mem>>
        %dma_start3A = arith.constant 0 : i32
        %dma_start3A_87 = tpu.memref_slice %arg8[%run_scoped3A_50, %dma_start3A] : memref<9x128xi32, #tpu.memory_space<vmem>> -> memref<1x128xi32, #tpu.memory_space<vmem>>
        %dma_start3A_88 = tpu.memref_squeeze %dma_start3A_87 : memref<1x128xi32, #tpu.memory_space<vmem>> -> memref<128xi32, #tpu.memory_space<vmem>>
        %dma_start3A_89 = arith.constant 0 : i32
        %dma_start3A_90 = arith.constant 0 : i32
        %dma_start3A_91 = tpu.memref_slice %arg11[%dma_start3A_89, %dma_start3A_90] : memref<10240x128xf32, #tpu.memory_space<vmem_shared>> -> memref<10240x128xf32, #tpu.memory_space<vmem_shared>>
        tpu.enqueue_indirect_dma source(%arg10 : memref<128x128xf32, #tpu.memory_space<vmem>>) target(%dma_start3A_91 : memref<10240x128xf32, #tpu.memory_space<vmem_shared>>) offsets(%dma_start3A_88 : memref<128xi32, #tpu.memory_space<vmem>>) semaphore(%run_scoped3A_86 : memref<!tpu.dma_semaphore, #tpu.memory_space<semaphore_mem>>) {add = true}
        %dma_wait3A = arith.constant 0 : i32
        %dma_wait3A_92 = tpu.memref_slice %arg8[%run_scoped3A_50, %dma_wait3A] : memref<9x128xi32, #tpu.memory_space<vmem>> -> memref<1x128xi32, #tpu.memory_space<vmem>>
        %dma_wait3A_93 = tpu.memref_squeeze %dma_wait3A_92 : memref<1x128xi32, #tpu.memory_space<vmem>> -> memref<128xi32, #tpu.memory_space<vmem>>
        %dma_wait3A_94 = arith.constant 0 : i32
        %dma_wait3A_95 = arith.constant 0 : i32
        %dma_wait3A_96 = tpu.memref_slice %arg11[%dma_wait3A_94, %dma_wait3A_95] : memref<10240x128xf32, #tpu.memory_space<vmem_shared>> -> memref<10240x128xf32, #tpu.memory_space<vmem_shared>>
        tpu.wait_indirect_dma semaphore(%run_scoped3A_86 : memref<!tpu.dma_semaphore, #tpu.memory_space<semaphore_mem>>) src(%arg10 : memref<128x128xf32, #tpu.memory_space<vmem>>) dst(%dma_wait3A_96 : memref<10240x128xf32, #tpu.memory_space<vmem_shared>>)
        tpu.yield
      }) : () -> ()
      %run_scoped3A_51 = arith.constant 4 : i32
      "tpu.region"() ({
        %run_scoped3A_86 = tpu.sem_alloc : memref<!tpu.dma_semaphore, #tpu.memory_space<semaphore_mem>>
        %dma_start3A = arith.constant 0 : i32
        %dma_start3A_87 = tpu.memref_slice %arg7[%run_scoped3A_51, %dma_start3A] : memref<9x128xi32, #tpu.memory_space<vmem>> -> memref<1x128xi32, #tpu.memory_space<vmem>>
        %dma_start3A_88 = tpu.memref_squeeze %dma_start3A_87 : memref<1x128xi32, #tpu.memory_space<vmem>> -> memref<128xi32, #tpu.memory_space<vmem>>
        %dma_start3A_89 = arith.constant 0 : i32
        %dma_start3A_90 = arith.constant 0 : i32
        %dma_start3A_91 = tpu.memref_slice %arg2[%dma_start3A_89, %dma_start3A_90] : memref<10240x128xf32, #tpu.memory_space<hbm>> -> memref<10240x128xf32, #tpu.memory_space<hbm>>
        tpu.enqueue_indirect_dma source(%dma_start3A_91 : memref<10240x128xf32, #tpu.memory_space<hbm>>) target(%arg10 : memref<128x128xf32, #tpu.memory_space<vmem>>) offsets(%dma_start3A_88 : memref<128xi32, #tpu.memory_space<vmem>>) semaphore(%run_scoped3A_86 : memref<!tpu.dma_semaphore, #tpu.memory_space<semaphore_mem>>)
        %dma_wait3A = arith.constant 0 : i32
        %dma_wait3A_92 = tpu.memref_slice %arg7[%run_scoped3A_51, %dma_wait3A] : memref<9x128xi32, #tpu.memory_space<vmem>> -> memref<1x128xi32, #tpu.memory_space<vmem>>
        %dma_wait3A_93 = tpu.memref_squeeze %dma_wait3A_92 : memref<1x128xi32, #tpu.memory_space<vmem>> -> memref<128xi32, #tpu.memory_space<vmem>>
        %dma_wait3A_94 = arith.constant 0 : i32
        %dma_wait3A_95 = arith.constant 0 : i32
        %dma_wait3A_96 = tpu.memref_slice %arg2[%dma_wait3A_94, %dma_wait3A_95] : memref<10240x128xf32, #tpu.memory_space<hbm>> -> memref<10240x128xf32, #tpu.memory_space<hbm>>
        tpu.wait_indirect_dma semaphore(%run_scoped3A_86 : memref<!tpu.dma_semaphore, #tpu.memory_space<semaphore_mem>>) src(%dma_wait3A_96 : memref<10240x128xf32, #tpu.memory_space<hbm>>) dst(%arg10 : memref<128x128xf32, #tpu.memory_space<vmem>>)
        tpu.yield
      }) : () -> ()
      %scan3A_52 = arith.constant 0 : i32
      %scan3A_53 = arith.constant 128 : i32
      %scan3A_54 = arith.addi %scan3A_52, %scan3A_53 : i32
      %scan3A_55 = arith.constant 1 : i32
      scf.for %scan3A_86 = %scan3A_52 to %scan3A_54 step %scan3A_55  : i32 {
        %mul3A_87 = arith.constant 1 : i32
        %mul3A_88 = arith.muli %scan3A_86, %mul3A_87 : i32
        %add3A_89 = arith.constant 0 : i32
        %add3A_90 = arith.addi %add3A_89, %mul3A_88 : i32
        %broadcast_in_dim3A_91 = arith.constant 4 : i32
        %broadcast_in_dim3A_92 = vector.broadcast %broadcast_in_dim3A_91 : i32 to vector<16xi32>
        %broadcast_in_dim3A_93 = vector.broadcast %add3A_90 : i32 to vector<16xi32>
        %gather3A = tpu.vector_load_idx %arg9[%broadcast_in_dim3A_92, %broadcast_in_dim3A_93] : memref<9x128xf32, #tpu.memory_space<vmem>>[vector<16xi32>, vector<16xi32>], vector<16xf32>,
        %get3A = arith.index_cast %add3A_90 : i32 to index
        %get3A_94 = arith.constant 0 : index
        %get3A_95 = tpu.vector_load %arg10[%get3A, %get3A_94] {strides = array<i32>} : memref<128x128xf32, #tpu.memory_space<vmem>>, vector<16xf32>,
        %mul3A_96 = arith.mulf %get3A_95, %gather3A : vector<16xf32>
        %swap3A = arith.index_cast %add3A_90 : i32 to index
        %swap3A_97 = arith.constant 0 : index
        %swap3A_98 = tpu.vector_load %arg10[%swap3A, %swap3A_97] {strides = array<i32>} : memref<128x128xf32, #tpu.memory_space<vmem>>, vector<16xf32>,
        tpu.vector_store %arg10[%swap3A, %swap3A_97], %mul3A_96 {strides = array<i32>} : memref<128x128xf32, #tpu.memory_space<vmem>>, vector<16xf32>,
        %get3A_99 = arith.index_cast %add3A_90 : i32 to index
        %get3A_100 = arith.constant 16 : index
        %get3A_101 = tpu.vector_load %arg10[%get3A_99, %get3A_100] {strides = array<i32>} : memref<128x128xf32, #tpu.memory_space<vmem>>, vector<16xf32>,
        %mul3A_102 = arith.mulf %get3A_101, %gather3A : vector<16xf32>
        %swap3A_103 = arith.index_cast %add3A_90 : i32 to index
        %swap3A_104 = arith.constant 16 : index
        %swap3A_105 = tpu.vector_load %arg10[%swap3A_103, %swap3A_104] {strides = array<i32>} : memref<128x128xf32, #tpu.memory_space<vmem>>, vector<16xf32>,
        tpu.vector_store %arg10[%swap3A_103, %swap3A_104], %mul3A_102 {strides = array<i32>} : memref<128x128xf32, #tpu.memory_space<vmem>>, vector<16xf32>,
        %get3A_106 = arith.index_cast %add3A_90 : i32 to index
        %get3A_107 = arith.constant 32 : index
        %get3A_108 = tpu.vector_load %arg10[%get3A_106, %get3A_107] {strides = array<i32>} : memref<128x128xf32, #tpu.memory_space<vmem>>, vector<16xf32>,
        %mul3A_109 = arith.mulf %get3A_108, %gather3A : vector<16xf32>
        %swap3A_110 = arith.index_cast %add3A_90 : i32 to index
        %swap3A_111 = arith.constant 32 : index
        %swap3A_112 = tpu.vector_load %arg10[%swap3A_110, %swap3A_111] {strides = array<i32>} : memref<128x128xf32, #tpu.memory_space<vmem>>, vector<16xf32>,
        tpu.vector_store %arg10[%swap3A_110, %swap3A_111], %mul3A_109 {strides = array<i32>} : memref<128x128xf32, #tpu.memory_space<vmem>>, vector<16xf32>,
        %get3A_113 = arith.index_cast %add3A_90 : i32 to index
        %get3A_114 = arith.constant 48 : index
        %get3A_115 = tpu.vector_load %arg10[%get3A_113, %get3A_114] {strides = array<i32>} : memref<128x128xf32, #tpu.memory_space<vmem>>, vector<16xf32>,
        %mul3A_116 = arith.mulf %get3A_115, %gather3A : vector<16xf32>
        %swap3A_117 = arith.index_cast %add3A_90 : i32 to index
        %swap3A_118 = arith.constant 48 : index
        %swap3A_119 = tpu.vector_load %arg10[%swap3A_117, %swap3A_118] {strides = array<i32>} : memref<128x128xf32, #tpu.memory_space<vmem>>, vector<16xf32>,
        tpu.vector_store %arg10[%swap3A_117, %swap3A_118], %mul3A_116 {strides = array<i32>} : memref<128x128xf32, #tpu.memory_space<vmem>>, vector<16xf32>,
        %get3A_120 = arith.index_cast %add3A_90 : i32 to index
        %get3A_121 = arith.constant 64 : index
        %get3A_122 = tpu.vector_load %arg10[%get3A_120, %get3A_121] {strides = array<i32>} : memref<128x128xf32, #tpu.memory_space<vmem>>, vector<16xf32>,
        %mul3A_123 = arith.mulf %get3A_122, %gather3A : vector<16xf32>
        %swap3A_124 = arith.index_cast %add3A_90 : i32 to index
        %swap3A_125 = arith.constant 64 : index
        %swap3A_126 = tpu.vector_load %arg10[%swap3A_124, %swap3A_125] {strides = array<i32>} : memref<128x128xf32, #tpu.memory_space<vmem>>, vector<16xf32>,
        tpu.vector_store %arg10[%swap3A_124, %swap3A_125], %mul3A_123 {strides = array<i32>} : memref<128x128xf32, #tpu.memory_space<vmem>>, vector<16xf32>,
        %get3A_127 = arith.index_cast %add3A_90 : i32 to index
        %get3A_128 = arith.constant 80 : index
        %get3A_129 = tpu.vector_load %arg10[%get3A_127, %get3A_128] {strides = array<i32>} : memref<128x128xf32, #tpu.memory_space<vmem>>, vector<16xf32>,
        %mul3A_130 = arith.mulf %get3A_129, %gather3A : vector<16xf32>
        %swap3A_131 = arith.index_cast %add3A_90 : i32 to index
        %swap3A_132 = arith.constant 80 : index
        %swap3A_133 = tpu.vector_load %arg10[%swap3A_131, %swap3A_132] {strides = array<i32>} : memref<128x128xf32, #tpu.memory_space<vmem>>, vector<16xf32>,
        tpu.vector_store %arg10[%swap3A_131, %swap3A_132], %mul3A_130 {strides = array<i32>} : memref<128x128xf32, #tpu.memory_space<vmem>>, vector<16xf32>,
        %get3A_134 = arith.index_cast %add3A_90 : i32 to index
        %get3A_135 = arith.constant 96 : index
        %get3A_136 = tpu.vector_load %arg10[%get3A_134, %get3A_135] {strides = array<i32>} : memref<128x128xf32, #tpu.memory_space<vmem>>, vector<16xf32>,
        %mul3A_137 = arith.mulf %get3A_136, %gather3A : vector<16xf32>
        %swap3A_138 = arith.index_cast %add3A_90 : i32 to index
        %swap3A_139 = arith.constant 96 : index
        %swap3A_140 = tpu.vector_load %arg10[%swap3A_138, %swap3A_139] {strides = array<i32>} : memref<128x128xf32, #tpu.memory_space<vmem>>, vector<16xf32>,
        tpu.vector_store %arg10[%swap3A_138, %swap3A_139], %mul3A_137 {strides = array<i32>} : memref<128x128xf32, #tpu.memory_space<vmem>>, vector<16xf32>,
        %get3A_141 = arith.index_cast %add3A_90 : i32 to index
        %get3A_142 = arith.constant 112 : index
        %get3A_143 = tpu.vector_load %arg10[%get3A_141, %get3A_142] {strides = array<i32>} : memref<128x128xf32, #tpu.memory_space<vmem>>, vector<16xf32>,
        %mul3A_144 = arith.mulf %get3A_143, %gather3A : vector<16xf32>
        %swap3A_145 = arith.index_cast %add3A_90 : i32 to index
        %swap3A_146 = arith.constant 112 : index
        %swap3A_147 = tpu.vector_load %arg10[%swap3A_145, %swap3A_146] {strides = array<i32>} : memref<128x128xf32, #tpu.memory_space<vmem>>, vector<16xf32>,
        tpu.vector_store %arg10[%swap3A_145, %swap3A_146], %mul3A_144 {strides = array<i32>} : memref<128x128xf32, #tpu.memory_space<vmem>>, vector<16xf32>,
      }
      %scan3A_56 = arith.constant 128 : i32
      %run_scoped3A_57 = arith.constant 4 : i32
      "tpu.region"() ({
        %run_scoped3A_86 = tpu.sem_alloc : memref<!tpu.dma_semaphore, #tpu.memory_space<semaphore_mem>>
        %dma_start3A = arith.constant 0 : i32
        %dma_start3A_87 = tpu.memref_slice %arg8[%run_scoped3A_57, %dma_start3A] : memref<9x128xi32, #tpu.memory_space<vmem>> -> memref<1x128xi32, #tpu.memory_space<vmem>>
        %dma_start3A_88 = tpu.memref_squeeze %dma_start3A_87 : memref<1x128xi32, #tpu.memory_space<vmem>> -> memref<128xi32, #tpu.memory_space<vmem>>
        %dma_start3A_89 = arith.constant 0 : i32
        %dma_start3A_90 = arith.constant 0 : i32
        %dma_start3A_91 = tpu.memref_slice %arg11[%dma_start3A_89, %dma_start3A_90] : memref<10240x128xf32, #tpu.memory_space<vmem_shared>> -> memref<10240x128xf32, #tpu.memory_space<vmem_shared>>
        tpu.enqueue_indirect_dma source(%arg10 : memref<128x128xf32, #tpu.memory_space<vmem>>) target(%dma_start3A_91 : memref<10240x128xf32, #tpu.memory_space<vmem_shared>>) offsets(%dma_start3A_88 : memref<128xi32, #tpu.memory_space<vmem>>) semaphore(%run_scoped3A_86 : memref<!tpu.dma_semaphore, #tpu.memory_space<semaphore_mem>>) {add = true}
        %dma_wait3A = arith.constant 0 : i32
        %dma_wait3A_92 = tpu.memref_slice %arg8[%run_scoped3A_57, %dma_wait3A] : memref<9x128xi32, #tpu.memory_space<vmem>> -> memref<1x128xi32, #tpu.memory_space<vmem>>
        %dma_wait3A_93 = tpu.memref_squeeze %dma_wait3A_92 : memref<1x128xi32, #tpu.memory_space<vmem>> -> memref<128xi32, #tpu.memory_space<vmem>>
        %dma_wait3A_94 = arith.constant 0 : i32
        %dma_wait3A_95 = arith.constant 0 : i32
        %dma_wait3A_96 = tpu.memref_slice %arg11[%dma_wait3A_94, %dma_wait3A_95] : memref<10240x128xf32, #tpu.memory_space<vmem_shared>> -> memref<10240x128xf32, #tpu.memory_space<vmem_shared>>
        tpu.wait_indirect_dma semaphore(%run_scoped3A_86 : memref<!tpu.dma_semaphore, #tpu.memory_space<semaphore_mem>>) src(%arg10 : memref<128x128xf32, #tpu.memory_space<vmem>>) dst(%dma_wait3A_96 : memref<10240x128xf32, #tpu.memory_space<vmem_shared>>)
        tpu.yield
      }) : () -> ()
      %run_scoped3A_58 = arith.constant 5 : i32
      "tpu.region"() ({
        %run_scoped3A_86 = tpu.sem_alloc : memref<!tpu.dma_semaphore, #tpu.memory_space<semaphore_mem>>
        %dma_start3A = arith.constant 0 : i32
        %dma_start3A_87 = tpu.memref_slice %arg7[%run_scoped3A_58, %dma_start3A] : memref<9x128xi32, #tpu.memory_space<vmem>> -> memref<1x128xi32, #tpu.memory_space<vmem>>
        %dma_start3A_88 = tpu.memref_squeeze %dma_start3A_87 : memref<1x128xi32, #tpu.memory_space<vmem>> -> memref<128xi32, #tpu.memory_space<vmem>>
        %dma_start3A_89 = arith.constant 0 : i32
        %dma_start3A_90 = arith.constant 0 : i32
        %dma_start3A_91 = tpu.memref_slice %arg2[%dma_start3A_89, %dma_start3A_90] : memref<10240x128xf32, #tpu.memory_space<hbm>> -> memref<10240x128xf32, #tpu.memory_space<hbm>>
        tpu.enqueue_indirect_dma source(%dma_start3A_91 : memref<10240x128xf32, #tpu.memory_space<hbm>>) target(%arg10 : memref<128x128xf32, #tpu.memory_space<vmem>>) offsets(%dma_start3A_88 : memref<128xi32, #tpu.memory_space<vmem>>) semaphore(%run_scoped3A_86 : memref<!tpu.dma_semaphore, #tpu.memory_space<semaphore_mem>>)
        %dma_wait3A = arith.constant 0 : i32
        %dma_wait3A_92 = tpu.memref_slice %arg7[%run_scoped3A_58, %dma_wait3A] : memref<9x128xi32, #tpu.memory_space<vmem>> -> memref<1x128xi32, #tpu.memory_space<vmem>>
        %dma_wait3A_93 = tpu.memref_squeeze %dma_wait3A_92 : memref<1x128xi32, #tpu.memory_space<vmem>> -> memref<128xi32, #tpu.memory_space<vmem>>
        %dma_wait3A_94 = arith.constant 0 : i32
        %dma_wait3A_95 = arith.constant 0 : i32
        %dma_wait3A_96 = tpu.memref_slice %arg2[%dma_wait3A_94, %dma_wait3A_95] : memref<10240x128xf32, #tpu.memory_space<hbm>> -> memref<10240x128xf32, #tpu.memory_space<hbm>>
        tpu.wait_indirect_dma semaphore(%run_scoped3A_86 : memref<!tpu.dma_semaphore, #tpu.memory_space<semaphore_mem>>) src(%dma_wait3A_96 : memref<10240x128xf32, #tpu.memory_space<hbm>>) dst(%arg10 : memref<128x128xf32, #tpu.memory_space<vmem>>)
        tpu.yield
      }) : () -> ()
      %scan3A_59 = arith.constant 0 : i32
      %scan3A_60 = arith.constant 128 : i32
      %scan3A_61 = arith.addi %scan3A_59, %scan3A_60 : i32
      %scan3A_62 = arith.constant 1 : i32
      scf.for %scan3A_86 = %scan3A_59 to %scan3A_61 step %scan3A_62  : i32 {
        %mul3A_87 = arith.constant 1 : i32
        %mul3A_88 = arith.muli %scan3A_86, %mul3A_87 : i32
        %add3A_89 = arith.constant 0 : i32
        %add3A_90 = arith.addi %add3A_89, %mul3A_88 : i32
        %broadcast_in_dim3A_91 = arith.constant 5 : i32
        %broadcast_in_dim3A_92 = vector.broadcast %broadcast_in_dim3A_91 : i32 to vector<16xi32>
        %broadcast_in_dim3A_93 = vector.broadcast %add3A_90 : i32 to vector<16xi32>
        %gather3A = tpu.vector_load_idx %arg9[%broadcast_in_dim3A_92, %broadcast_in_dim3A_93] : memref<9x128xf32, #tpu.memory_space<vmem>>[vector<16xi32>, vector<16xi32>], vector<16xf32>,
        %get3A = arith.index_cast %add3A_90 : i32 to index
        %get3A_94 = arith.constant 0 : index
        %get3A_95 = tpu.vector_load %arg10[%get3A, %get3A_94] {strides = array<i32>} : memref<128x128xf32, #tpu.memory_space<vmem>>, vector<16xf32>,
        %mul3A_96 = arith.mulf %get3A_95, %gather3A : vector<16xf32>
        %swap3A = arith.index_cast %add3A_90 : i32 to index
        %swap3A_97 = arith.constant 0 : index
        %swap3A_98 = tpu.vector_load %arg10[%swap3A, %swap3A_97] {strides = array<i32>} : memref<128x128xf32, #tpu.memory_space<vmem>>, vector<16xf32>,
        tpu.vector_store %arg10[%swap3A, %swap3A_97], %mul3A_96 {strides = array<i32>} : memref<128x128xf32, #tpu.memory_space<vmem>>, vector<16xf32>,
        %get3A_99 = arith.index_cast %add3A_90 : i32 to index
        %get3A_100 = arith.constant 16 : index
        %get3A_101 = tpu.vector_load %arg10[%get3A_99, %get3A_100] {strides = array<i32>} : memref<128x128xf32, #tpu.memory_space<vmem>>, vector<16xf32>,
        %mul3A_102 = arith.mulf %get3A_101, %gather3A : vector<16xf32>
        %swap3A_103 = arith.index_cast %add3A_90 : i32 to index
        %swap3A_104 = arith.constant 16 : index
        %swap3A_105 = tpu.vector_load %arg10[%swap3A_103, %swap3A_104] {strides = array<i32>} : memref<128x128xf32, #tpu.memory_space<vmem>>, vector<16xf32>,
        tpu.vector_store %arg10[%swap3A_103, %swap3A_104], %mul3A_102 {strides = array<i32>} : memref<128x128xf32, #tpu.memory_space<vmem>>, vector<16xf32>,
        %get3A_106 = arith.index_cast %add3A_90 : i32 to index
        %get3A_107 = arith.constant 32 : index
        %get3A_108 = tpu.vector_load %arg10[%get3A_106, %get3A_107] {strides = array<i32>} : memref<128x128xf32, #tpu.memory_space<vmem>>, vector<16xf32>,
        %mul3A_109 = arith.mulf %get3A_108, %gather3A : vector<16xf32>
        %swap3A_110 = arith.index_cast %add3A_90 : i32 to index
        %swap3A_111 = arith.constant 32 : index
        %swap3A_112 = tpu.vector_load %arg10[%swap3A_110, %swap3A_111] {strides = array<i32>} : memref<128x128xf32, #tpu.memory_space<vmem>>, vector<16xf32>,
        tpu.vector_store %arg10[%swap3A_110, %swap3A_111], %mul3A_109 {strides = array<i32>} : memref<128x128xf32, #tpu.memory_space<vmem>>, vector<16xf32>,
        %get3A_113 = arith.index_cast %add3A_90 : i32 to index
        %get3A_114 = arith.constant 48 : index
        %get3A_115 = tpu.vector_load %arg10[%get3A_113, %get3A_114] {strides = array<i32>} : memref<128x128xf32, #tpu.memory_space<vmem>>, vector<16xf32>,
        %mul3A_116 = arith.mulf %get3A_115, %gather3A : vector<16xf32>
        %swap3A_117 = arith.index_cast %add3A_90 : i32 to index
        %swap3A_118 = arith.constant 48 : index
        %swap3A_119 = tpu.vector_load %arg10[%swap3A_117, %swap3A_118] {strides = array<i32>} : memref<128x128xf32, #tpu.memory_space<vmem>>, vector<16xf32>,
        tpu.vector_store %arg10[%swap3A_117, %swap3A_118], %mul3A_116 {strides = array<i32>} : memref<128x128xf32, #tpu.memory_space<vmem>>, vector<16xf32>,
        %get3A_120 = arith.index_cast %add3A_90 : i32 to index
        %get3A_121 = arith.constant 64 : index
        %get3A_122 = tpu.vector_load %arg10[%get3A_120, %get3A_121] {strides = array<i32>} : memref<128x128xf32, #tpu.memory_space<vmem>>, vector<16xf32>,
        %mul3A_123 = arith.mulf %get3A_122, %gather3A : vector<16xf32>
        %swap3A_124 = arith.index_cast %add3A_90 : i32 to index
        %swap3A_125 = arith.constant 64 : index
        %swap3A_126 = tpu.vector_load %arg10[%swap3A_124, %swap3A_125] {strides = array<i32>} : memref<128x128xf32, #tpu.memory_space<vmem>>, vector<16xf32>,
        tpu.vector_store %arg10[%swap3A_124, %swap3A_125], %mul3A_123 {strides = array<i32>} : memref<128x128xf32, #tpu.memory_space<vmem>>, vector<16xf32>,
        %get3A_127 = arith.index_cast %add3A_90 : i32 to index
        %get3A_128 = arith.constant 80 : index
        %get3A_129 = tpu.vector_load %arg10[%get3A_127, %get3A_128] {strides = array<i32>} : memref<128x128xf32, #tpu.memory_space<vmem>>, vector<16xf32>,
        %mul3A_130 = arith.mulf %get3A_129, %gather3A : vector<16xf32>
        %swap3A_131 = arith.index_cast %add3A_90 : i32 to index
        %swap3A_132 = arith.constant 80 : index
        %swap3A_133 = tpu.vector_load %arg10[%swap3A_131, %swap3A_132] {strides = array<i32>} : memref<128x128xf32, #tpu.memory_space<vmem>>, vector<16xf32>,
        tpu.vector_store %arg10[%swap3A_131, %swap3A_132], %mul3A_130 {strides = array<i32>} : memref<128x128xf32, #tpu.memory_space<vmem>>, vector<16xf32>,
        %get3A_134 = arith.index_cast %add3A_90 : i32 to index
        %get3A_135 = arith.constant 96 : index
        %get3A_136 = tpu.vector_load %arg10[%get3A_134, %get3A_135] {strides = array<i32>} : memref<128x128xf32, #tpu.memory_space<vmem>>, vector<16xf32>,
        %mul3A_137 = arith.mulf %get3A_136, %gather3A : vector<16xf32>
        %swap3A_138 = arith.index_cast %add3A_90 : i32 to index
        %swap3A_139 = arith.constant 96 : index
        %swap3A_140 = tpu.vector_load %arg10[%swap3A_138, %swap3A_139] {strides = array<i32>} : memref<128x128xf32, #tpu.memory_space<vmem>>, vector<16xf32>,
        tpu.vector_store %arg10[%swap3A_138, %swap3A_139], %mul3A_137 {strides = array<i32>} : memref<128x128xf32, #tpu.memory_space<vmem>>, vector<16xf32>,
        %get3A_141 = arith.index_cast %add3A_90 : i32 to index
        %get3A_142 = arith.constant 112 : index
        %get3A_143 = tpu.vector_load %arg10[%get3A_141, %get3A_142] {strides = array<i32>} : memref<128x128xf32, #tpu.memory_space<vmem>>, vector<16xf32>,
        %mul3A_144 = arith.mulf %get3A_143, %gather3A : vector<16xf32>
        %swap3A_145 = arith.index_cast %add3A_90 : i32 to index
        %swap3A_146 = arith.constant 112 : index
        %swap3A_147 = tpu.vector_load %arg10[%swap3A_145, %swap3A_146] {strides = array<i32>} : memref<128x128xf32, #tpu.memory_space<vmem>>, vector<16xf32>,
        tpu.vector_store %arg10[%swap3A_145, %swap3A_146], %mul3A_144 {strides = array<i32>} : memref<128x128xf32, #tpu.memory_space<vmem>>, vector<16xf32>,
      }
      %scan3A_63 = arith.constant 128 : i32
      %run_scoped3A_64 = arith.constant 5 : i32
      "tpu.region"() ({
        %run_scoped3A_86 = tpu.sem_alloc : memref<!tpu.dma_semaphore, #tpu.memory_space<semaphore_mem>>
        %dma_start3A = arith.constant 0 : i32
        %dma_start3A_87 = tpu.memref_slice %arg8[%run_scoped3A_64, %dma_start3A] : memref<9x128xi32, #tpu.memory_space<vmem>> -> memref<1x128xi32, #tpu.memory_space<vmem>>
        %dma_start3A_88 = tpu.memref_squeeze %dma_start3A_87 : memref<1x128xi32, #tpu.memory_space<vmem>> -> memref<128xi32, #tpu.memory_space<vmem>>
        %dma_start3A_89 = arith.constant 0 : i32
        %dma_start3A_90 = arith.constant 0 : i32
        %dma_start3A_91 = tpu.memref_slice %arg11[%dma_start3A_89, %dma_start3A_90] : memref<10240x128xf32, #tpu.memory_space<vmem_shared>> -> memref<10240x128xf32, #tpu.memory_space<vmem_shared>>
        tpu.enqueue_indirect_dma source(%arg10 : memref<128x128xf32, #tpu.memory_space<vmem>>) target(%dma_start3A_91 : memref<10240x128xf32, #tpu.memory_space<vmem_shared>>) offsets(%dma_start3A_88 : memref<128xi32, #tpu.memory_space<vmem>>) semaphore(%run_scoped3A_86 : memref<!tpu.dma_semaphore, #tpu.memory_space<semaphore_mem>>) {add = true}
        %dma_wait3A = arith.constant 0 : i32
        %dma_wait3A_92 = tpu.memref_slice %arg8[%run_scoped3A_64, %dma_wait3A] : memref<9x128xi32, #tpu.memory_space<vmem>> -> memref<1x128xi32, #tpu.memory_space<vmem>>
        %dma_wait3A_93 = tpu.memref_squeeze %dma_wait3A_92 : memref<1x128xi32, #tpu.memory_space<vmem>> -> memref<128xi32, #tpu.memory_space<vmem>>
        %dma_wait3A_94 = arith.constant 0 : i32
        %dma_wait3A_95 = arith.constant 0 : i32
        %dma_wait3A_96 = tpu.memref_slice %arg11[%dma_wait3A_94, %dma_wait3A_95] : memref<10240x128xf32, #tpu.memory_space<vmem_shared>> -> memref<10240x128xf32, #tpu.memory_space<vmem_shared>>
        tpu.wait_indirect_dma semaphore(%run_scoped3A_86 : memref<!tpu.dma_semaphore, #tpu.memory_space<semaphore_mem>>) src(%arg10 : memref<128x128xf32, #tpu.memory_space<vmem>>) dst(%dma_wait3A_96 : memref<10240x128xf32, #tpu.memory_space<vmem_shared>>)
        tpu.yield
      }) : () -> ()
      %run_scoped3A_65 = arith.constant 6 : i32
      "tpu.region"() ({
        %run_scoped3A_86 = tpu.sem_alloc : memref<!tpu.dma_semaphore, #tpu.memory_space<semaphore_mem>>
        %dma_start3A = arith.constant 0 : i32
        %dma_start3A_87 = tpu.memref_slice %arg7[%run_scoped3A_65, %dma_start3A] : memref<9x128xi32, #tpu.memory_space<vmem>> -> memref<1x128xi32, #tpu.memory_space<vmem>>
        %dma_start3A_88 = tpu.memref_squeeze %dma_start3A_87 : memref<1x128xi32, #tpu.memory_space<vmem>> -> memref<128xi32, #tpu.memory_space<vmem>>
        %dma_start3A_89 = arith.constant 0 : i32
        %dma_start3A_90 = arith.constant 0 : i32
        %dma_start3A_91 = tpu.memref_slice %arg2[%dma_start3A_89, %dma_start3A_90] : memref<10240x128xf32, #tpu.memory_space<hbm>> -> memref<10240x128xf32, #tpu.memory_space<hbm>>
        tpu.enqueue_indirect_dma source(%dma_start3A_91 : memref<10240x128xf32, #tpu.memory_space<hbm>>) target(%arg10 : memref<128x128xf32, #tpu.memory_space<vmem>>) offsets(%dma_start3A_88 : memref<128xi32, #tpu.memory_space<vmem>>) semaphore(%run_scoped3A_86 : memref<!tpu.dma_semaphore, #tpu.memory_space<semaphore_mem>>)
        %dma_wait3A = arith.constant 0 : i32
        %dma_wait3A_92 = tpu.memref_slice %arg7[%run_scoped3A_65, %dma_wait3A] : memref<9x128xi32, #tpu.memory_space<vmem>> -> memref<1x128xi32, #tpu.memory_space<vmem>>
        %dma_wait3A_93 = tpu.memref_squeeze %dma_wait3A_92 : memref<1x128xi32, #tpu.memory_space<vmem>> -> memref<128xi32, #tpu.memory_space<vmem>>
        %dma_wait3A_94 = arith.constant 0 : i32
        %dma_wait3A_95 = arith.constant 0 : i32
        %dma_wait3A_96 = tpu.memref_slice %arg2[%dma_wait3A_94, %dma_wait3A_95] : memref<10240x128xf32, #tpu.memory_space<hbm>> -> memref<10240x128xf32, #tpu.memory_space<hbm>>
        tpu.wait_indirect_dma semaphore(%run_scoped3A_86 : memref<!tpu.dma_semaphore, #tpu.memory_space<semaphore_mem>>) src(%dma_wait3A_96 : memref<10240x128xf32, #tpu.memory_space<hbm>>) dst(%arg10 : memref<128x128xf32, #tpu.memory_space<vmem>>)
        tpu.yield
      }) : () -> ()
      %scan3A_66 = arith.constant 0 : i32
      %scan3A_67 = arith.constant 128 : i32
      %scan3A_68 = arith.addi %scan3A_66, %scan3A_67 : i32
      %scan3A_69 = arith.constant 1 : i32
      scf.for %scan3A_86 = %scan3A_66 to %scan3A_68 step %scan3A_69  : i32 {
        %mul3A_87 = arith.constant 1 : i32
        %mul3A_88 = arith.muli %scan3A_86, %mul3A_87 : i32
        %add3A_89 = arith.constant 0 : i32
        %add3A_90 = arith.addi %add3A_89, %mul3A_88 : i32
        %broadcast_in_dim3A_91 = arith.constant 6 : i32
        %broadcast_in_dim3A_92 = vector.broadcast %broadcast_in_dim3A_91 : i32 to vector<16xi32>
        %broadcast_in_dim3A_93 = vector.broadcast %add3A_90 : i32 to vector<16xi32>
        %gather3A = tpu.vector_load_idx %arg9[%broadcast_in_dim3A_92, %broadcast_in_dim3A_93] : memref<9x128xf32, #tpu.memory_space<vmem>>[vector<16xi32>, vector<16xi32>], vector<16xf32>,
        %get3A = arith.index_cast %add3A_90 : i32 to index
        %get3A_94 = arith.constant 0 : index
        %get3A_95 = tpu.vector_load %arg10[%get3A, %get3A_94] {strides = array<i32>} : memref<128x128xf32, #tpu.memory_space<vmem>>, vector<16xf32>,
        %mul3A_96 = arith.mulf %get3A_95, %gather3A : vector<16xf32>
        %swap3A = arith.index_cast %add3A_90 : i32 to index
        %swap3A_97 = arith.constant 0 : index
        %swap3A_98 = tpu.vector_load %arg10[%swap3A, %swap3A_97] {strides = array<i32>} : memref<128x128xf32, #tpu.memory_space<vmem>>, vector<16xf32>,
        tpu.vector_store %arg10[%swap3A, %swap3A_97], %mul3A_96 {strides = array<i32>} : memref<128x128xf32, #tpu.memory_space<vmem>>, vector<16xf32>,
        %get3A_99 = arith.index_cast %add3A_90 : i32 to index
        %get3A_100 = arith.constant 16 : index
        %get3A_101 = tpu.vector_load %arg10[%get3A_99, %get3A_100] {strides = array<i32>} : memref<128x128xf32, #tpu.memory_space<vmem>>, vector<16xf32>,
        %mul3A_102 = arith.mulf %get3A_101, %gather3A : vector<16xf32>
        %swap3A_103 = arith.index_cast %add3A_90 : i32 to index
        %swap3A_104 = arith.constant 16 : index
        %swap3A_105 = tpu.vector_load %arg10[%swap3A_103, %swap3A_104] {strides = array<i32>} : memref<128x128xf32, #tpu.memory_space<vmem>>, vector<16xf32>,
        tpu.vector_store %arg10[%swap3A_103, %swap3A_104], %mul3A_102 {strides = array<i32>} : memref<128x128xf32, #tpu.memory_space<vmem>>, vector<16xf32>,
        %get3A_106 = arith.index_cast %add3A_90 : i32 to index
        %get3A_107 = arith.constant 32 : index
        %get3A_108 = tpu.vector_load %arg10[%get3A_106, %get3A_107] {strides = array<i32>} : memref<128x128xf32, #tpu.memory_space<vmem>>, vector<16xf32>,
        %mul3A_109 = arith.mulf %get3A_108, %gather3A : vector<16xf32>
        %swap3A_110 = arith.index_cast %add3A_90 : i32 to index
        %swap3A_111 = arith.constant 32 : index
        %swap3A_112 = tpu.vector_load %arg10[%swap3A_110, %swap3A_111] {strides = array<i32>} : memref<128x128xf32, #tpu.memory_space<vmem>>, vector<16xf32>,
        tpu.vector_store %arg10[%swap3A_110, %swap3A_111], %mul3A_109 {strides = array<i32>} : memref<128x128xf32, #tpu.memory_space<vmem>>, vector<16xf32>,
        %get3A_113 = arith.index_cast %add3A_90 : i32 to index
        %get3A_114 = arith.constant 48 : index
        %get3A_115 = tpu.vector_load %arg10[%get3A_113, %get3A_114] {strides = array<i32>} : memref<128x128xf32, #tpu.memory_space<vmem>>, vector<16xf32>,
        %mul3A_116 = arith.mulf %get3A_115, %gather3A : vector<16xf32>
        %swap3A_117 = arith.index_cast %add3A_90 : i32 to index
        %swap3A_118 = arith.constant 48 : index
        %swap3A_119 = tpu.vector_load %arg10[%swap3A_117, %swap3A_118] {strides = array<i32>} : memref<128x128xf32, #tpu.memory_space<vmem>>, vector<16xf32>,
        tpu.vector_store %arg10[%swap3A_117, %swap3A_118], %mul3A_116 {strides = array<i32>} : memref<128x128xf32, #tpu.memory_space<vmem>>, vector<16xf32>,
        %get3A_120 = arith.index_cast %add3A_90 : i32 to index
        %get3A_121 = arith.constant 64 : index
        %get3A_122 = tpu.vector_load %arg10[%get3A_120, %get3A_121] {strides = array<i32>} : memref<128x128xf32, #tpu.memory_space<vmem>>, vector<16xf32>,
        %mul3A_123 = arith.mulf %get3A_122, %gather3A : vector<16xf32>
        %swap3A_124 = arith.index_cast %add3A_90 : i32 to index
        %swap3A_125 = arith.constant 64 : index
        %swap3A_126 = tpu.vector_load %arg10[%swap3A_124, %swap3A_125] {strides = array<i32>} : memref<128x128xf32, #tpu.memory_space<vmem>>, vector<16xf32>,
        tpu.vector_store %arg10[%swap3A_124, %swap3A_125], %mul3A_123 {strides = array<i32>} : memref<128x128xf32, #tpu.memory_space<vmem>>, vector<16xf32>,
        %get3A_127 = arith.index_cast %add3A_90 : i32 to index
        %get3A_128 = arith.constant 80 : index
        %get3A_129 = tpu.vector_load %arg10[%get3A_127, %get3A_128] {strides = array<i32>} : memref<128x128xf32, #tpu.memory_space<vmem>>, vector<16xf32>,
        %mul3A_130 = arith.mulf %get3A_129, %gather3A : vector<16xf32>
        %swap3A_131 = arith.index_cast %add3A_90 : i32 to index
        %swap3A_132 = arith.constant 80 : index
        %swap3A_133 = tpu.vector_load %arg10[%swap3A_131, %swap3A_132] {strides = array<i32>} : memref<128x128xf32, #tpu.memory_space<vmem>>, vector<16xf32>,
        tpu.vector_store %arg10[%swap3A_131, %swap3A_132], %mul3A_130 {strides = array<i32>} : memref<128x128xf32, #tpu.memory_space<vmem>>, vector<16xf32>,
        %get3A_134 = arith.index_cast %add3A_90 : i32 to index
        %get3A_135 = arith.constant 96 : index
        %get3A_136 = tpu.vector_load %arg10[%get3A_134, %get3A_135] {strides = array<i32>} : memref<128x128xf32, #tpu.memory_space<vmem>>, vector<16xf32>,
        %mul3A_137 = arith.mulf %get3A_136, %gather3A : vector<16xf32>
        %swap3A_138 = arith.index_cast %add3A_90 : i32 to index
        %swap3A_139 = arith.constant 96 : index
        %swap3A_140 = tpu.vector_load %arg10[%swap3A_138, %swap3A_139] {strides = array<i32>} : memref<128x128xf32, #tpu.memory_space<vmem>>, vector<16xf32>,
        tpu.vector_store %arg10[%swap3A_138, %swap3A_139], %mul3A_137 {strides = array<i32>} : memref<128x128xf32, #tpu.memory_space<vmem>>, vector<16xf32>,
        %get3A_141 = arith.index_cast %add3A_90 : i32 to index
        %get3A_142 = arith.constant 112 : index
        %get3A_143 = tpu.vector_load %arg10[%get3A_141, %get3A_142] {strides = array<i32>} : memref<128x128xf32, #tpu.memory_space<vmem>>, vector<16xf32>,
        %mul3A_144 = arith.mulf %get3A_143, %gather3A : vector<16xf32>
        %swap3A_145 = arith.index_cast %add3A_90 : i32 to index
        %swap3A_146 = arith.constant 112 : index
        %swap3A_147 = tpu.vector_load %arg10[%swap3A_145, %swap3A_146] {strides = array<i32>} : memref<128x128xf32, #tpu.memory_space<vmem>>, vector<16xf32>,
        tpu.vector_store %arg10[%swap3A_145, %swap3A_146], %mul3A_144 {strides = array<i32>} : memref<128x128xf32, #tpu.memory_space<vmem>>, vector<16xf32>,
      }
      %scan3A_70 = arith.constant 128 : i32
      %run_scoped3A_71 = arith.constant 6 : i32
      "tpu.region"() ({
        %run_scoped3A_86 = tpu.sem_alloc : memref<!tpu.dma_semaphore, #tpu.memory_space<semaphore_mem>>
        %dma_start3A = arith.constant 0 : i32
        %dma_start3A_87 = tpu.memref_slice %arg8[%run_scoped3A_71, %dma_start3A] : memref<9x128xi32, #tpu.memory_space<vmem>> -> memref<1x128xi32, #tpu.memory_space<vmem>>
        %dma_start3A_88 = tpu.memref_squeeze %dma_start3A_87 : memref<1x128xi32, #tpu.memory_space<vmem>> -> memref<128xi32, #tpu.memory_space<vmem>>
        %dma_start3A_89 = arith.constant 0 : i32
        %dma_start3A_90 = arith.constant 0 : i32
        %dma_start3A_91 = tpu.memref_slice %arg11[%dma_start3A_89, %dma_start3A_90] : memref<10240x128xf32, #tpu.memory_space<vmem_shared>> -> memref<10240x128xf32, #tpu.memory_space<vmem_shared>>
        tpu.enqueue_indirect_dma source(%arg10 : memref<128x128xf32, #tpu.memory_space<vmem>>) target(%dma_start3A_91 : memref<10240x128xf32, #tpu.memory_space<vmem_shared>>) offsets(%dma_start3A_88 : memref<128xi32, #tpu.memory_space<vmem>>) semaphore(%run_scoped3A_86 : memref<!tpu.dma_semaphore, #tpu.memory_space<semaphore_mem>>) {add = true}
        %dma_wait3A = arith.constant 0 : i32
        %dma_wait3A_92 = tpu.memref_slice %arg8[%run_scoped3A_71, %dma_wait3A] : memref<9x128xi32, #tpu.memory_space<vmem>> -> memref<1x128xi32, #tpu.memory_space<vmem>>
        %dma_wait3A_93 = tpu.memref_squeeze %dma_wait3A_92 : memref<1x128xi32, #tpu.memory_space<vmem>> -> memref<128xi32, #tpu.memory_space<vmem>>
        %dma_wait3A_94 = arith.constant 0 : i32
        %dma_wait3A_95 = arith.constant 0 : i32
        %dma_wait3A_96 = tpu.memref_slice %arg11[%dma_wait3A_94, %dma_wait3A_95] : memref<10240x128xf32, #tpu.memory_space<vmem_shared>> -> memref<10240x128xf32, #tpu.memory_space<vmem_shared>>
        tpu.wait_indirect_dma semaphore(%run_scoped3A_86 : memref<!tpu.dma_semaphore, #tpu.memory_space<semaphore_mem>>) src(%arg10 : memref<128x128xf32, #tpu.memory_space<vmem>>) dst(%dma_wait3A_96 : memref<10240x128xf32, #tpu.memory_space<vmem_shared>>)
        tpu.yield
      }) : () -> ()
      %run_scoped3A_72 = arith.constant 7 : i32
      "tpu.region"() ({
        %run_scoped3A_86 = tpu.sem_alloc : memref<!tpu.dma_semaphore, #tpu.memory_space<semaphore_mem>>
        %dma_start3A = arith.constant 0 : i32
        %dma_start3A_87 = tpu.memref_slice %arg7[%run_scoped3A_72, %dma_start3A] : memref<9x128xi32, #tpu.memory_space<vmem>> -> memref<1x128xi32, #tpu.memory_space<vmem>>
        %dma_start3A_88 = tpu.memref_squeeze %dma_start3A_87 : memref<1x128xi32, #tpu.memory_space<vmem>> -> memref<128xi32, #tpu.memory_space<vmem>>
        %dma_start3A_89 = arith.constant 0 : i32
        %dma_start3A_90 = arith.constant 0 : i32
        %dma_start3A_91 = tpu.memref_slice %arg2[%dma_start3A_89, %dma_start3A_90] : memref<10240x128xf32, #tpu.memory_space<hbm>> -> memref<10240x128xf32, #tpu.memory_space<hbm>>
        tpu.enqueue_indirect_dma source(%dma_start3A_91 : memref<10240x128xf32, #tpu.memory_space<hbm>>) target(%arg10 : memref<128x128xf32, #tpu.memory_space<vmem>>) offsets(%dma_start3A_88 : memref<128xi32, #tpu.memory_space<vmem>>) semaphore(%run_scoped3A_86 : memref<!tpu.dma_semaphore, #tpu.memory_space<semaphore_mem>>)
        %dma_wait3A = arith.constant 0 : i32
        %dma_wait3A_92 = tpu.memref_slice %arg7[%run_scoped3A_72, %dma_wait3A] : memref<9x128xi32, #tpu.memory_space<vmem>> -> memref<1x128xi32, #tpu.memory_space<vmem>>
        %dma_wait3A_93 = tpu.memref_squeeze %dma_wait3A_92 : memref<1x128xi32, #tpu.memory_space<vmem>> -> memref<128xi32, #tpu.memory_space<vmem>>
        %dma_wait3A_94 = arith.constant 0 : i32
        %dma_wait3A_95 = arith.constant 0 : i32
        %dma_wait3A_96 = tpu.memref_slice %arg2[%dma_wait3A_94, %dma_wait3A_95] : memref<10240x128xf32, #tpu.memory_space<hbm>> -> memref<10240x128xf32, #tpu.memory_space<hbm>>
        tpu.wait_indirect_dma semaphore(%run_scoped3A_86 : memref<!tpu.dma_semaphore, #tpu.memory_space<semaphore_mem>>) src(%dma_wait3A_96 : memref<10240x128xf32, #tpu.memory_space<hbm>>) dst(%arg10 : memref<128x128xf32, #tpu.memory_space<vmem>>)
        tpu.yield
      }) : () -> ()
      %scan3A_73 = arith.constant 0 : i32
      %scan3A_74 = arith.constant 128 : i32
      %scan3A_75 = arith.addi %scan3A_73, %scan3A_74 : i32
      %scan3A_76 = arith.constant 1 : i32
      scf.for %scan3A_86 = %scan3A_73 to %scan3A_75 step %scan3A_76  : i32 {
        %mul3A_87 = arith.constant 1 : i32
        %mul3A_88 = arith.muli %scan3A_86, %mul3A_87 : i32
        %add3A_89 = arith.constant 0 : i32
        %add3A_90 = arith.addi %add3A_89, %mul3A_88 : i32
        %broadcast_in_dim3A_91 = arith.constant 7 : i32
        %broadcast_in_dim3A_92 = vector.broadcast %broadcast_in_dim3A_91 : i32 to vector<16xi32>
        %broadcast_in_dim3A_93 = vector.broadcast %add3A_90 : i32 to vector<16xi32>
        %gather3A = tpu.vector_load_idx %arg9[%broadcast_in_dim3A_92, %broadcast_in_dim3A_93] : memref<9x128xf32, #tpu.memory_space<vmem>>[vector<16xi32>, vector<16xi32>], vector<16xf32>,
        %get3A = arith.index_cast %add3A_90 : i32 to index
        %get3A_94 = arith.constant 0 : index
        %get3A_95 = tpu.vector_load %arg10[%get3A, %get3A_94] {strides = array<i32>} : memref<128x128xf32, #tpu.memory_space<vmem>>, vector<16xf32>,
        %mul3A_96 = arith.mulf %get3A_95, %gather3A : vector<16xf32>
        %swap3A = arith.index_cast %add3A_90 : i32 to index
        %swap3A_97 = arith.constant 0 : index
        %swap3A_98 = tpu.vector_load %arg10[%swap3A, %swap3A_97] {strides = array<i32>} : memref<128x128xf32, #tpu.memory_space<vmem>>, vector<16xf32>,
        tpu.vector_store %arg10[%swap3A, %swap3A_97], %mul3A_96 {strides = array<i32>} : memref<128x128xf32, #tpu.memory_space<vmem>>, vector<16xf32>,
        %get3A_99 = arith.index_cast %add3A_90 : i32 to index
        %get3A_100 = arith.constant 16 : index
        %get3A_101 = tpu.vector_load %arg10[%get3A_99, %get3A_100] {strides = array<i32>} : memref<128x128xf32, #tpu.memory_space<vmem>>, vector<16xf32>,
        %mul3A_102 = arith.mulf %get3A_101, %gather3A : vector<16xf32>
        %swap3A_103 = arith.index_cast %add3A_90 : i32 to index
        %swap3A_104 = arith.constant 16 : index
        %swap3A_105 = tpu.vector_load %arg10[%swap3A_103, %swap3A_104] {strides = array<i32>} : memref<128x128xf32, #tpu.memory_space<vmem>>, vector<16xf32>,
        tpu.vector_store %arg10[%swap3A_103, %swap3A_104], %mul3A_102 {strides = array<i32>} : memref<128x128xf32, #tpu.memory_space<vmem>>, vector<16xf32>,
        %get3A_106 = arith.index_cast %add3A_90 : i32 to index
        %get3A_107 = arith.constant 32 : index
        %get3A_108 = tpu.vector_load %arg10[%get3A_106, %get3A_107] {strides = array<i32>} : memref<128x128xf32, #tpu.memory_space<vmem>>, vector<16xf32>,
        %mul3A_109 = arith.mulf %get3A_108, %gather3A : vector<16xf32>
        %swap3A_110 = arith.index_cast %add3A_90 : i32 to index
        %swap3A_111 = arith.constant 32 : index
        %swap3A_112 = tpu.vector_load %arg10[%swap3A_110, %swap3A_111] {strides = array<i32>} : memref<128x128xf32, #tpu.memory_space<vmem>>, vector<16xf32>,
        tpu.vector_store %arg10[%swap3A_110, %swap3A_111], %mul3A_109 {strides = array<i32>} : memref<128x128xf32, #tpu.memory_space<vmem>>, vector<16xf32>,
        %get3A_113 = arith.index_cast %add3A_90 : i32 to index
        %get3A_114 = arith.constant 48 : index
        %get3A_115 = tpu.vector_load %arg10[%get3A_113, %get3A_114] {strides = array<i32>} : memref<128x128xf32, #tpu.memory_space<vmem>>, vector<16xf32>,
        %mul3A_116 = arith.mulf %get3A_115, %gather3A : vector<16xf32>
        %swap3A_117 = arith.index_cast %add3A_90 : i32 to index
        %swap3A_118 = arith.constant 48 : index
        %swap3A_119 = tpu.vector_load %arg10[%swap3A_117, %swap3A_118] {strides = array<i32>} : memref<128x128xf32, #tpu.memory_space<vmem>>, vector<16xf32>,
        tpu.vector_store %arg10[%swap3A_117, %swap3A_118], %mul3A_116 {strides = array<i32>} : memref<128x128xf32, #tpu.memory_space<vmem>>, vector<16xf32>,
        %get3A_120 = arith.index_cast %add3A_90 : i32 to index
        %get3A_121 = arith.constant 64 : index
        %get3A_122 = tpu.vector_load %arg10[%get3A_120, %get3A_121] {strides = array<i32>} : memref<128x128xf32, #tpu.memory_space<vmem>>, vector<16xf32>,
        %mul3A_123 = arith.mulf %get3A_122, %gather3A : vector<16xf32>
        %swap3A_124 = arith.index_cast %add3A_90 : i32 to index
        %swap3A_125 = arith.constant 64 : index
        %swap3A_126 = tpu.vector_load %arg10[%swap3A_124, %swap3A_125] {strides = array<i32>} : memref<128x128xf32, #tpu.memory_space<vmem>>, vector<16xf32>,
        tpu.vector_store %arg10[%swap3A_124, %swap3A_125], %mul3A_123 {strides = array<i32>} : memref<128x128xf32, #tpu.memory_space<vmem>>, vector<16xf32>,
        %get3A_127 = arith.index_cast %add3A_90 : i32 to index
        %get3A_128 = arith.constant 80 : index
        %get3A_129 = tpu.vector_load %arg10[%get3A_127, %get3A_128] {strides = array<i32>} : memref<128x128xf32, #tpu.memory_space<vmem>>, vector<16xf32>,
        %mul3A_130 = arith.mulf %get3A_129, %gather3A : vector<16xf32>
        %swap3A_131 = arith.index_cast %add3A_90 : i32 to index
        %swap3A_132 = arith.constant 80 : index
        %swap3A_133 = tpu.vector_load %arg10[%swap3A_131, %swap3A_132] {strides = array<i32>} : memref<128x128xf32, #tpu.memory_space<vmem>>, vector<16xf32>,
        tpu.vector_store %arg10[%swap3A_131, %swap3A_132], %mul3A_130 {strides = array<i32>} : memref<128x128xf32, #tpu.memory_space<vmem>>, vector<16xf32>,
        %get3A_134 = arith.index_cast %add3A_90 : i32 to index
        %get3A_135 = arith.constant 96 : index
        %get3A_136 = tpu.vector_load %arg10[%get3A_134, %get3A_135] {strides = array<i32>} : memref<128x128xf32, #tpu.memory_space<vmem>>, vector<16xf32>,
        %mul3A_137 = arith.mulf %get3A_136, %gather3A : vector<16xf32>
        %swap3A_138 = arith.index_cast %add3A_90 : i32 to index
        %swap3A_139 = arith.constant 96 : index
        %swap3A_140 = tpu.vector_load %arg10[%swap3A_138, %swap3A_139] {strides = array<i32>} : memref<128x128xf32, #tpu.memory_space<vmem>>, vector<16xf32>,
        tpu.vector_store %arg10[%swap3A_138, %swap3A_139], %mul3A_137 {strides = array<i32>} : memref<128x128xf32, #tpu.memory_space<vmem>>, vector<16xf32>,
        %get3A_141 = arith.index_cast %add3A_90 : i32 to index
        %get3A_142 = arith.constant 112 : index
        %get3A_143 = tpu.vector_load %arg10[%get3A_141, %get3A_142] {strides = array<i32>} : memref<128x128xf32, #tpu.memory_space<vmem>>, vector<16xf32>,
        %mul3A_144 = arith.mulf %get3A_143, %gather3A : vector<16xf32>
        %swap3A_145 = arith.index_cast %add3A_90 : i32 to index
        %swap3A_146 = arith.constant 112 : index
        %swap3A_147 = tpu.vector_load %arg10[%swap3A_145, %swap3A_146] {strides = array<i32>} : memref<128x128xf32, #tpu.memory_space<vmem>>, vector<16xf32>,
        tpu.vector_store %arg10[%swap3A_145, %swap3A_146], %mul3A_144 {strides = array<i32>} : memref<128x128xf32, #tpu.memory_space<vmem>>, vector<16xf32>,
      }
      %scan3A_77 = arith.constant 128 : i32
      %run_scoped3A_78 = arith.constant 7 : i32
      "tpu.region"() ({
        %run_scoped3A_86 = tpu.sem_alloc : memref<!tpu.dma_semaphore, #tpu.memory_space<semaphore_mem>>
        %dma_start3A = arith.constant 0 : i32
        %dma_start3A_87 = tpu.memref_slice %arg8[%run_scoped3A_78, %dma_start3A] : memref<9x128xi32, #tpu.memory_space<vmem>> -> memref<1x128xi32, #tpu.memory_space<vmem>>
        %dma_start3A_88 = tpu.memref_squeeze %dma_start3A_87 : memref<1x128xi32, #tpu.memory_space<vmem>> -> memref<128xi32, #tpu.memory_space<vmem>>
        %dma_start3A_89 = arith.constant 0 : i32
        %dma_start3A_90 = arith.constant 0 : i32
        %dma_start3A_91 = tpu.memref_slice %arg11[%dma_start3A_89, %dma_start3A_90] : memref<10240x128xf32, #tpu.memory_space<vmem_shared>> -> memref<10240x128xf32, #tpu.memory_space<vmem_shared>>
        tpu.enqueue_indirect_dma source(%arg10 : memref<128x128xf32, #tpu.memory_space<vmem>>) target(%dma_start3A_91 : memref<10240x128xf32, #tpu.memory_space<vmem_shared>>) offsets(%dma_start3A_88 : memref<128xi32, #tpu.memory_space<vmem>>) semaphore(%run_scoped3A_86 : memref<!tpu.dma_semaphore, #tpu.memory_space<semaphore_mem>>) {add = true}
        %dma_wait3A = arith.constant 0 : i32
        %dma_wait3A_92 = tpu.memref_slice %arg8[%run_scoped3A_78, %dma_wait3A] : memref<9x128xi32, #tpu.memory_space<vmem>> -> memref<1x128xi32, #tpu.memory_space<vmem>>
        %dma_wait3A_93 = tpu.memref_squeeze %dma_wait3A_92 : memref<1x128xi32, #tpu.memory_space<vmem>> -> memref<128xi32, #tpu.memory_space<vmem>>
        %dma_wait3A_94 = arith.constant 0 : i32
        %dma_wait3A_95 = arith.constant 0 : i32
        %dma_wait3A_96 = tpu.memref_slice %arg11[%dma_wait3A_94, %dma_wait3A_95] : memref<10240x128xf32, #tpu.memory_space<vmem_shared>> -> memref<10240x128xf32, #tpu.memory_space<vmem_shared>>
        tpu.wait_indirect_dma semaphore(%run_scoped3A_86 : memref<!tpu.dma_semaphore, #tpu.memory_space<semaphore_mem>>) src(%arg10 : memref<128x128xf32, #tpu.memory_space<vmem>>) dst(%dma_wait3A_96 : memref<10240x128xf32, #tpu.memory_space<vmem_shared>>)
        tpu.yield
      }) : () -> ()
      %run_scoped3A_79 = arith.constant 8 : i32
      "tpu.region"() ({
        %run_scoped3A_86 = tpu.sem_alloc : memref<!tpu.dma_semaphore, #tpu.memory_space<semaphore_mem>>
        %dma_start3A = arith.constant 0 : i32
        %dma_start3A_87 = tpu.memref_slice %arg7[%run_scoped3A_79, %dma_start3A] : memref<9x128xi32, #tpu.memory_space<vmem>> -> memref<1x128xi32, #tpu.memory_space<vmem>>
        %dma_start3A_88 = tpu.memref_squeeze %dma_start3A_87 : memref<1x128xi32, #tpu.memory_space<vmem>> -> memref<128xi32, #tpu.memory_space<vmem>>
        %dma_start3A_89 = arith.constant 0 : i32
        %dma_start3A_90 = arith.constant 0 : i32
        %dma_start3A_91 = tpu.memref_slice %arg2[%dma_start3A_89, %dma_start3A_90] : memref<10240x128xf32, #tpu.memory_space<hbm>> -> memref<10240x128xf32, #tpu.memory_space<hbm>>
        tpu.enqueue_indirect_dma source(%dma_start3A_91 : memref<10240x128xf32, #tpu.memory_space<hbm>>) target(%arg10 : memref<128x128xf32, #tpu.memory_space<vmem>>) offsets(%dma_start3A_88 : memref<128xi32, #tpu.memory_space<vmem>>) semaphore(%run_scoped3A_86 : memref<!tpu.dma_semaphore, #tpu.memory_space<semaphore_mem>>)
        %dma_wait3A = arith.constant 0 : i32
        %dma_wait3A_92 = tpu.memref_slice %arg7[%run_scoped3A_79, %dma_wait3A] : memref<9x128xi32, #tpu.memory_space<vmem>> -> memref<1x128xi32, #tpu.memory_space<vmem>>
        %dma_wait3A_93 = tpu.memref_squeeze %dma_wait3A_92 : memref<1x128xi32, #tpu.memory_space<vmem>> -> memref<128xi32, #tpu.memory_space<vmem>>
        %dma_wait3A_94 = arith.constant 0 : i32
        %dma_wait3A_95 = arith.constant 0 : i32
        %dma_wait3A_96 = tpu.memref_slice %arg2[%dma_wait3A_94, %dma_wait3A_95] : memref<10240x128xf32, #tpu.memory_space<hbm>> -> memref<10240x128xf32, #tpu.memory_space<hbm>>
        tpu.wait_indirect_dma semaphore(%run_scoped3A_86 : memref<!tpu.dma_semaphore, #tpu.memory_space<semaphore_mem>>) src(%dma_wait3A_96 : memref<10240x128xf32, #tpu.memory_space<hbm>>) dst(%arg10 : memref<128x128xf32, #tpu.memory_space<vmem>>)
        tpu.yield
      }) : () -> ()
      %scan3A_80 = arith.constant 0 : i32
      %scan3A_81 = arith.constant 128 : i32
      %scan3A_82 = arith.addi %scan3A_80, %scan3A_81 : i32
      %scan3A_83 = arith.constant 1 : i32
      scf.for %scan3A_86 = %scan3A_80 to %scan3A_82 step %scan3A_83  : i32 {
        %mul3A_87 = arith.constant 1 : i32
        %mul3A_88 = arith.muli %scan3A_86, %mul3A_87 : i32
        %add3A_89 = arith.constant 0 : i32
        %add3A_90 = arith.addi %add3A_89, %mul3A_88 : i32
        %broadcast_in_dim3A_91 = arith.constant 8 : i32
        %broadcast_in_dim3A_92 = vector.broadcast %broadcast_in_dim3A_91 : i32 to vector<16xi32>
        %broadcast_in_dim3A_93 = vector.broadcast %add3A_90 : i32 to vector<16xi32>
        %gather3A = tpu.vector_load_idx %arg9[%broadcast_in_dim3A_92, %broadcast_in_dim3A_93] : memref<9x128xf32, #tpu.memory_space<vmem>>[vector<16xi32>, vector<16xi32>], vector<16xf32>,
        %get3A = arith.index_cast %add3A_90 : i32 to index
        %get3A_94 = arith.constant 0 : index
        %get3A_95 = tpu.vector_load %arg10[%get3A, %get3A_94] {strides = array<i32>} : memref<128x128xf32, #tpu.memory_space<vmem>>, vector<16xf32>,
        %mul3A_96 = arith.mulf %get3A_95, %gather3A : vector<16xf32>
        %swap3A = arith.index_cast %add3A_90 : i32 to index
        %swap3A_97 = arith.constant 0 : index
        %swap3A_98 = tpu.vector_load %arg10[%swap3A, %swap3A_97] {strides = array<i32>} : memref<128x128xf32, #tpu.memory_space<vmem>>, vector<16xf32>,
        tpu.vector_store %arg10[%swap3A, %swap3A_97], %mul3A_96 {strides = array<i32>} : memref<128x128xf32, #tpu.memory_space<vmem>>, vector<16xf32>,
        %get3A_99 = arith.index_cast %add3A_90 : i32 to index
        %get3A_100 = arith.constant 16 : index
        %get3A_101 = tpu.vector_load %arg10[%get3A_99, %get3A_100] {strides = array<i32>} : memref<128x128xf32, #tpu.memory_space<vmem>>, vector<16xf32>,
        %mul3A_102 = arith.mulf %get3A_101, %gather3A : vector<16xf32>
        %swap3A_103 = arith.index_cast %add3A_90 : i32 to index
        %swap3A_104 = arith.constant 16 : index
        %swap3A_105 = tpu.vector_load %arg10[%swap3A_103, %swap3A_104] {strides = array<i32>} : memref<128x128xf32, #tpu.memory_space<vmem>>, vector<16xf32>,
        tpu.vector_store %arg10[%swap3A_103, %swap3A_104], %mul3A_102 {strides = array<i32>} : memref<128x128xf32, #tpu.memory_space<vmem>>, vector<16xf32>,
        %get3A_106 = arith.index_cast %add3A_90 : i32 to index
        %get3A_107 = arith.constant 32 : index
        %get3A_108 = tpu.vector_load %arg10[%get3A_106, %get3A_107] {strides = array<i32>} : memref<128x128xf32, #tpu.memory_space<vmem>>, vector<16xf32>,
        %mul3A_109 = arith.mulf %get3A_108, %gather3A : vector<16xf32>
        %swap3A_110 = arith.index_cast %add3A_90 : i32 to index
        %swap3A_111 = arith.constant 32 : index
        %swap3A_112 = tpu.vector_load %arg10[%swap3A_110, %swap3A_111] {strides = array<i32>} : memref<128x128xf32, #tpu.memory_space<vmem>>, vector<16xf32>,
        tpu.vector_store %arg10[%swap3A_110, %swap3A_111], %mul3A_109 {strides = array<i32>} : memref<128x128xf32, #tpu.memory_space<vmem>>, vector<16xf32>,
        %get3A_113 = arith.index_cast %add3A_90 : i32 to index
        %get3A_114 = arith.constant 48 : index
        %get3A_115 = tpu.vector_load %arg10[%get3A_113, %get3A_114] {strides = array<i32>} : memref<128x128xf32, #tpu.memory_space<vmem>>, vector<16xf32>,
        %mul3A_116 = arith.mulf %get3A_115, %gather3A : vector<16xf32>
        %swap3A_117 = arith.index_cast %add3A_90 : i32 to index
        %swap3A_118 = arith.constant 48 : index
        %swap3A_119 = tpu.vector_load %arg10[%swap3A_117, %swap3A_118] {strides = array<i32>} : memref<128x128xf32, #tpu.memory_space<vmem>>, vector<16xf32>,
        tpu.vector_store %arg10[%swap3A_117, %swap3A_118], %mul3A_116 {strides = array<i32>} : memref<128x128xf32, #tpu.memory_space<vmem>>, vector<16xf32>,
        %get3A_120 = arith.index_cast %add3A_90 : i32 to index
        %get3A_121 = arith.constant 64 : index
        %get3A_122 = tpu.vector_load %arg10[%get3A_120, %get3A_121] {strides = array<i32>} : memref<128x128xf32, #tpu.memory_space<vmem>>, vector<16xf32>,
        %mul3A_123 = arith.mulf %get3A_122, %gather3A : vector<16xf32>
        %swap3A_124 = arith.index_cast %add3A_90 : i32 to index
        %swap3A_125 = arith.constant 64 : index
        %swap3A_126 = tpu.vector_load %arg10[%swap3A_124, %swap3A_125] {strides = array<i32>} : memref<128x128xf32, #tpu.memory_space<vmem>>, vector<16xf32>,
        tpu.vector_store %arg10[%swap3A_124, %swap3A_125], %mul3A_123 {strides = array<i32>} : memref<128x128xf32, #tpu.memory_space<vmem>>, vector<16xf32>,
        %get3A_127 = arith.index_cast %add3A_90 : i32 to index
        %get3A_128 = arith.constant 80 : index
        %get3A_129 = tpu.vector_load %arg10[%get3A_127, %get3A_128] {strides = array<i32>} : memref<128x128xf32, #tpu.memory_space<vmem>>, vector<16xf32>,
        %mul3A_130 = arith.mulf %get3A_129, %gather3A : vector<16xf32>
        %swap3A_131 = arith.index_cast %add3A_90 : i32 to index
        %swap3A_132 = arith.constant 80 : index
        %swap3A_133 = tpu.vector_load %arg10[%swap3A_131, %swap3A_132] {strides = array<i32>} : memref<128x128xf32, #tpu.memory_space<vmem>>, vector<16xf32>,
        tpu.vector_store %arg10[%swap3A_131, %swap3A_132], %mul3A_130 {strides = array<i32>} : memref<128x128xf32, #tpu.memory_space<vmem>>, vector<16xf32>,
        %get3A_134 = arith.index_cast %add3A_90 : i32 to index
        %get3A_135 = arith.constant 96 : index
        %get3A_136 = tpu.vector_load %arg10[%get3A_134, %get3A_135] {strides = array<i32>} : memref<128x128xf32, #tpu.memory_space<vmem>>, vector<16xf32>,
        %mul3A_137 = arith.mulf %get3A_136, %gather3A : vector<16xf32>
        %swap3A_138 = arith.index_cast %add3A_90 : i32 to index
        %swap3A_139 = arith.constant 96 : index
        %swap3A_140 = tpu.vector_load %arg10[%swap3A_138, %swap3A_139] {strides = array<i32>} : memref<128x128xf32, #tpu.memory_space<vmem>>, vector<16xf32>,
        tpu.vector_store %arg10[%swap3A_138, %swap3A_139], %mul3A_137 {strides = array<i32>} : memref<128x128xf32, #tpu.memory_space<vmem>>, vector<16xf32>,
        %get3A_141 = arith.index_cast %add3A_90 : i32 to index
        %get3A_142 = arith.constant 112 : index
        %get3A_143 = tpu.vector_load %arg10[%get3A_141, %get3A_142] {strides = array<i32>} : memref<128x128xf32, #tpu.memory_space<vmem>>, vector<16xf32>,
        %mul3A_144 = arith.mulf %get3A_143, %gather3A : vector<16xf32>
        %swap3A_145 = arith.index_cast %add3A_90 : i32 to index
        %swap3A_146 = arith.constant 112 : index
        %swap3A_147 = tpu.vector_load %arg10[%swap3A_145, %swap3A_146] {strides = array<i32>} : memref<128x128xf32, #tpu.memory_space<vmem>>, vector<16xf32>,
        tpu.vector_store %arg10[%swap3A_145, %swap3A_146], %mul3A_144 {strides = array<i32>} : memref<128x128xf32, #tpu.memory_space<vmem>>, vector<16xf32>,
      }
      %scan3A_84 = arith.constant 128 : i32
      %run_scoped3A_85 = arith.constant 8 : i32
      "tpu.region"() ({
        %run_scoped3A_86 = tpu.sem_alloc : memref<!tpu.dma_semaphore, #tpu.memory_space<semaphore_mem>>
        %dma_start3A = arith.constant 0 : i32
        %dma_start3A_87 = tpu.memref_slice %arg8[%run_scoped3A_85, %dma_start3A] : memref<9x128xi32, #tpu.memory_space<vmem>> -> memref<1x128xi32, #tpu.memory_space<vmem>>
        %dma_start3A_88 = tpu.memref_squeeze %dma_start3A_87 : memref<1x128xi32, #tpu.memory_space<vmem>> -> memref<128xi32, #tpu.memory_space<vmem>>
        %dma_start3A_89 = arith.constant 0 : i32
        %dma_start3A_90 = arith.constant 0 : i32
        %dma_start3A_91 = tpu.memref_slice %arg11[%dma_start3A_89, %dma_start3A_90] : memref<10240x128xf32, #tpu.memory_space<vmem_shared>> -> memref<10240x128xf32, #tpu.memory_space<vmem_shared>>
        tpu.enqueue_indirect_dma source(%arg10 : memref<128x128xf32, #tpu.memory_space<vmem>>) target(%dma_start3A_91 : memref<10240x128xf32, #tpu.memory_space<vmem_shared>>) offsets(%dma_start3A_88 : memref<128xi32, #tpu.memory_space<vmem>>) semaphore(%run_scoped3A_86 : memref<!tpu.dma_semaphore, #tpu.memory_space<semaphore_mem>>) {add = true}
        %dma_wait3A = arith.constant 0 : i32
        %dma_wait3A_92 = tpu.memref_slice %arg8[%run_scoped3A_85, %dma_wait3A] : memref<9x128xi32, #tpu.memory_space<vmem>> -> memref<1x128xi32, #tpu.memory_space<vmem>>
        %dma_wait3A_93 = tpu.memref_squeeze %dma_wait3A_92 : memref<1x128xi32, #tpu.memory_space<vmem>> -> memref<128xi32, #tpu.memory_space<vmem>>
        %dma_wait3A_94 = arith.constant 0 : i32
        %dma_wait3A_95 = arith.constant 0 : i32
        %dma_wait3A_96 = tpu.memref_slice %arg11[%dma_wait3A_94, %dma_wait3A_95] : memref<10240x128xf32, #tpu.memory_space<vmem_shared>> -> memref<10240x128xf32, #tpu.memory_space<vmem_shared>>
        tpu.wait_indirect_dma semaphore(%run_scoped3A_86 : memref<!tpu.dma_semaphore, #tpu.memory_space<semaphore_mem>>) src(%arg10 : memref<128x128xf32, #tpu.memory_space<vmem>>) dst(%dma_wait3A_96 : memref<10240x128xf32, #tpu.memory_space<vmem_shared>>)
        tpu.yield
      }) : () -> ()
    }
    %scan3A_15 = arith.constant 9 : i32
    %barrier3A_16 = arith.constant 0 : index
    tpu.barrier barrier_id(%barrier3A_16)
    %mul3A_17 = arith.constant 640 : i32
    %mul3A_18 = arith.muli %arg1, %mul3A_17 : i32
    %multiple_of3A = tpu.assume_multiple %mul3A_18, 8 : i32
    "tpu.region"() ({
      %run_scoped3A = tpu.sem_alloc : memref<!tpu.dma_semaphore, #tpu.memory_space<semaphore_mem>>
      %dma_start3A = arith.constant 0 : i32
      %dma_start3A_19 = tpu.memref_slice %arg6[%arg0, %multiple_of3A, %dma_start3A] : memref<2x10240x128xf32, #tpu.memory_space<hbm>> -> memref<1x640x128xf32, #tpu.memory_space<hbm>>
      %dma_start3A_20 = tpu.memref_squeeze %dma_start3A_19 : memref<1x640x128xf32, #tpu.memory_space<hbm>> -> memref<640x128xf32, #tpu.memory_space<hbm>>
      %dma_start3A_21 = arith.constant 0 : i32
      %dma_start3A_22 = tpu.memref_slice %arg11[%multiple_of3A, %dma_start3A_21] : memref<10240x128xf32, #tpu.memory_space<vmem_shared>> -> memref<640x128xf32, #tpu.memory_space<vmem_shared>>
      tpu.enqueue_dma source(%dma_start3A_22 : memref<640x128xf32, #tpu.memory_space<vmem_shared>>) target(%dma_start3A_20 : memref<640x128xf32, #tpu.memory_space<hbm>>) target_semaphore(%run_scoped3A : memref<!tpu.dma_semaphore, #tpu.memory_space<semaphore_mem>>)
      %dma_wait3A = arith.constant 0 : i32
      %dma_wait3A_23 = tpu.memref_slice %arg6[%arg0, %multiple_of3A, %dma_wait3A] : memref<2x10240x128xf32, #tpu.memory_space<hbm>> -> memref<1x640x128xf32, #tpu.memory_space<hbm>>
      %dma_wait3A_24 = tpu.memref_squeeze %dma_wait3A_23 : memref<1x640x128xf32, #tpu.memory_space<hbm>> -> memref<640x128xf32, #tpu.memory_space<hbm>>
      %dma_wait3A_25 = arith.constant 0 : i32
      %dma_wait3A_26 = tpu.memref_slice %arg11[%multiple_of3A, %dma_wait3A_25] : memref<10240x128xf32, #tpu.memory_space<vmem_shared>> -> memref<640x128xf32, #tpu.memory_space<vmem_shared>>
      tpu.wait_dma2 semaphore(%run_scoped3A : memref<!tpu.dma_semaphore, #tpu.memory_space<semaphore_mem>>) src(%dma_wait3A_26 : memref<640x128xf32, #tpu.memory_space<vmem_shared>>) dst(%dma_wait3A_24 : memref<640x128xf32, #tpu.memory_space<hbm>>)
      tpu.yield
    }) : () -> ()
    return
  }
}

#map = affine_map<(d0, d1) -> (0, 0)>
#map1 = affine_map<(d0, d1) -> (0, 0, 0, 0)>
#map2 = affine_map<(d0, d1) -> (0, 0, 0)>
module attributes {stable_mosaic.version = 14 : i64} {
  func.func @_sc_rows_body(%arg0: i32, %arg1: i32, %arg2: memref<10240x128xf32, #tpu.memory_space<hbm>>, %arg3: memref<32x9x9x128xi32, #tpu.memory_space<hbm>>, %arg4: memref<32x9x9x128xi32, #tpu.memory_space<hbm>>, %arg5: memref<32x9x9x128xf32, #tpu.memory_space<hbm>>, %arg6: memref<2x10240x128xf32, #tpu.memory_space<hbm>>, %arg7: memref<9x128xi32, #tpu.memory_space<vmem>>, %arg8: memref<9x128xi32, #tpu.memory_space<vmem>>, %arg9: memref<9x128xf32, #tpu.memory_space<vmem>>, %arg10: memref<128x128xf32, #tpu.memory_space<vmem>>, %arg11: memref<10240x128xf32, #tpu.memory_space<vmem_shared>>) attributes {dimension_semantics = [#tpu.dimension_semantics<core_parallel>, #tpu.dimension_semantics<subcore_parallel>], iteration_bounds = array<i64: 2, 16>, scalar_prefetch = 0 : i64, scratch_operands = 5 : i64, tpu.core_type = #tpu.core_type<sc_vector_subcore>, window_params = [{transform_indices = #map}, {transform_indices = #map1}, {transform_indices = #map1}, {transform_indices = #map1}, {transform_indices = #map2}]} {
    %mul3A = arith.constant 2 : i32
    %mul3A_0 = arith.muli %arg1, %mul3A : i32
    %add3A = arith.addi %mul3A_0, %arg0 : i32
    %broadcast_in_dim3A = arith.constant 0.000000e+00 : f32
    %broadcast_in_dim3A_1 = vector.broadcast %broadcast_in_dim3A : f32 to vector<16xf32>
    %scan3A = arith.constant 0 : i32
    %scan3A_2 = arith.constant 128 : i32
    %scan3A_3 = arith.addi %scan3A, %scan3A_2 : i32
    %scan3A_4 = arith.constant 1 : i32
    scf.for %scan3A_19 = %scan3A to %scan3A_3 step %scan3A_4  : i32 {
      %mul3A_20 = arith.constant 1 : i32
      %mul3A_21 = arith.muli %scan3A_19, %mul3A_20 : i32
      %add3A_22 = arith.constant 0 : i32
      %add3A_23 = arith.addi %add3A_22, %mul3A_21 : i32
      %swap3A = arith.index_cast %add3A_23 : i32 to index
      %swap3A_24 = arith.constant 0 : index
      %swap3A_25 = tpu.vector_load %arg10[%swap3A, %swap3A_24] {strides = array<i32>} : memref<128x128xf32, #tpu.memory_space<vmem>>, vector<16xf32>,
      tpu.vector_store %arg10[%swap3A, %swap3A_24], %broadcast_in_dim3A_1 {strides = array<i32>} : memref<128x128xf32, #tpu.memory_space<vmem>>, vector<16xf32>,
      %swap3A_26 = arith.index_cast %add3A_23 : i32 to index
      %swap3A_27 = arith.constant 16 : index
      %swap3A_28 = tpu.vector_load %arg10[%swap3A_26, %swap3A_27] {strides = array<i32>} : memref<128x128xf32, #tpu.memory_space<vmem>>, vector<16xf32>,
      tpu.vector_store %arg10[%swap3A_26, %swap3A_27], %broadcast_in_dim3A_1 {strides = array<i32>} : memref<128x128xf32, #tpu.memory_space<vmem>>, vector<16xf32>,
      %swap3A_29 = arith.index_cast %add3A_23 : i32 to index
      %swap3A_30 = arith.constant 32 : index
      %swap3A_31 = tpu.vector_load %arg10[%swap3A_29, %swap3A_30] {strides = array<i32>} : memref<128x128xf32, #tpu.memory_space<vmem>>, vector<16xf32>,
      tpu.vector_store %arg10[%swap3A_29, %swap3A_30], %broadcast_in_dim3A_1 {strides = array<i32>} : memref<128x128xf32, #tpu.memory_space<vmem>>, vector<16xf32>,
      %swap3A_32 = arith.index_cast %add3A_23 : i32 to index
      %swap3A_33 = arith.constant 48 : index
      %swap3A_34 = tpu.vector_load %arg10[%swap3A_32, %swap3A_33] {strides = array<i32>} : memref<128x128xf32, #tpu.memory_space<vmem>>, vector<16xf32>,
      tpu.vector_store %arg10[%swap3A_32, %swap3A_33], %broadcast_in_dim3A_1 {strides = array<i32>} : memref<128x128xf32, #tpu.memory_space<vmem>>, vector<16xf32>,
      %swap3A_35 = arith.index_cast %add3A_23 : i32 to index
      %swap3A_36 = arith.constant 64 : index
      %swap3A_37 = tpu.vector_load %arg10[%swap3A_35, %swap3A_36] {strides = array<i32>} : memref<128x128xf32, #tpu.memory_space<vmem>>, vector<16xf32>,
      tpu.vector_store %arg10[%swap3A_35, %swap3A_36], %broadcast_in_dim3A_1 {strides = array<i32>} : memref<128x128xf32, #tpu.memory_space<vmem>>, vector<16xf32>,
      %swap3A_38 = arith.index_cast %add3A_23 : i32 to index
      %swap3A_39 = arith.constant 80 : index
      %swap3A_40 = tpu.vector_load %arg10[%swap3A_38, %swap3A_39] {strides = array<i32>} : memref<128x128xf32, #tpu.memory_space<vmem>>, vector<16xf32>,
      tpu.vector_store %arg10[%swap3A_38, %swap3A_39], %broadcast_in_dim3A_1 {strides = array<i32>} : memref<128x128xf32, #tpu.memory_space<vmem>>, vector<16xf32>,
      %swap3A_41 = arith.index_cast %add3A_23 : i32 to index
      %swap3A_42 = arith.constant 96 : index
      %swap3A_43 = tpu.vector_load %arg10[%swap3A_41, %swap3A_42] {strides = array<i32>} : memref<128x128xf32, #tpu.memory_space<vmem>>, vector<16xf32>,
      tpu.vector_store %arg10[%swap3A_41, %swap3A_42], %broadcast_in_dim3A_1 {strides = array<i32>} : memref<128x128xf32, #tpu.memory_space<vmem>>, vector<16xf32>,
      %swap3A_44 = arith.index_cast %add3A_23 : i32 to index
      %swap3A_45 = arith.constant 112 : index
      %swap3A_46 = tpu.vector_load %arg10[%swap3A_44, %swap3A_45] {strides = array<i32>} : memref<128x128xf32, #tpu.memory_space<vmem>>, vector<16xf32>,
      tpu.vector_store %arg10[%swap3A_44, %swap3A_45], %broadcast_in_dim3A_1 {strides = array<i32>} : memref<128x128xf32, #tpu.memory_space<vmem>>, vector<16xf32>,
    }
    %scan3A_5 = arith.constant 128 : i32
    %scan3A_6 = arith.constant 0 : i32
    %scan3A_7 = arith.constant 5 : i32
    %scan3A_8 = arith.addi %scan3A_6, %scan3A_7 : i32
    %scan3A_9 = arith.constant 1 : i32
    scf.for %scan3A_19 = %scan3A_6 to %scan3A_8 step %scan3A_9  : i32 {
      %mul3A_20 = arith.constant 1 : i32
      %mul3A_21 = arith.muli %scan3A_19, %mul3A_20 : i32
      %add3A_22 = arith.constant 0 : i32
      %add3A_23 = arith.addi %add3A_22, %mul3A_21 : i32
      %mul3A_24 = arith.constant 640 : i32
      %mul3A_25 = arith.muli %arg1, %mul3A_24 : i32
      %mul3A_26 = arith.constant 128 : i32
      %mul3A_27 = arith.muli %add3A_23, %mul3A_26 : i32
      %add3A_28 = arith.addi %mul3A_25, %mul3A_27 : i32
      %multiple_of3A_29 = tpu.assume_multiple %add3A_28, 8 : i32
      "tpu.region"() ({
        %run_scoped3A = tpu.sem_alloc : memref<!tpu.dma_semaphore, #tpu.memory_space<semaphore_mem>>
        %dma_start3A = arith.constant 0 : i32
        %dma_start3A_30 = tpu.memref_slice %arg11[%multiple_of3A_29, %dma_start3A] : memref<10240x128xf32, #tpu.memory_space<vmem_shared>> -> memref<128x128xf32, #tpu.memory_space<vmem_shared>>
        %dma_start3A_31 = arith.constant 0 : i32
        %dma_start3A_32 = tpu.memref_slice %arg11[%multiple_of3A_29, %dma_start3A_31] : memref<10240x128xf32, #tpu.memory_space<vmem_shared>> -> memref<128x128xf32, #tpu.memory_space<vmem_shared>>
        tpu.enqueue_dma source(%arg10 : memref<128x128xf32, #tpu.memory_space<vmem>>) target(%dma_start3A_32 : memref<128x128xf32, #tpu.memory_space<vmem_shared>>) target_semaphore(%run_scoped3A : memref<!tpu.dma_semaphore, #tpu.memory_space<semaphore_mem>>)
        %dma_wait3A = arith.constant 0 : i32
        %dma_wait3A_33 = tpu.memref_slice %arg11[%multiple_of3A_29, %dma_wait3A] : memref<10240x128xf32, #tpu.memory_space<vmem_shared>> -> memref<128x128xf32, #tpu.memory_space<vmem_shared>>
        %dma_wait3A_34 = arith.constant 0 : i32
        %dma_wait3A_35 = tpu.memref_slice %arg11[%multiple_of3A_29, %dma_wait3A_34] : memref<10240x128xf32, #tpu.memory_space<vmem_shared>> -> memref<128x128xf32, #tpu.memory_space<vmem_shared>>
        tpu.wait_dma2 semaphore(%run_scoped3A : memref<!tpu.dma_semaphore, #tpu.memory_space<semaphore_mem>>) src(%arg10 : memref<128x128xf32, #tpu.memory_space<vmem>>) dst(%dma_wait3A_35 : memref<128x128xf32, #tpu.memory_space<vmem_shared>>)
        tpu.yield
      }) : () -> ()
    }
    %scan3A_10 = arith.constant 5 : i32
    %barrier3A = arith.constant 0 : index
    tpu.barrier barrier_id(%barrier3A)
    %scan3A_11 = arith.constant 0 : i32
    %scan3A_12 = arith.constant 9 : i32
    %scan3A_13 = arith.addi %scan3A_11, %scan3A_12 : i32
    %scan3A_14 = arith.constant 1 : i32
    scf.for %scan3A_19 = %scan3A_11 to %scan3A_13 step %scan3A_14  : i32 {
      %mul3A_20 = arith.constant 1 : i32
      %mul3A_21 = arith.muli %scan3A_19, %mul3A_20 : i32
      %add3A_22 = arith.constant 0 : i32
      %add3A_23 = arith.addi %add3A_22, %mul3A_21 : i32
      "tpu.region"() ({
        %run_scoped3A_86 = tpu.sem_alloc : memref<!tpu.dma_semaphore, #tpu.memory_space<semaphore_mem>>
        %dma_start3A = arith.constant 0 : i32
        %dma_start3A_87 = arith.constant 0 : i32
        %dma_start3A_88 = tpu.memref_slice %arg3[%add3A, %add3A_23, %dma_start3A, %dma_start3A_87] : memref<32x9x9x128xi32, #tpu.memory_space<hbm>> -> memref<1x1x9x128xi32, #tpu.memory_space<hbm>>
        %dma_start3A_89 = tpu.memref_squeeze %dma_start3A_88 : memref<1x1x9x128xi32, #tpu.memory_space<hbm>> -> memref<9x128xi32, #tpu.memory_space<hbm>>
        %dma_start3A_90 = arith.constant 0 : i32
        %dma_start3A_91 = arith.constant 0 : i32
        %dma_start3A_92 = tpu.memref_slice %arg3[%add3A, %add3A_23, %dma_start3A_90, %dma_start3A_91] : memref<32x9x9x128xi32, #tpu.memory_space<hbm>> -> memref<1x1x9x128xi32, #tpu.memory_space<hbm>>
        %dma_start3A_93 = tpu.memref_squeeze %dma_start3A_92 : memref<1x1x9x128xi32, #tpu.memory_space<hbm>> -> memref<9x128xi32, #tpu.memory_space<hbm>>
        tpu.enqueue_dma source(%dma_start3A_93 : memref<9x128xi32, #tpu.memory_space<hbm>>) target(%arg7 : memref<9x128xi32, #tpu.memory_space<vmem>>) target_semaphore(%run_scoped3A_86 : memref<!tpu.dma_semaphore, #tpu.memory_space<semaphore_mem>>)
        %dma_wait3A = arith.constant 0 : i32
        %dma_wait3A_94 = arith.constant 0 : i32
        %dma_wait3A_95 = tpu.memref_slice %arg3[%add3A, %add3A_23, %dma_wait3A, %dma_wait3A_94] : memref<32x9x9x128xi32, #tpu.memory_space<hbm>> -> memref<1x1x9x128xi32, #tpu.memory_space<hbm>>
        %dma_wait3A_96 = tpu.memref_squeeze %dma_wait3A_95 : memref<1x1x9x128xi32, #tpu.memory_space<hbm>> -> memref<9x128xi32, #tpu.memory_space<hbm>>
        %dma_wait3A_97 = arith.constant 0 : i32
        %dma_wait3A_98 = arith.constant 0 : i32
        %dma_wait3A_99 = tpu.memref_slice %arg3[%add3A, %add3A_23, %dma_wait3A_97, %dma_wait3A_98] : memref<32x9x9x128xi32, #tpu.memory_space<hbm>> -> memref<1x1x9x128xi32, #tpu.memory_space<hbm>>
        %dma_wait3A_100 = tpu.memref_squeeze %dma_wait3A_99 : memref<1x1x9x128xi32, #tpu.memory_space<hbm>> -> memref<9x128xi32, #tpu.memory_space<hbm>>
        tpu.wait_dma2 semaphore(%run_scoped3A_86 : memref<!tpu.dma_semaphore, #tpu.memory_space<semaphore_mem>>) src(%dma_wait3A_100 : memref<9x128xi32, #tpu.memory_space<hbm>>) dst(%arg7 : memref<9x128xi32, #tpu.memory_space<vmem>>)
        tpu.yield
      }) : () -> ()
      "tpu.region"() ({
        %run_scoped3A_86 = tpu.sem_alloc : memref<!tpu.dma_semaphore, #tpu.memory_space<semaphore_mem>>
        %dma_start3A = arith.constant 0 : i32
        %dma_start3A_87 = arith.constant 0 : i32
        %dma_start3A_88 = tpu.memref_slice %arg4[%add3A, %add3A_23, %dma_start3A, %dma_start3A_87] : memref<32x9x9x128xi32, #tpu.memory_space<hbm>> -> memref<1x1x9x128xi32, #tpu.memory_space<hbm>>
        %dma_start3A_89 = tpu.memref_squeeze %dma_start3A_88 : memref<1x1x9x128xi32, #tpu.memory_space<hbm>> -> memref<9x128xi32, #tpu.memory_space<hbm>>
        %dma_start3A_90 = arith.constant 0 : i32
        %dma_start3A_91 = arith.constant 0 : i32
        %dma_start3A_92 = tpu.memref_slice %arg4[%add3A, %add3A_23, %dma_start3A_90, %dma_start3A_91] : memref<32x9x9x128xi32, #tpu.memory_space<hbm>> -> memref<1x1x9x128xi32, #tpu.memory_space<hbm>>
        %dma_start3A_93 = tpu.memref_squeeze %dma_start3A_92 : memref<1x1x9x128xi32, #tpu.memory_space<hbm>> -> memref<9x128xi32, #tpu.memory_space<hbm>>
        tpu.enqueue_dma source(%dma_start3A_93 : memref<9x128xi32, #tpu.memory_space<hbm>>) target(%arg8 : memref<9x128xi32, #tpu.memory_space<vmem>>) target_semaphore(%run_scoped3A_86 : memref<!tpu.dma_semaphore, #tpu.memory_space<semaphore_mem>>)
        %dma_wait3A = arith.constant 0 : i32
        %dma_wait3A_94 = arith.constant 0 : i32
        %dma_wait3A_95 = tpu.memref_slice %arg4[%add3A, %add3A_23, %dma_wait3A, %dma_wait3A_94] : memref<32x9x9x128xi32, #tpu.memory_space<hbm>> -> memref<1x1x9x128xi32, #tpu.memory_space<hbm>>
        %dma_wait3A_96 = tpu.memref_squeeze %dma_wait3A_95 : memref<1x1x9x128xi32, #tpu.memory_space<hbm>> -> memref<9x128xi32, #tpu.memory_space<hbm>>
        %dma_wait3A_97 = arith.constant 0 : i32
        %dma_wait3A_98 = arith.constant 0 : i32
        %dma_wait3A_99 = tpu.memref_slice %arg4[%add3A, %add3A_23, %dma_wait3A_97, %dma_wait3A_98] : memref<32x9x9x128xi32, #tpu.memory_space<hbm>> -> memref<1x1x9x128xi32, #tpu.memory_space<hbm>>
        %dma_wait3A_100 = tpu.memref_squeeze %dma_wait3A_99 : memref<1x1x9x128xi32, #tpu.memory_space<hbm>> -> memref<9x128xi32, #tpu.memory_space<hbm>>
        tpu.wait_dma2 semaphore(%run_scoped3A_86 : memref<!tpu.dma_semaphore, #tpu.memory_space<semaphore_mem>>) src(%dma_wait3A_100 : memref<9x128xi32, #tpu.memory_space<hbm>>) dst(%arg8 : memref<9x128xi32, #tpu.memory_space<vmem>>)
        tpu.yield
      }) : () -> ()
      "tpu.region"() ({
        %run_scoped3A_86 = tpu.sem_alloc : memref<!tpu.dma_semaphore, #tpu.memory_space<semaphore_mem>>
        %dma_start3A = arith.constant 0 : i32
        %dma_start3A_87 = arith.constant 0 : i32
        %dma_start3A_88 = tpu.memref_slice %arg5[%add3A, %add3A_23, %dma_start3A, %dma_start3A_87] : memref<32x9x9x128xf32, #tpu.memory_space<hbm>> -> memref<1x1x9x128xf32, #tpu.memory_space<hbm>>
        %dma_start3A_89 = tpu.memref_squeeze %dma_start3A_88 : memref<1x1x9x128xf32, #tpu.memory_space<hbm>> -> memref<9x128xf32, #tpu.memory_space<hbm>>
        %dma_start3A_90 = arith.constant 0 : i32
        %dma_start3A_91 = arith.constant 0 : i32
        %dma_start3A_92 = tpu.memref_slice %arg5[%add3A, %add3A_23, %dma_start3A_90, %dma_start3A_91] : memref<32x9x9x128xf32, #tpu.memory_space<hbm>> -> memref<1x1x9x128xf32, #tpu.memory_space<hbm>>
        %dma_start3A_93 = tpu.memref_squeeze %dma_start3A_92 : memref<1x1x9x128xf32, #tpu.memory_space<hbm>> -> memref<9x128xf32, #tpu.memory_space<hbm>>
        tpu.enqueue_dma source(%dma_start3A_93 : memref<9x128xf32, #tpu.memory_space<hbm>>) target(%arg9 : memref<9x128xf32, #tpu.memory_space<vmem>>) target_semaphore(%run_scoped3A_86 : memref<!tpu.dma_semaphore, #tpu.memory_space<semaphore_mem>>)
        %dma_wait3A = arith.constant 0 : i32
        %dma_wait3A_94 = arith.constant 0 : i32
        %dma_wait3A_95 = tpu.memref_slice %arg5[%add3A, %add3A_23, %dma_wait3A, %dma_wait3A_94] : memref<32x9x9x128xf32, #tpu.memory_space<hbm>> -> memref<1x1x9x128xf32, #tpu.memory_space<hbm>>
        %dma_wait3A_96 = tpu.memref_squeeze %dma_wait3A_95 : memref<1x1x9x128xf32, #tpu.memory_space<hbm>> -> memref<9x128xf32, #tpu.memory_space<hbm>>
        %dma_wait3A_97 = arith.constant 0 : i32
        %dma_wait3A_98 = arith.constant 0 : i32
        %dma_wait3A_99 = tpu.memref_slice %arg5[%add3A, %add3A_23, %dma_wait3A_97, %dma_wait3A_98] : memref<32x9x9x128xf32, #tpu.memory_space<hbm>> -> memref<1x1x9x128xf32, #tpu.memory_space<hbm>>
        %dma_wait3A_100 = tpu.memref_squeeze %dma_wait3A_99 : memref<1x1x9x128xf32, #tpu.memory_space<hbm>> -> memref<9x128xf32, #tpu.memory_space<hbm>>
        tpu.wait_dma2 semaphore(%run_scoped3A_86 : memref<!tpu.dma_semaphore, #tpu.memory_space<semaphore_mem>>) src(%dma_wait3A_100 : memref<9x128xf32, #tpu.memory_space<hbm>>) dst(%arg9 : memref<9x128xf32, #tpu.memory_space<vmem>>)
        tpu.yield
      }) : () -> ()
      %run_scoped3A = arith.constant 0 : i32
      "tpu.region"() ({
        %run_scoped3A_86 = tpu.sem_alloc : memref<!tpu.dma_semaphore, #tpu.memory_space<semaphore_mem>>
        %dma_start3A = arith.constant 0 : i32
        %dma_start3A_87 = tpu.memref_slice %arg7[%run_scoped3A, %dma_start3A] : memref<9x128xi32, #tpu.memory_space<vmem>> -> memref<1x128xi32, #tpu.memory_space<vmem>>
        %dma_start3A_88 = tpu.memref_squeeze %dma_start3A_87 : memref<1x128xi32, #tpu.memory_space<vmem>> -> memref<128xi32, #tpu.memory_space<vmem>>
        %dma_start3A_89 = arith.constant 0 : i32
        %dma_start3A_90 = arith.constant 0 : i32
        %dma_start3A_91 = tpu.memref_slice %arg2[%dma_start3A_89, %dma_start3A_90] : memref<10240x128xf32, #tpu.memory_space<hbm>> -> memref<10240x128xf32, #tpu.memory_space<hbm>>
        tpu.enqueue_indirect_dma source(%dma_start3A_91 : memref<10240x128xf32, #tpu.memory_space<hbm>>) target(%arg10 : memref<128x128xf32, #tpu.memory_space<vmem>>) offsets(%dma_start3A_88 : memref<128xi32, #tpu.memory_space<vmem>>) semaphore(%run_scoped3A_86 : memref<!tpu.dma_semaphore, #tpu.memory_space<semaphore_mem>>)
        %dma_wait3A = arith.constant 0 : i32
        %dma_wait3A_92 = tpu.memref_slice %arg7[%run_scoped3A, %dma_wait3A] : memref<9x128xi32, #tpu.memory_space<vmem>> -> memref<1x128xi32, #tpu.memory_space<vmem>>
        %dma_wait3A_93 = tpu.memref_squeeze %dma_wait3A_92 : memref<1x128xi32, #tpu.memory_space<vmem>> -> memref<128xi32, #tpu.memory_space<vmem>>
        %dma_wait3A_94 = arith.constant 0 : i32
        %dma_wait3A_95 = arith.constant 0 : i32
        %dma_wait3A_96 = tpu.memref_slice %arg2[%dma_wait3A_94, %dma_wait3A_95] : memref<10240x128xf32, #tpu.memory_space<hbm>> -> memref<10240x128xf32, #tpu.memory_space<hbm>>
        tpu.wait_indirect_dma semaphore(%run_scoped3A_86 : memref<!tpu.dma_semaphore, #tpu.memory_space<semaphore_mem>>) src(%dma_wait3A_96 : memref<10240x128xf32, #tpu.memory_space<hbm>>) dst(%arg10 : memref<128x128xf32, #tpu.memory_space<vmem>>)
        tpu.yield
      }) : () -> ()
      %scan3A_24 = arith.constant 0 : i32
      %scan3A_25 = arith.constant 128 : i32
      %scan3A_26 = arith.addi %scan3A_24, %scan3A_25 : i32
      %scan3A_27 = arith.constant 1 : i32
      scf.for %scan3A_86 = %scan3A_24 to %scan3A_26 step %scan3A_27  : i32 {
        %mul3A_87 = arith.constant 1 : i32
        %mul3A_88 = arith.muli %scan3A_86, %mul3A_87 : i32
        %add3A_89 = arith.constant 0 : i32
        %add3A_90 = arith.addi %add3A_89, %mul3A_88 : i32
        %broadcast_in_dim3A_91 = arith.constant 0 : i32
        %broadcast_in_dim3A_92 = vector.broadcast %broadcast_in_dim3A_91 : i32 to vector<16xi32>
        %broadcast_in_dim3A_93 = vector.broadcast %add3A_90 : i32 to vector<16xi32>
        %gather3A = tpu.vector_load_idx %arg9[%broadcast_in_dim3A_92, %broadcast_in_dim3A_93] : memref<9x128xf32, #tpu.memory_space<vmem>>[vector<16xi32>, vector<16xi32>], vector<16xf32>,
        %get3A = arith.index_cast %add3A_90 : i32 to index
        %get3A_94 = arith.constant 0 : index
        %get3A_95 = tpu.vector_load %arg10[%get3A, %get3A_94] {strides = array<i32>} : memref<128x128xf32, #tpu.memory_space<vmem>>, vector<16xf32>,
        %mul3A_96 = arith.mulf %get3A_95, %gather3A : vector<16xf32>
        %swap3A = arith.index_cast %add3A_90 : i32 to index
        %swap3A_97 = arith.constant 0 : index
        %swap3A_98 = tpu.vector_load %arg10[%swap3A, %swap3A_97] {strides = array<i32>} : memref<128x128xf32, #tpu.memory_space<vmem>>, vector<16xf32>,
        tpu.vector_store %arg10[%swap3A, %swap3A_97], %mul3A_96 {strides = array<i32>} : memref<128x128xf32, #tpu.memory_space<vmem>>, vector<16xf32>,
        %get3A_99 = arith.index_cast %add3A_90 : i32 to index
        %get3A_100 = arith.constant 16 : index
        %get3A_101 = tpu.vector_load %arg10[%get3A_99, %get3A_100] {strides = array<i32>} : memref<128x128xf32, #tpu.memory_space<vmem>>, vector<16xf32>,
        %mul3A_102 = arith.mulf %get3A_101, %gather3A : vector<16xf32>
        %swap3A_103 = arith.index_cast %add3A_90 : i32 to index
        %swap3A_104 = arith.constant 16 : index
        %swap3A_105 = tpu.vector_load %arg10[%swap3A_103, %swap3A_104] {strides = array<i32>} : memref<128x128xf32, #tpu.memory_space<vmem>>, vector<16xf32>,
        tpu.vector_store %arg10[%swap3A_103, %swap3A_104], %mul3A_102 {strides = array<i32>} : memref<128x128xf32, #tpu.memory_space<vmem>>, vector<16xf32>,
        %get3A_106 = arith.index_cast %add3A_90 : i32 to index
        %get3A_107 = arith.constant 32 : index
        %get3A_108 = tpu.vector_load %arg10[%get3A_106, %get3A_107] {strides = array<i32>} : memref<128x128xf32, #tpu.memory_space<vmem>>, vector<16xf32>,
        %mul3A_109 = arith.mulf %get3A_108, %gather3A : vector<16xf32>
        %swap3A_110 = arith.index_cast %add3A_90 : i32 to index
        %swap3A_111 = arith.constant 32 : index
        %swap3A_112 = tpu.vector_load %arg10[%swap3A_110, %swap3A_111] {strides = array<i32>} : memref<128x128xf32, #tpu.memory_space<vmem>>, vector<16xf32>,
        tpu.vector_store %arg10[%swap3A_110, %swap3A_111], %mul3A_109 {strides = array<i32>} : memref<128x128xf32, #tpu.memory_space<vmem>>, vector<16xf32>,
        %get3A_113 = arith.index_cast %add3A_90 : i32 to index
        %get3A_114 = arith.constant 48 : index
        %get3A_115 = tpu.vector_load %arg10[%get3A_113, %get3A_114] {strides = array<i32>} : memref<128x128xf32, #tpu.memory_space<vmem>>, vector<16xf32>,
        %mul3A_116 = arith.mulf %get3A_115, %gather3A : vector<16xf32>
        %swap3A_117 = arith.index_cast %add3A_90 : i32 to index
        %swap3A_118 = arith.constant 48 : index
        %swap3A_119 = tpu.vector_load %arg10[%swap3A_117, %swap3A_118] {strides = array<i32>} : memref<128x128xf32, #tpu.memory_space<vmem>>, vector<16xf32>,
        tpu.vector_store %arg10[%swap3A_117, %swap3A_118], %mul3A_116 {strides = array<i32>} : memref<128x128xf32, #tpu.memory_space<vmem>>, vector<16xf32>,
        %get3A_120 = arith.index_cast %add3A_90 : i32 to index
        %get3A_121 = arith.constant 64 : index
        %get3A_122 = tpu.vector_load %arg10[%get3A_120, %get3A_121] {strides = array<i32>} : memref<128x128xf32, #tpu.memory_space<vmem>>, vector<16xf32>,
        %mul3A_123 = arith.mulf %get3A_122, %gather3A : vector<16xf32>
        %swap3A_124 = arith.index_cast %add3A_90 : i32 to index
        %swap3A_125 = arith.constant 64 : index
        %swap3A_126 = tpu.vector_load %arg10[%swap3A_124, %swap3A_125] {strides = array<i32>} : memref<128x128xf32, #tpu.memory_space<vmem>>, vector<16xf32>,
        tpu.vector_store %arg10[%swap3A_124, %swap3A_125], %mul3A_123 {strides = array<i32>} : memref<128x128xf32, #tpu.memory_space<vmem>>, vector<16xf32>,
        %get3A_127 = arith.index_cast %add3A_90 : i32 to index
        %get3A_128 = arith.constant 80 : index
        %get3A_129 = tpu.vector_load %arg10[%get3A_127, %get3A_128] {strides = array<i32>} : memref<128x128xf32, #tpu.memory_space<vmem>>, vector<16xf32>,
        %mul3A_130 = arith.mulf %get3A_129, %gather3A : vector<16xf32>
        %swap3A_131 = arith.index_cast %add3A_90 : i32 to index
        %swap3A_132 = arith.constant 80 : index
        %swap3A_133 = tpu.vector_load %arg10[%swap3A_131, %swap3A_132] {strides = array<i32>} : memref<128x128xf32, #tpu.memory_space<vmem>>, vector<16xf32>,
        tpu.vector_store %arg10[%swap3A_131, %swap3A_132], %mul3A_130 {strides = array<i32>} : memref<128x128xf32, #tpu.memory_space<vmem>>, vector<16xf32>,
        %get3A_134 = arith.index_cast %add3A_90 : i32 to index
        %get3A_135 = arith.constant 96 : index
        %get3A_136 = tpu.vector_load %arg10[%get3A_134, %get3A_135] {strides = array<i32>} : memref<128x128xf32, #tpu.memory_space<vmem>>, vector<16xf32>,
        %mul3A_137 = arith.mulf %get3A_136, %gather3A : vector<16xf32>
        %swap3A_138 = arith.index_cast %add3A_90 : i32 to index
        %swap3A_139 = arith.constant 96 : index
        %swap3A_140 = tpu.vector_load %arg10[%swap3A_138, %swap3A_139] {strides = array<i32>} : memref<128x128xf32, #tpu.memory_space<vmem>>, vector<16xf32>,
        tpu.vector_store %arg10[%swap3A_138, %swap3A_139], %mul3A_137 {strides = array<i32>} : memref<128x128xf32, #tpu.memory_space<vmem>>, vector<16xf32>,
        %get3A_141 = arith.index_cast %add3A_90 : i32 to index
        %get3A_142 = arith.constant 112 : index
        %get3A_143 = tpu.vector_load %arg10[%get3A_141, %get3A_142] {strides = array<i32>} : memref<128x128xf32, #tpu.memory_space<vmem>>, vector<16xf32>,
        %mul3A_144 = arith.mulf %get3A_143, %gather3A : vector<16xf32>
        %swap3A_145 = arith.index_cast %add3A_90 : i32 to index
        %swap3A_146 = arith.constant 112 : index
        %swap3A_147 = tpu.vector_load %arg10[%swap3A_145, %swap3A_146] {strides = array<i32>} : memref<128x128xf32, #tpu.memory_space<vmem>>, vector<16xf32>,
        tpu.vector_store %arg10[%swap3A_145, %swap3A_146], %mul3A_144 {strides = array<i32>} : memref<128x128xf32, #tpu.memory_space<vmem>>, vector<16xf32>,
      }
      %scan3A_28 = arith.constant 128 : i32
      %run_scoped3A_29 = arith.constant 0 : i32
      "tpu.region"() ({
        %run_scoped3A_86 = tpu.sem_alloc : memref<!tpu.dma_semaphore, #tpu.memory_space<semaphore_mem>>
        %dma_start3A = arith.constant 0 : i32
        %dma_start3A_87 = tpu.memref_slice %arg8[%run_scoped3A_29, %dma_start3A] : memref<9x128xi32, #tpu.memory_space<vmem>> -> memref<1x128xi32, #tpu.memory_space<vmem>>
        %dma_start3A_88 = tpu.memref_squeeze %dma_start3A_87 : memref<1x128xi32, #tpu.memory_space<vmem>> -> memref<128xi32, #tpu.memory_space<vmem>>
        %dma_start3A_89 = arith.constant 0 : i32
        %dma_start3A_90 = arith.constant 0 : i32
        %dma_start3A_91 = tpu.memref_slice %arg11[%dma_start3A_89, %dma_start3A_90] : memref<10240x128xf32, #tpu.memory_space<vmem_shared>> -> memref<10240x128xf32, #tpu.memory_space<vmem_shared>>
        tpu.enqueue_indirect_dma source(%arg10 : memref<128x128xf32, #tpu.memory_space<vmem>>) target(%dma_start3A_91 : memref<10240x128xf32, #tpu.memory_space<vmem_shared>>) offsets(%dma_start3A_88 : memref<128xi32, #tpu.memory_space<vmem>>) semaphore(%run_scoped3A_86 : memref<!tpu.dma_semaphore, #tpu.memory_space<semaphore_mem>>) {add = true}
        %dma_wait3A = arith.constant 0 : i32
        %dma_wait3A_92 = tpu.memref_slice %arg8[%run_scoped3A_29, %dma_wait3A] : memref<9x128xi32, #tpu.memory_space<vmem>> -> memref<1x128xi32, #tpu.memory_space<vmem>>
        %dma_wait3A_93 = tpu.memref_squeeze %dma_wait3A_92 : memref<1x128xi32, #tpu.memory_space<vmem>> -> memref<128xi32, #tpu.memory_space<vmem>>
        %dma_wait3A_94 = arith.constant 0 : i32
        %dma_wait3A_95 = arith.constant 0 : i32
        %dma_wait3A_96 = tpu.memref_slice %arg11[%dma_wait3A_94, %dma_wait3A_95] : memref<10240x128xf32, #tpu.memory_space<vmem_shared>> -> memref<10240x128xf32, #tpu.memory_space<vmem_shared>>
        tpu.wait_indirect_dma semaphore(%run_scoped3A_86 : memref<!tpu.dma_semaphore, #tpu.memory_space<semaphore_mem>>) src(%arg10 : memref<128x128xf32, #tpu.memory_space<vmem>>) dst(%dma_wait3A_96 : memref<10240x128xf32, #tpu.memory_space<vmem_shared>>)
        tpu.yield
      }) : () -> ()
      %run_scoped3A_30 = arith.constant 1 : i32
      "tpu.region"() ({
        %run_scoped3A_86 = tpu.sem_alloc : memref<!tpu.dma_semaphore, #tpu.memory_space<semaphore_mem>>
        %dma_start3A = arith.constant 0 : i32
        %dma_start3A_87 = tpu.memref_slice %arg7[%run_scoped3A_30, %dma_start3A] : memref<9x128xi32, #tpu.memory_space<vmem>> -> memref<1x128xi32, #tpu.memory_space<vmem>>
        %dma_start3A_88 = tpu.memref_squeeze %dma_start3A_87 : memref<1x128xi32, #tpu.memory_space<vmem>> -> memref<128xi32, #tpu.memory_space<vmem>>
        %dma_start3A_89 = arith.constant 0 : i32
        %dma_start3A_90 = arith.constant 0 : i32
        %dma_start3A_91 = tpu.memref_slice %arg2[%dma_start3A_89, %dma_start3A_90] : memref<10240x128xf32, #tpu.memory_space<hbm>> -> memref<10240x128xf32, #tpu.memory_space<hbm>>
        tpu.enqueue_indirect_dma source(%dma_start3A_91 : memref<10240x128xf32, #tpu.memory_space<hbm>>) target(%arg10 : memref<128x128xf32, #tpu.memory_space<vmem>>) offsets(%dma_start3A_88 : memref<128xi32, #tpu.memory_space<vmem>>) semaphore(%run_scoped3A_86 : memref<!tpu.dma_semaphore, #tpu.memory_space<semaphore_mem>>)
        %dma_wait3A = arith.constant 0 : i32
        %dma_wait3A_92 = tpu.memref_slice %arg7[%run_scoped3A_30, %dma_wait3A] : memref<9x128xi32, #tpu.memory_space<vmem>> -> memref<1x128xi32, #tpu.memory_space<vmem>>
        %dma_wait3A_93 = tpu.memref_squeeze %dma_wait3A_92 : memref<1x128xi32, #tpu.memory_space<vmem>> -> memref<128xi32, #tpu.memory_space<vmem>>
        %dma_wait3A_94 = arith.constant 0 : i32
        %dma_wait3A_95 = arith.constant 0 : i32
        %dma_wait3A_96 = tpu.memref_slice %arg2[%dma_wait3A_94, %dma_wait3A_95] : memref<10240x128xf32, #tpu.memory_space<hbm>> -> memref<10240x128xf32, #tpu.memory_space<hbm>>
        tpu.wait_indirect_dma semaphore(%run_scoped3A_86 : memref<!tpu.dma_semaphore, #tpu.memory_space<semaphore_mem>>) src(%dma_wait3A_96 : memref<10240x128xf32, #tpu.memory_space<hbm>>) dst(%arg10 : memref<128x128xf32, #tpu.memory_space<vmem>>)
        tpu.yield
      }) : () -> ()
      %scan3A_31 = arith.constant 0 : i32
      %scan3A_32 = arith.constant 128 : i32
      %scan3A_33 = arith.addi %scan3A_31, %scan3A_32 : i32
      %scan3A_34 = arith.constant 1 : i32
      scf.for %scan3A_86 = %scan3A_31 to %scan3A_33 step %scan3A_34  : i32 {
        %mul3A_87 = arith.constant 1 : i32
        %mul3A_88 = arith.muli %scan3A_86, %mul3A_87 : i32
        %add3A_89 = arith.constant 0 : i32
        %add3A_90 = arith.addi %add3A_89, %mul3A_88 : i32
        %broadcast_in_dim3A_91 = arith.constant 1 : i32
        %broadcast_in_dim3A_92 = vector.broadcast %broadcast_in_dim3A_91 : i32 to vector<16xi32>
        %broadcast_in_dim3A_93 = vector.broadcast %add3A_90 : i32 to vector<16xi32>
        %gather3A = tpu.vector_load_idx %arg9[%broadcast_in_dim3A_92, %broadcast_in_dim3A_93] : memref<9x128xf32, #tpu.memory_space<vmem>>[vector<16xi32>, vector<16xi32>], vector<16xf32>,
        %get3A = arith.index_cast %add3A_90 : i32 to index
        %get3A_94 = arith.constant 0 : index
        %get3A_95 = tpu.vector_load %arg10[%get3A, %get3A_94] {strides = array<i32>} : memref<128x128xf32, #tpu.memory_space<vmem>>, vector<16xf32>,
        %mul3A_96 = arith.mulf %get3A_95, %gather3A : vector<16xf32>
        %swap3A = arith.index_cast %add3A_90 : i32 to index
        %swap3A_97 = arith.constant 0 : index
        %swap3A_98 = tpu.vector_load %arg10[%swap3A, %swap3A_97] {strides = array<i32>} : memref<128x128xf32, #tpu.memory_space<vmem>>, vector<16xf32>,
        tpu.vector_store %arg10[%swap3A, %swap3A_97], %mul3A_96 {strides = array<i32>} : memref<128x128xf32, #tpu.memory_space<vmem>>, vector<16xf32>,
        %get3A_99 = arith.index_cast %add3A_90 : i32 to index
        %get3A_100 = arith.constant 16 : index
        %get3A_101 = tpu.vector_load %arg10[%get3A_99, %get3A_100] {strides = array<i32>} : memref<128x128xf32, #tpu.memory_space<vmem>>, vector<16xf32>,
        %mul3A_102 = arith.mulf %get3A_101, %gather3A : vector<16xf32>
        %swap3A_103 = arith.index_cast %add3A_90 : i32 to index
        %swap3A_104 = arith.constant 16 : index
        %swap3A_105 = tpu.vector_load %arg10[%swap3A_103, %swap3A_104] {strides = array<i32>} : memref<128x128xf32, #tpu.memory_space<vmem>>, vector<16xf32>,
        tpu.vector_store %arg10[%swap3A_103, %swap3A_104], %mul3A_102 {strides = array<i32>} : memref<128x128xf32, #tpu.memory_space<vmem>>, vector<16xf32>,
        %get3A_106 = arith.index_cast %add3A_90 : i32 to index
        %get3A_107 = arith.constant 32 : index
        %get3A_108 = tpu.vector_load %arg10[%get3A_106, %get3A_107] {strides = array<i32>} : memref<128x128xf32, #tpu.memory_space<vmem>>, vector<16xf32>,
        %mul3A_109 = arith.mulf %get3A_108, %gather3A : vector<16xf32>
        %swap3A_110 = arith.index_cast %add3A_90 : i32 to index
        %swap3A_111 = arith.constant 32 : index
        %swap3A_112 = tpu.vector_load %arg10[%swap3A_110, %swap3A_111] {strides = array<i32>} : memref<128x128xf32, #tpu.memory_space<vmem>>, vector<16xf32>,
        tpu.vector_store %arg10[%swap3A_110, %swap3A_111], %mul3A_109 {strides = array<i32>} : memref<128x128xf32, #tpu.memory_space<vmem>>, vector<16xf32>,
        %get3A_113 = arith.index_cast %add3A_90 : i32 to index
        %get3A_114 = arith.constant 48 : index
        %get3A_115 = tpu.vector_load %arg10[%get3A_113, %get3A_114] {strides = array<i32>} : memref<128x128xf32, #tpu.memory_space<vmem>>, vector<16xf32>,
        %mul3A_116 = arith.mulf %get3A_115, %gather3A : vector<16xf32>
        %swap3A_117 = arith.index_cast %add3A_90 : i32 to index
        %swap3A_118 = arith.constant 48 : index
        %swap3A_119 = tpu.vector_load %arg10[%swap3A_117, %swap3A_118] {strides = array<i32>} : memref<128x128xf32, #tpu.memory_space<vmem>>, vector<16xf32>,
        tpu.vector_store %arg10[%swap3A_117, %swap3A_118], %mul3A_116 {strides = array<i32>} : memref<128x128xf32, #tpu.memory_space<vmem>>, vector<16xf32>,
        %get3A_120 = arith.index_cast %add3A_90 : i32 to index
        %get3A_121 = arith.constant 64 : index
        %get3A_122 = tpu.vector_load %arg10[%get3A_120, %get3A_121] {strides = array<i32>} : memref<128x128xf32, #tpu.memory_space<vmem>>, vector<16xf32>,
        %mul3A_123 = arith.mulf %get3A_122, %gather3A : vector<16xf32>
        %swap3A_124 = arith.index_cast %add3A_90 : i32 to index
        %swap3A_125 = arith.constant 64 : index
        %swap3A_126 = tpu.vector_load %arg10[%swap3A_124, %swap3A_125] {strides = array<i32>} : memref<128x128xf32, #tpu.memory_space<vmem>>, vector<16xf32>,
        tpu.vector_store %arg10[%swap3A_124, %swap3A_125], %mul3A_123 {strides = array<i32>} : memref<128x128xf32, #tpu.memory_space<vmem>>, vector<16xf32>,
        %get3A_127 = arith.index_cast %add3A_90 : i32 to index
        %get3A_128 = arith.constant 80 : index
        %get3A_129 = tpu.vector_load %arg10[%get3A_127, %get3A_128] {strides = array<i32>} : memref<128x128xf32, #tpu.memory_space<vmem>>, vector<16xf32>,
        %mul3A_130 = arith.mulf %get3A_129, %gather3A : vector<16xf32>
        %swap3A_131 = arith.index_cast %add3A_90 : i32 to index
        %swap3A_132 = arith.constant 80 : index
        %swap3A_133 = tpu.vector_load %arg10[%swap3A_131, %swap3A_132] {strides = array<i32>} : memref<128x128xf32, #tpu.memory_space<vmem>>, vector<16xf32>,
        tpu.vector_store %arg10[%swap3A_131, %swap3A_132], %mul3A_130 {strides = array<i32>} : memref<128x128xf32, #tpu.memory_space<vmem>>, vector<16xf32>,
        %get3A_134 = arith.index_cast %add3A_90 : i32 to index
        %get3A_135 = arith.constant 96 : index
        %get3A_136 = tpu.vector_load %arg10[%get3A_134, %get3A_135] {strides = array<i32>} : memref<128x128xf32, #tpu.memory_space<vmem>>, vector<16xf32>,
        %mul3A_137 = arith.mulf %get3A_136, %gather3A : vector<16xf32>
        %swap3A_138 = arith.index_cast %add3A_90 : i32 to index
        %swap3A_139 = arith.constant 96 : index
        %swap3A_140 = tpu.vector_load %arg10[%swap3A_138, %swap3A_139] {strides = array<i32>} : memref<128x128xf32, #tpu.memory_space<vmem>>, vector<16xf32>,
        tpu.vector_store %arg10[%swap3A_138, %swap3A_139], %mul3A_137 {strides = array<i32>} : memref<128x128xf32, #tpu.memory_space<vmem>>, vector<16xf32>,
        %get3A_141 = arith.index_cast %add3A_90 : i32 to index
        %get3A_142 = arith.constant 112 : index
        %get3A_143 = tpu.vector_load %arg10[%get3A_141, %get3A_142] {strides = array<i32>} : memref<128x128xf32, #tpu.memory_space<vmem>>, vector<16xf32>,
        %mul3A_144 = arith.mulf %get3A_143, %gather3A : vector<16xf32>
        %swap3A_145 = arith.index_cast %add3A_90 : i32 to index
        %swap3A_146 = arith.constant 112 : index
        %swap3A_147 = tpu.vector_load %arg10[%swap3A_145, %swap3A_146] {strides = array<i32>} : memref<128x128xf32, #tpu.memory_space<vmem>>, vector<16xf32>,
        tpu.vector_store %arg10[%swap3A_145, %swap3A_146], %mul3A_144 {strides = array<i32>} : memref<128x128xf32, #tpu.memory_space<vmem>>, vector<16xf32>,
      }
      %scan3A_35 = arith.constant 128 : i32
      %run_scoped3A_36 = arith.constant 1 : i32
      "tpu.region"() ({
        %run_scoped3A_86 = tpu.sem_alloc : memref<!tpu.dma_semaphore, #tpu.memory_space<semaphore_mem>>
        %dma_start3A = arith.constant 0 : i32
        %dma_start3A_87 = tpu.memref_slice %arg8[%run_scoped3A_36, %dma_start3A] : memref<9x128xi32, #tpu.memory_space<vmem>> -> memref<1x128xi32, #tpu.memory_space<vmem>>
        %dma_start3A_88 = tpu.memref_squeeze %dma_start3A_87 : memref<1x128xi32, #tpu.memory_space<vmem>> -> memref<128xi32, #tpu.memory_space<vmem>>
        %dma_start3A_89 = arith.constant 0 : i32
        %dma_start3A_90 = arith.constant 0 : i32
        %dma_start3A_91 = tpu.memref_slice %arg11[%dma_start3A_89, %dma_start3A_90] : memref<10240x128xf32, #tpu.memory_space<vmem_shared>> -> memref<10240x128xf32, #tpu.memory_space<vmem_shared>>
        tpu.enqueue_indirect_dma source(%arg10 : memref<128x128xf32, #tpu.memory_space<vmem>>) target(%dma_start3A_91 : memref<10240x128xf32, #tpu.memory_space<vmem_shared>>) offsets(%dma_start3A_88 : memref<128xi32, #tpu.memory_space<vmem>>) semaphore(%run_scoped3A_86 : memref<!tpu.dma_semaphore, #tpu.memory_space<semaphore_mem>>) {add = true}
        %dma_wait3A = arith.constant 0 : i32
        %dma_wait3A_92 = tpu.memref_slice %arg8[%run_scoped3A_36, %dma_wait3A] : memref<9x128xi32, #tpu.memory_space<vmem>> -> memref<1x128xi32, #tpu.memory_space<vmem>>
        %dma_wait3A_93 = tpu.memref_squeeze %dma_wait3A_92 : memref<1x128xi32, #tpu.memory_space<vmem>> -> memref<128xi32, #tpu.memory_space<vmem>>
        %dma_wait3A_94 = arith.constant 0 : i32
        %dma_wait3A_95 = arith.constant 0 : i32
        %dma_wait3A_96 = tpu.memref_slice %arg11[%dma_wait3A_94, %dma_wait3A_95] : memref<10240x128xf32, #tpu.memory_space<vmem_shared>> -> memref<10240x128xf32, #tpu.memory_space<vmem_shared>>
        tpu.wait_indirect_dma semaphore(%run_scoped3A_86 : memref<!tpu.dma_semaphore, #tpu.memory_space<semaphore_mem>>) src(%arg10 : memref<128x128xf32, #tpu.memory_space<vmem>>) dst(%dma_wait3A_96 : memref<10240x128xf32, #tpu.memory_space<vmem_shared>>)
        tpu.yield
      }) : () -> ()
      %run_scoped3A_37 = arith.constant 2 : i32
      "tpu.region"() ({
        %run_scoped3A_86 = tpu.sem_alloc : memref<!tpu.dma_semaphore, #tpu.memory_space<semaphore_mem>>
        %dma_start3A = arith.constant 0 : i32
        %dma_start3A_87 = tpu.memref_slice %arg7[%run_scoped3A_37, %dma_start3A] : memref<9x128xi32, #tpu.memory_space<vmem>> -> memref<1x128xi32, #tpu.memory_space<vmem>>
        %dma_start3A_88 = tpu.memref_squeeze %dma_start3A_87 : memref<1x128xi32, #tpu.memory_space<vmem>> -> memref<128xi32, #tpu.memory_space<vmem>>
        %dma_start3A_89 = arith.constant 0 : i32
        %dma_start3A_90 = arith.constant 0 : i32
        %dma_start3A_91 = tpu.memref_slice %arg2[%dma_start3A_89, %dma_start3A_90] : memref<10240x128xf32, #tpu.memory_space<hbm>> -> memref<10240x128xf32, #tpu.memory_space<hbm>>
        tpu.enqueue_indirect_dma source(%dma_start3A_91 : memref<10240x128xf32, #tpu.memory_space<hbm>>) target(%arg10 : memref<128x128xf32, #tpu.memory_space<vmem>>) offsets(%dma_start3A_88 : memref<128xi32, #tpu.memory_space<vmem>>) semaphore(%run_scoped3A_86 : memref<!tpu.dma_semaphore, #tpu.memory_space<semaphore_mem>>)
        %dma_wait3A = arith.constant 0 : i32
        %dma_wait3A_92 = tpu.memref_slice %arg7[%run_scoped3A_37, %dma_wait3A] : memref<9x128xi32, #tpu.memory_space<vmem>> -> memref<1x128xi32, #tpu.memory_space<vmem>>
        %dma_wait3A_93 = tpu.memref_squeeze %dma_wait3A_92 : memref<1x128xi32, #tpu.memory_space<vmem>> -> memref<128xi32, #tpu.memory_space<vmem>>
        %dma_wait3A_94 = arith.constant 0 : i32
        %dma_wait3A_95 = arith.constant 0 : i32
        %dma_wait3A_96 = tpu.memref_slice %arg2[%dma_wait3A_94, %dma_wait3A_95] : memref<10240x128xf32, #tpu.memory_space<hbm>> -> memref<10240x128xf32, #tpu.memory_space<hbm>>
        tpu.wait_indirect_dma semaphore(%run_scoped3A_86 : memref<!tpu.dma_semaphore, #tpu.memory_space<semaphore_mem>>) src(%dma_wait3A_96 : memref<10240x128xf32, #tpu.memory_space<hbm>>) dst(%arg10 : memref<128x128xf32, #tpu.memory_space<vmem>>)
        tpu.yield
      }) : () -> ()
      %scan3A_38 = arith.constant 0 : i32
      %scan3A_39 = arith.constant 128 : i32
      %scan3A_40 = arith.addi %scan3A_38, %scan3A_39 : i32
      %scan3A_41 = arith.constant 1 : i32
      scf.for %scan3A_86 = %scan3A_38 to %scan3A_40 step %scan3A_41  : i32 {
        %mul3A_87 = arith.constant 1 : i32
        %mul3A_88 = arith.muli %scan3A_86, %mul3A_87 : i32
        %add3A_89 = arith.constant 0 : i32
        %add3A_90 = arith.addi %add3A_89, %mul3A_88 : i32
        %broadcast_in_dim3A_91 = arith.constant 2 : i32
        %broadcast_in_dim3A_92 = vector.broadcast %broadcast_in_dim3A_91 : i32 to vector<16xi32>
        %broadcast_in_dim3A_93 = vector.broadcast %add3A_90 : i32 to vector<16xi32>
        %gather3A = tpu.vector_load_idx %arg9[%broadcast_in_dim3A_92, %broadcast_in_dim3A_93] : memref<9x128xf32, #tpu.memory_space<vmem>>[vector<16xi32>, vector<16xi32>], vector<16xf32>,
        %get3A = arith.index_cast %add3A_90 : i32 to index
        %get3A_94 = arith.constant 0 : index
        %get3A_95 = tpu.vector_load %arg10[%get3A, %get3A_94] {strides = array<i32>} : memref<128x128xf32, #tpu.memory_space<vmem>>, vector<16xf32>,
        %mul3A_96 = arith.mulf %get3A_95, %gather3A : vector<16xf32>
        %swap3A = arith.index_cast %add3A_90 : i32 to index
        %swap3A_97 = arith.constant 0 : index
        %swap3A_98 = tpu.vector_load %arg10[%swap3A, %swap3A_97] {strides = array<i32>} : memref<128x128xf32, #tpu.memory_space<vmem>>, vector<16xf32>,
        tpu.vector_store %arg10[%swap3A, %swap3A_97], %mul3A_96 {strides = array<i32>} : memref<128x128xf32, #tpu.memory_space<vmem>>, vector<16xf32>,
        %get3A_99 = arith.index_cast %add3A_90 : i32 to index
        %get3A_100 = arith.constant 16 : index
        %get3A_101 = tpu.vector_load %arg10[%get3A_99, %get3A_100] {strides = array<i32>} : memref<128x128xf32, #tpu.memory_space<vmem>>, vector<16xf32>,
        %mul3A_102 = arith.mulf %get3A_101, %gather3A : vector<16xf32>
        %swap3A_103 = arith.index_cast %add3A_90 : i32 to index
        %swap3A_104 = arith.constant 16 : index
        %swap3A_105 = tpu.vector_load %arg10[%swap3A_103, %swap3A_104] {strides = array<i32>} : memref<128x128xf32, #tpu.memory_space<vmem>>, vector<16xf32>,
        tpu.vector_store %arg10[%swap3A_103, %swap3A_104], %mul3A_102 {strides = array<i32>} : memref<128x128xf32, #tpu.memory_space<vmem>>, vector<16xf32>,
        %get3A_106 = arith.index_cast %add3A_90 : i32 to index
        %get3A_107 = arith.constant 32 : index
        %get3A_108 = tpu.vector_load %arg10[%get3A_106, %get3A_107] {strides = array<i32>} : memref<128x128xf32, #tpu.memory_space<vmem>>, vector<16xf32>,
        %mul3A_109 = arith.mulf %get3A_108, %gather3A : vector<16xf32>
        %swap3A_110 = arith.index_cast %add3A_90 : i32 to index
        %swap3A_111 = arith.constant 32 : index
        %swap3A_112 = tpu.vector_load %arg10[%swap3A_110, %swap3A_111] {strides = array<i32>} : memref<128x128xf32, #tpu.memory_space<vmem>>, vector<16xf32>,
        tpu.vector_store %arg10[%swap3A_110, %swap3A_111], %mul3A_109 {strides = array<i32>} : memref<128x128xf32, #tpu.memory_space<vmem>>, vector<16xf32>,
        %get3A_113 = arith.index_cast %add3A_90 : i32 to index
        %get3A_114 = arith.constant 48 : index
        %get3A_115 = tpu.vector_load %arg10[%get3A_113, %get3A_114] {strides = array<i32>} : memref<128x128xf32, #tpu.memory_space<vmem>>, vector<16xf32>,
        %mul3A_116 = arith.mulf %get3A_115, %gather3A : vector<16xf32>
        %swap3A_117 = arith.index_cast %add3A_90 : i32 to index
        %swap3A_118 = arith.constant 48 : index
        %swap3A_119 = tpu.vector_load %arg10[%swap3A_117, %swap3A_118] {strides = array<i32>} : memref<128x128xf32, #tpu.memory_space<vmem>>, vector<16xf32>,
        tpu.vector_store %arg10[%swap3A_117, %swap3A_118], %mul3A_116 {strides = array<i32>} : memref<128x128xf32, #tpu.memory_space<vmem>>, vector<16xf32>,
        %get3A_120 = arith.index_cast %add3A_90 : i32 to index
        %get3A_121 = arith.constant 64 : index
        %get3A_122 = tpu.vector_load %arg10[%get3A_120, %get3A_121] {strides = array<i32>} : memref<128x128xf32, #tpu.memory_space<vmem>>, vector<16xf32>,
        %mul3A_123 = arith.mulf %get3A_122, %gather3A : vector<16xf32>
        %swap3A_124 = arith.index_cast %add3A_90 : i32 to index
        %swap3A_125 = arith.constant 64 : index
        %swap3A_126 = tpu.vector_load %arg10[%swap3A_124, %swap3A_125] {strides = array<i32>} : memref<128x128xf32, #tpu.memory_space<vmem>>, vector<16xf32>,
        tpu.vector_store %arg10[%swap3A_124, %swap3A_125], %mul3A_123 {strides = array<i32>} : memref<128x128xf32, #tpu.memory_space<vmem>>, vector<16xf32>,
        %get3A_127 = arith.index_cast %add3A_90 : i32 to index
        %get3A_128 = arith.constant 80 : index
        %get3A_129 = tpu.vector_load %arg10[%get3A_127, %get3A_128] {strides = array<i32>} : memref<128x128xf32, #tpu.memory_space<vmem>>, vector<16xf32>,
        %mul3A_130 = arith.mulf %get3A_129, %gather3A : vector<16xf32>
        %swap3A_131 = arith.index_cast %add3A_90 : i32 to index
        %swap3A_132 = arith.constant 80 : index
        %swap3A_133 = tpu.vector_load %arg10[%swap3A_131, %swap3A_132] {strides = array<i32>} : memref<128x128xf32, #tpu.memory_space<vmem>>, vector<16xf32>,
        tpu.vector_store %arg10[%swap3A_131, %swap3A_132], %mul3A_130 {strides = array<i32>} : memref<128x128xf32, #tpu.memory_space<vmem>>, vector<16xf32>,
        %get3A_134 = arith.index_cast %add3A_90 : i32 to index
        %get3A_135 = arith.constant 96 : index
        %get3A_136 = tpu.vector_load %arg10[%get3A_134, %get3A_135] {strides = array<i32>} : memref<128x128xf32, #tpu.memory_space<vmem>>, vector<16xf32>,
        %mul3A_137 = arith.mulf %get3A_136, %gather3A : vector<16xf32>
        %swap3A_138 = arith.index_cast %add3A_90 : i32 to index
        %swap3A_139 = arith.constant 96 : index
        %swap3A_140 = tpu.vector_load %arg10[%swap3A_138, %swap3A_139] {strides = array<i32>} : memref<128x128xf32, #tpu.memory_space<vmem>>, vector<16xf32>,
        tpu.vector_store %arg10[%swap3A_138, %swap3A_139], %mul3A_137 {strides = array<i32>} : memref<128x128xf32, #tpu.memory_space<vmem>>, vector<16xf32>,
        %get3A_141 = arith.index_cast %add3A_90 : i32 to index
        %get3A_142 = arith.constant 112 : index
        %get3A_143 = tpu.vector_load %arg10[%get3A_141, %get3A_142] {strides = array<i32>} : memref<128x128xf32, #tpu.memory_space<vmem>>, vector<16xf32>,
        %mul3A_144 = arith.mulf %get3A_143, %gather3A : vector<16xf32>
        %swap3A_145 = arith.index_cast %add3A_90 : i32 to index
        %swap3A_146 = arith.constant 112 : index
        %swap3A_147 = tpu.vector_load %arg10[%swap3A_145, %swap3A_146] {strides = array<i32>} : memref<128x128xf32, #tpu.memory_space<vmem>>, vector<16xf32>,
        tpu.vector_store %arg10[%swap3A_145, %swap3A_146], %mul3A_144 {strides = array<i32>} : memref<128x128xf32, #tpu.memory_space<vmem>>, vector<16xf32>,
      }
      %scan3A_42 = arith.constant 128 : i32
      %run_scoped3A_43 = arith.constant 2 : i32
      "tpu.region"() ({
        %run_scoped3A_86 = tpu.sem_alloc : memref<!tpu.dma_semaphore, #tpu.memory_space<semaphore_mem>>
        %dma_start3A = arith.constant 0 : i32
        %dma_start3A_87 = tpu.memref_slice %arg8[%run_scoped3A_43, %dma_start3A] : memref<9x128xi32, #tpu.memory_space<vmem>> -> memref<1x128xi32, #tpu.memory_space<vmem>>
        %dma_start3A_88 = tpu.memref_squeeze %dma_start3A_87 : memref<1x128xi32, #tpu.memory_space<vmem>> -> memref<128xi32, #tpu.memory_space<vmem>>
        %dma_start3A_89 = arith.constant 0 : i32
        %dma_start3A_90 = arith.constant 0 : i32
        %dma_start3A_91 = tpu.memref_slice %arg11[%dma_start3A_89, %dma_start3A_90] : memref<10240x128xf32, #tpu.memory_space<vmem_shared>> -> memref<10240x128xf32, #tpu.memory_space<vmem_shared>>
        tpu.enqueue_indirect_dma source(%arg10 : memref<128x128xf32, #tpu.memory_space<vmem>>) target(%dma_start3A_91 : memref<10240x128xf32, #tpu.memory_space<vmem_shared>>) offsets(%dma_start3A_88 : memref<128xi32, #tpu.memory_space<vmem>>) semaphore(%run_scoped3A_86 : memref<!tpu.dma_semaphore, #tpu.memory_space<semaphore_mem>>) {add = true}
        %dma_wait3A = arith.constant 0 : i32
        %dma_wait3A_92 = tpu.memref_slice %arg8[%run_scoped3A_43, %dma_wait3A] : memref<9x128xi32, #tpu.memory_space<vmem>> -> memref<1x128xi32, #tpu.memory_space<vmem>>
        %dma_wait3A_93 = tpu.memref_squeeze %dma_wait3A_92 : memref<1x128xi32, #tpu.memory_space<vmem>> -> memref<128xi32, #tpu.memory_space<vmem>>
        %dma_wait3A_94 = arith.constant 0 : i32
        %dma_wait3A_95 = arith.constant 0 : i32
        %dma_wait3A_96 = tpu.memref_slice %arg11[%dma_wait3A_94, %dma_wait3A_95] : memref<10240x128xf32, #tpu.memory_space<vmem_shared>> -> memref<10240x128xf32, #tpu.memory_space<vmem_shared>>
        tpu.wait_indirect_dma semaphore(%run_scoped3A_86 : memref<!tpu.dma_semaphore, #tpu.memory_space<semaphore_mem>>) src(%arg10 : memref<128x128xf32, #tpu.memory_space<vmem>>) dst(%dma_wait3A_96 : memref<10240x128xf32, #tpu.memory_space<vmem_shared>>)
        tpu.yield
      }) : () -> ()
      %run_scoped3A_44 = arith.constant 3 : i32
      "tpu.region"() ({
        %run_scoped3A_86 = tpu.sem_alloc : memref<!tpu.dma_semaphore, #tpu.memory_space<semaphore_mem>>
        %dma_start3A = arith.constant 0 : i32
        %dma_start3A_87 = tpu.memref_slice %arg7[%run_scoped3A_44, %dma_start3A] : memref<9x128xi32, #tpu.memory_space<vmem>> -> memref<1x128xi32, #tpu.memory_space<vmem>>
        %dma_start3A_88 = tpu.memref_squeeze %dma_start3A_87 : memref<1x128xi32, #tpu.memory_space<vmem>> -> memref<128xi32, #tpu.memory_space<vmem>>
        %dma_start3A_89 = arith.constant 0 : i32
        %dma_start3A_90 = arith.constant 0 : i32
        %dma_start3A_91 = tpu.memref_slice %arg2[%dma_start3A_89, %dma_start3A_90] : memref<10240x128xf32, #tpu.memory_space<hbm>> -> memref<10240x128xf32, #tpu.memory_space<hbm>>
        tpu.enqueue_indirect_dma source(%dma_start3A_91 : memref<10240x128xf32, #tpu.memory_space<hbm>>) target(%arg10 : memref<128x128xf32, #tpu.memory_space<vmem>>) offsets(%dma_start3A_88 : memref<128xi32, #tpu.memory_space<vmem>>) semaphore(%run_scoped3A_86 : memref<!tpu.dma_semaphore, #tpu.memory_space<semaphore_mem>>)
        %dma_wait3A = arith.constant 0 : i32
        %dma_wait3A_92 = tpu.memref_slice %arg7[%run_scoped3A_44, %dma_wait3A] : memref<9x128xi32, #tpu.memory_space<vmem>> -> memref<1x128xi32, #tpu.memory_space<vmem>>
        %dma_wait3A_93 = tpu.memref_squeeze %dma_wait3A_92 : memref<1x128xi32, #tpu.memory_space<vmem>> -> memref<128xi32, #tpu.memory_space<vmem>>
        %dma_wait3A_94 = arith.constant 0 : i32
        %dma_wait3A_95 = arith.constant 0 : i32
        %dma_wait3A_96 = tpu.memref_slice %arg2[%dma_wait3A_94, %dma_wait3A_95] : memref<10240x128xf32, #tpu.memory_space<hbm>> -> memref<10240x128xf32, #tpu.memory_space<hbm>>
        tpu.wait_indirect_dma semaphore(%run_scoped3A_86 : memref<!tpu.dma_semaphore, #tpu.memory_space<semaphore_mem>>) src(%dma_wait3A_96 : memref<10240x128xf32, #tpu.memory_space<hbm>>) dst(%arg10 : memref<128x128xf32, #tpu.memory_space<vmem>>)
        tpu.yield
      }) : () -> ()
      %scan3A_45 = arith.constant 0 : i32
      %scan3A_46 = arith.constant 128 : i32
      %scan3A_47 = arith.addi %scan3A_45, %scan3A_46 : i32
      %scan3A_48 = arith.constant 1 : i32
      scf.for %scan3A_86 = %scan3A_45 to %scan3A_47 step %scan3A_48  : i32 {
        %mul3A_87 = arith.constant 1 : i32
        %mul3A_88 = arith.muli %scan3A_86, %mul3A_87 : i32
        %add3A_89 = arith.constant 0 : i32
        %add3A_90 = arith.addi %add3A_89, %mul3A_88 : i32
        %broadcast_in_dim3A_91 = arith.constant 3 : i32
        %broadcast_in_dim3A_92 = vector.broadcast %broadcast_in_dim3A_91 : i32 to vector<16xi32>
        %broadcast_in_dim3A_93 = vector.broadcast %add3A_90 : i32 to vector<16xi32>
        %gather3A = tpu.vector_load_idx %arg9[%broadcast_in_dim3A_92, %broadcast_in_dim3A_93] : memref<9x128xf32, #tpu.memory_space<vmem>>[vector<16xi32>, vector<16xi32>], vector<16xf32>,
        %get3A = arith.index_cast %add3A_90 : i32 to index
        %get3A_94 = arith.constant 0 : index
        %get3A_95 = tpu.vector_load %arg10[%get3A, %get3A_94] {strides = array<i32>} : memref<128x128xf32, #tpu.memory_space<vmem>>, vector<16xf32>,
        %mul3A_96 = arith.mulf %get3A_95, %gather3A : vector<16xf32>
        %swap3A = arith.index_cast %add3A_90 : i32 to index
        %swap3A_97 = arith.constant 0 : index
        %swap3A_98 = tpu.vector_load %arg10[%swap3A, %swap3A_97] {strides = array<i32>} : memref<128x128xf32, #tpu.memory_space<vmem>>, vector<16xf32>,
        tpu.vector_store %arg10[%swap3A, %swap3A_97], %mul3A_96 {strides = array<i32>} : memref<128x128xf32, #tpu.memory_space<vmem>>, vector<16xf32>,
        %get3A_99 = arith.index_cast %add3A_90 : i32 to index
        %get3A_100 = arith.constant 16 : index
        %get3A_101 = tpu.vector_load %arg10[%get3A_99, %get3A_100] {strides = array<i32>} : memref<128x128xf32, #tpu.memory_space<vmem>>, vector<16xf32>,
        %mul3A_102 = arith.mulf %get3A_101, %gather3A : vector<16xf32>
        %swap3A_103 = arith.index_cast %add3A_90 : i32 to index
        %swap3A_104 = arith.constant 16 : index
        %swap3A_105 = tpu.vector_load %arg10[%swap3A_103, %swap3A_104] {strides = array<i32>} : memref<128x128xf32, #tpu.memory_space<vmem>>, vector<16xf32>,
        tpu.vector_store %arg10[%swap3A_103, %swap3A_104], %mul3A_102 {strides = array<i32>} : memref<128x128xf32, #tpu.memory_space<vmem>>, vector<16xf32>,
        %get3A_106 = arith.index_cast %add3A_90 : i32 to index
        %get3A_107 = arith.constant 32 : index
        %get3A_108 = tpu.vector_load %arg10[%get3A_106, %get3A_107] {strides = array<i32>} : memref<128x128xf32, #tpu.memory_space<vmem>>, vector<16xf32>,
        %mul3A_109 = arith.mulf %get3A_108, %gather3A : vector<16xf32>
        %swap3A_110 = arith.index_cast %add3A_90 : i32 to index
        %swap3A_111 = arith.constant 32 : index
        %swap3A_112 = tpu.vector_load %arg10[%swap3A_110, %swap3A_111] {strides = array<i32>} : memref<128x128xf32, #tpu.memory_space<vmem>>, vector<16xf32>,
        tpu.vector_store %arg10[%swap3A_110, %swap3A_111], %mul3A_109 {strides = array<i32>} : memref<128x128xf32, #tpu.memory_space<vmem>>, vector<16xf32>,
        %get3A_113 = arith.index_cast %add3A_90 : i32 to index
        %get3A_114 = arith.constant 48 : index
        %get3A_115 = tpu.vector_load %arg10[%get3A_113, %get3A_114] {strides = array<i32>} : memref<128x128xf32, #tpu.memory_space<vmem>>, vector<16xf32>,
        %mul3A_116 = arith.mulf %get3A_115, %gather3A : vector<16xf32>
        %swap3A_117 = arith.index_cast %add3A_90 : i32 to index
        %swap3A_118 = arith.constant 48 : index
        %swap3A_119 = tpu.vector_load %arg10[%swap3A_117, %swap3A_118] {strides = array<i32>} : memref<128x128xf32, #tpu.memory_space<vmem>>, vector<16xf32>,
        tpu.vector_store %arg10[%swap3A_117, %swap3A_118], %mul3A_116 {strides = array<i32>} : memref<128x128xf32, #tpu.memory_space<vmem>>, vector<16xf32>,
        %get3A_120 = arith.index_cast %add3A_90 : i32 to index
        %get3A_121 = arith.constant 64 : index
        %get3A_122 = tpu.vector_load %arg10[%get3A_120, %get3A_121] {strides = array<i32>} : memref<128x128xf32, #tpu.memory_space<vmem>>, vector<16xf32>,
        %mul3A_123 = arith.mulf %get3A_122, %gather3A : vector<16xf32>
        %swap3A_124 = arith.index_cast %add3A_90 : i32 to index
        %swap3A_125 = arith.constant 64 : index
        %swap3A_126 = tpu.vector_load %arg10[%swap3A_124, %swap3A_125] {strides = array<i32>} : memref<128x128xf32, #tpu.memory_space<vmem>>, vector<16xf32>,
        tpu.vector_store %arg10[%swap3A_124, %swap3A_125], %mul3A_123 {strides = array<i32>} : memref<128x128xf32, #tpu.memory_space<vmem>>, vector<16xf32>,
        %get3A_127 = arith.index_cast %add3A_90 : i32 to index
        %get3A_128 = arith.constant 80 : index
        %get3A_129 = tpu.vector_load %arg10[%get3A_127, %get3A_128] {strides = array<i32>} : memref<128x128xf32, #tpu.memory_space<vmem>>, vector<16xf32>,
        %mul3A_130 = arith.mulf %get3A_129, %gather3A : vector<16xf32>
        %swap3A_131 = arith.index_cast %add3A_90 : i32 to index
        %swap3A_132 = arith.constant 80 : index
        %swap3A_133 = tpu.vector_load %arg10[%swap3A_131, %swap3A_132] {strides = array<i32>} : memref<128x128xf32, #tpu.memory_space<vmem>>, vector<16xf32>,
        tpu.vector_store %arg10[%swap3A_131, %swap3A_132], %mul3A_130 {strides = array<i32>} : memref<128x128xf32, #tpu.memory_space<vmem>>, vector<16xf32>,
        %get3A_134 = arith.index_cast %add3A_90 : i32 to index
        %get3A_135 = arith.constant 96 : index
        %get3A_136 = tpu.vector_load %arg10[%get3A_134, %get3A_135] {strides = array<i32>} : memref<128x128xf32, #tpu.memory_space<vmem>>, vector<16xf32>,
        %mul3A_137 = arith.mulf %get3A_136, %gather3A : vector<16xf32>
        %swap3A_138 = arith.index_cast %add3A_90 : i32 to index
        %swap3A_139 = arith.constant 96 : index
        %swap3A_140 = tpu.vector_load %arg10[%swap3A_138, %swap3A_139] {strides = array<i32>} : memref<128x128xf32, #tpu.memory_space<vmem>>, vector<16xf32>,
        tpu.vector_store %arg10[%swap3A_138, %swap3A_139], %mul3A_137 {strides = array<i32>} : memref<128x128xf32, #tpu.memory_space<vmem>>, vector<16xf32>,
        %get3A_141 = arith.index_cast %add3A_90 : i32 to index
        %get3A_142 = arith.constant 112 : index
        %get3A_143 = tpu.vector_load %arg10[%get3A_141, %get3A_142] {strides = array<i32>} : memref<128x128xf32, #tpu.memory_space<vmem>>, vector<16xf32>,
        %mul3A_144 = arith.mulf %get3A_143, %gather3A : vector<16xf32>
        %swap3A_145 = arith.index_cast %add3A_90 : i32 to index
        %swap3A_146 = arith.constant 112 : index
        %swap3A_147 = tpu.vector_load %arg10[%swap3A_145, %swap3A_146] {strides = array<i32>} : memref<128x128xf32, #tpu.memory_space<vmem>>, vector<16xf32>,
        tpu.vector_store %arg10[%swap3A_145, %swap3A_146], %mul3A_144 {strides = array<i32>} : memref<128x128xf32, #tpu.memory_space<vmem>>, vector<16xf32>,
      }
      %scan3A_49 = arith.constant 128 : i32
      %run_scoped3A_50 = arith.constant 3 : i32
      "tpu.region"() ({
        %run_scoped3A_86 = tpu.sem_alloc : memref<!tpu.dma_semaphore, #tpu.memory_space<semaphore_mem>>
        %dma_start3A = arith.constant 0 : i32
        %dma_start3A_87 = tpu.memref_slice %arg8[%run_scoped3A_50, %dma_start3A] : memref<9x128xi32, #tpu.memory_space<vmem>> -> memref<1x128xi32, #tpu.memory_space<vmem>>
        %dma_start3A_88 = tpu.memref_squeeze %dma_start3A_87 : memref<1x128xi32, #tpu.memory_space<vmem>> -> memref<128xi32, #tpu.memory_space<vmem>>
        %dma_start3A_89 = arith.constant 0 : i32
        %dma_start3A_90 = arith.constant 0 : i32
        %dma_start3A_91 = tpu.memref_slice %arg11[%dma_start3A_89, %dma_start3A_90] : memref<10240x128xf32, #tpu.memory_space<vmem_shared>> -> memref<10240x128xf32, #tpu.memory_space<vmem_shared>>
        tpu.enqueue_indirect_dma source(%arg10 : memref<128x128xf32, #tpu.memory_space<vmem>>) target(%dma_start3A_91 : memref<10240x128xf32, #tpu.memory_space<vmem_shared>>) offsets(%dma_start3A_88 : memref<128xi32, #tpu.memory_space<vmem>>) semaphore(%run_scoped3A_86 : memref<!tpu.dma_semaphore, #tpu.memory_space<semaphore_mem>>) {add = true}
        %dma_wait3A = arith.constant 0 : i32
        %dma_wait3A_92 = tpu.memref_slice %arg8[%run_scoped3A_50, %dma_wait3A] : memref<9x128xi32, #tpu.memory_space<vmem>> -> memref<1x128xi32, #tpu.memory_space<vmem>>
        %dma_wait3A_93 = tpu.memref_squeeze %dma_wait3A_92 : memref<1x128xi32, #tpu.memory_space<vmem>> -> memref<128xi32, #tpu.memory_space<vmem>>
        %dma_wait3A_94 = arith.constant 0 : i32
        %dma_wait3A_95 = arith.constant 0 : i32
        %dma_wait3A_96 = tpu.memref_slice %arg11[%dma_wait3A_94, %dma_wait3A_95] : memref<10240x128xf32, #tpu.memory_space<vmem_shared>> -> memref<10240x128xf32, #tpu.memory_space<vmem_shared>>
        tpu.wait_indirect_dma semaphore(%run_scoped3A_86 : memref<!tpu.dma_semaphore, #tpu.memory_space<semaphore_mem>>) src(%arg10 : memref<128x128xf32, #tpu.memory_space<vmem>>) dst(%dma_wait3A_96 : memref<10240x128xf32, #tpu.memory_space<vmem_shared>>)
        tpu.yield
      }) : () -> ()
      %run_scoped3A_51 = arith.constant 4 : i32
      "tpu.region"() ({
        %run_scoped3A_86 = tpu.sem_alloc : memref<!tpu.dma_semaphore, #tpu.memory_space<semaphore_mem>>
        %dma_start3A = arith.constant 0 : i32
        %dma_start3A_87 = tpu.memref_slice %arg7[%run_scoped3A_51, %dma_start3A] : memref<9x128xi32, #tpu.memory_space<vmem>> -> memref<1x128xi32, #tpu.memory_space<vmem>>
        %dma_start3A_88 = tpu.memref_squeeze %dma_start3A_87 : memref<1x128xi32, #tpu.memory_space<vmem>> -> memref<128xi32, #tpu.memory_space<vmem>>
        %dma_start3A_89 = arith.constant 0 : i32
        %dma_start3A_90 = arith.constant 0 : i32
        %dma_start3A_91 = tpu.memref_slice %arg2[%dma_start3A_89, %dma_start3A_90] : memref<10240x128xf32, #tpu.memory_space<hbm>> -> memref<10240x128xf32, #tpu.memory_space<hbm>>
        tpu.enqueue_indirect_dma source(%dma_start3A_91 : memref<10240x128xf32, #tpu.memory_space<hbm>>) target(%arg10 : memref<128x128xf32, #tpu.memory_space<vmem>>) offsets(%dma_start3A_88 : memref<128xi32, #tpu.memory_space<vmem>>) semaphore(%run_scoped3A_86 : memref<!tpu.dma_semaphore, #tpu.memory_space<semaphore_mem>>)
        %dma_wait3A = arith.constant 0 : i32
        %dma_wait3A_92 = tpu.memref_slice %arg7[%run_scoped3A_51, %dma_wait3A] : memref<9x128xi32, #tpu.memory_space<vmem>> -> memref<1x128xi32, #tpu.memory_space<vmem>>
        %dma_wait3A_93 = tpu.memref_squeeze %dma_wait3A_92 : memref<1x128xi32, #tpu.memory_space<vmem>> -> memref<128xi32, #tpu.memory_space<vmem>>
        %dma_wait3A_94 = arith.constant 0 : i32
        %dma_wait3A_95 = arith.constant 0 : i32
        %dma_wait3A_96 = tpu.memref_slice %arg2[%dma_wait3A_94, %dma_wait3A_95] : memref<10240x128xf32, #tpu.memory_space<hbm>> -> memref<10240x128xf32, #tpu.memory_space<hbm>>
        tpu.wait_indirect_dma semaphore(%run_scoped3A_86 : memref<!tpu.dma_semaphore, #tpu.memory_space<semaphore_mem>>) src(%dma_wait3A_96 : memref<10240x128xf32, #tpu.memory_space<hbm>>) dst(%arg10 : memref<128x128xf32, #tpu.memory_space<vmem>>)
        tpu.yield
      }) : () -> ()
      %scan3A_52 = arith.constant 0 : i32
      %scan3A_53 = arith.constant 128 : i32
      %scan3A_54 = arith.addi %scan3A_52, %scan3A_53 : i32
      %scan3A_55 = arith.constant 1 : i32
      scf.for %scan3A_86 = %scan3A_52 to %scan3A_54 step %scan3A_55  : i32 {
        %mul3A_87 = arith.constant 1 : i32
        %mul3A_88 = arith.muli %scan3A_86, %mul3A_87 : i32
        %add3A_89 = arith.constant 0 : i32
        %add3A_90 = arith.addi %add3A_89, %mul3A_88 : i32
        %broadcast_in_dim3A_91 = arith.constant 4 : i32
        %broadcast_in_dim3A_92 = vector.broadcast %broadcast_in_dim3A_91 : i32 to vector<16xi32>
        %broadcast_in_dim3A_93 = vector.broadcast %add3A_90 : i32 to vector<16xi32>
        %gather3A = tpu.vector_load_idx %arg9[%broadcast_in_dim3A_92, %broadcast_in_dim3A_93] : memref<9x128xf32, #tpu.memory_space<vmem>>[vector<16xi32>, vector<16xi32>], vector<16xf32>,
        %get3A = arith.index_cast %add3A_90 : i32 to index
        %get3A_94 = arith.constant 0 : index
        %get3A_95 = tpu.vector_load %arg10[%get3A, %get3A_94] {strides = array<i32>} : memref<128x128xf32, #tpu.memory_space<vmem>>, vector<16xf32>,
        %mul3A_96 = arith.mulf %get3A_95, %gather3A : vector<16xf32>
        %swap3A = arith.index_cast %add3A_90 : i32 to index
        %swap3A_97 = arith.constant 0 : index
        %swap3A_98 = tpu.vector_load %arg10[%swap3A, %swap3A_97] {strides = array<i32>} : memref<128x128xf32, #tpu.memory_space<vmem>>, vector<16xf32>,
        tpu.vector_store %arg10[%swap3A, %swap3A_97], %mul3A_96 {strides = array<i32>} : memref<128x128xf32, #tpu.memory_space<vmem>>, vector<16xf32>,
        %get3A_99 = arith.index_cast %add3A_90 : i32 to index
        %get3A_100 = arith.constant 16 : index
        %get3A_101 = tpu.vector_load %arg10[%get3A_99, %get3A_100] {strides = array<i32>} : memref<128x128xf32, #tpu.memory_space<vmem>>, vector<16xf32>,
        %mul3A_102 = arith.mulf %get3A_101, %gather3A : vector<16xf32>
        %swap3A_103 = arith.index_cast %add3A_90 : i32 to index
        %swap3A_104 = arith.constant 16 : index
        %swap3A_105 = tpu.vector_load %arg10[%swap3A_103, %swap3A_104] {strides = array<i32>} : memref<128x128xf32, #tpu.memory_space<vmem>>, vector<16xf32>,
        tpu.vector_store %arg10[%swap3A_103, %swap3A_104], %mul3A_102 {strides = array<i32>} : memref<128x128xf32, #tpu.memory_space<vmem>>, vector<16xf32>,
        %get3A_106 = arith.index_cast %add3A_90 : i32 to index
        %get3A_107 = arith.constant 32 : index
        %get3A_108 = tpu.vector_load %arg10[%get3A_106, %get3A_107] {strides = array<i32>} : memref<128x128xf32, #tpu.memory_space<vmem>>, vector<16xf32>,
        %mul3A_109 = arith.mulf %get3A_108, %gather3A : vector<16xf32>
        %swap3A_110 = arith.index_cast %add3A_90 : i32 to index
        %swap3A_111 = arith.constant 32 : index
        %swap3A_112 = tpu.vector_load %arg10[%swap3A_110, %swap3A_111] {strides = array<i32>} : memref<128x128xf32, #tpu.memory_space<vmem>>, vector<16xf32>,
        tpu.vector_store %arg10[%swap3A_110, %swap3A_111], %mul3A_109 {strides = array<i32>} : memref<128x128xf32, #tpu.memory_space<vmem>>, vector<16xf32>,
        %get3A_113 = arith.index_cast %add3A_90 : i32 to index
        %get3A_114 = arith.constant 48 : index
        %get3A_115 = tpu.vector_load %arg10[%get3A_113, %get3A_114] {strides = array<i32>} : memref<128x128xf32, #tpu.memory_space<vmem>>, vector<16xf32>,
        %mul3A_116 = arith.mulf %get3A_115, %gather3A : vector<16xf32>
        %swap3A_117 = arith.index_cast %add3A_90 : i32 to index
        %swap3A_118 = arith.constant 48 : index
        %swap3A_119 = tpu.vector_load %arg10[%swap3A_117, %swap3A_118] {strides = array<i32>} : memref<128x128xf32, #tpu.memory_space<vmem>>, vector<16xf32>,
        tpu.vector_store %arg10[%swap3A_117, %swap3A_118], %mul3A_116 {strides = array<i32>} : memref<128x128xf32, #tpu.memory_space<vmem>>, vector<16xf32>,
        %get3A_120 = arith.index_cast %add3A_90 : i32 to index
        %get3A_121 = arith.constant 64 : index
        %get3A_122 = tpu.vector_load %arg10[%get3A_120, %get3A_121] {strides = array<i32>} : memref<128x128xf32, #tpu.memory_space<vmem>>, vector<16xf32>,
        %mul3A_123 = arith.mulf %get3A_122, %gather3A : vector<16xf32>
        %swap3A_124 = arith.index_cast %add3A_90 : i32 to index
        %swap3A_125 = arith.constant 64 : index
        %swap3A_126 = tpu.vector_load %arg10[%swap3A_124, %swap3A_125] {strides = array<i32>} : memref<128x128xf32, #tpu.memory_space<vmem>>, vector<16xf32>,
        tpu.vector_store %arg10[%swap3A_124, %swap3A_125], %mul3A_123 {strides = array<i32>} : memref<128x128xf32, #tpu.memory_space<vmem>>, vector<16xf32>,
        %get3A_127 = arith.index_cast %add3A_90 : i32 to index
        %get3A_128 = arith.constant 80 : index
        %get3A_129 = tpu.vector_load %arg10[%get3A_127, %get3A_128] {strides = array<i32>} : memref<128x128xf32, #tpu.memory_space<vmem>>, vector<16xf32>,
        %mul3A_130 = arith.mulf %get3A_129, %gather3A : vector<16xf32>
        %swap3A_131 = arith.index_cast %add3A_90 : i32 to index
        %swap3A_132 = arith.constant 80 : index
        %swap3A_133 = tpu.vector_load %arg10[%swap3A_131, %swap3A_132] {strides = array<i32>} : memref<128x128xf32, #tpu.memory_space<vmem>>, vector<16xf32>,
        tpu.vector_store %arg10[%swap3A_131, %swap3A_132], %mul3A_130 {strides = array<i32>} : memref<128x128xf32, #tpu.memory_space<vmem>>, vector<16xf32>,
        %get3A_134 = arith.index_cast %add3A_90 : i32 to index
        %get3A_135 = arith.constant 96 : index
        %get3A_136 = tpu.vector_load %arg10[%get3A_134, %get3A_135] {strides = array<i32>} : memref<128x128xf32, #tpu.memory_space<vmem>>, vector<16xf32>,
        %mul3A_137 = arith.mulf %get3A_136, %gather3A : vector<16xf32>
        %swap3A_138 = arith.index_cast %add3A_90 : i32 to index
        %swap3A_139 = arith.constant 96 : index
        %swap3A_140 = tpu.vector_load %arg10[%swap3A_138, %swap3A_139] {strides = array<i32>} : memref<128x128xf32, #tpu.memory_space<vmem>>, vector<16xf32>,
        tpu.vector_store %arg10[%swap3A_138, %swap3A_139], %mul3A_137 {strides = array<i32>} : memref<128x128xf32, #tpu.memory_space<vmem>>, vector<16xf32>,
        %get3A_141 = arith.index_cast %add3A_90 : i32 to index
        %get3A_142 = arith.constant 112 : index
        %get3A_143 = tpu.vector_load %arg10[%get3A_141, %get3A_142] {strides = array<i32>} : memref<128x128xf32, #tpu.memory_space<vmem>>, vector<16xf32>,
        %mul3A_144 = arith.mulf %get3A_143, %gather3A : vector<16xf32>
        %swap3A_145 = arith.index_cast %add3A_90 : i32 to index
        %swap3A_146 = arith.constant 112 : index
        %swap3A_147 = tpu.vector_load %arg10[%swap3A_145, %swap3A_146] {strides = array<i32>} : memref<128x128xf32, #tpu.memory_space<vmem>>, vector<16xf32>,
        tpu.vector_store %arg10[%swap3A_145, %swap3A_146], %mul3A_144 {strides = array<i32>} : memref<128x128xf32, #tpu.memory_space<vmem>>, vector<16xf32>,
      }
      %scan3A_56 = arith.constant 128 : i32
      %run_scoped3A_57 = arith.constant 4 : i32
      "tpu.region"() ({
        %run_scoped3A_86 = tpu.sem_alloc : memref<!tpu.dma_semaphore, #tpu.memory_space<semaphore_mem>>
        %dma_start3A = arith.constant 0 : i32
        %dma_start3A_87 = tpu.memref_slice %arg8[%run_scoped3A_57, %dma_start3A] : memref<9x128xi32, #tpu.memory_space<vmem>> -> memref<1x128xi32, #tpu.memory_space<vmem>>
        %dma_start3A_88 = tpu.memref_squeeze %dma_start3A_87 : memref<1x128xi32, #tpu.memory_space<vmem>> -> memref<128xi32, #tpu.memory_space<vmem>>
        %dma_start3A_89 = arith.constant 0 : i32
        %dma_start3A_90 = arith.constant 0 : i32
        %dma_start3A_91 = tpu.memref_slice %arg11[%dma_start3A_89, %dma_start3A_90] : memref<10240x128xf32, #tpu.memory_space<vmem_shared>> -> memref<10240x128xf32, #tpu.memory_space<vmem_shared>>
        tpu.enqueue_indirect_dma source(%arg10 : memref<128x128xf32, #tpu.memory_space<vmem>>) target(%dma_start3A_91 : memref<10240x128xf32, #tpu.memory_space<vmem_shared>>) offsets(%dma_start3A_88 : memref<128xi32, #tpu.memory_space<vmem>>) semaphore(%run_scoped3A_86 : memref<!tpu.dma_semaphore, #tpu.memory_space<semaphore_mem>>) {add = true}
        %dma_wait3A = arith.constant 0 : i32
        %dma_wait3A_92 = tpu.memref_slice %arg8[%run_scoped3A_57, %dma_wait3A] : memref<9x128xi32, #tpu.memory_space<vmem>> -> memref<1x128xi32, #tpu.memory_space<vmem>>
        %dma_wait3A_93 = tpu.memref_squeeze %dma_wait3A_92 : memref<1x128xi32, #tpu.memory_space<vmem>> -> memref<128xi32, #tpu.memory_space<vmem>>
        %dma_wait3A_94 = arith.constant 0 : i32
        %dma_wait3A_95 = arith.constant 0 : i32
        %dma_wait3A_96 = tpu.memref_slice %arg11[%dma_wait3A_94, %dma_wait3A_95] : memref<10240x128xf32, #tpu.memory_space<vmem_shared>> -> memref<10240x128xf32, #tpu.memory_space<vmem_shared>>
        tpu.wait_indirect_dma semaphore(%run_scoped3A_86 : memref<!tpu.dma_semaphore, #tpu.memory_space<semaphore_mem>>) src(%arg10 : memref<128x128xf32, #tpu.memory_space<vmem>>) dst(%dma_wait3A_96 : memref<10240x128xf32, #tpu.memory_space<vmem_shared>>)
        tpu.yield
      }) : () -> ()
      %run_scoped3A_58 = arith.constant 5 : i32
      "tpu.region"() ({
        %run_scoped3A_86 = tpu.sem_alloc : memref<!tpu.dma_semaphore, #tpu.memory_space<semaphore_mem>>
        %dma_start3A = arith.constant 0 : i32
        %dma_start3A_87 = tpu.memref_slice %arg7[%run_scoped3A_58, %dma_start3A] : memref<9x128xi32, #tpu.memory_space<vmem>> -> memref<1x128xi32, #tpu.memory_space<vmem>>
        %dma_start3A_88 = tpu.memref_squeeze %dma_start3A_87 : memref<1x128xi32, #tpu.memory_space<vmem>> -> memref<128xi32, #tpu.memory_space<vmem>>
        %dma_start3A_89 = arith.constant 0 : i32
        %dma_start3A_90 = arith.constant 0 : i32
        %dma_start3A_91 = tpu.memref_slice %arg2[%dma_start3A_89, %dma_start3A_90] : memref<10240x128xf32, #tpu.memory_space<hbm>> -> memref<10240x128xf32, #tpu.memory_space<hbm>>
        tpu.enqueue_indirect_dma source(%dma_start3A_91 : memref<10240x128xf32, #tpu.memory_space<hbm>>) target(%arg10 : memref<128x128xf32, #tpu.memory_space<vmem>>) offsets(%dma_start3A_88 : memref<128xi32, #tpu.memory_space<vmem>>) semaphore(%run_scoped3A_86 : memref<!tpu.dma_semaphore, #tpu.memory_space<semaphore_mem>>)
        %dma_wait3A = arith.constant 0 : i32
        %dma_wait3A_92 = tpu.memref_slice %arg7[%run_scoped3A_58, %dma_wait3A] : memref<9x128xi32, #tpu.memory_space<vmem>> -> memref<1x128xi32, #tpu.memory_space<vmem>>
        %dma_wait3A_93 = tpu.memref_squeeze %dma_wait3A_92 : memref<1x128xi32, #tpu.memory_space<vmem>> -> memref<128xi32, #tpu.memory_space<vmem>>
        %dma_wait3A_94 = arith.constant 0 : i32
        %dma_wait3A_95 = arith.constant 0 : i32
        %dma_wait3A_96 = tpu.memref_slice %arg2[%dma_wait3A_94, %dma_wait3A_95] : memref<10240x128xf32, #tpu.memory_space<hbm>> -> memref<10240x128xf32, #tpu.memory_space<hbm>>
        tpu.wait_indirect_dma semaphore(%run_scoped3A_86 : memref<!tpu.dma_semaphore, #tpu.memory_space<semaphore_mem>>) src(%dma_wait3A_96 : memref<10240x128xf32, #tpu.memory_space<hbm>>) dst(%arg10 : memref<128x128xf32, #tpu.memory_space<vmem>>)
        tpu.yield
      }) : () -> ()
      %scan3A_59 = arith.constant 0 : i32
      %scan3A_60 = arith.constant 128 : i32
      %scan3A_61 = arith.addi %scan3A_59, %scan3A_60 : i32
      %scan3A_62 = arith.constant 1 : i32
      scf.for %scan3A_86 = %scan3A_59 to %scan3A_61 step %scan3A_62  : i32 {
        %mul3A_87 = arith.constant 1 : i32
        %mul3A_88 = arith.muli %scan3A_86, %mul3A_87 : i32
        %add3A_89 = arith.constant 0 : i32
        %add3A_90 = arith.addi %add3A_89, %mul3A_88 : i32
        %broadcast_in_dim3A_91 = arith.constant 5 : i32
        %broadcast_in_dim3A_92 = vector.broadcast %broadcast_in_dim3A_91 : i32 to vector<16xi32>
        %broadcast_in_dim3A_93 = vector.broadcast %add3A_90 : i32 to vector<16xi32>
        %gather3A = tpu.vector_load_idx %arg9[%broadcast_in_dim3A_92, %broadcast_in_dim3A_93] : memref<9x128xf32, #tpu.memory_space<vmem>>[vector<16xi32>, vector<16xi32>], vector<16xf32>,
        %get3A = arith.index_cast %add3A_90 : i32 to index
        %get3A_94 = arith.constant 0 : index
        %get3A_95 = tpu.vector_load %arg10[%get3A, %get3A_94] {strides = array<i32>} : memref<128x128xf32, #tpu.memory_space<vmem>>, vector<16xf32>,
        %mul3A_96 = arith.mulf %get3A_95, %gather3A : vector<16xf32>
        %swap3A = arith.index_cast %add3A_90 : i32 to index
        %swap3A_97 = arith.constant 0 : index
        %swap3A_98 = tpu.vector_load %arg10[%swap3A, %swap3A_97] {strides = array<i32>} : memref<128x128xf32, #tpu.memory_space<vmem>>, vector<16xf32>,
        tpu.vector_store %arg10[%swap3A, %swap3A_97], %mul3A_96 {strides = array<i32>} : memref<128x128xf32, #tpu.memory_space<vmem>>, vector<16xf32>,
        %get3A_99 = arith.index_cast %add3A_90 : i32 to index
        %get3A_100 = arith.constant 16 : index
        %get3A_101 = tpu.vector_load %arg10[%get3A_99, %get3A_100] {strides = array<i32>} : memref<128x128xf32, #tpu.memory_space<vmem>>, vector<16xf32>,
        %mul3A_102 = arith.mulf %get3A_101, %gather3A : vector<16xf32>
        %swap3A_103 = arith.index_cast %add3A_90 : i32 to index
        %swap3A_104 = arith.constant 16 : index
        %swap3A_105 = tpu.vector_load %arg10[%swap3A_103, %swap3A_104] {strides = array<i32>} : memref<128x128xf32, #tpu.memory_space<vmem>>, vector<16xf32>,
        tpu.vector_store %arg10[%swap3A_103, %swap3A_104], %mul3A_102 {strides = array<i32>} : memref<128x128xf32, #tpu.memory_space<vmem>>, vector<16xf32>,
        %get3A_106 = arith.index_cast %add3A_90 : i32 to index
        %get3A_107 = arith.constant 32 : index
        %get3A_108 = tpu.vector_load %arg10[%get3A_106, %get3A_107] {strides = array<i32>} : memref<128x128xf32, #tpu.memory_space<vmem>>, vector<16xf32>,
        %mul3A_109 = arith.mulf %get3A_108, %gather3A : vector<16xf32>
        %swap3A_110 = arith.index_cast %add3A_90 : i32 to index
        %swap3A_111 = arith.constant 32 : index
        %swap3A_112 = tpu.vector_load %arg10[%swap3A_110, %swap3A_111] {strides = array<i32>} : memref<128x128xf32, #tpu.memory_space<vmem>>, vector<16xf32>,
        tpu.vector_store %arg10[%swap3A_110, %swap3A_111], %mul3A_109 {strides = array<i32>} : memref<128x128xf32, #tpu.memory_space<vmem>>, vector<16xf32>,
        %get3A_113 = arith.index_cast %add3A_90 : i32 to index
        %get3A_114 = arith.constant 48 : index
        %get3A_115 = tpu.vector_load %arg10[%get3A_113, %get3A_114] {strides = array<i32>} : memref<128x128xf32, #tpu.memory_space<vmem>>, vector<16xf32>,
        %mul3A_116 = arith.mulf %get3A_115, %gather3A : vector<16xf32>
        %swap3A_117 = arith.index_cast %add3A_90 : i32 to index
        %swap3A_118 = arith.constant 48 : index
        %swap3A_119 = tpu.vector_load %arg10[%swap3A_117, %swap3A_118] {strides = array<i32>} : memref<128x128xf32, #tpu.memory_space<vmem>>, vector<16xf32>,
        tpu.vector_store %arg10[%swap3A_117, %swap3A_118], %mul3A_116 {strides = array<i32>} : memref<128x128xf32, #tpu.memory_space<vmem>>, vector<16xf32>,
        %get3A_120 = arith.index_cast %add3A_90 : i32 to index
        %get3A_121 = arith.constant 64 : index
        %get3A_122 = tpu.vector_load %arg10[%get3A_120, %get3A_121] {strides = array<i32>} : memref<128x128xf32, #tpu.memory_space<vmem>>, vector<16xf32>,
        %mul3A_123 = arith.mulf %get3A_122, %gather3A : vector<16xf32>
        %swap3A_124 = arith.index_cast %add3A_90 : i32 to index
        %swap3A_125 = arith.constant 64 : index
        %swap3A_126 = tpu.vector_load %arg10[%swap3A_124, %swap3A_125] {strides = array<i32>} : memref<128x128xf32, #tpu.memory_space<vmem>>, vector<16xf32>,
        tpu.vector_store %arg10[%swap3A_124, %swap3A_125], %mul3A_123 {strides = array<i32>} : memref<128x128xf32, #tpu.memory_space<vmem>>, vector<16xf32>,
        %get3A_127 = arith.index_cast %add3A_90 : i32 to index
        %get3A_128 = arith.constant 80 : index
        %get3A_129 = tpu.vector_load %arg10[%get3A_127, %get3A_128] {strides = array<i32>} : memref<128x128xf32, #tpu.memory_space<vmem>>, vector<16xf32>,
        %mul3A_130 = arith.mulf %get3A_129, %gather3A : vector<16xf32>
        %swap3A_131 = arith.index_cast %add3A_90 : i32 to index
        %swap3A_132 = arith.constant 80 : index
        %swap3A_133 = tpu.vector_load %arg10[%swap3A_131, %swap3A_132] {strides = array<i32>} : memref<128x128xf32, #tpu.memory_space<vmem>>, vector<16xf32>,
        tpu.vector_store %arg10[%swap3A_131, %swap3A_132], %mul3A_130 {strides = array<i32>} : memref<128x128xf32, #tpu.memory_space<vmem>>, vector<16xf32>,
        %get3A_134 = arith.index_cast %add3A_90 : i32 to index
        %get3A_135 = arith.constant 96 : index
        %get3A_136 = tpu.vector_load %arg10[%get3A_134, %get3A_135] {strides = array<i32>} : memref<128x128xf32, #tpu.memory_space<vmem>>, vector<16xf32>,
        %mul3A_137 = arith.mulf %get3A_136, %gather3A : vector<16xf32>
        %swap3A_138 = arith.index_cast %add3A_90 : i32 to index
        %swap3A_139 = arith.constant 96 : index
        %swap3A_140 = tpu.vector_load %arg10[%swap3A_138, %swap3A_139] {strides = array<i32>} : memref<128x128xf32, #tpu.memory_space<vmem>>, vector<16xf32>,
        tpu.vector_store %arg10[%swap3A_138, %swap3A_139], %mul3A_137 {strides = array<i32>} : memref<128x128xf32, #tpu.memory_space<vmem>>, vector<16xf32>,
        %get3A_141 = arith.index_cast %add3A_90 : i32 to index
        %get3A_142 = arith.constant 112 : index
        %get3A_143 = tpu.vector_load %arg10[%get3A_141, %get3A_142] {strides = array<i32>} : memref<128x128xf32, #tpu.memory_space<vmem>>, vector<16xf32>,
        %mul3A_144 = arith.mulf %get3A_143, %gather3A : vector<16xf32>
        %swap3A_145 = arith.index_cast %add3A_90 : i32 to index
        %swap3A_146 = arith.constant 112 : index
        %swap3A_147 = tpu.vector_load %arg10[%swap3A_145, %swap3A_146] {strides = array<i32>} : memref<128x128xf32, #tpu.memory_space<vmem>>, vector<16xf32>,
        tpu.vector_store %arg10[%swap3A_145, %swap3A_146], %mul3A_144 {strides = array<i32>} : memref<128x128xf32, #tpu.memory_space<vmem>>, vector<16xf32>,
      }
      %scan3A_63 = arith.constant 128 : i32
      %run_scoped3A_64 = arith.constant 5 : i32
      "tpu.region"() ({
        %run_scoped3A_86 = tpu.sem_alloc : memref<!tpu.dma_semaphore, #tpu.memory_space<semaphore_mem>>
        %dma_start3A = arith.constant 0 : i32
        %dma_start3A_87 = tpu.memref_slice %arg8[%run_scoped3A_64, %dma_start3A] : memref<9x128xi32, #tpu.memory_space<vmem>> -> memref<1x128xi32, #tpu.memory_space<vmem>>
        %dma_start3A_88 = tpu.memref_squeeze %dma_start3A_87 : memref<1x128xi32, #tpu.memory_space<vmem>> -> memref<128xi32, #tpu.memory_space<vmem>>
        %dma_start3A_89 = arith.constant 0 : i32
        %dma_start3A_90 = arith.constant 0 : i32
        %dma_start3A_91 = tpu.memref_slice %arg11[%dma_start3A_89, %dma_start3A_90] : memref<10240x128xf32, #tpu.memory_space<vmem_shared>> -> memref<10240x128xf32, #tpu.memory_space<vmem_shared>>
        tpu.enqueue_indirect_dma source(%arg10 : memref<128x128xf32, #tpu.memory_space<vmem>>) target(%dma_start3A_91 : memref<10240x128xf32, #tpu.memory_space<vmem_shared>>) offsets(%dma_start3A_88 : memref<128xi32, #tpu.memory_space<vmem>>) semaphore(%run_scoped3A_86 : memref<!tpu.dma_semaphore, #tpu.memory_space<semaphore_mem>>) {add = true}
        %dma_wait3A = arith.constant 0 : i32
        %dma_wait3A_92 = tpu.memref_slice %arg8[%run_scoped3A_64, %dma_wait3A] : memref<9x128xi32, #tpu.memory_space<vmem>> -> memref<1x128xi32, #tpu.memory_space<vmem>>
        %dma_wait3A_93 = tpu.memref_squeeze %dma_wait3A_92 : memref<1x128xi32, #tpu.memory_space<vmem>> -> memref<128xi32, #tpu.memory_space<vmem>>
        %dma_wait3A_94 = arith.constant 0 : i32
        %dma_wait3A_95 = arith.constant 0 : i32
        %dma_wait3A_96 = tpu.memref_slice %arg11[%dma_wait3A_94, %dma_wait3A_95] : memref<10240x128xf32, #tpu.memory_space<vmem_shared>> -> memref<10240x128xf32, #tpu.memory_space<vmem_shared>>
        tpu.wait_indirect_dma semaphore(%run_scoped3A_86 : memref<!tpu.dma_semaphore, #tpu.memory_space<semaphore_mem>>) src(%arg10 : memref<128x128xf32, #tpu.memory_space<vmem>>) dst(%dma_wait3A_96 : memref<10240x128xf32, #tpu.memory_space<vmem_shared>>)
        tpu.yield
      }) : () -> ()
      %run_scoped3A_65 = arith.constant 6 : i32
      "tpu.region"() ({
        %run_scoped3A_86 = tpu.sem_alloc : memref<!tpu.dma_semaphore, #tpu.memory_space<semaphore_mem>>
        %dma_start3A = arith.constant 0 : i32
        %dma_start3A_87 = tpu.memref_slice %arg7[%run_scoped3A_65, %dma_start3A] : memref<9x128xi32, #tpu.memory_space<vmem>> -> memref<1x128xi32, #tpu.memory_space<vmem>>
        %dma_start3A_88 = tpu.memref_squeeze %dma_start3A_87 : memref<1x128xi32, #tpu.memory_space<vmem>> -> memref<128xi32, #tpu.memory_space<vmem>>
        %dma_start3A_89 = arith.constant 0 : i32
        %dma_start3A_90 = arith.constant 0 : i32
        %dma_start3A_91 = tpu.memref_slice %arg2[%dma_start3A_89, %dma_start3A_90] : memref<10240x128xf32, #tpu.memory_space<hbm>> -> memref<10240x128xf32, #tpu.memory_space<hbm>>
        tpu.enqueue_indirect_dma source(%dma_start3A_91 : memref<10240x128xf32, #tpu.memory_space<hbm>>) target(%arg10 : memref<128x128xf32, #tpu.memory_space<vmem>>) offsets(%dma_start3A_88 : memref<128xi32, #tpu.memory_space<vmem>>) semaphore(%run_scoped3A_86 : memref<!tpu.dma_semaphore, #tpu.memory_space<semaphore_mem>>)
        %dma_wait3A = arith.constant 0 : i32
        %dma_wait3A_92 = tpu.memref_slice %arg7[%run_scoped3A_65, %dma_wait3A] : memref<9x128xi32, #tpu.memory_space<vmem>> -> memref<1x128xi32, #tpu.memory_space<vmem>>
        %dma_wait3A_93 = tpu.memref_squeeze %dma_wait3A_92 : memref<1x128xi32, #tpu.memory_space<vmem>> -> memref<128xi32, #tpu.memory_space<vmem>>
        %dma_wait3A_94 = arith.constant 0 : i32
        %dma_wait3A_95 = arith.constant 0 : i32
        %dma_wait3A_96 = tpu.memref_slice %arg2[%dma_wait3A_94, %dma_wait3A_95] : memref<10240x128xf32, #tpu.memory_space<hbm>> -> memref<10240x128xf32, #tpu.memory_space<hbm>>
        tpu.wait_indirect_dma semaphore(%run_scoped3A_86 : memref<!tpu.dma_semaphore, #tpu.memory_space<semaphore_mem>>) src(%dma_wait3A_96 : memref<10240x128xf32, #tpu.memory_space<hbm>>) dst(%arg10 : memref<128x128xf32, #tpu.memory_space<vmem>>)
        tpu.yield
      }) : () -> ()
      %scan3A_66 = arith.constant 0 : i32
      %scan3A_67 = arith.constant 128 : i32
      %scan3A_68 = arith.addi %scan3A_66, %scan3A_67 : i32
      %scan3A_69 = arith.constant 1 : i32
      scf.for %scan3A_86 = %scan3A_66 to %scan3A_68 step %scan3A_69  : i32 {
        %mul3A_87 = arith.constant 1 : i32
        %mul3A_88 = arith.muli %scan3A_86, %mul3A_87 : i32
        %add3A_89 = arith.constant 0 : i32
        %add3A_90 = arith.addi %add3A_89, %mul3A_88 : i32
        %broadcast_in_dim3A_91 = arith.constant 6 : i32
        %broadcast_in_dim3A_92 = vector.broadcast %broadcast_in_dim3A_91 : i32 to vector<16xi32>
        %broadcast_in_dim3A_93 = vector.broadcast %add3A_90 : i32 to vector<16xi32>
        %gather3A = tpu.vector_load_idx %arg9[%broadcast_in_dim3A_92, %broadcast_in_dim3A_93] : memref<9x128xf32, #tpu.memory_space<vmem>>[vector<16xi32>, vector<16xi32>], vector<16xf32>,
        %get3A = arith.index_cast %add3A_90 : i32 to index
        %get3A_94 = arith.constant 0 : index
        %get3A_95 = tpu.vector_load %arg10[%get3A, %get3A_94] {strides = array<i32>} : memref<128x128xf32, #tpu.memory_space<vmem>>, vector<16xf32>,
        %mul3A_96 = arith.mulf %get3A_95, %gather3A : vector<16xf32>
        %swap3A = arith.index_cast %add3A_90 : i32 to index
        %swap3A_97 = arith.constant 0 : index
        %swap3A_98 = tpu.vector_load %arg10[%swap3A, %swap3A_97] {strides = array<i32>} : memref<128x128xf32, #tpu.memory_space<vmem>>, vector<16xf32>,
        tpu.vector_store %arg10[%swap3A, %swap3A_97], %mul3A_96 {strides = array<i32>} : memref<128x128xf32, #tpu.memory_space<vmem>>, vector<16xf32>,
        %get3A_99 = arith.index_cast %add3A_90 : i32 to index
        %get3A_100 = arith.constant 16 : index
        %get3A_101 = tpu.vector_load %arg10[%get3A_99, %get3A_100] {strides = array<i32>} : memref<128x128xf32, #tpu.memory_space<vmem>>, vector<16xf32>,
        %mul3A_102 = arith.mulf %get3A_101, %gather3A : vector<16xf32>
        %swap3A_103 = arith.index_cast %add3A_90 : i32 to index
        %swap3A_104 = arith.constant 16 : index
        %swap3A_105 = tpu.vector_load %arg10[%swap3A_103, %swap3A_104] {strides = array<i32>} : memref<128x128xf32, #tpu.memory_space<vmem>>, vector<16xf32>,
        tpu.vector_store %arg10[%swap3A_103, %swap3A_104], %mul3A_102 {strides = array<i32>} : memref<128x128xf32, #tpu.memory_space<vmem>>, vector<16xf32>,
        %get3A_106 = arith.index_cast %add3A_90 : i32 to index
        %get3A_107 = arith.constant 32 : index
        %get3A_108 = tpu.vector_load %arg10[%get3A_106, %get3A_107] {strides = array<i32>} : memref<128x128xf32, #tpu.memory_space<vmem>>, vector<16xf32>,
        %mul3A_109 = arith.mulf %get3A_108, %gather3A : vector<16xf32>
        %swap3A_110 = arith.index_cast %add3A_90 : i32 to index
        %swap3A_111 = arith.constant 32 : index
        %swap3A_112 = tpu.vector_load %arg10[%swap3A_110, %swap3A_111] {strides = array<i32>} : memref<128x128xf32, #tpu.memory_space<vmem>>, vector<16xf32>,
        tpu.vector_store %arg10[%swap3A_110, %swap3A_111], %mul3A_109 {strides = array<i32>} : memref<128x128xf32, #tpu.memory_space<vmem>>, vector<16xf32>,
        %get3A_113 = arith.index_cast %add3A_90 : i32 to index
        %get3A_114 = arith.constant 48 : index
        %get3A_115 = tpu.vector_load %arg10[%get3A_113, %get3A_114] {strides = array<i32>} : memref<128x128xf32, #tpu.memory_space<vmem>>, vector<16xf32>,
        %mul3A_116 = arith.mulf %get3A_115, %gather3A : vector<16xf32>
        %swap3A_117 = arith.index_cast %add3A_90 : i32 to index
        %swap3A_118 = arith.constant 48 : index
        %swap3A_119 = tpu.vector_load %arg10[%swap3A_117, %swap3A_118] {strides = array<i32>} : memref<128x128xf32, #tpu.memory_space<vmem>>, vector<16xf32>,
        tpu.vector_store %arg10[%swap3A_117, %swap3A_118], %mul3A_116 {strides = array<i32>} : memref<128x128xf32, #tpu.memory_space<vmem>>, vector<16xf32>,
        %get3A_120 = arith.index_cast %add3A_90 : i32 to index
        %get3A_121 = arith.constant 64 : index
        %get3A_122 = tpu.vector_load %arg10[%get3A_120, %get3A_121] {strides = array<i32>} : memref<128x128xf32, #tpu.memory_space<vmem>>, vector<16xf32>,
        %mul3A_123 = arith.mulf %get3A_122, %gather3A : vector<16xf32>
        %swap3A_124 = arith.index_cast %add3A_90 : i32 to index
        %swap3A_125 = arith.constant 64 : index
        %swap3A_126 = tpu.vector_load %arg10[%swap3A_124, %swap3A_125] {strides = array<i32>} : memref<128x128xf32, #tpu.memory_space<vmem>>, vector<16xf32>,
        tpu.vector_store %arg10[%swap3A_124, %swap3A_125], %mul3A_123 {strides = array<i32>} : memref<128x128xf32, #tpu.memory_space<vmem>>, vector<16xf32>,
        %get3A_127 = arith.index_cast %add3A_90 : i32 to index
        %get3A_128 = arith.constant 80 : index
        %get3A_129 = tpu.vector_load %arg10[%get3A_127, %get3A_128] {strides = array<i32>} : memref<128x128xf32, #tpu.memory_space<vmem>>, vector<16xf32>,
        %mul3A_130 = arith.mulf %get3A_129, %gather3A : vector<16xf32>
        %swap3A_131 = arith.index_cast %add3A_90 : i32 to index
        %swap3A_132 = arith.constant 80 : index
        %swap3A_133 = tpu.vector_load %arg10[%swap3A_131, %swap3A_132] {strides = array<i32>} : memref<128x128xf32, #tpu.memory_space<vmem>>, vector<16xf32>,
        tpu.vector_store %arg10[%swap3A_131, %swap3A_132], %mul3A_130 {strides = array<i32>} : memref<128x128xf32, #tpu.memory_space<vmem>>, vector<16xf32>,
        %get3A_134 = arith.index_cast %add3A_90 : i32 to index
        %get3A_135 = arith.constant 96 : index
        %get3A_136 = tpu.vector_load %arg10[%get3A_134, %get3A_135] {strides = array<i32>} : memref<128x128xf32, #tpu.memory_space<vmem>>, vector<16xf32>,
        %mul3A_137 = arith.mulf %get3A_136, %gather3A : vector<16xf32>
        %swap3A_138 = arith.index_cast %add3A_90 : i32 to index
        %swap3A_139 = arith.constant 96 : index
        %swap3A_140 = tpu.vector_load %arg10[%swap3A_138, %swap3A_139] {strides = array<i32>} : memref<128x128xf32, #tpu.memory_space<vmem>>, vector<16xf32>,
        tpu.vector_store %arg10[%swap3A_138, %swap3A_139], %mul3A_137 {strides = array<i32>} : memref<128x128xf32, #tpu.memory_space<vmem>>, vector<16xf32>,
        %get3A_141 = arith.index_cast %add3A_90 : i32 to index
        %get3A_142 = arith.constant 112 : index
        %get3A_143 = tpu.vector_load %arg10[%get3A_141, %get3A_142] {strides = array<i32>} : memref<128x128xf32, #tpu.memory_space<vmem>>, vector<16xf32>,
        %mul3A_144 = arith.mulf %get3A_143, %gather3A : vector<16xf32>
        %swap3A_145 = arith.index_cast %add3A_90 : i32 to index
        %swap3A_146 = arith.constant 112 : index
        %swap3A_147 = tpu.vector_load %arg10[%swap3A_145, %swap3A_146] {strides = array<i32>} : memref<128x128xf32, #tpu.memory_space<vmem>>, vector<16xf32>,
        tpu.vector_store %arg10[%swap3A_145, %swap3A_146], %mul3A_144 {strides = array<i32>} : memref<128x128xf32, #tpu.memory_space<vmem>>, vector<16xf32>,
      }
      %scan3A_70 = arith.constant 128 : i32
      %run_scoped3A_71 = arith.constant 6 : i32
      "tpu.region"() ({
        %run_scoped3A_86 = tpu.sem_alloc : memref<!tpu.dma_semaphore, #tpu.memory_space<semaphore_mem>>
        %dma_start3A = arith.constant 0 : i32
        %dma_start3A_87 = tpu.memref_slice %arg8[%run_scoped3A_71, %dma_start3A] : memref<9x128xi32, #tpu.memory_space<vmem>> -> memref<1x128xi32, #tpu.memory_space<vmem>>
        %dma_start3A_88 = tpu.memref_squeeze %dma_start3A_87 : memref<1x128xi32, #tpu.memory_space<vmem>> -> memref<128xi32, #tpu.memory_space<vmem>>
        %dma_start3A_89 = arith.constant 0 : i32
        %dma_start3A_90 = arith.constant 0 : i32
        %dma_start3A_91 = tpu.memref_slice %arg11[%dma_start3A_89, %dma_start3A_90] : memref<10240x128xf32, #tpu.memory_space<vmem_shared>> -> memref<10240x128xf32, #tpu.memory_space<vmem_shared>>
        tpu.enqueue_indirect_dma source(%arg10 : memref<128x128xf32, #tpu.memory_space<vmem>>) target(%dma_start3A_91 : memref<10240x128xf32, #tpu.memory_space<vmem_shared>>) offsets(%dma_start3A_88 : memref<128xi32, #tpu.memory_space<vmem>>) semaphore(%run_scoped3A_86 : memref<!tpu.dma_semaphore, #tpu.memory_space<semaphore_mem>>) {add = true}
        %dma_wait3A = arith.constant 0 : i32
        %dma_wait3A_92 = tpu.memref_slice %arg8[%run_scoped3A_71, %dma_wait3A] : memref<9x128xi32, #tpu.memory_space<vmem>> -> memref<1x128xi32, #tpu.memory_space<vmem>>
        %dma_wait3A_93 = tpu.memref_squeeze %dma_wait3A_92 : memref<1x128xi32, #tpu.memory_space<vmem>> -> memref<128xi32, #tpu.memory_space<vmem>>
        %dma_wait3A_94 = arith.constant 0 : i32
        %dma_wait3A_95 = arith.constant 0 : i32
        %dma_wait3A_96 = tpu.memref_slice %arg11[%dma_wait3A_94, %dma_wait3A_95] : memref<10240x128xf32, #tpu.memory_space<vmem_shared>> -> memref<10240x128xf32, #tpu.memory_space<vmem_shared>>
        tpu.wait_indirect_dma semaphore(%run_scoped3A_86 : memref<!tpu.dma_semaphore, #tpu.memory_space<semaphore_mem>>) src(%arg10 : memref<128x128xf32, #tpu.memory_space<vmem>>) dst(%dma_wait3A_96 : memref<10240x128xf32, #tpu.memory_space<vmem_shared>>)
        tpu.yield
      }) : () -> ()
      %run_scoped3A_72 = arith.constant 7 : i32
      "tpu.region"() ({
        %run_scoped3A_86 = tpu.sem_alloc : memref<!tpu.dma_semaphore, #tpu.memory_space<semaphore_mem>>
        %dma_start3A = arith.constant 0 : i32
        %dma_start3A_87 = tpu.memref_slice %arg7[%run_scoped3A_72, %dma_start3A] : memref<9x128xi32, #tpu.memory_space<vmem>> -> memref<1x128xi32, #tpu.memory_space<vmem>>
        %dma_start3A_88 = tpu.memref_squeeze %dma_start3A_87 : memref<1x128xi32, #tpu.memory_space<vmem>> -> memref<128xi32, #tpu.memory_space<vmem>>
        %dma_start3A_89 = arith.constant 0 : i32
        %dma_start3A_90 = arith.constant 0 : i32
        %dma_start3A_91 = tpu.memref_slice %arg2[%dma_start3A_89, %dma_start3A_90] : memref<10240x128xf32, #tpu.memory_space<hbm>> -> memref<10240x128xf32, #tpu.memory_space<hbm>>
        tpu.enqueue_indirect_dma source(%dma_start3A_91 : memref<10240x128xf32, #tpu.memory_space<hbm>>) target(%arg10 : memref<128x128xf32, #tpu.memory_space<vmem>>) offsets(%dma_start3A_88 : memref<128xi32, #tpu.memory_space<vmem>>) semaphore(%run_scoped3A_86 : memref<!tpu.dma_semaphore, #tpu.memory_space<semaphore_mem>>)
        %dma_wait3A = arith.constant 0 : i32
        %dma_wait3A_92 = tpu.memref_slice %arg7[%run_scoped3A_72, %dma_wait3A] : memref<9x128xi32, #tpu.memory_space<vmem>> -> memref<1x128xi32, #tpu.memory_space<vmem>>
        %dma_wait3A_93 = tpu.memref_squeeze %dma_wait3A_92 : memref<1x128xi32, #tpu.memory_space<vmem>> -> memref<128xi32, #tpu.memory_space<vmem>>
        %dma_wait3A_94 = arith.constant 0 : i32
        %dma_wait3A_95 = arith.constant 0 : i32
        %dma_wait3A_96 = tpu.memref_slice %arg2[%dma_wait3A_94, %dma_wait3A_95] : memref<10240x128xf32, #tpu.memory_space<hbm>> -> memref<10240x128xf32, #tpu.memory_space<hbm>>
        tpu.wait_indirect_dma semaphore(%run_scoped3A_86 : memref<!tpu.dma_semaphore, #tpu.memory_space<semaphore_mem>>) src(%dma_wait3A_96 : memref<10240x128xf32, #tpu.memory_space<hbm>>) dst(%arg10 : memref<128x128xf32, #tpu.memory_space<vmem>>)
        tpu.yield
      }) : () -> ()
      %scan3A_73 = arith.constant 0 : i32
      %scan3A_74 = arith.constant 128 : i32
      %scan3A_75 = arith.addi %scan3A_73, %scan3A_74 : i32
      %scan3A_76 = arith.constant 1 : i32
      scf.for %scan3A_86 = %scan3A_73 to %scan3A_75 step %scan3A_76  : i32 {
        %mul3A_87 = arith.constant 1 : i32
        %mul3A_88 = arith.muli %scan3A_86, %mul3A_87 : i32
        %add3A_89 = arith.constant 0 : i32
        %add3A_90 = arith.addi %add3A_89, %mul3A_88 : i32
        %broadcast_in_dim3A_91 = arith.constant 7 : i32
        %broadcast_in_dim3A_92 = vector.broadcast %broadcast_in_dim3A_91 : i32 to vector<16xi32>
        %broadcast_in_dim3A_93 = vector.broadcast %add3A_90 : i32 to vector<16xi32>
        %gather3A = tpu.vector_load_idx %arg9[%broadcast_in_dim3A_92, %broadcast_in_dim3A_93] : memref<9x128xf32, #tpu.memory_space<vmem>>[vector<16xi32>, vector<16xi32>], vector<16xf32>,
        %get3A = arith.index_cast %add3A_90 : i32 to index
        %get3A_94 = arith.constant 0 : index
        %get3A_95 = tpu.vector_load %arg10[%get3A, %get3A_94] {strides = array<i32>} : memref<128x128xf32, #tpu.memory_space<vmem>>, vector<16xf32>,
        %mul3A_96 = arith.mulf %get3A_95, %gather3A : vector<16xf32>
        %swap3A = arith.index_cast %add3A_90 : i32 to index
        %swap3A_97 = arith.constant 0 : index
        %swap3A_98 = tpu.vector_load %arg10[%swap3A, %swap3A_97] {strides = array<i32>} : memref<128x128xf32, #tpu.memory_space<vmem>>, vector<16xf32>,
        tpu.vector_store %arg10[%swap3A, %swap3A_97], %mul3A_96 {strides = array<i32>} : memref<128x128xf32, #tpu.memory_space<vmem>>, vector<16xf32>,
        %get3A_99 = arith.index_cast %add3A_90 : i32 to index
        %get3A_100 = arith.constant 16 : index
        %get3A_101 = tpu.vector_load %arg10[%get3A_99, %get3A_100] {strides = array<i32>} : memref<128x128xf32, #tpu.memory_space<vmem>>, vector<16xf32>,
        %mul3A_102 = arith.mulf %get3A_101, %gather3A : vector<16xf32>
        %swap3A_103 = arith.index_cast %add3A_90 : i32 to index
        %swap3A_104 = arith.constant 16 : index
        %swap3A_105 = tpu.vector_load %arg10[%swap3A_103, %swap3A_104] {strides = array<i32>} : memref<128x128xf32, #tpu.memory_space<vmem>>, vector<16xf32>,
        tpu.vector_store %arg10[%swap3A_103, %swap3A_104], %mul3A_102 {strides = array<i32>} : memref<128x128xf32, #tpu.memory_space<vmem>>, vector<16xf32>,
        %get3A_106 = arith.index_cast %add3A_90 : i32 to index
        %get3A_107 = arith.constant 32 : index
        %get3A_108 = tpu.vector_load %arg10[%get3A_106, %get3A_107] {strides = array<i32>} : memref<128x128xf32, #tpu.memory_space<vmem>>, vector<16xf32>,
        %mul3A_109 = arith.mulf %get3A_108, %gather3A : vector<16xf32>
        %swap3A_110 = arith.index_cast %add3A_90 : i32 to index
        %swap3A_111 = arith.constant 32 : index
        %swap3A_112 = tpu.vector_load %arg10[%swap3A_110, %swap3A_111] {strides = array<i32>} : memref<128x128xf32, #tpu.memory_space<vmem>>, vector<16xf32>,
        tpu.vector_store %arg10[%swap3A_110, %swap3A_111], %mul3A_109 {strides = array<i32>} : memref<128x128xf32, #tpu.memory_space<vmem>>, vector<16xf32>,
        %get3A_113 = arith.index_cast %add3A_90 : i32 to index
        %get3A_114 = arith.constant 48 : index
        %get3A_115 = tpu.vector_load %arg10[%get3A_113, %get3A_114] {strides = array<i32>} : memref<128x128xf32, #tpu.memory_space<vmem>>, vector<16xf32>,
        %mul3A_116 = arith.mulf %get3A_115, %gather3A : vector<16xf32>
        %swap3A_117 = arith.index_cast %add3A_90 : i32 to index
        %swap3A_118 = arith.constant 48 : index
        %swap3A_119 = tpu.vector_load %arg10[%swap3A_117, %swap3A_118] {strides = array<i32>} : memref<128x128xf32, #tpu.memory_space<vmem>>, vector<16xf32>,
        tpu.vector_store %arg10[%swap3A_117, %swap3A_118], %mul3A_116 {strides = array<i32>} : memref<128x128xf32, #tpu.memory_space<vmem>>, vector<16xf32>,
        %get3A_120 = arith.index_cast %add3A_90 : i32 to index
        %get3A_121 = arith.constant 64 : index
        %get3A_122 = tpu.vector_load %arg10[%get3A_120, %get3A_121] {strides = array<i32>} : memref<128x128xf32, #tpu.memory_space<vmem>>, vector<16xf32>,
        %mul3A_123 = arith.mulf %get3A_122, %gather3A : vector<16xf32>
        %swap3A_124 = arith.index_cast %add3A_90 : i32 to index
        %swap3A_125 = arith.constant 64 : index
        %swap3A_126 = tpu.vector_load %arg10[%swap3A_124, %swap3A_125] {strides = array<i32>} : memref<128x128xf32, #tpu.memory_space<vmem>>, vector<16xf32>,
        tpu.vector_store %arg10[%swap3A_124, %swap3A_125], %mul3A_123 {strides = array<i32>} : memref<128x128xf32, #tpu.memory_space<vmem>>, vector<16xf32>,
        %get3A_127 = arith.index_cast %add3A_90 : i32 to index
        %get3A_128 = arith.constant 80 : index
        %get3A_129 = tpu.vector_load %arg10[%get3A_127, %get3A_128] {strides = array<i32>} : memref<128x128xf32, #tpu.memory_space<vmem>>, vector<16xf32>,
        %mul3A_130 = arith.mulf %get3A_129, %gather3A : vector<16xf32>
        %swap3A_131 = arith.index_cast %add3A_90 : i32 to index
        %swap3A_132 = arith.constant 80 : index
        %swap3A_133 = tpu.vector_load %arg10[%swap3A_131, %swap3A_132] {strides = array<i32>} : memref<128x128xf32, #tpu.memory_space<vmem>>, vector<16xf32>,
        tpu.vector_store %arg10[%swap3A_131, %swap3A_132], %mul3A_130 {strides = array<i32>} : memref<128x128xf32, #tpu.memory_space<vmem>>, vector<16xf32>,
        %get3A_134 = arith.index_cast %add3A_90 : i32 to index
        %get3A_135 = arith.constant 96 : index
        %get3A_136 = tpu.vector_load %arg10[%get3A_134, %get3A_135] {strides = array<i32>} : memref<128x128xf32, #tpu.memory_space<vmem>>, vector<16xf32>,
        %mul3A_137 = arith.mulf %get3A_136, %gather3A : vector<16xf32>
        %swap3A_138 = arith.index_cast %add3A_90 : i32 to index
        %swap3A_139 = arith.constant 96 : index
        %swap3A_140 = tpu.vector_load %arg10[%swap3A_138, %swap3A_139] {strides = array<i32>} : memref<128x128xf32, #tpu.memory_space<vmem>>, vector<16xf32>,
        tpu.vector_store %arg10[%swap3A_138, %swap3A_139], %mul3A_137 {strides = array<i32>} : memref<128x128xf32, #tpu.memory_space<vmem>>, vector<16xf32>,
        %get3A_141 = arith.index_cast %add3A_90 : i32 to index
        %get3A_142 = arith.constant 112 : index
        %get3A_143 = tpu.vector_load %arg10[%get3A_141, %get3A_142] {strides = array<i32>} : memref<128x128xf32, #tpu.memory_space<vmem>>, vector<16xf32>,
        %mul3A_144 = arith.mulf %get3A_143, %gather3A : vector<16xf32>
        %swap3A_145 = arith.index_cast %add3A_90 : i32 to index
        %swap3A_146 = arith.constant 112 : index
        %swap3A_147 = tpu.vector_load %arg10[%swap3A_145, %swap3A_146] {strides = array<i32>} : memref<128x128xf32, #tpu.memory_space<vmem>>, vector<16xf32>,
        tpu.vector_store %arg10[%swap3A_145, %swap3A_146], %mul3A_144 {strides = array<i32>} : memref<128x128xf32, #tpu.memory_space<vmem>>, vector<16xf32>,
      }
      %scan3A_77 = arith.constant 128 : i32
      %run_scoped3A_78 = arith.constant 7 : i32
      "tpu.region"() ({
        %run_scoped3A_86 = tpu.sem_alloc : memref<!tpu.dma_semaphore, #tpu.memory_space<semaphore_mem>>
        %dma_start3A = arith.constant 0 : i32
        %dma_start3A_87 = tpu.memref_slice %arg8[%run_scoped3A_78, %dma_start3A] : memref<9x128xi32, #tpu.memory_space<vmem>> -> memref<1x128xi32, #tpu.memory_space<vmem>>
        %dma_start3A_88 = tpu.memref_squeeze %dma_start3A_87 : memref<1x128xi32, #tpu.memory_space<vmem>> -> memref<128xi32, #tpu.memory_space<vmem>>
        %dma_start3A_89 = arith.constant 0 : i32
        %dma_start3A_90 = arith.constant 0 : i32
        %dma_start3A_91 = tpu.memref_slice %arg11[%dma_start3A_89, %dma_start3A_90] : memref<10240x128xf32, #tpu.memory_space<vmem_shared>> -> memref<10240x128xf32, #tpu.memory_space<vmem_shared>>
        tpu.enqueue_indirect_dma source(%arg10 : memref<128x128xf32, #tpu.memory_space<vmem>>) target(%dma_start3A_91 : memref<10240x128xf32, #tpu.memory_space<vmem_shared>>) offsets(%dma_start3A_88 : memref<128xi32, #tpu.memory_space<vmem>>) semaphore(%run_scoped3A_86 : memref<!tpu.dma_semaphore, #tpu.memory_space<semaphore_mem>>) {add = true}
        %dma_wait3A = arith.constant 0 : i32
        %dma_wait3A_92 = tpu.memref_slice %arg8[%run_scoped3A_78, %dma_wait3A] : memref<9x128xi32, #tpu.memory_space<vmem>> -> memref<1x128xi32, #tpu.memory_space<vmem>>
        %dma_wait3A_93 = tpu.memref_squeeze %dma_wait3A_92 : memref<1x128xi32, #tpu.memory_space<vmem>> -> memref<128xi32, #tpu.memory_space<vmem>>
        %dma_wait3A_94 = arith.constant 0 : i32
        %dma_wait3A_95 = arith.constant 0 : i32
        %dma_wait3A_96 = tpu.memref_slice %arg11[%dma_wait3A_94, %dma_wait3A_95] : memref<10240x128xf32, #tpu.memory_space<vmem_shared>> -> memref<10240x128xf32, #tpu.memory_space<vmem_shared>>
        tpu.wait_indirect_dma semaphore(%run_scoped3A_86 : memref<!tpu.dma_semaphore, #tpu.memory_space<semaphore_mem>>) src(%arg10 : memref<128x128xf32, #tpu.memory_space<vmem>>) dst(%dma_wait3A_96 : memref<10240x128xf32, #tpu.memory_space<vmem_shared>>)
        tpu.yield
      }) : () -> ()
      %run_scoped3A_79 = arith.constant 8 : i32
      "tpu.region"() ({
        %run_scoped3A_86 = tpu.sem_alloc : memref<!tpu.dma_semaphore, #tpu.memory_space<semaphore_mem>>
        %dma_start3A = arith.constant 0 : i32
        %dma_start3A_87 = tpu.memref_slice %arg7[%run_scoped3A_79, %dma_start3A] : memref<9x128xi32, #tpu.memory_space<vmem>> -> memref<1x128xi32, #tpu.memory_space<vmem>>
        %dma_start3A_88 = tpu.memref_squeeze %dma_start3A_87 : memref<1x128xi32, #tpu.memory_space<vmem>> -> memref<128xi32, #tpu.memory_space<vmem>>
        %dma_start3A_89 = arith.constant 0 : i32
        %dma_start3A_90 = arith.constant 0 : i32
        %dma_start3A_91 = tpu.memref_slice %arg2[%dma_start3A_89, %dma_start3A_90] : memref<10240x128xf32, #tpu.memory_space<hbm>> -> memref<10240x128xf32, #tpu.memory_space<hbm>>
        tpu.enqueue_indirect_dma source(%dma_start3A_91 : memref<10240x128xf32, #tpu.memory_space<hbm>>) target(%arg10 : memref<128x128xf32, #tpu.memory_space<vmem>>) offsets(%dma_start3A_88 : memref<128xi32, #tpu.memory_space<vmem>>) semaphore(%run_scoped3A_86 : memref<!tpu.dma_semaphore, #tpu.memory_space<semaphore_mem>>)
        %dma_wait3A = arith.constant 0 : i32
        %dma_wait3A_92 = tpu.memref_slice %arg7[%run_scoped3A_79, %dma_wait3A] : memref<9x128xi32, #tpu.memory_space<vmem>> -> memref<1x128xi32, #tpu.memory_space<vmem>>
        %dma_wait3A_93 = tpu.memref_squeeze %dma_wait3A_92 : memref<1x128xi32, #tpu.memory_space<vmem>> -> memref<128xi32, #tpu.memory_space<vmem>>
        %dma_wait3A_94 = arith.constant 0 : i32
        %dma_wait3A_95 = arith.constant 0 : i32
        %dma_wait3A_96 = tpu.memref_slice %arg2[%dma_wait3A_94, %dma_wait3A_95] : memref<10240x128xf32, #tpu.memory_space<hbm>> -> memref<10240x128xf32, #tpu.memory_space<hbm>>
        tpu.wait_indirect_dma semaphore(%run_scoped3A_86 : memref<!tpu.dma_semaphore, #tpu.memory_space<semaphore_mem>>) src(%dma_wait3A_96 : memref<10240x128xf32, #tpu.memory_space<hbm>>) dst(%arg10 : memref<128x128xf32, #tpu.memory_space<vmem>>)
        tpu.yield
      }) : () -> ()
      %scan3A_80 = arith.constant 0 : i32
      %scan3A_81 = arith.constant 128 : i32
      %scan3A_82 = arith.addi %scan3A_80, %scan3A_81 : i32
      %scan3A_83 = arith.constant 1 : i32
      scf.for %scan3A_86 = %scan3A_80 to %scan3A_82 step %scan3A_83  : i32 {
        %mul3A_87 = arith.constant 1 : i32
        %mul3A_88 = arith.muli %scan3A_86, %mul3A_87 : i32
        %add3A_89 = arith.constant 0 : i32
        %add3A_90 = arith.addi %add3A_89, %mul3A_88 : i32
        %broadcast_in_dim3A_91 = arith.constant 8 : i32
        %broadcast_in_dim3A_92 = vector.broadcast %broadcast_in_dim3A_91 : i32 to vector<16xi32>
        %broadcast_in_dim3A_93 = vector.broadcast %add3A_90 : i32 to vector<16xi32>
        %gather3A = tpu.vector_load_idx %arg9[%broadcast_in_dim3A_92, %broadcast_in_dim3A_93] : memref<9x128xf32, #tpu.memory_space<vmem>>[vector<16xi32>, vector<16xi32>], vector<16xf32>,
        %get3A = arith.index_cast %add3A_90 : i32 to index
        %get3A_94 = arith.constant 0 : index
        %get3A_95 = tpu.vector_load %arg10[%get3A, %get3A_94] {strides = array<i32>} : memref<128x128xf32, #tpu.memory_space<vmem>>, vector<16xf32>,
        %mul3A_96 = arith.mulf %get3A_95, %gather3A : vector<16xf32>
        %swap3A = arith.index_cast %add3A_90 : i32 to index
        %swap3A_97 = arith.constant 0 : index
        %swap3A_98 = tpu.vector_load %arg10[%swap3A, %swap3A_97] {strides = array<i32>} : memref<128x128xf32, #tpu.memory_space<vmem>>, vector<16xf32>,
        tpu.vector_store %arg10[%swap3A, %swap3A_97], %mul3A_96 {strides = array<i32>} : memref<128x128xf32, #tpu.memory_space<vmem>>, vector<16xf32>,
        %get3A_99 = arith.index_cast %add3A_90 : i32 to index
        %get3A_100 = arith.constant 16 : index
        %get3A_101 = tpu.vector_load %arg10[%get3A_99, %get3A_100] {strides = array<i32>} : memref<128x128xf32, #tpu.memory_space<vmem>>, vector<16xf32>,
        %mul3A_102 = arith.mulf %get3A_101, %gather3A : vector<16xf32>
        %swap3A_103 = arith.index_cast %add3A_90 : i32 to index
        %swap3A_104 = arith.constant 16 : index
        %swap3A_105 = tpu.vector_load %arg10[%swap3A_103, %swap3A_104] {strides = array<i32>} : memref<128x128xf32, #tpu.memory_space<vmem>>, vector<16xf32>,
        tpu.vector_store %arg10[%swap3A_103, %swap3A_104], %mul3A_102 {strides = array<i32>} : memref<128x128xf32, #tpu.memory_space<vmem>>, vector<16xf32>,
        %get3A_106 = arith.index_cast %add3A_90 : i32 to index
        %get3A_107 = arith.constant 32 : index
        %get3A_108 = tpu.vector_load %arg10[%get3A_106, %get3A_107] {strides = array<i32>} : memref<128x128xf32, #tpu.memory_space<vmem>>, vector<16xf32>,
        %mul3A_109 = arith.mulf %get3A_108, %gather3A : vector<16xf32>
        %swap3A_110 = arith.index_cast %add3A_90 : i32 to index
        %swap3A_111 = arith.constant 32 : index
        %swap3A_112 = tpu.vector_load %arg10[%swap3A_110, %swap3A_111] {strides = array<i32>} : memref<128x128xf32, #tpu.memory_space<vmem>>, vector<16xf32>,
        tpu.vector_store %arg10[%swap3A_110, %swap3A_111], %mul3A_109 {strides = array<i32>} : memref<128x128xf32, #tpu.memory_space<vmem>>, vector<16xf32>,
        %get3A_113 = arith.index_cast %add3A_90 : i32 to index
        %get3A_114 = arith.constant 48 : index
        %get3A_115 = tpu.vector_load %arg10[%get3A_113, %get3A_114] {strides = array<i32>} : memref<128x128xf32, #tpu.memory_space<vmem>>, vector<16xf32>,
        %mul3A_116 = arith.mulf %get3A_115, %gather3A : vector<16xf32>
        %swap3A_117 = arith.index_cast %add3A_90 : i32 to index
        %swap3A_118 = arith.constant 48 : index
        %swap3A_119 = tpu.vector_load %arg10[%swap3A_117, %swap3A_118] {strides = array<i32>} : memref<128x128xf32, #tpu.memory_space<vmem>>, vector<16xf32>,
        tpu.vector_store %arg10[%swap3A_117, %swap3A_118], %mul3A_116 {strides = array<i32>} : memref<128x128xf32, #tpu.memory_space<vmem>>, vector<16xf32>,
        %get3A_120 = arith.index_cast %add3A_90 : i32 to index
        %get3A_121 = arith.constant 64 : index
        %get3A_122 = tpu.vector_load %arg10[%get3A_120, %get3A_121] {strides = array<i32>} : memref<128x128xf32, #tpu.memory_space<vmem>>, vector<16xf32>,
        %mul3A_123 = arith.mulf %get3A_122, %gather3A : vector<16xf32>
        %swap3A_124 = arith.index_cast %add3A_90 : i32 to index
        %swap3A_125 = arith.constant 64 : index
        %swap3A_126 = tpu.vector_load %arg10[%swap3A_124, %swap3A_125] {strides = array<i32>} : memref<128x128xf32, #tpu.memory_space<vmem>>, vector<16xf32>,
        tpu.vector_store %arg10[%swap3A_124, %swap3A_125], %mul3A_123 {strides = array<i32>} : memref<128x128xf32, #tpu.memory_space<vmem>>, vector<16xf32>,
        %get3A_127 = arith.index_cast %add3A_90 : i32 to index
        %get3A_128 = arith.constant 80 : index
        %get3A_129 = tpu.vector_load %arg10[%get3A_127, %get3A_128] {strides = array<i32>} : memref<128x128xf32, #tpu.memory_space<vmem>>, vector<16xf32>,
        %mul3A_130 = arith.mulf %get3A_129, %gather3A : vector<16xf32>
        %swap3A_131 = arith.index_cast %add3A_90 : i32 to index
        %swap3A_132 = arith.constant 80 : index
        %swap3A_133 = tpu.vector_load %arg10[%swap3A_131, %swap3A_132] {strides = array<i32>} : memref<128x128xf32, #tpu.memory_space<vmem>>, vector<16xf32>,
        tpu.vector_store %arg10[%swap3A_131, %swap3A_132], %mul3A_130 {strides = array<i32>} : memref<128x128xf32, #tpu.memory_space<vmem>>, vector<16xf32>,
        %get3A_134 = arith.index_cast %add3A_90 : i32 to index
        %get3A_135 = arith.constant 96 : index
        %get3A_136 = tpu.vector_load %arg10[%get3A_134, %get3A_135] {strides = array<i32>} : memref<128x128xf32, #tpu.memory_space<vmem>>, vector<16xf32>,
        %mul3A_137 = arith.mulf %get3A_136, %gather3A : vector<16xf32>
        %swap3A_138 = arith.index_cast %add3A_90 : i32 to index
        %swap3A_139 = arith.constant 96 : index
        %swap3A_140 = tpu.vector_load %arg10[%swap3A_138, %swap3A_139] {strides = array<i32>} : memref<128x128xf32, #tpu.memory_space<vmem>>, vector<16xf32>,
        tpu.vector_store %arg10[%swap3A_138, %swap3A_139], %mul3A_137 {strides = array<i32>} : memref<128x128xf32, #tpu.memory_space<vmem>>, vector<16xf32>,
        %get3A_141 = arith.index_cast %add3A_90 : i32 to index
        %get3A_142 = arith.constant 112 : index
        %get3A_143 = tpu.vector_load %arg10[%get3A_141, %get3A_142] {strides = array<i32>} : memref<128x128xf32, #tpu.memory_space<vmem>>, vector<16xf32>,
        %mul3A_144 = arith.mulf %get3A_143, %gather3A : vector<16xf32>
        %swap3A_145 = arith.index_cast %add3A_90 : i32 to index
        %swap3A_146 = arith.constant 112 : index
        %swap3A_147 = tpu.vector_load %arg10[%swap3A_145, %swap3A_146] {strides = array<i32>} : memref<128x128xf32, #tpu.memory_space<vmem>>, vector<16xf32>,
        tpu.vector_store %arg10[%swap3A_145, %swap3A_146], %mul3A_144 {strides = array<i32>} : memref<128x128xf32, #tpu.memory_space<vmem>>, vector<16xf32>,
      }
      %scan3A_84 = arith.constant 128 : i32
      %run_scoped3A_85 = arith.constant 8 : i32
      "tpu.region"() ({
        %run_scoped3A_86 = tpu.sem_alloc : memref<!tpu.dma_semaphore, #tpu.memory_space<semaphore_mem>>
        %dma_start3A = arith.constant 0 : i32
        %dma_start3A_87 = tpu.memref_slice %arg8[%run_scoped3A_85, %dma_start3A] : memref<9x128xi32, #tpu.memory_space<vmem>> -> memref<1x128xi32, #tpu.memory_space<vmem>>
        %dma_start3A_88 = tpu.memref_squeeze %dma_start3A_87 : memref<1x128xi32, #tpu.memory_space<vmem>> -> memref<128xi32, #tpu.memory_space<vmem>>
        %dma_start3A_89 = arith.constant 0 : i32
        %dma_start3A_90 = arith.constant 0 : i32
        %dma_start3A_91 = tpu.memref_slice %arg11[%dma_start3A_89, %dma_start3A_90] : memref<10240x128xf32, #tpu.memory_space<vmem_shared>> -> memref<10240x128xf32, #tpu.memory_space<vmem_shared>>
        tpu.enqueue_indirect_dma source(%arg10 : memref<128x128xf32, #tpu.memory_space<vmem>>) target(%dma_start3A_91 : memref<10240x128xf32, #tpu.memory_space<vmem_shared>>) offsets(%dma_start3A_88 : memref<128xi32, #tpu.memory_space<vmem>>) semaphore(%run_scoped3A_86 : memref<!tpu.dma_semaphore, #tpu.memory_space<semaphore_mem>>) {add = true}
        %dma_wait3A = arith.constant 0 : i32
        %dma_wait3A_92 = tpu.memref_slice %arg8[%run_scoped3A_85, %dma_wait3A] : memref<9x128xi32, #tpu.memory_space<vmem>> -> memref<1x128xi32, #tpu.memory_space<vmem>>
        %dma_wait3A_93 = tpu.memref_squeeze %dma_wait3A_92 : memref<1x128xi32, #tpu.memory_space<vmem>> -> memref<128xi32, #tpu.memory_space<vmem>>
        %dma_wait3A_94 = arith.constant 0 : i32
        %dma_wait3A_95 = arith.constant 0 : i32
        %dma_wait3A_96 = tpu.memref_slice %arg11[%dma_wait3A_94, %dma_wait3A_95] : memref<10240x128xf32, #tpu.memory_space<vmem_shared>> -> memref<10240x128xf32, #tpu.memory_space<vmem_shared>>
        tpu.wait_indirect_dma semaphore(%run_scoped3A_86 : memref<!tpu.dma_semaphore, #tpu.memory_space<semaphore_mem>>) src(%arg10 : memref<128x128xf32, #tpu.memory_space<vmem>>) dst(%dma_wait3A_96 : memref<10240x128xf32, #tpu.memory_space<vmem_shared>>)
        tpu.yield
      }) : () -> ()
    }
    %scan3A_15 = arith.constant 9 : i32
    %barrier3A_16 = arith.constant 0 : index
    tpu.barrier barrier_id(%barrier3A_16)
    %mul3A_17 = arith.constant 640 : i32
    %mul3A_18 = arith.muli %arg1, %mul3A_17 : i32
    %multiple_of3A = tpu.assume_multiple %mul3A_18, 8 : i32
    "tpu.region"() ({
      %run_scoped3A = tpu.sem_alloc : memref<!tpu.dma_semaphore, #tpu.memory_space<semaphore_mem>>
      %dma_start3A = arith.constant 0 : i32
      %dma_start3A_19 = tpu.memref_slice %arg6[%arg0, %multiple_of3A, %dma_start3A] : memref<2x10240x128xf32, #tpu.memory_space<hbm>> -> memref<1x640x128xf32, #tpu.memory_space<hbm>>
      %dma_start3A_20 = tpu.memref_squeeze %dma_start3A_19 : memref<1x640x128xf32, #tpu.memory_space<hbm>> -> memref<640x128xf32, #tpu.memory_space<hbm>>
      %dma_start3A_21 = arith.constant 0 : i32
      %dma_start3A_22 = tpu.memref_slice %arg11[%multiple_of3A, %dma_start3A_21] : memref<10240x128xf32, #tpu.memory_space<vmem_shared>> -> memref<640x128xf32, #tpu.memory_space<vmem_shared>>
      tpu.enqueue_dma source(%dma_start3A_22 : memref<640x128xf32, #tpu.memory_space<vmem_shared>>) target(%dma_start3A_20 : memref<640x128xf32, #tpu.memory_space<hbm>>) target_semaphore(%run_scoped3A : memref<!tpu.dma_semaphore, #tpu.memory_space<semaphore_mem>>)
      %dma_wait3A = arith.constant 0 : i32
      %dma_wait3A_23 = tpu.memref_slice %arg6[%arg0, %multiple_of3A, %dma_wait3A] : memref<2x10240x128xf32, #tpu.memory_space<hbm>> -> memref<1x640x128xf32, #tpu.memory_space<hbm>>
      %dma_wait3A_24 = tpu.memref_squeeze %dma_wait3A_23 : memref<1x640x128xf32, #tpu.memory_space<hbm>> -> memref<640x128xf32, #tpu.memory_space<hbm>>
      %dma_wait3A_25 = arith.constant 0 : i32
      %dma_wait3A_26 = tpu.memref_slice %arg11[%multiple_of3A, %dma_wait3A_25] : memref<10240x128xf32, #tpu.memory_space<vmem_shared>> -> memref<640x128xf32, #tpu.memory_space<vmem_shared>>
      tpu.wait_dma2 semaphore(%run_scoped3A : memref<!tpu.dma_semaphore, #tpu.memory_space<semaphore_mem>>) src(%dma_wait3A_26 : memref<640x128xf32, #tpu.memory_space<vmem_shared>>) dst(%dma_wait3A_24 : memref<640x128xf32, #tpu.memory_space<hbm>>)
      tpu.yield
    }) : () -> ()
    return
  }
}

module attributes {stable_mosaic.version = 14 : i64} {
  func.func @_tc_embed_body(%arg0: i32, %arg1: memref<1024x128xf32, #tpu.memory_space<vmem>>, %arg2: memref<128x128xf32, #tpu.memory_space<vmem>>, %arg3: memref<128x1xf32, #tpu.memory_space<vmem>>, %arg4: memref<128x1xf32, #tpu.memory_space<vmem>>, %arg5: memref<1024x128xf32, #tpu.memory_space<vmem>>, %arg6: memref<1024x1xf32, #tpu.memory_space<vmem>>, %arg7: memref<1024x1xf32, #tpu.memory_space<vmem>>, %arg8: memref<1024x1xf32, #tpu.memory_space<vmem>>) attributes {dimension_semantics = [#tpu.dimension_semantics<arbitrary>], iteration_bounds = array<i64: 10>, scalar_prefetch = 0 : i64, scratch_operands = 0 : i64, tpu.core_type = #tpu.core_type<tc>, window_params = [{transform_indices = @transform_0, window_bounds = array<i64: 1024, 128>}, {pipeline_mode = #tpu.pipeline_mode<synchronous>, transform_indices = @transform_1, window_bounds = array<i64: 128, 128>}, {pipeline_mode = #tpu.pipeline_mode<synchronous>, transform_indices = @transform_2, window_bounds = array<i64: 128, 1>}, {pipeline_mode = #tpu.pipeline_mode<synchronous>, transform_indices = @transform_3, window_bounds = array<i64: 128, 1>}, {transform_indices = @transform_4, window_bounds = array<i64: 1024, 128>}, {transform_indices = @transform_5, window_bounds = array<i64: 1024, 1>}, {transform_indices = @transform_6, window_bounds = array<i64: 1024, 1>}, {transform_indices = @transform_7, window_bounds = array<i64: 1024, 1>}]} {
    %get3A = arith.constant 0 : index
    %get3A_0 = arith.constant 0 : index
    %get3A_1 = vector.load %arg1[%get3A, %get3A_0] : memref<1024x128xf32, #tpu.memory_space<vmem>>, vector<1024x128xf32>
    %get3A_2 = arith.constant 0 : index
    %get3A_3 = arith.constant 0 : index
    %get3A_4 = vector.load %arg2[%get3A_2, %get3A_3] : memref<128x128xf32, #tpu.memory_space<vmem>>, vector<128x128xf32>
    %dot_general3A = arith.constant dense<0.000000e+00> : vector<1024x128xf32>
    %dot_general3A_5 = tpu.matmul %get3A_1, %get3A_4, %dot_general3A {dimension_numbers = #tpu.dot_dimension_numbers<[1], [0], [0], [1], [0, 0, 1, 1], [], []>, transpose_lhs_hint = false} : vector<1024x128xf32>, vector<128x128xf32>, vector<1024x128xf32> -> vector<1024x128xf32>
    %swap3A = arith.constant 0 : index
    %swap3A_6 = arith.constant 0 : index
    %swap3A_7 = vector.load %arg5[%swap3A, %swap3A_6] : memref<1024x128xf32, #tpu.memory_space<vmem>>, vector<1024x128xf32>
    tpu.vector_store %arg5[%swap3A, %swap3A_6], %dot_general3A_5 {strides = array<i32>} : memref<1024x128xf32, #tpu.memory_space<vmem>>, vector<1024x128xf32>,
    %get3A_8 = arith.constant 0 : index
    %get3A_9 = arith.constant 0 : index
    %get3A_10 = vector.load %arg3[%get3A_8, %get3A_9] : memref<128x1xf32, #tpu.memory_space<vmem>>, vector<128x1xf32>
    %dot_general3A_11 = arith.constant dense<0.000000e+00> : vector<1024x1xf32>
    %dot_general3A_12 = tpu.matmul %dot_general3A_5, %get3A_10, %dot_general3A_11 {dimension_numbers = #tpu.dot_dimension_numbers<[1], [0], [0], [1], [0, 0, 1, 1], [], []>, transpose_lhs_hint = false} : vector<1024x128xf32>, vector<128x1xf32>, vector<1024x1xf32> -> vector<1024x1xf32>
    %get3A_13 = arith.constant 0 : index
    %get3A_14 = arith.constant 0 : index
    %get3A_15 = vector.load %arg4[%get3A_13, %get3A_14] : memref<128x1xf32, #tpu.memory_space<vmem>>, vector<128x1xf32>
    %dot_general3A_16 = arith.constant dense<0.000000e+00> : vector<1024x1xf32>
    %dot_general3A_17 = tpu.matmul %dot_general3A_5, %get3A_15, %dot_general3A_16 {dimension_numbers = #tpu.dot_dimension_numbers<[1], [0], [0], [1], [0, 0, 1, 1], [], []>, transpose_lhs_hint = false} : vector<1024x128xf32>, vector<128x1xf32>, vector<1024x1xf32> -> vector<1024x1xf32>
    %swap3A_18 = arith.constant 0 : index
    %swap3A_19 = arith.constant 0 : index
    %swap3A_20 = vector.load %arg6[%swap3A_18, %swap3A_19] : memref<1024x1xf32, #tpu.memory_space<vmem>>, vector<1024x1xf32>
    tpu.vector_store %arg6[%swap3A_18, %swap3A_19], %dot_general3A_12 {strides = array<i32>} : memref<1024x1xf32, #tpu.memory_space<vmem>>, vector<1024x1xf32>,
    %swap3A_21 = arith.constant 0 : index
    %swap3A_22 = arith.constant 0 : index
    %swap3A_23 = vector.load %arg7[%swap3A_21, %swap3A_22] : memref<1024x1xf32, #tpu.memory_space<vmem>>, vector<1024x1xf32>
    tpu.vector_store %arg7[%swap3A_21, %swap3A_22], %dot_general3A_17 {strides = array<i32>} : memref<1024x1xf32, #tpu.memory_space<vmem>>, vector<1024x1xf32>,
    %add3A = arith.addf %dot_general3A_12, %dot_general3A_17 : vector<1024x1xf32>
    %gt3A = arith.constant 0.000000e+00 : f32
    %gt3A_24 = vector.broadcast %gt3A : f32 to vector<1024x1xf32>
    %gt3A_25 = arith.cmpf ogt, %add3A, %gt3A_24 : vector<1024x1xf32>
    %mul3A = arith.constant 2.000000e-01 : f32
    %mul3A_26 = vector.broadcast %mul3A : f32 to vector<1024x1xf32>
    %mul3A_27 = arith.mulf %mul3A_26, %add3A : vector<1024x1xf32>
    %select_n3A = arith.select %gt3A_25, %add3A, %mul3A_27 : vector<1024x1xi1>, vector<1024x1xf32>
    %swap3A_28 = arith.constant 0 : index
    %swap3A_29 = arith.constant 0 : index
    %swap3A_30 = vector.load %arg8[%swap3A_28, %swap3A_29] : memref<1024x1xf32, #tpu.memory_space<vmem>>, vector<1024x1xf32>
    tpu.vector_store %arg8[%swap3A_28, %swap3A_29], %select_n3A {strides = array<i32>} : memref<1024x1xf32, #tpu.memory_space<vmem>>, vector<1024x1xf32>,
    return
  }
  func.func @transform_0(%arg0: i32) -> (i32, i32) {
    %c0_i32 = arith.constant 0 : i32
    %c0_i32_0 = arith.constant 0 : i32
    return %arg0, %c0_i32 : i32, i32
  }
  func.func @transform_1(%arg0: i32) -> (i32, i32) {
    %c0_i32 = arith.constant 0 : i32
    %c0_i32_0 = arith.constant 0 : i32
    %c0_i32_1 = arith.constant 0 : i32
    return %c0_i32, %c0_i32_0 : i32, i32
  }
  func.func @transform_2(%arg0: i32) -> (i32, i32) {
    %c0_i32 = arith.constant 0 : i32
    %c0_i32_0 = arith.constant 0 : i32
    %c0_i32_1 = arith.constant 0 : i32
    return %c0_i32, %c0_i32_0 : i32, i32
  }
  func.func @transform_3(%arg0: i32) -> (i32, i32) {
    %c0_i32 = arith.constant 0 : i32
    %c0_i32_0 = arith.constant 0 : i32
    %c0_i32_1 = arith.constant 0 : i32
    return %c0_i32, %c0_i32_0 : i32, i32
  }
  func.func @transform_4(%arg0: i32) -> (i32, i32) {
    %c0_i32 = arith.constant 0 : i32
    %c0_i32_0 = arith.constant 0 : i32
    return %arg0, %c0_i32 : i32, i32
  }
  func.func @transform_5(%arg0: i32) -> (i32, i32) {
    %c0_i32 = arith.constant 0 : i32
    %c0_i32_0 = arith.constant 0 : i32
    return %arg0, %c0_i32 : i32, i32
  }
  func.func @transform_6(%arg0: i32) -> (i32, i32) {
    %c0_i32 = arith.constant 0 : i32
    %c0_i32_0 = arith.constant 0 : i32
    return %arg0, %c0_i32 : i32, i32
  }
  func.func @transform_7(%arg0: i32) -> (i32, i32) {
    %c0_i32 = arith.constant 0 : i32
    %c0_i32_0 = arith.constant 0 : i32
    return %arg0, %c0_i32 : i32, i32
  }
}

module attributes {stable_mosaic.version = 14 : i64} {
  func.func @_tc_merge_body(%arg0: i32, %arg1: memref<2x1024x128xf32, #tpu.memory_space<vmem>>, %arg2: memref<32x10240xf32, #tpu.memory_space<vmem>>, %arg3: memref<1x128xf32, #tpu.memory_space<vmem>>, %arg4: memref<128x128xf32, #tpu.memory_space<vmem>>, %arg5: memref<128x1xf32, #tpu.memory_space<vmem>>, %arg6: memref<128x1xf32, #tpu.memory_space<vmem>>, %arg7: memref<1024x128xf32, #tpu.memory_space<vmem>>, %arg8: memref<1024x1xf32, #tpu.memory_space<vmem>>, %arg9: memref<1024x1xf32, #tpu.memory_space<vmem>>, %arg10: memref<1024x1xf32, #tpu.memory_space<vmem>>) attributes {dimension_semantics = [#tpu.dimension_semantics<arbitrary>], iteration_bounds = array<i64: 10>, scalar_prefetch = 0 : i64, scratch_operands = 0 : i64, tpu.core_type = #tpu.core_type<tc>, window_params = [{transform_indices = @transform_0, window_bounds = array<i64: 2, 1024, 128>}, {pipeline_mode = #tpu.pipeline_mode<synchronous>, transform_indices = @transform_1, window_bounds = array<i64: 32, 10240>}, {pipeline_mode = #tpu.pipeline_mode<synchronous>, transform_indices = @transform_2, window_bounds = array<i64: 1, 128>}, {pipeline_mode = #tpu.pipeline_mode<synchronous>, transform_indices = @transform_3, window_bounds = array<i64: 128, 128>}, {pipeline_mode = #tpu.pipeline_mode<synchronous>, transform_indices = @transform_4, window_bounds = array<i64: 128, 1>}, {pipeline_mode = #tpu.pipeline_mode<synchronous>, transform_indices = @transform_5, window_bounds = array<i64: 128, 1>}, {transform_indices = @transform_6, window_bounds = array<i64: 1024, 128>}, {transform_indices = @transform_7, window_bounds = array<i64: 1024, 1>}, {transform_indices = @transform_8, window_bounds = array<i64: 1024, 1>}, {transform_indices = @transform_9, window_bounds = array<i64: 1024, 1>}]} {
    %mul3A = arith.constant 1024 : i32
    %mul3A_0 = arith.muli %arg0, %mul3A : i32
    %get3A = arith.constant 0 : index
    %get3A_1 = arith.index_cast %mul3A_0 : i32 to index
    %get3A_2 = vector.load %arg2[%get3A, %get3A_1] : memref<32x10240xf32, #tpu.memory_space<vmem>>, vector<32x1024xf32>
    %reduce_sum3A = arith.constant dense<0.000000e+00> : vector<1024xf32>
    %reduce_sum3A_3 = vector.multi_reduction <add>, %get3A_2, %reduce_sum3A [0] : vector<32x1024xf32> to vector<1024xf32>
    %add3A = arith.constant 1.000000e-16 : f32
    %add3A_4 = vector.broadcast %add3A : f32 to vector<1024xf32>
    %add3A_5 = arith.addf %reduce_sum3A_3, %add3A_4 : vector<1024xf32>
    %div3A = arith.constant 1.000000e+00 : f32
    %div3A_6 = vector.broadcast %div3A : f32 to vector<1024xf32>
    %div3A_7 = arith.divf %div3A_6, %add3A_5 : vector<1024xf32>
    %get3A_8 = arith.constant 0 : index
    %get3A_9 = arith.constant 0 : index
    %get3A_10 = arith.constant 0 : index
    %get3A_11 = vector.load %arg1[%get3A_8, %get3A_9, %get3A_10] : memref<2x1024x128xf32, #tpu.memory_space<vmem>>, vector<1x1024x128xf32>
    %get3A_12 = vector.shape_cast %get3A_11 : vector<1x1024x128xf32> to vector<1024x128xf32>
    %get3A_13 = arith.constant 1 : index
    %get3A_14 = arith.constant 0 : index
    %get3A_15 = arith.constant 0 : index
    %get3A_16 = vector.load %arg1[%get3A_13, %get3A_14, %get3A_15] : memref<2x1024x128xf32, #tpu.memory_space<vmem>>, vector<1x1024x128xf32>
    %get3A_17 = vector.shape_cast %get3A_16 : vector<1x1024x128xf32> to vector<1024x128xf32>
    %add3A_18 = arith.addf %get3A_12, %get3A_17 : vector<1024x128xf32>
    %broadcast_in_dim3A = vector.shape_cast %div3A_7 : vector<1024xf32> to vector<1024x1xf32>
    %mul3A_19 = vector.broadcast %broadcast_in_dim3A : vector<1024x1xf32> to vector<1024x128xf32>
    %mul3A_20 = arith.mulf %add3A_18, %mul3A_19 : vector<1024x128xf32>
    %get3A_21 = arith.constant 0 : index
    %get3A_22 = arith.constant 0 : index
    %get3A_23 = vector.load %arg3[%get3A_21, %get3A_22] : memref<1x128xf32, #tpu.memory_space<vmem>>, vector<1x128xf32>
    %add3A_24 = vector.broadcast %get3A_23 : vector<1x128xf32> to vector<1024x128xf32>
    %add3A_25 = arith.addf %mul3A_20, %add3A_24 : vector<1024x128xf32>
    %max3A = arith.constant 0.000000e+00 : f32
    %max3A_26 = vector.broadcast %max3A : f32 to vector<1024x128xf32>
    %max3A_27 = arith.maximumf %add3A_25, %max3A_26 : vector<1024x128xf32>
    %get3A_28 = arith.constant 0 : index
    %get3A_29 = arith.constant 0 : index
    %get3A_30 = vector.load %arg4[%get3A_28, %get3A_29] : memref<128x128xf32, #tpu.memory_space<vmem>>, vector<128x128xf32>
    %dot_general3A = arith.constant dense<0.000000e+00> : vector<1024x128xf32>
    %dot_general3A_31 = tpu.matmul %max3A_27, %get3A_30, %dot_general3A {dimension_numbers = #tpu.dot_dimension_numbers<[1], [0], [0], [1], [0, 0, 1, 1], [], []>, transpose_lhs_hint = false} : vector<1024x128xf32>, vector<128x128xf32>, vector<1024x128xf32> -> vector<1024x128xf32>
    %swap3A = arith.constant 0 : index
    %swap3A_32 = arith.constant 0 : index
    %swap3A_33 = vector.load %arg7[%swap3A, %swap3A_32] : memref<1024x128xf32, #tpu.memory_space<vmem>>, vector<1024x128xf32>
    tpu.vector_store %arg7[%swap3A, %swap3A_32], %dot_general3A_31 {strides = array<i32>} : memref<1024x128xf32, #tpu.memory_space<vmem>>, vector<1024x128xf32>,
    %get3A_34 = arith.constant 0 : index
    %get3A_35 = arith.constant 0 : index
    %get3A_36 = vector.load %arg5[%get3A_34, %get3A_35] : memref<128x1xf32, #tpu.memory_space<vmem>>, vector<128x1xf32>
    %dot_general3A_37 = arith.constant dense<0.000000e+00> : vector<1024x1xf32>
    %dot_general3A_38 = tpu.matmul %dot_general3A_31, %get3A_36, %dot_general3A_37 {dimension_numbers = #tpu.dot_dimension_numbers<[1], [0], [0], [1], [0, 0, 1, 1], [], []>, transpose_lhs_hint = false} : vector<1024x128xf32>, vector<128x1xf32>, vector<1024x1xf32> -> vector<1024x1xf32>
    %get3A_39 = arith.constant 0 : index
    %get3A_40 = arith.constant 0 : index
    %get3A_41 = vector.load %arg6[%get3A_39, %get3A_40] : memref<128x1xf32, #tpu.memory_space<vmem>>, vector<128x1xf32>
    %dot_general3A_42 = arith.constant dense<0.000000e+00> : vector<1024x1xf32>
    %dot_general3A_43 = tpu.matmul %dot_general3A_31, %get3A_41, %dot_general3A_42 {dimension_numbers = #tpu.dot_dimension_numbers<[1], [0], [0], [1], [0, 0, 1, 1], [], []>, transpose_lhs_hint = false} : vector<1024x128xf32>, vector<128x1xf32>, vector<1024x1xf32> -> vector<1024x1xf32>
    %swap3A_44 = arith.constant 0 : index
    %swap3A_45 = arith.constant 0 : index
    %swap3A_46 = vector.load %arg8[%swap3A_44, %swap3A_45] : memref<1024x1xf32, #tpu.memory_space<vmem>>, vector<1024x1xf32>
    tpu.vector_store %arg8[%swap3A_44, %swap3A_45], %dot_general3A_38 {strides = array<i32>} : memref<1024x1xf32, #tpu.memory_space<vmem>>, vector<1024x1xf32>,
    %swap3A_47 = arith.constant 0 : index
    %swap3A_48 = arith.constant 0 : index
    %swap3A_49 = vector.load %arg9[%swap3A_47, %swap3A_48] : memref<1024x1xf32, #tpu.memory_space<vmem>>, vector<1024x1xf32>
    tpu.vector_store %arg9[%swap3A_47, %swap3A_48], %dot_general3A_43 {strides = array<i32>} : memref<1024x1xf32, #tpu.memory_space<vmem>>, vector<1024x1xf32>,
    %add3A_50 = arith.addf %dot_general3A_38, %dot_general3A_43 : vector<1024x1xf32>
    %gt3A = arith.constant 0.000000e+00 : f32
    %gt3A_51 = vector.broadcast %gt3A : f32 to vector<1024x1xf32>
    %gt3A_52 = arith.cmpf ogt, %add3A_50, %gt3A_51 : vector<1024x1xf32>
    %mul3A_53 = arith.constant 2.000000e-01 : f32
    %mul3A_54 = vector.broadcast %mul3A_53 : f32 to vector<1024x1xf32>
    %mul3A_55 = arith.mulf %mul3A_54, %add3A_50 : vector<1024x1xf32>
    %select_n3A = arith.select %gt3A_52, %add3A_50, %mul3A_55 : vector<1024x1xi1>, vector<1024x1xf32>
    %swap3A_56 = arith.constant 0 : index
    %swap3A_57 = arith.constant 0 : index
    %swap3A_58 = vector.load %arg10[%swap3A_56, %swap3A_57] : memref<1024x1xf32, #tpu.memory_space<vmem>>, vector<1024x1xf32>
    tpu.vector_store %arg10[%swap3A_56, %swap3A_57], %select_n3A {strides = array<i32>} : memref<1024x1xf32, #tpu.memory_space<vmem>>, vector<1024x1xf32>,
    return
  }
  func.func @transform_0(%arg0: i32) -> (i32, i32, i32) {
    %c0_i32 = arith.constant 0 : i32
    %c0_i32_0 = arith.constant 0 : i32
    %c0_i32_1 = arith.constant 0 : i32
    return %c0_i32, %arg0, %c0_i32_0 : i32, i32, i32
  }
  func.func @transform_1(%arg0: i32) -> (i32, i32) {
    %c0_i32 = arith.constant 0 : i32
    %c0_i32_0 = arith.constant 0 : i32
    %c0_i32_1 = arith.constant 0 : i32
    return %c0_i32, %c0_i32_0 : i32, i32
  }
  func.func @transform_2(%arg0: i32) -> (i32, i32) {
    %c0_i32 = arith.constant 0 : i32
    %c0_i32_0 = arith.constant 0 : i32
    %c0_i32_1 = arith.constant 0 : i32
    return %c0_i32, %c0_i32_0 : i32, i32
  }
  func.func @transform_3(%arg0: i32) -> (i32, i32) {
    %c0_i32 = arith.constant 0 : i32
    %c0_i32_0 = arith.constant 0 : i32
    %c0_i32_1 = arith.constant 0 : i32
    return %c0_i32, %c0_i32_0 : i32, i32
  }
  func.func @transform_4(%arg0: i32) -> (i32, i32) {
    %c0_i32 = arith.constant 0 : i32
    %c0_i32_0 = arith.constant 0 : i32
    %c0_i32_1 = arith.constant 0 : i32
    return %c0_i32, %c0_i32_0 : i32, i32
  }
  func.func @transform_5(%arg0: i32) -> (i32, i32) {
    %c0_i32 = arith.constant 0 : i32
    %c0_i32_0 = arith.constant 0 : i32
    %c0_i32_1 = arith.constant 0 : i32
    return %c0_i32, %c0_i32_0 : i32, i32
  }
  func.func @transform_6(%arg0: i32) -> (i32, i32) {
    %c0_i32 = arith.constant 0 : i32
    %c0_i32_0 = arith.constant 0 : i32
    return %arg0, %c0_i32 : i32, i32
  }
  func.func @transform_7(%arg0: i32) -> (i32, i32) {
    %c0_i32 = arith.constant 0 : i32
    %c0_i32_0 = arith.constant 0 : i32
    return %arg0, %c0_i32 : i32, i32
  }
  func.func @transform_8(%arg0: i32) -> (i32, i32) {
    %c0_i32 = arith.constant 0 : i32
    %c0_i32_0 = arith.constant 0 : i32
    return %arg0, %c0_i32 : i32, i32
  }
  func.func @transform_9(%arg0: i32) -> (i32, i32) {
    %c0_i32 = arith.constant 0 : i32
    %c0_i32_0 = arith.constant 0 : i32
    return %arg0, %c0_i32 : i32, i32
  }
}

module attributes {stable_mosaic.version = 14 : i64} {
  func.func @_tc_final_body(%arg0: i32, %arg1: memref<2x1024x128xf32, #tpu.memory_space<vmem>>, %arg2: memref<32x10240xf32, #tpu.memory_space<vmem>>, %arg3: memref<1x128xf32, #tpu.memory_space<vmem>>, %arg4: memref<128x1xf32, #tpu.memory_space<vmem>>, %arg5: memref<1x1xf32, #tpu.memory_space<vmem>>, %arg6: memref<1024x1xf32, #tpu.memory_space<vmem>>) attributes {dimension_semantics = [#tpu.dimension_semantics<arbitrary>], iteration_bounds = array<i64: 10>, scalar_prefetch = 0 : i64, scratch_operands = 0 : i64, tpu.core_type = #tpu.core_type<tc>, window_params = [{transform_indices = @transform_0, window_bounds = array<i64: 2, 1024, 128>}, {pipeline_mode = #tpu.pipeline_mode<synchronous>, transform_indices = @transform_1, window_bounds = array<i64: 32, 10240>}, {pipeline_mode = #tpu.pipeline_mode<synchronous>, transform_indices = @transform_2, window_bounds = array<i64: 1, 128>}, {pipeline_mode = #tpu.pipeline_mode<synchronous>, transform_indices = @transform_3, window_bounds = array<i64: 128, 1>}, {pipeline_mode = #tpu.pipeline_mode<synchronous>, transform_indices = @transform_4, window_bounds = array<i64: 1, 1>}, {transform_indices = @transform_5, window_bounds = array<i64: 1024, 1>}]} {
    %mul3A = arith.constant 1024 : i32
    %mul3A_0 = arith.muli %arg0, %mul3A : i32
    %get3A = arith.constant 0 : index
    %get3A_1 = arith.index_cast %mul3A_0 : i32 to index
    %get3A_2 = vector.load %arg2[%get3A, %get3A_1] : memref<32x10240xf32, #tpu.memory_space<vmem>>, vector<32x1024xf32>
    %reduce_sum3A = arith.constant dense<0.000000e+00> : vector<1024xf32>
    %reduce_sum3A_3 = vector.multi_reduction <add>, %get3A_2, %reduce_sum3A [0] : vector<32x1024xf32> to vector<1024xf32>
    %add3A = arith.constant 1.000000e-16 : f32
    %add3A_4 = vector.broadcast %add3A : f32 to vector<1024xf32>
    %add3A_5 = arith.addf %reduce_sum3A_3, %add3A_4 : vector<1024xf32>
    %div3A = arith.constant 1.000000e+00 : f32
    %div3A_6 = vector.broadcast %div3A : f32 to vector<1024xf32>
    %div3A_7 = arith.divf %div3A_6, %add3A_5 : vector<1024xf32>
    %get3A_8 = arith.constant 0 : index
    %get3A_9 = arith.constant 0 : index
    %get3A_10 = arith.constant 0 : index
    %get3A_11 = vector.load %arg1[%get3A_8, %get3A_9, %get3A_10] : memref<2x1024x128xf32, #tpu.memory_space<vmem>>, vector<1x1024x128xf32>
    %get3A_12 = vector.shape_cast %get3A_11 : vector<1x1024x128xf32> to vector<1024x128xf32>
    %get3A_13 = arith.constant 1 : index
    %get3A_14 = arith.constant 0 : index
    %get3A_15 = arith.constant 0 : index
    %get3A_16 = vector.load %arg1[%get3A_13, %get3A_14, %get3A_15] : memref<2x1024x128xf32, #tpu.memory_space<vmem>>, vector<1x1024x128xf32>
    %get3A_17 = vector.shape_cast %get3A_16 : vector<1x1024x128xf32> to vector<1024x128xf32>
    %add3A_18 = arith.addf %get3A_12, %get3A_17 : vector<1024x128xf32>
    %broadcast_in_dim3A = vector.shape_cast %div3A_7 : vector<1024xf32> to vector<1024x1xf32>
    %mul3A_19 = vector.broadcast %broadcast_in_dim3A : vector<1024x1xf32> to vector<1024x128xf32>
    %mul3A_20 = arith.mulf %add3A_18, %mul3A_19 : vector<1024x128xf32>
    %get3A_21 = arith.constant 0 : index
    %get3A_22 = arith.constant 0 : index
    %get3A_23 = vector.load %arg3[%get3A_21, %get3A_22] : memref<1x128xf32, #tpu.memory_space<vmem>>, vector<1x128xf32>
    %add3A_24 = vector.broadcast %get3A_23 : vector<1x128xf32> to vector<1024x128xf32>
    %add3A_25 = arith.addf %mul3A_20, %add3A_24 : vector<1024x128xf32>
    %max3A = arith.constant 0.000000e+00 : f32
    %max3A_26 = vector.broadcast %max3A : f32 to vector<1024x128xf32>
    %max3A_27 = arith.maximumf %add3A_25, %max3A_26 : vector<1024x128xf32>
    %get3A_28 = arith.constant 0 : index
    %get3A_29 = arith.constant 0 : index
    %get3A_30 = vector.load %arg4[%get3A_28, %get3A_29] : memref<128x1xf32, #tpu.memory_space<vmem>>, vector<128x1xf32>
    %dot_general3A = arith.constant dense<0.000000e+00> : vector<1024x1xf32>
    %dot_general3A_31 = tpu.matmul %max3A_27, %get3A_30, %dot_general3A {dimension_numbers = #tpu.dot_dimension_numbers<[1], [0], [0], [1], [0, 0, 1, 1], [], []>, transpose_lhs_hint = false} : vector<1024x128xf32>, vector<128x1xf32>, vector<1024x1xf32> -> vector<1024x1xf32>
    %get3A_32 = arith.constant 0 : index
    %get3A_33 = arith.constant 0 : index
    %get3A_34 = vector.load %arg5[%get3A_32, %get3A_33] : memref<1x1xf32, #tpu.memory_space<vmem>>, vector<1x1xf32>
    %add3A_35 = vector.broadcast %get3A_34 : vector<1x1xf32> to vector<1024x1xf32>
    %add3A_36 = arith.addf %dot_general3A_31, %add3A_35 : vector<1024x1xf32>
    %swap3A = arith.constant 0 : index
    %swap3A_37 = arith.constant 0 : index
    %swap3A_38 = vector.load %arg6[%swap3A, %swap3A_37] : memref<1024x1xf32, #tpu.memory_space<vmem>>, vector<1024x1xf32>
    tpu.vector_store %arg6[%swap3A, %swap3A_37], %add3A_36 {strides = array<i32>} : memref<1024x1xf32, #tpu.memory_space<vmem>>, vector<1024x1xf32>,
    return
  }
  func.func @transform_0(%arg0: i32) -> (i32, i32, i32) {
    %c0_i32 = arith.constant 0 : i32
    %c0_i32_0 = arith.constant 0 : i32
    %c0_i32_1 = arith.constant 0 : i32
    return %c0_i32, %arg0, %c0_i32_0 : i32, i32, i32
  }
  func.func @transform_1(%arg0: i32) -> (i32, i32) {
    %c0_i32 = arith.constant 0 : i32
    %c0_i32_0 = arith.constant 0 : i32
    %c0_i32_1 = arith.constant 0 : i32
    return %c0_i32, %c0_i32_0 : i32, i32
  }
  func.func @transform_2(%arg0: i32) -> (i32, i32) {
    %c0_i32 = arith.constant 0 : i32
    %c0_i32_0 = arith.constant 0 : i32
    %c0_i32_1 = arith.constant 0 : i32
    return %c0_i32, %c0_i32_0 : i32, i32
  }
  func.func @transform_3(%arg0: i32) -> (i32, i32) {
    %c0_i32 = arith.constant 0 : i32
    %c0_i32_0 = arith.constant 0 : i32
    %c0_i32_1 = arith.constant 0 : i32
    return %c0_i32, %c0_i32_0 : i32, i32
  }
  func.func @transform_4(%arg0: i32) -> (i32, i32) {
    %c0_i32 = arith.constant 0 : i32
    %c0_i32_0 = arith.constant 0 : i32
    %c0_i32_1 = arith.constant 0 : i32
    return %c0_i32, %c0_i32_0 : i32, i32
  }
  func.func @transform_5(%arg0: i32) -> (i32, i32) {
    %c0_i32 = arith.constant 0 : i32
    %c0_i32_0 = arith.constant 0 : i32
    return %arg0, %c0_i32 : i32, i32
  }
}

</mosaic_0001>

<sc_bundles>
// kernel: kernel.12.cloned.1.call-start
scs
__scs_entry_jumppad:
0x0: {  	(pc) =	sbr.rel $0x88, $3  }
0x1: {  	(tag) =	ssettag $0x0;
	lr =	simm.s32 $0x1  }
0x2: {  	[smem:$0x3F95] =	sst lr;
	_ =	strace $0xD0000000  }
0x3: {  	_ = 	snop  }
0x4: {  	_ = 	snop  }
0x5: {  	_ = 	snop  }
0x6: {  	_ = 	snop  }
0x7: {  	_ = 	snop  }
__scs_overlays_trampoline_lowered:
0x8: {  	[smem:$0x3FA4] =	sst s0  }
0x9: {  	[smem:$0x3FA5] =	sst s1  }
0xa: {  	[smem:$0x3FA6] =	sst s2  }
0xb: {  	[smem:$0x3FA7] =	sst s3  }
0xc: {  	[smem:$0x3FA8] =	sst s4  }
0xd: {  	[smem:$0x3FA9] =	sst s5  }
0xe: {  	[smem:$0x3FAA] =	sst s6  }
0xf: {  	[smem:$0x3FAB] =	sst s7  }
0x10: {  	[smem:$0x3FAC] =	sst s8  }
0x11: {  	[smem:$0x3FAD] =	sst s9;
	s0 =	simm.s32 @!p0 $0x0  }
0x12: {  	s1 =	sld [smem:$0x3F93];
	s0 =	simm.s32 @p0 $0x1  }
0x13: {  	[smem:$0x3FAE] =	sst s0;
	s0 =	simm.s32 @!p1 $0x0  }
0x14: {  	s2 =	sld [smem:$0x3F92];
	s0 =	simm.s32 @p1 $0x1  }
0x15: {  	[smem:$0x3FAF] =	sst s0;
	s0 =	simm.s32 @!p2 $0x0  }
0x16: {  	s3 =	sld [smem:$0x3FDB];
	s0 =	simm.s32 @p2 $0x1  }
0x17: {  	s4 =	simm.s32 $0x1BF5;
	[smem:$0x3FB1] =	sst s0  }
0x18: {  	s0 =	sld [smem:$0x3F94];
	_ =	swait.ge [sflag:s4], $0x0  }
0x19: {  	s7 =	sld [smem:$0x3F95]  }
0x1a: {  	s8 =	sadd.s32 $0xFFFFE003, lr  }
0x1b: {  	s9 =	sadd.s32 $0xFFFFFEF7, lr;
	s5 =	simm.s32 $0xFFFFFFFF;
	p2 =	slt.u32 s8, $0xFFFFF086  }
0x1c: {  	p1 =	slt.u32 s9, $0xF7A;
	s5 =	simm.s32 @!p2 $0x0  }
0x1d: {  	s5 =	simm.s32 @p1 $0x1;
	p0 =	seq.s32 s7, s2  }
0x1e: {  	s7 =	smul.u32 @!p0 $0xF7A, s2;
	p2 =	seq.s32 @!p0 s5, $0x0  }
0x1f: {  	s9 =	smul.u32 $0xF7A, s1;
	s8 =	simm.s32 @!p0 $0x1BF5;
	p2 =	por !p2, p0  }
0x20: {  	[sflag:s8] =	ssyncset.s32 @!p0 $0xFFFFF086;
	s6 =	sadd.s32 @!p0 s3, s7;
	s7 =	simm.s32 @!p0 $0x108  }
0x21: {  	s3 =	sadd.s32 s3, s9;
	s6 =	sadd.s32 @!p0 $0x88, s6;
	s7 =	simm.s32 @p2 $0x1082  }
0x22: {  	[simem:s7], [sflag:s8] =	dma.local @!p0 [hbm:s6], $0xF7A  }
0x23: {  	s9 =	sor.u32 $0xD0000000, s2;
	s6 =	simm.s32 $0x108;
	_ =	swait.ge @!p0 [sflag:s8], $0x0  }
0x24: {  	s3 =	sadd.s32 $0x88, s3;
	s6 =	simm.s32 @!p1 $0x1082;
	[sflag:s4] =	ssyncset.s32 $0xFFFFF086  }
0x25: {  	[simem:s6], [sflag:s4] =	dma.local [hbm:s3], $0xF7A  }
0x26: {  	[smem:$0x3F95] =	sst s1;
	(tag) =	ssettag s2;
	_ =	strace s9  }
0x27: {  	s1 =	sld [smem:$0x3FA5]  }
0x28: {  	s2 =	sld [smem:$0x3FA6]  }
0x29: {  	s4 =	sld [smem:$0x3FA8]  }
0x2a: {  	p0 =	seq.s32 s5, $0x0;
	s5 =	sld [smem:$0x3FA9]  }
0x2b: {  	s6 =	sld [smem:$0x3FAA]  }
0x2c: {  	s7 =	sld [smem:$0x3FAB]  }
0x2d: {  	s3 =	simm.s32 $0x108;
	s8 =	sld [smem:$0x3FAC]  }
0x2e: {  	s3 =	simm.s32 @!p0 $0x1082;
	s9 =	sld [smem:$0x3FAD]  }
0x2f: {  	lr =	sadd.s32 s0, s3;
	s0 =	sld [smem:$0x3FA4]  }
0x30: {  	s3 =	sld [smem:$0x3FA7]  }
0x31: {  	[smem:$0x3FB0] =	sst s10  }
0x32: {  	s10 =	sld [smem:$0x3FAE];
	_ =	sdelay $0x3  }
0x33: {  	p0 =	seq.s32 s10, $0x1;
	s10 =	sld [smem:$0x3FB0];
	_ =	sdelay $0x3  }
0x34: {  	[smem:$0x3FB0] =	sst s10  }
0x35: {  	s10 =	sld [smem:$0x3FAF];
	_ =	sdelay $0x3  }
0x36: {  	p1 =	seq.s32 s10, $0x1;
	s10 =	sld [smem:$0x3FB0];
	_ =	sdelay $0x3  }
0x37: {  	[smem:$0x3FB0] =	sst s10  }
0x38: {  	s10 =	sld [smem:$0x3FB1]  }
0x39: {  	_ = 	snop;
	(pc) =	sbr.ind lr, $3  }
0x3a: {  	_ = 	snop  }
0x3b: {  	_ = 	snop  }
0x3c: {  	p2 =	seq.s32 s10, $0x1;
	s10 =	sld [smem:$0x3FB0]  }
0x3d: {  	_ =	shalt  }
0x3e: {  	_ =	shalt  }
0x3f: {  	_ =	shalt  }
0x40: {  	_ =	shalt  }
0x41: {  	_ =	shalt  }
0x42: {  	_ =	shalt  }
0x43: {  	_ =	shalt  }
0x44: {  	_ =	shalt  }
0x45: {  	_ =	shalt  }
0x46: {  	_ =	shalt  }
0x47: {  	_ =	shalt  }
0x48: {  	_ =	shalt  }
0x49: {  	_ =	shalt  }
0x4a: {  	_ =	shalt  }
0x4b: {  	_ =	shalt  }
0x4c: {  	_ =	shalt  }
0x4d: {  	_ =	shalt  }
0x4e: {  	_ =	shalt  }
0x4f: {  	_ =	shalt  }
0x50: {  	_ =	shalt  }
0x51: {  	_ =	shalt  }
0x52: {  	_ =	shalt  }
0x53: {  	_ =	shalt  }
0x54: {  	_ =	shalt  }
0x55: {  	_ =	shalt  }
0x56: {  	_ =	shalt  }
0x57: {  	_ =	shalt  }
0x58: {  	_ =	shalt  }
0x59: {  	_ =	shalt  }
0x5a: {  	_ =	shalt  }
0x5b: {  	_ =	shalt  }
0x5c: {  	_ =	shalt  }
0x5d: {  	_ =	shalt  }
0x5e: {  	_ =	shalt  }
0x5f: {  	_ =	shalt  }
0x60: {  	_ =	shalt  }
0x61: {  	_ =	shalt  }
0x62: {  	_ =	shalt  }
0x63: {  	_ =	shalt  }
0x64: {  	_ =	shalt  }
0x65: {  	_ =	shalt  }
0x66: {  	_ =	shalt  }
0x67: {  	_ =	shalt  }
0x68: {  	_ =	shalt  }
0x69: {  	_ =	shalt  }
0x6a: {  	_ =	shalt  }
0x6b: {  	_ =	shalt  }
0x6c: {  	_ =	shalt  }
0x6d: {  	_ =	shalt  }
0x6e: {  	_ =	shalt  }
0x6f: {  	_ =	shalt  }
0x70: {  	_ =	shalt  }
0x71: {  	_ =	shalt  }
0x72: {  	_ =	shalt  }
0x73: {  	_ =	shalt  }
0x74: {  	_ =	shalt  }
0x75: {  	_ =	shalt  }
0x76: {  	_ =	shalt  }
0x77: {  	_ =	shalt  }
0x78: {  	_ =	shalt  }
0x79: {  	_ =	shalt  }
0x7a: {  	_ =	shalt  }
0x7b: {  	_ =	shalt  }
0x7c: {  	_ =	shalt  }
0x7d: {  	_ =	shalt  }
0x7e: {  	_ =	shalt  }
0x7f: {  	_ =	shalt  }
0x80: {  	_ =	shalt  }
0x81: {  	_ =	shalt  }
0x82: {  	_ =	shalt  }
0x83: {  	_ =	shalt  }
0x84: {  	_ =	shalt  }
0x85: {  	_ =	shalt  }
0x86: {  	_ =	shalt  }
0x87: {  	_ =	shalt  }
.Lfunc_end0:
.L_simem_size_0:
called_computation.1_lowered:
.L_overlay_start_0:
0x88: {  	s2 =	sld [smem:$0x3FD9]  }
0x89: {  	s3 =	sld [smem:$0x3FFE];
	_ =	sdelay $0x1  }
0x8a: {  	s1 =	srdreg.scid  }
0x8b: {  	s0 =	sand.u32 $0x1, s1  }
0x8c: {  	s16 =	sshll.u32 s0, $0xA;
	s2 =	sadd.s32 s3, s2  }
0x8d: {  	s2 =	sadd.s32 s2, s16  }
0x8e: {  	[smem:$0x3FBC] =	sst s2  }
0x8f: {  	_ = 	snop  }
0x90: {  	(tm) =	ssettm $0x1  }
0x91: {  	s17 =	sld [smem:$0x3FFB];
	_ =	sdelay $0x3  }
0x92: {  	_ =	strace s17  }
0x93: {  	s2 =	sld [smem:$0x3FFC];
	_ =	sdelay $0x3  }
0x94: {  	_ =	strace s2  }
0x95: {  	s2 =	sld [smem:$0x3FFD];
	_ =	sdelay $0x3  }
0x96: {  	_ =	strace s2  }
0x97: {  	_ =	strace $0x8FFFFFFF  }
0x98: {  	s18 =	sld [smem:$0x3FDB];
	_ =	sdelay $0x1  }
0x99: {  	s19 =	simm.s32 $_scs_section_size  }
0x9a: {  	s4 =	simm.s32 $_size__tile_overlayer_lowered;
	s5 =	simm.s32 $_tile_overlayer_lowered  }
0x9b: {  	s22 =	simm.s32 $0x1BFF;
	s21 =	sshll.u32 s5, $0x1;
	s2 =	sadd.s32 s19, s18  }
0x9c: {  	s6 =	simm.s32 $0x0;
	s20 =	sshll.u32 s4, $0x1;
	s4 =	sadd.s32 s21, s2  }
0x9d: {  	[timem:s6], [sflag:s22] =	dma.local [hbm:s4], s20  }
0x9e: {  	_ =	swait.ge [sflag:s22], s20  }
0x9f: {  	s3 =	ssub.s32 $0x0, s20;
	[sflag:s22] =	ssyncset.done $0x0  }
0xa0: {  	[sflag:s22] =	ssyncadd.s32 s3;
	_ =	sdelay $0x1  }
0xa1: {  	s23 =	simm.s32 $0x1B8B  }
0xa2: {  	_ =	swait.ge [sflag:s23], $0x1  }
0xa3: {  	[sflag:s23] =	ssyncset.done $0x0  }
0xa4: {  	s25 =	simm.s32 $0x1B8E;
	s24 =	sld [smem:$0x3FFE];
	[sflag:s23] =	ssyncadd.s32 $0xFFFFFFFF  }
0xa5: {  	s26 =	simm.s32 $execute0_lowered;
	[smem:$0x3FD2] =	sst s25  }
0xa6: {  	s4 =	sshll.u32 s26, $0x1;
	_ =	strace $0x80000049;
	[dreg:$0x1] =	wrdreg $0xFFFFFFFF  }
0xa7: {  	s28 =	simm.s32 $_size_execute0_lowered;
	s2 =	sadd.s32 s2, s4;
	[dreg:$0x0] =	wrdreg $0x0  }
0xa8: {  	s4 =	sshll.u32 s28, $0x1;
	[dreg:$0x2] =	wrdreg s2  }
0xa9: {  	[dreg:$0x3] =	wrdreg s4  }
0xaa: {  	[dreg:$0x4] =	wrdreg $0xC0  }
0xab: {  	_ =	task [dreg:s6], $0x5FFFF  }
0xac: {  	[dreg:$0x1] =	wrdreg $0xFFFFFFFF  }
0xad: {  	[dreg:$0x0] =	wrdreg $0x60  }
0xae: {  	[dreg:$0x2] =	wrdreg s24  }
0xaf: {  	[dreg:$0x3] =	wrdreg $0x58000  }
0xb0: {  	[dreg:$0x4] =	wrdreg $0x9  }
0xb1: {  	_ =	task.clear_ibuf [dreg:s6], $0x5FFFF;
	_ =	strace $0x90000049  }
0xb2: {  	s29 =	simm.s32 $0x9;
	_ =	strace $0x8000004B  }
0xb3: {  	_ =	swait.ge [sflag:s29], $0x1  }
0xb4: {  	[sflag:s29] =	ssyncadd.s32 $0xFFFFFFFF  }
0xb5: {  	_ =	strace $0x9000004B  }
0xb6: {  	_ =	sfence  }
0xb7: {  	s30 =	sld [smem:$0x0];
	_ =	sdelay $0x2  }
0xb8: {  	s31 =	sshll.u32 s1, $0xD;
	s1 =	sshrl.u32 s1, $0x2  }
0xb9: {  	s3 =	sand.u32 $0x4000, s31;
	s1 =	sadd.s32 s1, s30  }
0xba: {  	s0 =	sor.u32 s3, s0;
	s1 =	sshll.u32 s1, $0x11  }
0xbb: {  	s0 =	sor.u32 s1, s0  }
0xbc: {  	s0 =	sadd.s32 $0x8F2B, s0  }
0xbd: {  	[sflag:s0] =	ssyncadd.remote.s32 $0x1  }
0xbe: {  	_ =	sfence.sel $0xFFFF  }
0xbf: {  	[dreg:$0x0] =	wrdreg $0xFFFFFFFF;
	(pc) =	sbr.abs _section_cstart, $3  }
0xc0: {  	[dreg:$0x1] =	wrdreg $0xFFFFFFFF  }
0xc1: {  	_ =	task.clear_ibuf [dreg:s6], $0x2FFFF;
	_ =	strace $0x9FFFFFFF  }
0xc2: {  	(tm) =	ssettm $0x7FFFFFFF  }
0xc3: {  	_ =	shalt  }
tec
execute0_lowered:
.L_overlay_start_1:
0x0: {  	(tag) =	ssettag $0x1  }
0x1: {  	s0 =	rddreg [dreg:$0x0]  }
0x2: {  	s1 =	rddreg [dreg:$0x1];
	s2 =	srdreg.scid;
	s13 =	simm.s32 $0x0  }
0x3: {  	s10 =	stileid.u32;
	s16 =	simm.s32 $0x1800;
	s17 =	simm.s32 $0x1  }
0x4: {  	s18 =	simm.s32 $0x800;
	s19 =	simm.s32 $0x1000;
	s20 =	simm.s32 $0x80  }
0x5: {  	s28 =	simm.s32 $0xA00;
	s29 =	simm.s32 $0x280;
	s30 =	simm.s32 $0xA80  }
0x6: {  	s31 =	simm.s32 $0x300;
	s11 =	simm.s32 $0x400;
	s12 =	simm.s32 $0xC00  }
0x7: {  	s2 =	sand.u32 $0x1, s2;
	[smem:$0x7FF] =	sst s13;
	s6 =	smul.u32 $0x14000, s10  }
0x8: {  	s4 =	sadd.s32 $0x15600, s0;
	s5 =	sadd.s32 $0x52A00, s0;
	s8 =	smul.u32 $0x50000, s10  }
0x9: {  	s7 =	sadd.s32 $0x76A00, s0;
	s10 =	sshll.u32 s10, $0x1;
	s3 =	smul.u32 $0x140000, s2  }
0xa: {  	_ =	strace $0x8000004A;
	s21 =	ssub.s32 $0x2, s2;
	s2 =	sor.u32 s2, s10  }
0xb: {  	s10 =	simm.s32 $0xB80;
	s9 =	sshrl.u32 s21, $0x1;
	s8 =	sshrl.u32 s8, $0x2  }
0xc: {  	s3 =	sadd.s32 s6, s3;
	s6 =	sadd.s32 $0x64A00, s0;
	s14 =	sadd.s32 s8, s1  }
0xd: {  	s3 =	sshrl.u32 s3, $0x3;
	s23 =	sadd.s32 $0x4000, s14;
	[dreg:$0x4] =	wrdreg s14  }
0xe: {  	s24 =	sadd.s32 $0x8000, s14;
	s25 =	sadd.s32 $0xC000, s14;
	[dreg:$0x7] =	wrdreg s23  }
0xf: {  	s26 =	sadd.s32 $0x10000, s14;
	s0 =	sadd.s32 s3, s0;
	[dreg:$0x8] =	wrdreg s24  }
0x10: {  	s3 =	ssub.s32 s21, s9;
	s9 =	smul.u32 $0x4800, s2;
	[dreg:$0x9] =	wrdreg s25  }
0x11: {  	[dreg:$0xa] =	wrdreg s26;
	s23 =	simm.s32 $0x900;
	s24 =	simm.s32 $0x180  }
0x12: {  	s25 =	simm.s32 $0x980;
	s26 =	simm.s32 $0x200;
	s0 =	sadd.s32 $0x88A00, s0  }
0x13: {  	s2 =	simm.s32 $0x380;
	s22 =	smax.u32 s3, $0x1;
	[dreg:$0x5] =	wrdreg s0  }
0x14: {  	v0 =	vimm.f32 $0.0e+00;
	[dreg:$0x6] =	wrdreg s22;
	s22 =	simm.s32 $0x100;
	s0 =	simm.s32 $0xB00  }
.LBB2_1:
0x15: {  	[dreg:$0x3] =	wrdreg s13;
	s3 =	simm.s32 $0x0;
	s8 =	simm.s32 $0x200  }
.LBB2_2:
0x16: {  	p0 =	sne.s32 s8, $0xFE00;
	[tilespmem:s3+$0x1870] =	vst v0  }
0x17: {  	[tilespmem:s3+$0x1800] =	vst v0  }
0x18: {  	[tilespmem:s3+$0x1810] =	vst v0  }
.Ltmp0:
0x19: {  	[tilespmem:s3+$0x1820] =	vst v0;
	(pc) =	sbr.rel @p0 .LBB2_2-.Ltmp0, $4  }
0x1a: {  	[tilespmem:s3+$0x1830] =	vst v0  }
0x1b: {  	[tilespmem:s3+$0x1840] =	vst v0  }
0x1c: {  	[tilespmem:s3+$0x1850] =	vst v0  }
0x1d: {  	[tilespmem:s3+$0x1860] =	vst v0;
	s3 =	sshra.s32 s8, $0x2;
	s8 =	sadd.s32 $0x200, s8  }
0x1e: {  	[tilespmem:s3+$0x1870] =	vst v0  }
0x1f: {  	[tilespmem:s3+$0x1800] =	vst v0  }
0x20: {  	[tilespmem:s3+$0x1810] =	vst v0  }
0x21: {  	[tilespmem:s3+$0x1820] =	vst v0  }
0x22: {  	[tilespmem:s3+$0x1830] =	vst v0  }
0x23: {  	[tilespmem:s3+$0x1840] =	vst v0  }
0x24: {  	[tilespmem:s3+$0x1850] =	vst v0  }
0x25: {  	[tilespmem:s3+$0x1860] =	vst v0  }
0x26: {  	[spmem:s14] =	stream.linear.scatter [tilespmem:s16], [sflag:$0x1], $0x4000, $0x38;
	[tilespmem:$0x19800] =	vst v63  }
0x27: {  	_ =	swait.ge [sflag:s17], $0x4000  }
0x28: {  	[sflag:s17] =	ssyncset.done $0x0  }
0x29: {  	s13 =	rddreg [dreg:$0x7];
	[sflag:s17] =	ssyncadd.s32 $0xFFFFC000  }
0x2a: {  	[spmem:s13] =	stream.linear.scatter [tilespmem:s16], [sflag:$0x1], $0x4000, $0x38;
	[tilespmem:$0x19800] =	vst v63  }
0x2b: {  	_ =	swait.ge [sflag:s17], $0x4000  }
0x2c: {  	[sflag:s17] =	ssyncset.done $0x0  }
0x2d: {  	s14 =	rddreg [dreg:$0x8];
	[sflag:s17] =	ssyncadd.s32 $0xFFFFC000  }
0x2e: {  	[spmem:s14] =	stream.linear.scatter [tilespmem:s16], [sflag:$0x1], $0x4000, $0x38;
	[tilespmem:$0x19800] =	vst v63  }
0x2f: {  	_ =	swait.ge [sflag:s17], $0x4000  }
0x30: {  	[sflag:s17] =	ssyncset.done $0x0  }
0x31: {  	s15 =	rddreg [dreg:$0x9];
	[sflag:s17] =	ssyncadd.s32 $0xFFFFC000  }
0x32: {  	[spmem:s15] =	stream.linear.scatter [tilespmem:s16], [sflag:$0x1], $0x4000, $0x38;
	[tilespmem:$0x19800] =	vst v63  }
0x33: {  	_ =	swait.ge [sflag:s17], $0x4000  }
0x34: {  	[sflag:s17] =	ssyncset.done $0x0  }
0x35: {  	s21 =	rddreg [dreg:$0xa];
	[sflag:s17] =	ssyncadd.s32 $0xFFFFC000  }
0x36: {  	[spmem:s21] =	stream.linear.scatter [tilespmem:s16], [sflag:$0x1], $0x4000, $0x38;
	[tilespmem:$0x19800] =	vst v63  }
0x37: {  	_ =	swait.ge [sflag:s17], $0x4000  }
0x38: {  	[sflag:s17] =	ssyncset.done $0x0  }
0x39: {  	[sflag:s17] =	ssyncadd.s32 $0xFFFFC000  }
0x3a: {  	s13 =	simm.s32 $0x0;
	s14 =	simm.s32 $0x0;
	[bflag:$0x0] =	sbarrier.arrive $0xFFFF  }
.LBB2_4:
0x3b: {  	s3 =	sshll.u32 s14, $0xB  }
0x3c: {  	s3 =	sadd.s32 s9, s3  }
0x3d: {  	s3 =	sshrl.u32 s3, $0x3  }
0x3e: {  	s8 =	sadd.s32 s5, s3  }
0x3f: {  	[tilespmem:s13], [sflag:$0x1] =	stream.linear.gather [hbm4b:s8+s13], $0x480, $0x38;
	[tilespmem:$0x19800] =	vst v63  }
0x40: {  	_ =	swait.ge [sflag:s17], $0x480  }
0x41: {  	[sflag:s17] =	ssyncset.done $0x0  }
0x42: {  	s21 =	sadd.s32 s6, s3;
	[sflag:s17] =	ssyncadd.s32 $0xFFFFFB80  }
0x43: {  	[tilespmem:s18], [sflag:$0x1] =	stream.linear.gather [hbm4b:s21+s13], $0x480, $0x38;
	[tilespmem:$0x19800] =	vst v63  }
0x44: {  	_ =	swait.ge [sflag:s17], $0x480  }
0x45: {  	[sflag:s17] =	ssyncset.done $0x0  }
0x46: {  	s3 =	sadd.s32 s7, s3;
	[sflag:s17] =	ssyncadd.s32 $0xFFFFFB80  }
0x47: {  	[tilespmem:s19], [sflag:$0x1] =	stream.linear.gather [hbm4b:s3+s13], $0x480, $0x38;
	[tilespmem:$0x19800] =	vst v63  }
0x48: {  	_ =	swait.ge [sflag:s17], $0x480  }
0x49: {  	[sflag:s17] =	ssyncset.done $0x0  }
0x4a: {  	[sflag:s17] =	ssyncadd.s32 $0xFFFFFB80  }
0x4b: {  	[tilespmem:s16], [sflag:$0x1] =	stream.indirect.gather [hbm4b:s4+s20], $0x80, s13, s20, $0xb8;
	[tilespmem:$0x19800] =	vst v63  }
0x4c: {  	_ =	swait.ge [sflag:s17], $0x4000  }
0x4d: {  	v1 =	vmov s13;
	[sflag:s17] =	ssyncset.done $0x0  }
0x4e: {  	s15 =	simm.s32 $0x1840;
	[sflag:s17] =	ssyncadd.s32 $0xFFFFC000  }
0x4f: {  	v5 =	vld [tilespmem:s15+$0x30]  }
0x50: {  	v8 =	vld [tilespmem:s15+$0x10]  }
0x51: {  	v6 =	vld [tilespmem:s15+$0xFFFFFFC0]  }
0x52: {  	v2 =	vld.idx.msk [tilespmem:v1+s19+$0x0], $0xffff  }
0x53: {  	v10 =	vld [tilespmem:s15+$0xFFFFFFE0]  }
0x54: {  	v1 =	vld [tilespmem:s15+$0xFFFFFFF0]  }
0x55: {  	v3 =	vld [tilespmem:s15+$0x20]  }
0x56: {  	v4 =	vld [tilespmem:s15+$0xFFFFFFD0]  }
0x57: {  	v9 =	vmul.f32 v5, v2;
	v5 =	vld [tilespmem:s15+$0x0]  }
0x58: {  	v7 =	vmul.f32 v6, v2  }
0x59: {  	s8 =	simm.s32 $0x1840;
	s3 =	simm.s32 $0x1;
	v6 =	vmul.f32 v10, v2;
	v8 =	vmul.f32 v8, v2  }
.LBB2_5:
0x5a: {  	p0 =	sne.s32 s3, $0x7F  }
0x5b: {  	v4 =	vmul.f32 v4, v2;
	v3 =	vmul.f32 v3, v2;
	[tilespmem:s15+$0x30] =	vst v9;
	s8 =	sadd.s32 $0x80, s8;
	s21 =	smov.u32 s3;
	s3 =	sadd.s32 $0x1, s3  }
0x5c: {  	[tilespmem:s15+$0xFFFFFFC0] =	vst v7;
	v7 =	vmul.f32 v1, v2;
	v2 =	vmul.f32 v5, v2  }
0x5d: {  	[tilespmem:s15+$0x10] =	vst v8  }
0x5e: {  	v5 =	vmov s21;
	[tilespmem:s15+$0xFFFFFFE0] =	vst v6  }
0x5f: {  	v1 =	vld [tilespmem:s8+$0xFFFFFFF0];
	[tilespmem:s15+$0xFFFFFFF0] =	vst v7  }
0x60: {  	v6 =	vld [tilespmem:s8+$0x30];
	[tilespmem:s15+$0x0] =	vst v2  }
0x61: {  	v8 =	vld [tilespmem:s8+$0x10];
	[tilespmem:s15+$0x20] =	vst v3  }
0x62: {  	v7 =	vld [tilespmem:s8+$0xFFFFFFC0];
	[tilespmem:s15+$0xFFFFFFD0] =	vst v4;
	s15 =	smov.u32 s8  }
0x63: {  	v2 =	vld.idx.msk [tilespmem:v5+s19+$0x0], $0xffff  }
0x64: {  	v10 =	vld [tilespmem:s8+$0xFFFFFFE0]  }
0x65: {  	v3 =	vld [tilespmem:s8+$0x20]  }
.Ltmp1:
0x66: {  	v4 =	vld [tilespmem:s8+$0xFFFFFFD0];
	(pc) =	sbr.rel @p0 .LBB2_5-.Ltmp1, $3  }
0x67: {  	v5 =	vld [tilespmem:s8+$0x0];
	_ =	sdelay $0x1  }
0x68: {  	v7 =	vmul.f32 v7, v2;
	v9 =	vmul.f32 v6, v2  }
0x69: {  	v8 =	vmul.f32 v8, v2;
	v6 =	vmul.f32 v10, v2  }
0x6a: {  	[tilespmem:s15+$0x30] =	vst v9  }
0x6b: {  	[tilespmem:s15+$0xFFFFFFC0] =	vst v7  }
0x6c: {  	v1 =	vmul.f32 v1, v2;
	[tilespmem:s15+$0x10] =	vst v8  }
0x6d: {  	v3 =	vmul.f32 v3, v2;
	[tilespmem:s15+$0xFFFFFFE0] =	vst v6  }
0x6e: {  	v5 =	vmul.f32 v5, v2;
	[tilespmem:s15+$0xFFFFFFF0] =	vst v1  }
0x6f: {  	v1 =	vmul.f32 v4, v2;
	[tilespmem:s15+$0x20] =	vst v3  }
0x70: {  	[tilespmem:s15+$0x0] =	vst v5  }
0x71: {  	[tilespmem:s15+$0xFFFFFFD0] =	vst v1  }
0x72: {  	[spmem:s1] =	stream.indirect.scatter.add.f32 [tilespmem:s16], [sflag:$0x1], $0x80, s18, s20, $0xb8;
	[tilespmem:$0x19800] =	vst v63  }
0x73: {  	s3 =	simm.s32 $0x0;
	_ =	swait.ge [sflag:s17], $0x4000  }
0x74: {  	v1 =	vmov s3;
	[sflag:s17] =	ssyncset.done $0x0  }
0x75: {  	v1 =	vand.u32 $0x7F, v1;
	[sflag:s17] =	ssyncadd.s32 $0xFFFFC000  }
0x76: {  	v1 =	vor.u32 $0x80, v1;
	[tilespmem:s16], [sflag:$0x1] =	stream.indirect.gather [hbm4b:s4+s20], $0x80, s20, s20, $0xb8;
	[tilespmem:$0x19800] =	vst v63  }
0x77: {  	v1 =	vbroadcast v1, $0x0;
	_ =	swait.ge [sflag:s17], $0x4000  }
0x78: {  	[sflag:s17] =	ssyncset.done $0x0  }
0x79: {  	s15 =	simm.s32 $0x1840;
	[sflag:s17] =	ssyncadd.s32 $0xFFFFC000  }
0x7a: {  	v5 =	vld [tilespmem:s15+$0x30]  }
0x7b: {  	v8 =	vld [tilespmem:s15+$0x10]  }
0x7c: {  	v6 =	vld [tilespmem:s15+$0xFFFFFFC0]  }
0x7d: {  	v2 =	vld.idx.msk [tilespmem:v1+s19+$0x0], $0xffff  }
0x7e: {  	v11 =	vld [tilespmem:s15+$0xFFFFFFE0]  }
0x7f: {  	v1 =	vld [tilespmem:s15+$0xFFFFFFF0]  }
0x80: {  	v3 =	vld [tilespmem:s15+$0x20]  }
0x81: {  	v4 =	vld [tilespmem:s15+$0xFFFFFFD0]  }
0x82: {  	v9 =	vmul.f32 v5, v2;
	v5 =	vld [tilespmem:s15+$0x0]  }
0x83: {  	s8 =	simm.s32 $0x1;
	v7 =	vmul.f32 v6, v2  }
0x84: {  	v10 =	vmov s8;
	s8 =	simm.s32 $0x1840;
	s3 =	simm.s32 $0x2;
	v6 =	vmul.f32 v11, v2;
	v8 =	vmul.f32 v8, v2  }
.LBB2_7:
0x85: {  	p0 =	sne.s32 s3, $0x7F  }
0x86: {  	v10 =	vand.u32 $0x7F, v10;
	v4 =	vmul.f32 v4, v2;
	v3 =	vmul.f32 v3, v2;
	[tilespmem:s15+$0x30] =	vst v9;
	s8 =	sadd.s32 $0x80, s8;
	s21 =	smov.u32 s3;
	s3 =	sadd.s32 $0x1, s3  }
0x87: {  	v9 =	vor.u32 $0x80, v10;
	[tilespmem:s15+$0xFFFFFFC0] =	vst v7;
	v7 =	vmul.f32 v1, v2;
	v2 =	vmul.f32 v5, v2  }
0x88: {  	v5 =	vbroadcast v9, $0x0;
	[tilespmem:s15+$0x10] =	vst v8  }
0x89: {  	[tilespmem:s15+$0xFFFFFFE0] =	vst v6  }
0x8a: {  	v1 =	vld [tilespmem:s8+$0xFFFFFFF0];
	[tilespmem:s15+$0xFFFFFFF0] =	vst v7  }
0x8b: {  	v6 =	vld [tilespmem:s8+$0x30];
	[tilespmem:s15+$0x0] =	vst v2  }
0x8c: {  	v8 =	vld [tilespmem:s8+$0x10];
	[tilespmem:s15+$0x20] =	vst v3  }
0x8d: {  	v7 =	vld [tilespmem:s8+$0xFFFFFFC0];
	[tilespmem:s15+$0xFFFFFFD0] =	vst v4;
	s15 =	smov.u32 s8  }
0x8e: {  	v2 =	vld.idx.msk [tilespmem:v5+s19+$0x0], $0xffff  }
0x8f: {  	v11 =	vld [tilespmem:s8+$0xFFFFFFE0]  }
0x90: {  	v3 =	vld [tilespmem:s8+$0x20]  }
.Ltmp2:
0x91: {  	v4 =	vld [tilespmem:s8+$0xFFFFFFD0];
	(pc) =	sbr.rel @p0 .LBB2_7-.Ltmp2, $3  }
0x92: {  	v5 =	vld [tilespmem:s8+$0x0];
	_ =	sdelay $0x1  }
0x93: {  	v7 =	vmul.f32 v7, v2;
	v9 =	vmul.f32 v6, v2  }
0x94: {  	v10 =	vmov s21;
	v8 =	vmul.f32 v8, v2;
	v6 =	vmul.f32 v11, v2  }
0x95: {  	[tilespmem:s15+$0xFFFFFFC0] =	vst v7;
	v7 =	vand.u32 $0x7F, v10  }
0x96: {  	[tilespmem:s15+$0x30] =	vst v9;
	v7 =	vor.u32 $0x80, v7  }
0x97: {  	v1 =	vmul.f32 v1, v2;
	[tilespmem:s15+$0xFFFFFFE0] =	vst v6;
	v6 =	vbroadcast v7, $0x0  }
0x98: {  	s3 =	sadd.s32 $0x80, s8;
	[tilespmem:s15+$0x10] =	vst v8;
	v5 =	vmul.f32 v5, v2  }
0x99: {  	v3 =	vmul.f32 v3, v2;
	v7 =	vld [tilespmem:s3+$0xFFFFFFF0];
	[tilespmem:s15+$0xFFFFFFF0] =	vst v1  }
0x9a: {  	v2 =	vmul.f32 v4, v2;
	v1 =	vld [tilespmem:s3+$0x30];
	[tilespmem:s15+$0x0] =	vst v5  }
0x9b: {  	v4 =	vld [tilespmem:s3+$0x10];
	[tilespmem:s15+$0x20] =	vst v3  }
0x9c: {  	v3 =	vld [tilespmem:s3+$0xFFFFFFC0];
	[tilespmem:s15+$0xFFFFFFD0] =	vst v2  }
0x9d: {  	v2 =	vld.idx.msk [tilespmem:v6+s19+$0x0], $0xffff;
	_ =	sdelay $0x2  }
0x9e: {  	v5 =	vld [tilespmem:s3+$0xFFFFFFE0];
	_ =	sdelay $0x1  }
0x9f: {  	v6 =	vld [tilespmem:s3+$0x0];
	v1 =	vmul.f32 v1, v2  }
0xa0: {  	v8 =	vld [tilespmem:s3+$0x20];
	v3 =	vmul.f32 v3, v2  }
0xa1: {  	v9 =	vld [tilespmem:s3+$0xFFFFFFD0];
	v4 =	vmul.f32 v4, v2;
	[tilespmem:s3+$0x30] =	vst v1  }
0xa2: {  	v1 =	vmul.f32 v5, v2;
	[tilespmem:s3+$0xFFFFFFC0] =	vst v3  }
0xa3: {  	v3 =	vmul.f32 v7, v2;
	[tilespmem:s3+$0x10] =	vst v4  }
0xa4: {  	v4 =	vmul.f32 v6, v2;
	[tilespmem:s3+$0xFFFFFFE0] =	vst v1  }
0xa5: {  	v1 =	vmul.f32 v8, v2;
	[tilespmem:s3+$0xFFFFFFF0] =	vst v3  }
0xa6: {  	v2 =	vmul.f32 v9, v2;
	[tilespmem:s3+$0x0] =	vst v4  }
0xa7: {  	[tilespmem:s3+$0x20] =	vst v1  }
0xa8: {  	s8 =	simm.s32 $0x880;
	[tilespmem:s3+$0xFFFFFFD0] =	vst v2  }
0xa9: {  	[spmem:s1] =	stream.indirect.scatter.add.f32 [tilespmem:s16], [sflag:$0x1], $0x80, s8, s20, $0xb8;
	[tilespmem:$0x19800] =	vst v63  }
0xaa: {  	s15 =	simm.s32 $0x0;
	_ =	swait.ge [sflag:s17], $0x4000  }
0xab: {  	v1 =	vmov s15;
	[sflag:s17] =	ssyncset.done $0x0  }
0xac: {  	v1 =	vand.u32 $0x7F, v1;
	[sflag:s17] =	ssyncadd.s32 $0xFFFFC000  }
0xad: {  	v1 =	vor.u32 $0x100, v1;
	[tilespmem:s16], [sflag:$0x1] =	stream.indirect.gather [hbm4b:s4+s20], $0x80, s22, s20, $0xb8;
	[tilespmem:$0x19800] =	vst v63  }
0xae: {  	v1 =	vbroadcast v1, $0x0;
	_ =	swait.ge [sflag:s17], $0x4000  }
0xaf: {  	[sflag:s17] =	ssyncset.done $0x0  }
0xb0: {  	s15 =	simm.s32 $0x1840;
	[sflag:s17] =	ssyncadd.s32 $0xFFFFC000  }
0xb1: {  	v5 =	vld [tilespmem:s15+$0x30]  }
0xb2: {  	v8 =	vld [tilespmem:s15+$0x10]  }
0xb3: {  	v6 =	vld [tilespmem:s15+$0xFFFFFFC0]  }
0xb4: {  	v2 =	vld.idx.msk [tilespmem:v1+s19+$0x0], $0xffff  }
0xb5: {  	v11 =	vld [tilespmem:s15+$0xFFFFFFE0]  }
0xb6: {  	v1 =	vld [tilespmem:s15+$0xFFFFFFF0]  }
0xb7: {  	v3 =	vld [tilespmem:s15+$0x20]  }
0xb8: {  	v4 =	vld [tilespmem:s15+$0xFFFFFFD0]  }
0xb9: {  	v9 =	vmul.f32 v5, v2;
	v5 =	vld [tilespmem:s15+$0x0]  }
0xba: {  	s21 =	simm.s32 $0x1;
	v7 =	vmul.f32 v6, v2  }
0xbb: {  	v10 =	vmov s21;
	s3 =	simm.s32 $0x2;
	s8 =	simm.s32 $0x1840;
	v6 =	vmul.f32 v11, v2;
	v8 =	vmul.f32 v8, v2  }
.LBB2_9:
0xbc: {  	p0 =	sne.s32 s3, $0x7F  }
0xbd: {  	v10 =	vand.u32 $0x7F, v10;
	v4 =	vmul.f32 v4, v2;
	v3 =	vmul.f32 v3, v2;
	[tilespmem:s15+$0x30] =	vst v9;
	s8 =	sadd.s32 $0x80, s8;
	s21 =	smov.u32 s3;
	s3 =	sadd.s32 $0x1, s3  }
0xbe: {  	v9 =	vor.u32 $0x100, v10;
	[tilespmem:s15+$0xFFFFFFC0] =	vst v7;
	v7 =	vmul.f32 v1, v2;
	v2 =	vmul.f32 v5, v2  }
0xbf: {  	v5 =	vbroadcast v9, $0x0;
	[tilespmem:s15+$0x10] =	vst v8  }
0xc0: {  	[tilespmem:s15+$0xFFFFFFE0] =	vst v6  }
0xc1: {  	v1 =	vld [tilespmem:s8+$0xFFFFFFF0];
	[tilespmem:s15+$0xFFFFFFF0] =	vst v7  }
0xc2: {  	v6 =	vld [tilespmem:s8+$0x30];
	[tilespmem:s15+$0x0] =	vst v2  }
0xc3: {  	v8 =	vld [tilespmem:s8+$0x10];
	[tilespmem:s15+$0x20] =	vst v3  }
0xc4: {  	v7 =	vld [tilespmem:s8+$0xFFFFFFC0];
	[tilespmem:s15+$0xFFFFFFD0] =	vst v4;
	s15 =	smov.u32 s8  }
0xc5: {  	v2 =	vld.idx.msk [tilespmem:v5+s19+$0x0], $0xffff  }
0xc6: {  	v11 =	vld [tilespmem:s8+$0xFFFFFFE0]  }
0xc7: {  	v3 =	vld [tilespmem:s8+$0x20]  }
.Ltmp3:
0xc8: {  	v4 =	vld [tilespmem:s8+$0xFFFFFFD0];
	(pc) =	sbr.rel @p0 .LBB2_9-.Ltmp3, $3  }
0xc9: {  	v5 =	vld [tilespmem:s8+$0x0];
	_ =	sdelay $0x1  }
0xca: {  	v7 =	vmul.f32 v7, v2;
	v9 =	vmul.f32 v6, v2  }
0xcb: {  	v10 =	vmov s21;
	v8 =	vmul.f32 v8, v2;
	v6 =	vmul.f32 v11, v2  }
0xcc: {  	[tilespmem:s15+$0xFFFFFFC0] =	vst v7;
	v7 =	vand.u32 $0x7F, v10  }
0xcd: {  	[tilespmem:s15+$0x30] =	vst v9;
	v7 =	vor.u32 $0x100, v7  }
0xce: {  	v1 =	vmul.f32 v1, v2;
	[tilespmem:s15+$0xFFFFFFE0] =	vst v6;
	v6 =	vbroadcast v7, $0x0  }
0xcf: {  	s3 =	sadd.s32 $0x80, s8;
	[tilespmem:s15+$0x10] =	vst v8;
	v5 =	vmul.f32 v5, v2  }
0xd0: {  	v3 =	vmul.f32 v3, v2;
	v7 =	vld [tilespmem:s3+$0xFFFFFFF0];
	[tilespmem:s15+$0xFFFFFFF0] =	vst v1  }
0xd1: {  	v2 =	vmul.f32 v4, v2;
	v1 =	vld [tilespmem:s3+$0x30];
	[tilespmem:s15+$0x0] =	vst v5  }
0xd2: {  	v4 =	vld [tilespmem:s3+$0x10];
	[tilespmem:s15+$0x20] =	vst v3  }
0xd3: {  	v3 =	vld [tilespmem:s3+$0xFFFFFFC0];
	[tilespmem:s15+$0xFFFFFFD0] =	vst v2  }
0xd4: {  	v2 =	vld.idx.msk [tilespmem:v6+s19+$0x0], $0xffff;
	_ =	sdelay $0x2  }
0xd5: {  	v5 =	vld [tilespmem:s3+$0xFFFFFFE0];
	_ =	sdelay $0x1  }
0xd6: {  	v6 =	vld [tilespmem:s3+$0x0];
	v1 =	vmul.f32 v1, v2  }
0xd7: {  	v8 =	vld [tilespmem:s3+$0x20];
	v3 =	vmul.f32 v3, v2  }
0xd8: {  	v9 =	vld [tilespmem:s3+$0xFFFFFFD0];
	v4 =	vmul.f32 v4, v2;
	[tilespmem:s3+$0x30] =	vst v1  }
0xd9: {  	v1 =	vmul.f32 v5, v2;
	[tilespmem:s3+$0xFFFFFFC0] =	vst v3  }
0xda: {  	v3 =	vmul.f32 v7, v2;
	[tilespmem:s3+$0x10] =	vst v4  }
0xdb: {  	v4 =	vmul.f32 v6, v2;
	[tilespmem:s3+$0xFFFFFFE0] =	vst v1  }
0xdc: {  	v1 =	vmul.f32 v8, v2;
	[tilespmem:s3+$0xFFFFFFF0] =	vst v3  }
0xdd: {  	v2 =	vmul.f32 v9, v2;
	[tilespmem:s3+$0x0] =	vst v4  }
0xde: {  	[tilespmem:s3+$0x20] =	vst v1  }
0xdf: {  	[tilespmem:s3+$0xFFFFFFD0] =	vst v2  }
0xe0: {  	[spmem:s1] =	stream.indirect.scatter.add.f32 [tilespmem:s16], [sflag:$0x1], $0x80, s23, s20, $0xb8;
	[tilespmem:$0x19800] =	vst v63  }
0xe1: {  	s15 =	simm.s32 $0x0;
	_ =	swait.ge [sflag:s17], $0x4000  }
0xe2: {  	v1 =	vmov s15;
	[sflag:s17] =	ssyncset.done $0x0  }
0xe3: {  	v1 =	vand.u32 $0x7F, v1;
	[sflag:s17] =	ssyncadd.s32 $0xFFFFC000  }
0xe4: {  	v1 =	vor.u32 $0x180, v1;
	[tilespmem:s16], [sflag:$0x1] =	stream.indirect.gather [hbm4b:s4+s20], $0x80, s24, s20, $0xb8;
	[tilespmem:$0x19800] =	vst v63  }
0xe5: {  	v1 =	vbroadcast v1, $0x0;
	_ =	swait.ge [sflag:s17], $0x4000  }
0xe6: {  	[sflag:s17] =	ssyncset.done $0x0  }
0xe7: {  	s15 =	simm.s32 $0x1840;
	[sflag:s17] =	ssyncadd.s32 $0xFFFFC000  }
0xe8: {  	v5 =	vld [tilespmem:s15+$0x30]  }
0xe9: {  	v8 =	vld [tilespmem:s15+$0x10]  }
0xea: {  	v6 =	vld [tilespmem:s15+$0xFFFFFFC0]  }
0xeb: {  	v2 =	vld.idx.msk [tilespmem:v1+s19+$0x0], $0xffff  }
0xec: {  	v11 =	vld [tilespmem:s15+$0xFFFFFFE0]  }
0xed: {  	v1 =	vld [tilespmem:s15+$0xFFFFFFF0]  }
0xee: {  	v3 =	vld [tilespmem:s15+$0x20]  }
0xef: {  	v4 =	vld [tilespmem:s15+$0xFFFFFFD0]  }
0xf0: {  	v9 =	vmul.f32 v5, v2;
	v5 =	vld [tilespmem:s15+$0x0]  }
0xf1: {  	s21 =	simm.s32 $0x1;
	v7 =	vmul.f32 v6, v2  }
0xf2: {  	s8 =	simm.s32 $0x1840;
	v10 =	vmov s21;
	s3 =	simm.s32 $0x2;
	v6 =	vmul.f32 v11, v2;
	v8 =	vmul.f32 v8, v2  }
.LBB2_11:
0xf3: {  	p0 =	sne.s32 s3, $0x7F  }
0xf4: {  	v10 =	vand.u32 $0x7F, v10;
	v4 =	vmul.f32 v4, v2;
	v3 =	vmul.f32 v3, v2;
	[tilespmem:s15+$0x30] =	vst v9;
	s8 =	sadd.s32 $0x80, s8;
	s21 =	smov.u32 s3;
	s3 =	sadd.s32 $0x1, s3  }
0xf5: {  	v9 =	vor.u32 $0x180, v10;
	[tilespmem:s15+$0xFFFFFFC0] =	vst v7;
	v7 =	vmul.f32 v1, v2;
	v2 =	vmul.f32 v5, v2  }
0xf6: {  	v5 =	vbroadcast v9, $0x0;
	[tilespmem:s15+$0x10] =	vst v8  }
0xf7: {  	[tilespmem:s15+$0xFFFFFFE0] =	vst v6  }
0xf8: {  	v1 =	vld [tilespmem:s8+$0xFFFFFFF0];
	[tilespmem:s15+$0xFFFFFFF0] =	vst v7  }
0xf9: {  	v6 =	vld [tilespmem:s8+$0x30];
	[tilespmem:s15+$0x0] =	vst v2  }
0xfa: {  	v8 =	vld [tilespmem:s8+$0x10];
	[tilespmem:s15+$0x20] =	vst v3  }
0xfb: {  	v7 =	vld [tilespmem:s8+$0xFFFFFFC0];
	[tilespmem:s15+$0xFFFFFFD0] =	vst v4;
	s15 =	smov.u32 s8  }
0xfc: {  	v2 =	vld.idx.msk [tilespmem:v5+s19+$0x0], $0xffff  }
0xfd: {  	v11 =	vld [tilespmem:s8+$0xFFFFFFE0]  }
0xfe: {  	v3 =	vld [tilespmem:s8+$0x20]  }
.Ltmp4:
0xff: {  	v4 =	vld [tilespmem:s8+$0xFFFFFFD0];
	(pc) =	sbr.rel @p0 .LBB2_11-.Ltmp4, $3  }
0x100: {  	v5 =	vld [tilespmem:s8+$0x0];
	_ =	sdelay $0x1  }
0x101: {  	v7 =	vmul.f32 v7, v2;
	v9 =	vmul.f32 v6, v2  }
0x102: {  	v10 =	vmov s21;
	v8 =	vmul.f32 v8, v2;
	v6 =	vmul.f32 v11, v2  }
0x103: {  	[tilespmem:s15+$0xFFFFFFC0] =	vst v7;
	v7 =	vand.u32 $0x7F, v10  }
0x104: {  	[tilespmem:s15+$0x30] =	vst v9;
	v7 =	vor.u32 $0x180, v7  }
0x105: {  	v1 =	vmul.f32 v1, v2;
	[tilespmem:s15+$0xFFFFFFE0] =	vst v6;
	v6 =	vbroadcast v7, $0x0  }
0x106: {  	s3 =	sadd.s32 $0x80, s8;
	[tilespmem:s15+$0x10] =	vst v8;
	v5 =	vmul.f32 v5, v2  }
0x107: {  	v3 =	vmul.f32 v3, v2;
	v7 =	vld [tilespmem:s3+$0xFFFFFFF0];
	[tilespmem:s15+$0xFFFFFFF0] =	vst v1  }
0x108: {  	v2 =	vmul.f32 v4, v2;
	v1 =	vld [tilespmem:s3+$0x30];
	[tilespmem:s15+$0x0] =	vst v5  }
0x109: {  	v4 =	vld [tilespmem:s3+$0x10];
	[tilespmem:s15+$0x20] =	vst v3  }
0x10a: {  	v3 =	vld [tilespmem:s3+$0xFFFFFFC0];
	[tilespmem:s15+$0xFFFFFFD0] =	vst v2  }
0x10b: {  	v2 =	vld.idx.msk [tilespmem:v6+s19+$0x0], $0xffff;
	_ =	sdelay $0x2  }
0x10c: {  	v5 =	vld [tilespmem:s3+$0xFFFFFFE0];
	_ =	sdelay $0x1  }
0x10d: {  	v6 =	vld [tilespmem:s3+$0x0];
	v1 =	vmul.f32 v1, v2  }
0x10e: {  	v8 =	vld [tilespmem:s3+$0x20];
	v3 =	vmul.f32 v3, v2  }
0x10f: {  	v9 =	vld [tilespmem:s3+$0xFFFFFFD0];
	v4 =	vmul.f32 v4, v2;
	[tilespmem:s3+$0x30] =	vst v1  }
0x110: {  	v1 =	vmul.f32 v5, v2;
	[tilespmem:s3+$0xFFFFFFC0] =	vst v3  }
0x111: {  	v3 =	vmul.f32 v7, v2;
	[tilespmem:s3+$0x10] =	vst v4  }
0x112: {  	v4 =	vmul.f32 v6, v2;
	[tilespmem:s3+$0xFFFFFFE0] =	vst v1  }
0x113: {  	v1 =	vmul.f32 v8, v2;
	[tilespmem:s3+$0xFFFFFFF0] =	vst v3  }
0x114: {  	v2 =	vmul.f32 v9, v2;
	[tilespmem:s3+$0x0] =	vst v4  }
0x115: {  	[tilespmem:s3+$0x20] =	vst v1  }
0x116: {  	[tilespmem:s3+$0xFFFFFFD0] =	vst v2  }
0x117: {  	[spmem:s1] =	stream.indirect.scatter.add.f32 [tilespmem:s16], [sflag:$0x1], $0x80, s25, s20, $0xb8;
	[tilespmem:$0x19800] =	vst v63  }
0x118: {  	s15 =	simm.s32 $0x0;
	_ =	swait.ge [sflag:s17], $0x4000  }
0x119: {  	v1 =	vmov s15;
	[sflag:s17] =	ssyncset.done $0x0  }
0x11a: {  	v1 =	vand.u32 $0x7F, v1;
	[sflag:s17] =	ssyncadd.s32 $0xFFFFC000  }
0x11b: {  	v1 =	vor.u32 $0x200, v1;
	[tilespmem:s16], [sflag:$0x1] =	stream.indirect.gather [hbm4b:s4+s20], $0x80, s26, s20, $0xb8;
	[tilespmem:$0x19800] =	vst v63  }
0x11c: {  	v1 =	vbroadcast v1, $0x0;
	_ =	swait.ge [sflag:s17], $0x4000  }
0x11d: {  	[sflag:s17] =	ssyncset.done $0x0  }
0x11e: {  	s15 =	simm.s32 $0x1840;
	[sflag:s17] =	ssyncadd.s32 $0xFFFFC000  }
0x11f: {  	v5 =	vld [tilespmem:s15+$0x30]  }
0x120: {  	v8 =	vld [tilespmem:s15+$0x10]  }
0x121: {  	v6 =	vld [tilespmem:s15+$0xFFFFFFC0]  }
0x122: {  	v2 =	vld.idx.msk [tilespmem:v1+s19+$0x0], $0xffff  }
0x123: {  	v11 =	vld [tilespmem:s15+$0xFFFFFFE0]  }
0x124: {  	v1 =	vld [tilespmem:s15+$0xFFFFFFF0]  }
0x125: {  	v3 =	vld [tilespmem:s15+$0x20]  }
0x126: {  	v4 =	vld [tilespmem:s15+$0xFFFFFFD0]  }
0x127: {  	v9 =	vmul.f32 v5, v2;
	v5 =	vld [tilespmem:s15+$0x0]  }
0x128: {  	s21 =	simm.s32 $0x1;
	v7 =	vmul.f32 v6, v2  }
0x129: {  	s8 =	simm.s32 $0x1840;
	v10 =	vmov s21;
	s3 =	simm.s32 $0x2;
	v6 =	vmul.f32 v11, v2;
	v8 =	vmul.f32 v8, v2  }
.LBB2_13:
0x12a: {  	p0 =	sne.s32 s3, $0x7F  }
0x12b: {  	v10 =	vand.u32 $0x7F, v10;
	v4 =	vmul.f32 v4, v2;
	v3 =	vmul.f32 v3, v2;
	[tilespmem:s15+$0x30] =	vst v9;
	s8 =	sadd.s32 $0x80, s8;
	s21 =	smov.u32 s3;
	s3 =	sadd.s32 $0x1, s3  }
0x12c: {  	v9 =	vor.u32 $0x200, v10;
	[tilespmem:s15+$0xFFFFFFC0] =	vst v7;
	v7 =	vmul.f32 v1, v2;
	v2 =	vmul.f32 v5, v2  }
0x12d: {  	v5 =	vbroadcast v9, $0x0;
	[tilespmem:s15+$0x10] =	vst v8  }
0x12e: {  	[tilespmem:s15+$0xFFFFFFE0] =	vst v6  }
0x12f: {  	v1 =	vld [tilespmem:s8+$0xFFFFFFF0];
	[tilespmem:s15+$0xFFFFFFF0] =	vst v7  }
0x130: {  	v6 =	vld [tilespmem:s8+$0x30];
	[tilespmem:s15+$0x0] =	vst v2  }
0x131: {  	v8 =	vld [tilespmem:s8+$0x10];
	[tilespmem:s15+$0x20] =	vst v3  }
0x132: {  	v7 =	vld [tilespmem:s8+$0xFFFFFFC0];
	[tilespmem:s15+$0xFFFFFFD0] =	vst v4;
	s15 =	smov.u32 s8  }
0x133: {  	v2 =	vld.idx.msk [tilespmem:v5+s19+$0x0], $0xffff  }
0x134: {  	v11 =	vld [tilespmem:s8+$0xFFFFFFE0]  }
0x135: {  	v3 =	vld [tilespmem:s8+$0x20]  }
.Ltmp5:
0x136: {  	v4 =	vld [tilespmem:s8+$0xFFFFFFD0];
	(pc) =	sbr.rel @p0 .LBB2_13-.Ltmp5, $3  }
0x137: {  	v5 =	vld [tilespmem:s8+$0x0];
	_ =	sdelay $0x1  }
0x138: {  	v7 =	vmul.f32 v7, v2;
	v9 =	vmul.f32 v6, v2  }
0x139: {  	v10 =	vmov s21;
	v8 =	vmul.f32 v8, v2;
	v6 =	vmul.f32 v11, v2  }
0x13a: {  	[tilespmem:s15+$0xFFFFFFC0] =	vst v7;
	v7 =	vand.u32 $0x7F, v10  }
0x13b: {  	[tilespmem:s15+$0x30] =	vst v9;
	v7 =	vor.u32 $0x200, v7  }
0x13c: {  	v1 =	vmul.f32 v1, v2;
	[tilespmem:s15+$0xFFFFFFE0] =	vst v6;
	v6 =	vbroadcast v7, $0x0  }
0x13d: {  	s3 =	sadd.s32 $0x80, s8;
	[tilespmem:s15+$0x10] =	vst v8;
	v5 =	vmul.f32 v5, v2  }
0x13e: {  	v3 =	vmul.f32 v3, v2;
	v7 =	vld [tilespmem:s3+$0xFFFFFFF0];
	[tilespmem:s15+$0xFFFFFFF0] =	vst v1  }
0x13f: {  	v2 =	vmul.f32 v4, v2;
	v1 =	vld [tilespmem:s3+$0x30];
	[tilespmem:s15+$0x0] =	vst v5  }
0x140: {  	v4 =	vld [tilespmem:s3+$0x10];
	[tilespmem:s15+$0x20] =	vst v3  }
0x141: {  	v3 =	vld [tilespmem:s3+$0xFFFFFFC0];
	[tilespmem:s15+$0xFFFFFFD0] =	vst v2  }
0x142: {  	v2 =	vld.idx.msk [tilespmem:v6+s19+$0x0], $0xffff;
	_ =	sdelay $0x2  }
0x143: {  	v5 =	vld [tilespmem:s3+$0xFFFFFFE0];
	_ =	sdelay $0x1  }
0x144: {  	v6 =	vld [tilespmem:s3+$0x0];
	v1 =	vmul.f32 v1, v2  }
0x145: {  	v8 =	vld [tilespmem:s3+$0x20];
	v3 =	vmul.f32 v3, v2  }
0x146: {  	v9 =	vld [tilespmem:s3+$0xFFFFFFD0];
	v4 =	vmul.f32 v4, v2;
	[tilespmem:s3+$0x30] =	vst v1  }
0x147: {  	v1 =	vmul.f32 v5, v2;
	[tilespmem:s3+$0xFFFFFFC0] =	vst v3  }
0x148: {  	v3 =	vmul.f32 v7, v2;
	[tilespmem:s3+$0x10] =	vst v4  }
0x149: {  	v4 =	vmul.f32 v6, v2;
	[tilespmem:s3+$0xFFFFFFE0] =	vst v1  }
0x14a: {  	v1 =	vmul.f32 v8, v2;
	[tilespmem:s3+$0xFFFFFFF0] =	vst v3  }
0x14b: {  	v2 =	vmul.f32 v9, v2;
	[tilespmem:s3+$0x0] =	vst v4  }
0x14c: {  	[tilespmem:s3+$0x20] =	vst v1  }
0x14d: {  	[tilespmem:s3+$0xFFFFFFD0] =	vst v2  }
0x14e: {  	[spmem:s1] =	stream.indirect.scatter.add.f32 [tilespmem:s16], [sflag:$0x1], $0x80, s28, s20, $0xb8;
	[tilespmem:$0x19800] =	vst v63  }
0x14f: {  	s15 =	simm.s32 $0x0;
	_ =	swait.ge [sflag:s17], $0x4000  }
0x150: {  	v1 =	vmov s15;
	[sflag:s17] =	ssyncset.done $0x0  }
0x151: {  	v1 =	vand.u32 $0x7F, v1;
	[sflag:s17] =	ssyncadd.s32 $0xFFFFC000  }
0x152: {  	v1 =	vor.u32 $0x280, v1;
	[tilespmem:s16], [sflag:$0x1] =	stream.indirect.gather [hbm4b:s4+s20], $0x80, s29, s20, $0xb8;
	[tilespmem:$0x19800] =	vst v63  }
0x153: {  	v1 =	vbroadcast v1, $0x0;
	_ =	swait.ge [sflag:s17], $0x4000  }
0x154: {  	[sflag:s17] =	ssyncset.done $0x0  }
0x155: {  	s15 =	simm.s32 $0x1840;
	[sflag:s17] =	ssyncadd.s32 $0xFFFFC000  }
0x156: {  	v5 =	vld [tilespmem:s15+$0x30]  }
0x157: {  	v8 =	vld [tilespmem:s15+$0x10]  }
0x158: {  	v6 =	vld [tilespmem:s15+$0xFFFFFFC0]  }
0x159: {  	v2 =	vld.idx.msk [tilespmem:v1+s19+$0x0], $0xffff  }
0x15a: {  	v11 =	vld [tilespmem:s15+$0xFFFFFFE0]  }
0x15b: {  	v1 =	vld [tilespmem:s15+$0xFFFFFFF0]  }
0x15c: {  	v3 =	vld [tilespmem:s15+$0x20]  }
0x15d: {  	v4 =	vld [tilespmem:s15+$0xFFFFFFD0]  }
0x15e: {  	v9 =	vmul.f32 v5, v2;
	v5 =	vld [tilespmem:s15+$0x0]  }
0x15f: {  	s21 =	simm.s32 $0x1;
	v7 =	vmul.f32 v6, v2  }
0x160: {  	s8 =	simm.s32 $0x1840;
	v10 =	vmov s21;
	s3 =	simm.s32 $0x2;
	v6 =	vmul.f32 v11, v2;
	v8 =	vmul.f32 v8, v2  }
.LBB2_15:
0x161: {  	p0 =	sne.s32 s3, $0x7F  }
0x162: {  	v10 =	vand.u32 $0x7F, v10;
	v4 =	vmul.f32 v4, v2;
	v3 =	vmul.f32 v3, v2;
	[tilespmem:s15+$0x30] =	vst v9;
	s8 =	sadd.s32 $0x80, s8;
	s21 =	smov.u32 s3;
	s3 =	sadd.s32 $0x1, s3  }
0x163: {  	v9 =	vor.u32 $0x280, v10;
	[tilespmem:s15+$0xFFFFFFC0] =	vst v7;
	v7 =	vmul.f32 v1, v2;
	v2 =	vmul.f32 v5, v2  }
0x164: {  	v5 =	vbroadcast v9, $0x0;
	[tilespmem:s15+$0x10] =	vst v8  }
0x165: {  	[tilespmem:s15+$0xFFFFFFE0] =	vst v6  }
0x166: {  	v1 =	vld [tilespmem:s8+$0xFFFFFFF0];
	[tilespmem:s15+$0xFFFFFFF0] =	vst v7  }
0x167: {  	v6 =	vld [tilespmem:s8+$0x30];
	[tilespmem:s15+$0x0] =	vst v2  }
0x168: {  	v8 =	vld [tilespmem:s8+$0x10];
	[tilespmem:s15+$0x20] =	vst v3  }
0x169: {  	v7 =	vld [tilespmem:s8+$0xFFFFFFC0];
	[tilespmem:s15+$0xFFFFFFD0] =	vst v4;
	s15 =	smov.u32 s8  }
0x16a: {  	v2 =	vld.idx.msk [tilespmem:v5+s19+$0x0], $0xffff  }
0x16b: {  	v11 =	vld [tilespmem:s8+$0xFFFFFFE0]  }
0x16c: {  	v3 =	vld [tilespmem:s8+$0x20]  }
.Ltmp6:
0x16d: {  	v4 =	vld [tilespmem:s8+$0xFFFFFFD0];
	(pc) =	sbr.rel @p0 .LBB2_15-.Ltmp6, $3  }
0x16e: {  	v5 =	vld [tilespmem:s8+$0x0];
	_ =	sdelay $0x1  }
0x16f: {  	v7 =	vmul.f32 v7, v2;
	v9 =	vmul.f32 v6, v2  }
0x170: {  	v10 =	vmov s21;
	v8 =	vmul.f32 v8, v2;
	v6 =	vmul.f32 v11, v2  }
0x171: {  	[tilespmem:s15+$0xFFFFFFC0] =	vst v7;
	v7 =	vand.u32 $0x7F, v10  }
0x172: {  	[tilespmem:s15+$0x30] =	vst v9;
	v7 =	vor.u32 $0x280, v7  }
0x173: {  	v1 =	vmul.f32 v1, v2;
	[tilespmem:s15+$0xFFFFFFE0] =	vst v6;
	v6 =	vbroadcast v7, $0x0  }
0x174: {  	s3 =	sadd.s32 $0x80, s8;
	[tilespmem:s15+$0x10] =	vst v8;
	v5 =	vmul.f32 v5, v2  }
0x175: {  	v3 =	vmul.f32 v3, v2;
	v7 =	vld [tilespmem:s3+$0xFFFFFFF0];
	[tilespmem:s15+$0xFFFFFFF0] =	vst v1  }
0x176: {  	v2 =	vmul.f32 v4, v2;
	v1 =	vld [tilespmem:s3+$0x30];
	[tilespmem:s15+$0x0] =	vst v5  }
0x177: {  	v4 =	vld [tilespmem:s3+$0x10];
	[tilespmem:s15+$0x20] =	vst v3  }
0x178: {  	v3 =	vld [tilespmem:s3+$0xFFFFFFC0];
	[tilespmem:s15+$0xFFFFFFD0] =	vst v2  }
0x179: {  	v2 =	vld.idx.msk [tilespmem:v6+s19+$0x0], $0xffff;
	_ =	sdelay $0x2  }
0x17a: {  	v5 =	vld [tilespmem:s3+$0xFFFFFFE0];
	_ =	sdelay $0x1  }
0x17b: {  	v6 =	vld [tilespmem:s3+$0x0];
	v1 =	vmul.f32 v1, v2  }
0x17c: {  	v8 =	vld [tilespmem:s3+$0x20];
	v3 =	vmul.f32 v3, v2  }
0x17d: {  	v9 =	vld [tilespmem:s3+$0xFFFFFFD0];
	v4 =	vmul.f32 v4, v2;
	[tilespmem:s3+$0x30] =	vst v1  }
0x17e: {  	v1 =	vmul.f32 v5, v2;
	[tilespmem:s3+$0xFFFFFFC0] =	vst v3  }
0x17f: {  	v3 =	vmul.f32 v7, v2;
	[tilespmem:s3+$0x10] =	vst v4  }
0x180: {  	v4 =	vmul.f32 v6, v2;
	[tilespmem:s3+$0xFFFFFFE0] =	vst v1  }
0x181: {  	v1 =	vmul.f32 v8, v2;
	[tilespmem:s3+$0xFFFFFFF0] =	vst v3  }
0x182: {  	v2 =	vmul.f32 v9, v2;
	[tilespmem:s3+$0x0] =	vst v4  }
0x183: {  	[tilespmem:s3+$0x20] =	vst v1  }
0x184: {  	[tilespmem:s3+$0xFFFFFFD0] =	vst v2  }
0x185: {  	[spmem:s1] =	stream.indirect.scatter.add.f32 [tilespmem:s16], [sflag:$0x1], $0x80, s30, s20, $0xb8;
	[tilespmem:$0x19800] =	vst v63  }
0x186: {  	s15 =	simm.s32 $0x0;
	_ =	swait.ge [sflag:s17], $0x4000  }
0x187: {  	v1 =	vmov s15;
	[sflag:s17] =	ssyncset.done $0x0  }
0x188: {  	v1 =	vand.u32 $0x7F, v1;
	[sflag:s17] =	ssyncadd.s32 $0xFFFFC000  }
0x189: {  	v1 =	vor.u32 $0x300, v1;
	[tilespmem:s16], [sflag:$0x1] =	stream.indirect.gather [hbm4b:s4+s20], $0x80, s31, s20, $0xb8;
	[tilespmem:$0x19800] =	vst v63  }
0x18a: {  	v1 =	vbroadcast v1, $0x0;
	_ =	swait.ge [sflag:s17], $0x4000  }
0x18b: {  	[sflag:s17] =	ssyncset.done $0x0  }
0x18c: {  	s15 =	simm.s32 $0x1840;
	[sflag:s17] =	ssyncadd.s32 $0xFFFFC000  }
0x18d: {  	v5 =	vld [tilespmem:s15+$0x30]  }
0x18e: {  	v8 =	vld [tilespmem:s15+$0x10]  }
0x18f: {  	v6 =	vld [tilespmem:s15+$0xFFFFFFC0]  }
0x190: {  	v2 =	vld.idx.msk [tilespmem:v1+s19+$0x0], $0xffff  }
0x191: {  	v11 =	vld [tilespmem:s15+$0xFFFFFFE0]  }
0x192: {  	v1 =	vld [tilespmem:s15+$0xFFFFFFF0]  }
0x193: {  	v3 =	vld [tilespmem:s15+$0x20]  }
0x194: {  	v4 =	vld [tilespmem:s15+$0xFFFFFFD0]  }
0x195: {  	v9 =	vmul.f32 v5, v2;
	v5 =	vld [tilespmem:s15+$0x0]  }
0x196: {  	s21 =	simm.s32 $0x1;
	v7 =	vmul.f32 v6, v2  }
0x197: {  	s8 =	simm.s32 $0x1840;
	v10 =	vmov s21;
	s3 =	simm.s32 $0x2;
	v6 =	vmul.f32 v11, v2;
	v8 =	vmul.f32 v8, v2  }
.LBB2_17:
0x198: {  	p0 =	sne.s32 s3, $0x7F  }
0x199: {  	v10 =	vand.u32 $0x7F, v10;
	v4 =	vmul.f32 v4, v2;
	v3 =	vmul.f32 v3, v2;
	[tilespmem:s15+$0x30] =	vst v9;
	s8 =	sadd.s32 $0x80, s8;
	s21 =	smov.u32 s3;
	s3 =	sadd.s32 $0x1, s3  }
0x19a: {  	v9 =	vor.u32 $0x300, v10;
	[tilespmem:s15+$0xFFFFFFC0] =	vst v7;
	v7 =	vmul.f32 v1, v2;
	v2 =	vmul.f32 v5, v2  }
0x19b: {  	v5 =	vbroadcast v9, $0x0;
	[tilespmem:s15+$0x10] =	vst v8  }
0x19c: {  	[tilespmem:s15+$0xFFFFFFE0] =	vst v6  }
0x19d: {  	v1 =	vld [tilespmem:s8+$0xFFFFFFF0];
	[tilespmem:s15+$0xFFFFFFF0] =	vst v7  }
0x19e: {  	v6 =	vld [tilespmem:s8+$0x30];
	[tilespmem:s15+$0x0] =	vst v2  }
0x19f: {  	v8 =	vld [tilespmem:s8+$0x10];
	[tilespmem:s15+$0x20] =	vst v3  }
0x1a0: {  	v7 =	vld [tilespmem:s8+$0xFFFFFFC0];
	[tilespmem:s15+$0xFFFFFFD0] =	vst v4;
	s15 =	smov.u32 s8  }
0x1a1: {  	v2 =	vld.idx.msk [tilespmem:v5+s19+$0x0], $0xffff  }
0x1a2: {  	v11 =	vld [tilespmem:s8+$0xFFFFFFE0]  }
0x1a3: {  	v3 =	vld [tilespmem:s8+$0x20]  }
.Ltmp7:
0x1a4: {  	v4 =	vld [tilespmem:s8+$0xFFFFFFD0];
	(pc) =	sbr.rel @p0 .LBB2_17-.Ltmp7, $3  }
0x1a5: {  	v5 =	vld [tilespmem:s8+$0x0];
	_ =	sdelay $0x1  }
0x1a6: {  	v7 =	vmul.f32 v7, v2;
	v9 =	vmul.f32 v6, v2  }
0x1a7: {  	v10 =	vmov s21;
	v8 =	vmul.f32 v8, v2;
	v6 =	vmul.f32 v11, v2  }
0x1a8: {  	[tilespmem:s15+$0xFFFFFFC0] =	vst v7;
	v7 =	vand.u32 $0x7F, v10  }
0x1a9: {  	[tilespmem:s15+$0x30] =	vst v9;
	v7 =	vor.u32 $0x300, v7  }
0x1aa: {  	v1 =	vmul.f32 v1, v2;
	[tilespmem:s15+$0xFFFFFFE0] =	vst v6;
	v6 =	vbroadcast v7, $0x0  }
0x1ab: {  	s3 =	sadd.s32 $0x80, s8;
	[tilespmem:s15+$0x10] =	vst v8;
	v5 =	vmul.f32 v5, v2  }
0x1ac: {  	v3 =	vmul.f32 v3, v2;
	v7 =	vld [tilespmem:s3+$0xFFFFFFF0];
	[tilespmem:s15+$0xFFFFFFF0] =	vst v1  }
0x1ad: {  	v2 =	vmul.f32 v4, v2;
	v1 =	vld [tilespmem:s3+$0x30];
	[tilespmem:s15+$0x0] =	vst v5  }
0x1ae: {  	v4 =	vld [tilespmem:s3+$0x10];
	[tilespmem:s15+$0x20] =	vst v3  }
0x1af: {  	v3 =	vld [tilespmem:s3+$0xFFFFFFC0];
	[tilespmem:s15+$0xFFFFFFD0] =	vst v2  }
0x1b0: {  	v2 =	vld.idx.msk [tilespmem:v6+s19+$0x0], $0xffff;
	_ =	sdelay $0x2  }
0x1b1: {  	v5 =	vld [tilespmem:s3+$0xFFFFFFE0];
	_ =	sdelay $0x1  }
0x1b2: {  	v6 =	vld [tilespmem:s3+$0x0];
	v1 =	vmul.f32 v1, v2  }
0x1b3: {  	v8 =	vld [tilespmem:s3+$0x20];
	v3 =	vmul.f32 v3, v2  }
0x1b4: {  	v9 =	vld [tilespmem:s3+$0xFFFFFFD0];
	v4 =	vmul.f32 v4, v2;
	[tilespmem:s3+$0x30] =	vst v1  }
0x1b5: {  	v1 =	vmul.f32 v5, v2;
	[tilespmem:s3+$0xFFFFFFC0] =	vst v3  }
0x1b6: {  	v3 =	vmul.f32 v7, v2;
	[tilespmem:s3+$0x10] =	vst v4  }
0x1b7: {  	v4 =	vmul.f32 v6, v2;
	[tilespmem:s3+$0xFFFFFFE0] =	vst v1  }
0x1b8: {  	v1 =	vmul.f32 v8, v2;
	[tilespmem:s3+$0xFFFFFFF0] =	vst v3  }
0x1b9: {  	v2 =	vmul.f32 v9, v2;
	[tilespmem:s3+$0x0] =	vst v4  }
0x1ba: {  	[tilespmem:s3+$0x20] =	vst v1  }
0x1bb: {  	[tilespmem:s3+$0xFFFFFFD0] =	vst v2  }
0x1bc: {  	[spmem:s1] =	stream.indirect.scatter.add.f32 [tilespmem:s16], [sflag:$0x1], $0x80, s0, s20, $0xb8;
	[tilespmem:$0x19800] =	vst v63  }
0x1bd: {  	s15 =	simm.s32 $0x0;
	_ =	swait.ge [sflag:s17], $0x4000  }
0x1be: {  	v1 =	vmov s15;
	[sflag:s17] =	ssyncset.done $0x0  }
0x1bf: {  	v1 =	vand.u32 $0x7F, v1;
	[sflag:s17] =	ssyncadd.s32 $0xFFFFC000  }
0x1c0: {  	v1 =	vor.u32 $0x380, v1;
	[tilespmem:s16], [sflag:$0x1] =	stream.indirect.gather [hbm4b:s4+s20], $0x80, s2, s20, $0xb8;
	[tilespmem:$0x19800] =	vst v63  }
0x1c1: {  	v1 =	vbroadcast v1, $0x0;
	_ =	swait.ge [sflag:s17], $0x4000  }
0x1c2: {  	[sflag:s17] =	ssyncset.done $0x0  }
0x1c3: {  	s15 =	simm.s32 $0x1840;
	[sflag:s17] =	ssyncadd.s32 $0xFFFFC000  }
0x1c4: {  	v5 =	vld [tilespmem:s15+$0x30]  }
0x1c5: {  	v8 =	vld [tilespmem:s15+$0x10]  }
0x1c6: {  	v6 =	vld [tilespmem:s15+$0xFFFFFFC0]  }
0x1c7: {  	v2 =	vld.idx.msk [tilespmem:v1+s19+$0x0], $0xffff  }
0x1c8: {  	v11 =	vld [tilespmem:s15+$0xFFFFFFE0]  }
0x1c9: {  	v1 =	vld [tilespmem:s15+$0xFFFFFFF0]  }
0x1ca: {  	v3 =	vld [tilespmem:s15+$0x20]  }
0x1cb: {  	v4 =	vld [tilespmem:s15+$0xFFFFFFD0]  }
0x1cc: {  	v9 =	vmul.f32 v5, v2;
	v5 =	vld [tilespmem:s15+$0x0]  }
0x1cd: {  	s21 =	simm.s32 $0x1;
	v7 =	vmul.f32 v6, v2  }
0x1ce: {  	s8 =	simm.s32 $0x1840;
	v10 =	vmov s21;
	s3 =	simm.s32 $0x2;
	v6 =	vmul.f32 v11, v2;
	v8 =	vmul.f32 v8, v2  }
.LBB2_19:
0x1cf: {  	p0 =	sne.s32 s3, $0x7F  }
0x1d0: {  	v10 =	vand.u32 $0x7F, v10;
	v4 =	vmul.f32 v4, v2;
	v3 =	vmul.f32 v3, v2;
	[tilespmem:s15+$0x30] =	vst v9;
	s8 =	sadd.s32 $0x80, s8;
	s21 =	smov.u32 s3;
	s3 =	sadd.s32 $0x1, s3  }
0x1d1: {  	v9 =	vor.u32 $0x380, v10;
	[tilespmem:s15+$0xFFFFFFC0] =	vst v7;
	v7 =	vmul.f32 v1, v2;
	v2 =	vmul.f32 v5, v2  }
0x1d2: {  	v5 =	vbroadcast v9, $0x0;
	[tilespmem:s15+$0x10] =	vst v8  }
0x1d3: {  	[tilespmem:s15+$0xFFFFFFE0] =	vst v6  }
0x1d4: {  	v1 =	vld [tilespmem:s8+$0xFFFFFFF0];
	[tilespmem:s15+$0xFFFFFFF0] =	vst v7  }
0x1d5: {  	v6 =	vld [tilespmem:s8+$0x30];
	[tilespmem:s15+$0x0] =	vst v2  }
0x1d6: {  	v8 =	vld [tilespmem:s8+$0x10];
	[tilespmem:s15+$0x20] =	vst v3  }
0x1d7: {  	v7 =	vld [tilespmem:s8+$0xFFFFFFC0];
	[tilespmem:s15+$0xFFFFFFD0] =	vst v4;
	s15 =	smov.u32 s8  }
0x1d8: {  	v2 =	vld.idx.msk [tilespmem:v5+s19+$0x0], $0xffff  }
0x1d9: {  	v11 =	vld [tilespmem:s8+$0xFFFFFFE0]  }
0x1da: {  	v3 =	vld [tilespmem:s8+$0x20]  }
.Ltmp8:
0x1db: {  	v4 =	vld [tilespmem:s8+$0xFFFFFFD0];
	(pc) =	sbr.rel @p0 .LBB2_19-.Ltmp8, $3  }
0x1dc: {  	v5 =	vld [tilespmem:s8+$0x0];
	_ =	sdelay $0x1  }
0x1dd: {  	v7 =	vmul.f32 v7, v2;
	v9 =	vmul.f32 v6, v2  }
0x1de: {  	v10 =	vmov s21;
	v8 =	vmul.f32 v8, v2;
	v6 =	vmul.f32 v11, v2  }
0x1df: {  	[tilespmem:s15+$0xFFFFFFC0] =	vst v7;
	v7 =	vand.u32 $0x7F, v10  }
0x1e0: {  	[tilespmem:s15+$0x30] =	vst v9;
	v7 =	vor.u32 $0x380, v7  }
0x1e1: {  	v1 =	vmul.f32 v1, v2;
	[tilespmem:s15+$0xFFFFFFE0] =	vst v6;
	v6 =	vbroadcast v7, $0x0  }
0x1e2: {  	s3 =	sadd.s32 $0x80, s8;
	[tilespmem:s15+$0x10] =	vst v8;
	v5 =	vmul.f32 v5, v2  }
0x1e3: {  	v3 =	vmul.f32 v3, v2;
	v7 =	vld [tilespmem:s3+$0xFFFFFFF0];
	[tilespmem:s15+$0xFFFFFFF0] =	vst v1  }
0x1e4: {  	v2 =	vmul.f32 v4, v2;
	v1 =	vld [tilespmem:s3+$0x30];
	[tilespmem:s15+$0x0] =	vst v5  }
0x1e5: {  	v4 =	vld [tilespmem:s3+$0x10];
	[tilespmem:s15+$0x20] =	vst v3  }
0x1e6: {  	v3 =	vld [tilespmem:s3+$0xFFFFFFC0];
	[tilespmem:s15+$0xFFFFFFD0] =	vst v2  }
0x1e7: {  	v2 =	vld.idx.msk [tilespmem:v6+s19+$0x0], $0xffff;
	_ =	sdelay $0x2  }
0x1e8: {  	v5 =	vld [tilespmem:s3+$0xFFFFFFE0];
	_ =	sdelay $0x1  }
0x1e9: {  	v6 =	vld [tilespmem:s3+$0x0];
	v1 =	vmul.f32 v1, v2  }
0x1ea: {  	v8 =	vld [tilespmem:s3+$0x20];
	v3 =	vmul.f32 v3, v2  }
0x1eb: {  	v9 =	vld [tilespmem:s3+$0xFFFFFFD0];
	v4 =	vmul.f32 v4, v2;
	[tilespmem:s3+$0x30] =	vst v1  }
0x1ec: {  	v1 =	vmul.f32 v5, v2;
	[tilespmem:s3+$0xFFFFFFC0] =	vst v3  }
0x1ed: {  	v3 =	vmul.f32 v7, v2;
	[tilespmem:s3+$0x10] =	vst v4  }
0x1ee: {  	v4 =	vmul.f32 v6, v2;
	[tilespmem:s3+$0xFFFFFFE0] =	vst v1  }
0x1ef: {  	v1 =	vmul.f32 v8, v2;
	[tilespmem:s3+$0xFFFFFFF0] =	vst v3  }
0x1f0: {  	v2 =	vmul.f32 v9, v2;
	[tilespmem:s3+$0x0] =	vst v4  }
0x1f1: {  	[tilespmem:s3+$0x20] =	vst v1  }
0x1f2: {  	[tilespmem:s3+$0xFFFFFFD0] =	vst v2  }
0x1f3: {  	[spmem:s1] =	stream.indirect.scatter.add.f32 [tilespmem:s16], [sflag:$0x1], $0x80, s10, s20, $0xb8;
	[tilespmem:$0x19800] =	vst v63  }
0x1f4: {  	s15 =	simm.s32 $0x0;
	_ =	swait.ge [sflag:s17], $0x4000  }
0x1f5: {  	v1 =	vmov s15;
	[sflag:s17] =	ssyncset.done $0x0  }
0x1f6: {  	v1 =	vand.u32 $0x7F, v1;
	[sflag:s17] =	ssyncadd.s32 $0xFFFFC000  }
0x1f7: {  	v1 =	vor.u32 $0x400, v1;
	[tilespmem:s16], [sflag:$0x1] =	stream.indirect.gather [hbm4b:s4+s20], $0x80, s11, s20, $0xb8;
	[tilespmem:$0x19800] =	vst v63  }
0x1f8: {  	v1 =	vbroadcast v1, $0x0;
	_ =	swait.ge [sflag:s17], $0x4000  }
0x1f9: {  	[sflag:s17] =	ssyncset.done $0x0  }
0x1fa: {  	s15 =	simm.s32 $0x1840;
	[sflag:s17] =	ssyncadd.s32 $0xFFFFC000  }
0x1fb: {  	v5 =	vld [tilespmem:s15+$0x30]  }
0x1fc: {  	v8 =	vld [tilespmem:s15+$0x10]  }
0x1fd: {  	v6 =	vld [tilespmem:s15+$0xFFFFFFC0]  }
0x1fe: {  	v2 =	vld.idx.msk [tilespmem:v1+s19+$0x0], $0xffff  }
0x1ff: {  	v11 =	vld [tilespmem:s15+$0xFFFFFFE0]  }
0x200: {  	v1 =	vld [tilespmem:s15+$0xFFFFFFF0]  }
0x201: {  	v3 =	vld [tilespmem:s15+$0x20]  }
0x202: {  	v4 =	vld [tilespmem:s15+$0xFFFFFFD0]  }
0x203: {  	v9 =	vmul.f32 v5, v2;
	v5 =	vld [tilespmem:s15+$0x0]  }
0x204: {  	s21 =	simm.s32 $0x1;
	v7 =	vmul.f32 v6, v2  }
0x205: {  	s8 =	simm.s32 $0x1840;
	v10 =	vmov s21;
	s3 =	simm.s32 $0x2;
	v6 =	vmul.f32 v11, v2;
	v8 =	vmul.f32 v8, v2  }
.LBB2_21:
0x206: {  	p0 =	sne.s32 s3, $0x7F  }
0x207: {  	v10 =	vand.u32 $0x7F, v10;
	v4 =	vmul.f32 v4, v2;
	v3 =	vmul.f32 v3, v2;
	[tilespmem:s15+$0x30] =	vst v9;
	s8 =	sadd.s32 $0x80, s8;
	s21 =	smov.u32 s3;
	s3 =	sadd.s32 $0x1, s3  }
0x208: {  	v9 =	vor.u32 $0x400, v10;
	[tilespmem:s15+$0xFFFFFFC0] =	vst v7;
	v7 =	vmul.f32 v1, v2;
	v2 =	vmul.f32 v5, v2  }
0x209: {  	v5 =	vbroadcast v9, $0x0;
	[tilespmem:s15+$0x10] =	vst v8  }
0x20a: {  	[tilespmem:s15+$0xFFFFFFE0] =	vst v6  }
0x20b: {  	v1 =	vld [tilespmem:s8+$0xFFFFFFF0];
	[tilespmem:s15+$0xFFFFFFF0] =	vst v7  }
0x20c: {  	v6 =	vld [tilespmem:s8+$0x30];
	[tilespmem:s15+$0x0] =	vst v2  }
0x20d: {  	v8 =	vld [tilespmem:s8+$0x10];
	[tilespmem:s15+$0x20] =	vst v3  }
0x20e: {  	v7 =	vld [tilespmem:s8+$0xFFFFFFC0];
	[tilespmem:s15+$0xFFFFFFD0] =	vst v4;
	s15 =	smov.u32 s8  }
0x20f: {  	v2 =	vld.idx.msk [tilespmem:v5+s19+$0x0], $0xffff  }
0x210: {  	v11 =	vld [tilespmem:s8+$0xFFFFFFE0]  }
0x211: {  	v3 =	vld [tilespmem:s8+$0x20]  }
.Ltmp9:
0x212: {  	v4 =	vld [tilespmem:s8+$0xFFFFFFD0];
	(pc) =	sbr.rel @p0 .LBB2_21-.Ltmp9, $3  }
0x213: {  	v5 =	vld [tilespmem:s8+$0x0];
	_ =	sdelay $0x1  }
0x214: {  	v7 =	vmul.f32 v7, v2;
	v9 =	vmul.f32 v6, v2  }
0x215: {  	v10 =	vmov s21;
	v8 =	vmul.f32 v8, v2;
	v6 =	vmul.f32 v11, v2  }
0x216: {  	[tilespmem:s15+$0x30] =	vst v9;
	v57 =	vand.u32 $0x7F, v10  }
0x217: {  	[tilespmem:s15+$0xFFFFFFC0] =	vst v7;
	v7 =	vor.u32 $0x400, v57  }
0x218: {  	v1 =	vmul.f32 v1, v2;
	[tilespmem:s15+$0x10] =	vst v8;
	v58 =	vbroadcast v7, $0x0  }
0x219: {  	s3 =	sadd.s32 $0x80, s8;
	[tilespmem:s15+$0xFFFFFFE0] =	vst v6;
	v5 =	vmul.f32 v5, v2  }
0x21a: {  	v3 =	vmul.f32 v3, v2;
	v59 =	vld [tilespmem:s3+$0xFFFFFFF0];
	[tilespmem:s15+$0xFFFFFFF0] =	vst v1  }
0x21b: {  	v2 =	vmul.f32 v4, v2;
	v1 =	vld [tilespmem:s3+$0x30];
	[tilespmem:s15+$0x0] =	vst v5  }
0x21c: {  	v60 =	vld [tilespmem:s3+$0x10];
	[tilespmem:s15+$0x20] =	vst v3  }
0x21d: {  	v3 =	vld [tilespmem:s3+$0xFFFFFFC0];
	[tilespmem:s15+$0xFFFFFFD0] =	vst v2  }
0x21e: {  	v2 =	vld.idx.msk [tilespmem:v58+s19+$0x0], $0xffff;
	_ =	sdelay $0x2  }
0x21f: {  	v61 =	vld [tilespmem:s3+$0x0]  }
0x220: {  	v5 =	vld [tilespmem:s3+$0xFFFFFFE0]  }
0x221: {  	v1 =	vmul.f32 v1, v2  }
0x222: {  	v8 =	vld [tilespmem:s3+$0x20];
	v3 =	vmul.f32 v3, v2  }
0x223: {  	v62 =	vld [tilespmem:s3+$0xFFFFFFD0];
	v4 =	vmul.f32 v60, v2;
	[tilespmem:s3+$0x30] =	vst v1  }
0x224: {  	v63 =	vmul.f32 v61, v2;
	[tilespmem:s3+$0xFFFFFFC0] =	vst v3  }
0x225: {  	v1 =	vmul.f32 v5, v2;
	[tilespmem:s3+$0x10] =	vst v4  }
0x226: {  	v3 =	vmul.f32 v59, v2;
	[tilespmem:s3+$0x0] =	vst v63  }
0x227: {  	[tilespmem:s3+$0xFFFFFFE0] =	vst v1;
	v1 =	vmul.f32 v8, v2  }
0x228: {  	s14 =	sadd.s32 $0x1, s14;
	[tilespmem:s3+$0xFFFFFFF0] =	vst v3;
	v2 =	vmul.f32 v62, v2  }
0x229: {  	p0 =	sne.s32 s14, $0x9;
	[tilespmem:s3+$0x20] =	vst v1  }
.Ltmp10:
0x22a: {  	[tilespmem:s3+$0xFFFFFFD0] =	vst v2;
	(pc) =	sbr.rel @p0 .LBB2_4-.Ltmp10, $4  }
0x22b: {  	[spmem:s1] =	stream.indirect.scatter.add.f32 [tilespmem:s16], [sflag:$0x1], $0x80, s12, s20, $0xb8;
	[tilespmem:$0x19800] =	vst v63  }
0x22c: {  	_ =	swait.ge [sflag:s17], $0x4000  }
0x22d: {  	[sflag:s17] =	ssyncset.done $0x0  }
0x22e: {  	[sflag:s17] =	ssyncadd.s32 $0xFFFFC000  }
0x22f: {  	s3 =	stileid.u32;
	[bflag:$0x0] =	sbarrier.arrive $0xFFFF  }
0x230: {  	s3 =	sshll.u32 s3, $0x6;
	s14 =	rddreg [dreg:$0x4]  }
0x231: {  	s13 =	rddreg [dreg:$0x5];
	s3 =	sor.u32 $0x1C01, s3;
	s8 =	sshrl.u32 s14, $0x3  }
0x232: {  	[hbm:s13], [sflag:s3] =	dma.local [spmem:s8], $0x2800  }
0x233: {  	_ =	swait.ge [sflag:s17], $0x2800  }
0x234: {  	s15 =	rddreg [dreg:$0x3]  }
0x235: {  	s21 =	rddreg [dreg:$0x6];
	s13 =	sadd.s32 $0x1, s15  }
0x236: {  	p0 =	sne.s32 s13, s21  }
.Ltmp11:
0x237: {  	_ = 	snop;
	(pc) =	sbr.rel @p0 .LBB2_1-.Ltmp11, $3  }
0x238: {  	_ =	sdelay $0x1  }
0x239: {  	[sflag:s17] =	ssyncset.done $0x0  }
0x23a: {  	[sflag:s17] =	ssyncadd.s32 $0xFFFFD800  }
0x23b: {  	_ =	sfence.sel $0x180000  }
0x23c: {  	[bflag:$0x0] =	sbarrier.arrive $0xFFFF  }
0x23d: {  	_ =	strace $0x9000004A  }
0x23e: {  	s0 =	stileid.u32;
	[bflag:$0x2] =	sbarrier.arrive $0xFFFF  }
0x23f: {  	p0 =	sne.s32 s0, $0x0;
	s0 =	rddreg [dreg:$0x2]  }
0x240: {  	s0 =	sadd.s32 @!p0 $0x100000, s0  }
0x241: {  	[sflag:s0] =	ssyncadd.tile.s32 @!p0 $0x1;
	_ =	shalt  }
.Lfunc_end2:
_tile_overlayer_lowered:
.L_overlay_start_2:
0x242: {  	(tag) =	ssettag $0x2  }
0x243: {  	s0 =	rddreg [dreg:$0x0];
	s2 =	stileid.u32  }
0x244: {  	s1 =	rddreg [dreg:$0x1];
	p0 =	sne.s32 s2, $0x0  }
0x245: {  	s3 =	rddreg [dreg:$0x2];
	[bflag:$0x3] =	sbarrier.arrive $0xFFFF;
	s2 =	simm.s32 @!p0 $0x1C01  }
0x246: {  	[timem:s3], [sflag:s2] =	dma.local @!p0 [hbm:s0], s1  }
0x247: {  	s0 =	simm.s32 @!p0 $0x1  }
0x248: {  	_ =	swait.ge @!p0 [sflag:s0], s1  }
0x249: {  	s1 =	ssub.s32 @!p0 $0x0, s1;
	[sflag:s0] =	ssyncset.done @!p0 $0x0  }
0x24a: {  	[sflag:s0] =	ssyncadd.s32 @!p0 s1  }
0x24b: {  	[bflag:$0x3] =	sbarrier.arrive $0xFFFF  }
0x24c: {  	_ =	shalt  }

// kernel: kernel.15.cloned.1.call-start
scs
__scs_entry_jumppad:
0x0: {  	(pc) =	sbr.rel $0x88, $3  }
0x1: {  	(tag) =	ssettag $0x0;
	lr =	simm.s32 $0x1  }
0x2: {  	[smem:$0x3F95] =	sst lr;
	_ =	strace $0xD0000000  }
0x3: {  	_ = 	snop  }
0x4: {  	_ = 	snop  }
0x5: {  	_ = 	snop  }
0x6: {  	_ = 	snop  }
0x7: {  	_ = 	snop  }
__scs_overlays_trampoline_lowered:
0x8: {  	[smem:$0x3FA4] =	sst s0  }
0x9: {  	[smem:$0x3FA5] =	sst s1  }
0xa: {  	[smem:$0x3FA6] =	sst s2  }
0xb: {  	[smem:$0x3FA7] =	sst s3  }
0xc: {  	[smem:$0x3FA8] =	sst s4  }
0xd: {  	[smem:$0x3FA9] =	sst s5  }
0xe: {  	[smem:$0x3FAA] =	sst s6  }
0xf: {  	[smem:$0x3FAB] =	sst s7  }
0x10: {  	[smem:$0x3FAC] =	sst s8  }
0x11: {  	[smem:$0x3FAD] =	sst s9;
	s0 =	simm.s32 @!p0 $0x0  }
0x12: {  	s1 =	sld [smem:$0x3F93];
	s0 =	simm.s32 @p0 $0x1  }
0x13: {  	[smem:$0x3FAE] =	sst s0;
	s0 =	simm.s32 @!p1 $0x0  }
0x14: {  	s2 =	sld [smem:$0x3F92];
	s0 =	simm.s32 @p1 $0x1  }
0x15: {  	[smem:$0x3FAF] =	sst s0;
	s0 =	simm.s32 @!p2 $0x0  }
0x16: {  	s3 =	sld [smem:$0x3FDB];
	s0 =	simm.s32 @p2 $0x1  }
0x17: {  	s4 =	simm.s32 $0x1BF5;
	[smem:$0x3FB1] =	sst s0  }
0x18: {  	s0 =	sld [smem:$0x3F94];
	_ =	swait.ge [sflag:s4], $0x0  }
0x19: {  	s7 =	sld [smem:$0x3F95]  }
0x1a: {  	s8 =	sadd.s32 $0xFFFFE003, lr  }
0x1b: {  	s9 =	sadd.s32 $0xFFFFFEF7, lr;
	s5 =	simm.s32 $0xFFFFFFFF;
	p2 =	slt.u32 s8, $0xFFFFF086  }
0x1c: {  	p1 =	slt.u32 s9, $0xF7A;
	s5 =	simm.s32 @!p2 $0x0  }
0x1d: {  	s5 =	simm.s32 @p1 $0x1;
	p0 =	seq.s32 s7, s2  }
0x1e: {  	s7 =	smul.u32 @!p0 $0xF7A, s2;
	p2 =	seq.s32 @!p0 s5, $0x0  }
0x1f: {  	s9 =	smul.u32 $0xF7A, s1;
	s8 =	simm.s32 @!p0 $0x1BF5;
	p2 =	por !p2, p0  }
0x20: {  	[sflag:s8] =	ssyncset.s32 @!p0 $0xFFFFF086;
	s6 =	sadd.s32 @!p0 s3, s7;
	s7 =	simm.s32 @!p0 $0x108  }
0x21: {  	s3 =	sadd.s32 s3, s9;
	s6 =	sadd.s32 @!p0 $0x88, s6;
	s7 =	simm.s32 @p2 $0x1082  }
0x22: {  	[simem:s7], [sflag:s8] =	dma.local @!p0 [hbm:s6], $0xF7A  }
0x23: {  	s9 =	sor.u32 $0xD0000000, s2;
	s6 =	simm.s32 $0x108;
	_ =	swait.ge @!p0 [sflag:s8], $0x0  }
0x24: {  	s3 =	sadd.s32 $0x88, s3;
	s6 =	simm.s32 @!p1 $0x1082;
	[sflag:s4] =	ssyncset.s32 $0xFFFFF086  }
0x25: {  	[simem:s6], [sflag:s4] =	dma.local [hbm:s3], $0xF7A  }
0x26: {  	[smem:$0x3F95] =	sst s1;
	(tag) =	ssettag s2;
	_ =	strace s9  }
0x27: {  	s1 =	sld [smem:$0x3FA5]  }
0x28: {  	s2 =	sld [smem:$0x3FA6]  }
0x29: {  	s4 =	sld [smem:$0x3FA8]  }
0x2a: {  	p0 =	seq.s32 s5, $0x0;
	s5 =	sld [smem:$0x3FA9]  }
0x2b: {  	s6 =	sld [smem:$0x3FAA]  }
0x2c: {  	s7 =	sld [smem:$0x3FAB]  }
0x2d: {  	s3 =	simm.s32 $0x108;
	s8 =	sld [smem:$0x3FAC]  }
0x2e: {  	s3 =	simm.s32 @!p0 $0x1082;
	s9 =	sld [smem:$0x3FAD]  }
0x2f: {  	lr =	sadd.s32 s0, s3;
	s0 =	sld [smem:$0x3FA4]  }
0x30: {  	s3 =	sld [smem:$0x3FA7]  }
0x31: {  	[smem:$0x3FB0] =	sst s10  }
0x32: {  	s10 =	sld [smem:$0x3FAE];
	_ =	sdelay $0x3  }
0x33: {  	p0 =	seq.s32 s10, $0x1;
	s10 =	sld [smem:$0x3FB0];
	_ =	sdelay $0x3  }
0x34: {  	[smem:$0x3FB0] =	sst s10  }
0x35: {  	s10 =	sld [smem:$0x3FAF];
	_ =	sdelay $0x3  }
0x36: {  	p1 =	seq.s32 s10, $0x1;
	s10 =	sld [smem:$0x3FB0];
	_ =	sdelay $0x3  }
0x37: {  	[smem:$0x3FB0] =	sst s10  }
0x38: {  	s10 =	sld [smem:$0x3FB1]  }
0x39: {  	_ = 	snop;
	(pc) =	sbr.ind lr, $3  }
0x3a: {  	_ = 	snop  }
0x3b: {  	_ = 	snop  }
0x3c: {  	p2 =	seq.s32 s10, $0x1;
	s10 =	sld [smem:$0x3FB0]  }
0x3d: {  	_ =	shalt  }
0x3e: {  	_ =	shalt  }
0x3f: {  	_ =	shalt  }
0x40: {  	_ =	shalt  }
0x41: {  	_ =	shalt  }
0x42: {  	_ =	shalt  }
0x43: {  	_ =	shalt  }
0x44: {  	_ =	shalt  }
0x45: {  	_ =	shalt  }
0x46: {  	_ =	shalt  }
0x47: {  	_ =	shalt  }
0x48: {  	_ =	shalt  }
0x49: {  	_ =	shalt  }
0x4a: {  	_ =	shalt  }
0x4b: {  	_ =	shalt  }
0x4c: {  	_ =	shalt  }
0x4d: {  	_ =	shalt  }
0x4e: {  	_ =	shalt  }
0x4f: {  	_ =	shalt  }
0x50: {  	_ =	shalt  }
0x51: {  	_ =	shalt  }
0x52: {  	_ =	shalt  }
0x53: {  	_ =	shalt  }
0x54: {  	_ =	shalt  }
0x55: {  	_ =	shalt  }
0x56: {  	_ =	shalt  }
0x57: {  	_ =	shalt  }
0x58: {  	_ =	shalt  }
0x59: {  	_ =	shalt  }
0x5a: {  	_ =	shalt  }
0x5b: {  	_ =	shalt  }
0x5c: {  	_ =	shalt  }
0x5d: {  	_ =	shalt  }
0x5e: {  	_ =	shalt  }
0x5f: {  	_ =	shalt  }
0x60: {  	_ =	shalt  }
0x61: {  	_ =	shalt  }
0x62: {  	_ =	shalt  }
0x63: {  	_ =	shalt  }
0x64: {  	_ =	shalt  }
0x65: {  	_ =	shalt  }
0x66: {  	_ =	shalt  }
0x67: {  	_ =	shalt  }
0x68: {  	_ =	shalt  }
0x69: {  	_ =	shalt  }
0x6a: {  	_ =	shalt  }
0x6b: {  	_ =	shalt  }
0x6c: {  	_ =	shalt  }
0x6d: {  	_ =	shalt  }
0x6e: {  	_ =	shalt  }
0x6f: {  	_ =	shalt  }
0x70: {  	_ =	shalt  }
0x71: {  	_ =	shalt  }
0x72: {  	_ =	shalt  }
0x73: {  	_ =	shalt  }
0x74: {  	_ =	shalt  }
0x75: {  	_ =	shalt  }
0x76: {  	_ =	shalt  }
0x77: {  	_ =	shalt  }
0x78: {  	_ =	shalt  }
0x79: {  	_ =	shalt  }
0x7a: {  	_ =	shalt  }
0x7b: {  	_ =	shalt  }
0x7c: {  	_ =	shalt  }
0x7d: {  	_ =	shalt  }
0x7e: {  	_ =	shalt  }
0x7f: {  	_ =	shalt  }
0x80: {  	_ =	shalt  }
0x81: {  	_ =	shalt  }
0x82: {  	_ =	shalt  }
0x83: {  	_ =	shalt  }
0x84: {  	_ =	shalt  }
0x85: {  	_ =	shalt  }
0x86: {  	_ =	shalt  }
0x87: {  	_ =	shalt  }
.Lfunc_end0:
.L_simem_size_0:
called_computation.2_lowered:
.L_overlay_start_0:
0x88: {  	s2 =	sld [smem:$0x3FD9]  }
0x89: {  	s3 =	sld [smem:$0x3FFE];
	_ =	sdelay $0x1  }
0x8a: {  	s1 =	srdreg.scid  }
0x8b: {  	s0 =	sand.u32 $0x1, s1  }
0x8c: {  	s16 =	sshll.u32 s0, $0xA;
	s2 =	sadd.s32 s3, s2  }
0x8d: {  	s2 =	sadd.s32 s2, s16  }
0x8e: {  	[smem:$0x3FBC] =	sst s2  }
0x8f: {  	_ = 	snop  }
0x90: {  	(tm) =	ssettm $0x1  }
0x91: {  	s17 =	sld [smem:$0x3FFB];
	_ =	sdelay $0x3  }
0x92: {  	_ =	strace s17  }
0x93: {  	s2 =	sld [smem:$0x3FFC];
	_ =	sdelay $0x3  }
0x94: {  	_ =	strace s2  }
0x95: {  	s2 =	sld [smem:$0x3FFD];
	_ =	sdelay $0x3  }
0x96: {  	_ =	strace s2  }
0x97: {  	_ =	strace $0x8FFFFFFF  }
0x98: {  	s18 =	sld [smem:$0x3FDB];
	_ =	sdelay $0x1  }
0x99: {  	s19 =	simm.s32 $_scs_section_size  }
0x9a: {  	s4 =	simm.s32 $_size__tile_overlayer_lowered;
	s5 =	simm.s32 $_tile_overlayer_lowered  }
0x9b: {  	s22 =	simm.s32 $0x1BFF;
	s21 =	sshll.u32 s5, $0x1;
	s2 =	sadd.s32 s19, s18  }
0x9c: {  	s6 =	simm.s32 $0x0;
	s20 =	sshll.u32 s4, $0x1;
	s4 =	sadd.s32 s21, s2  }
0x9d: {  	[timem:s6], [sflag:s22] =	dma.local [hbm:s4], s20  }
0x9e: {  	_ =	swait.ge [sflag:s22], s20  }
0x9f: {  	s3 =	ssub.s32 $0x0, s20;
	[sflag:s22] =	ssyncset.done $0x0  }
0xa0: {  	[sflag:s22] =	ssyncadd.s32 s3;
	_ =	sdelay $0x1  }
0xa1: {  	s23 =	simm.s32 $0x1B8B  }
0xa2: {  	_ =	swait.ge [sflag:s23], $0x1  }
0xa3: {  	[sflag:s23] =	ssyncset.done $0x0  }
0xa4: {  	s25 =	simm.s32 $0x1B8E;
	s24 =	sld [smem:$0x3FFE];
	[sflag:s23] =	ssyncadd.s32 $0xFFFFFFFF  }
0xa5: {  	s26 =	simm.s32 $execute0_lowered;
	[smem:$0x3FD2] =	sst s25  }
0xa6: {  	s4 =	sshll.u32 s26, $0x1;
	_ =	strace $0x8000004C;
	[dreg:$0x1] =	wrdreg $0xFFFFFFFF  }
0xa7: {  	s28 =	simm.s32 $_size_execute0_lowered;
	s2 =	sadd.s32 s2, s4;
	[dreg:$0x0] =	wrdreg $0x0  }
0xa8: {  	s4 =	sshll.u32 s28, $0x1;
	[dreg:$0x2] =	wrdreg s2  }
0xa9: {  	[dreg:$0x3] =	wrdreg s4  }
0xaa: {  	[dreg:$0x4] =	wrdreg $0xC0  }
0xab: {  	_ =	task [dreg:s6], $0x5FFFF  }
0xac: {  	[dreg:$0x1] =	wrdreg $0xFFFFFFFF  }
0xad: {  	[dreg:$0x0] =	wrdreg $0x60  }
0xae: {  	[dreg:$0x2] =	wrdreg s24  }
0xaf: {  	[dreg:$0x3] =	wrdreg $0x9  }
0xb0: {  	_ =	task.clear_ibuf [dreg:s6], $0x4FFFF;
	_ =	strace $0x9000004C  }
0xb1: {  	s29 =	simm.s32 $0x9;
	_ =	strace $0x8000004E  }
0xb2: {  	_ =	swait.ge [sflag:s29], $0x1  }
0xb3: {  	[sflag:s29] =	ssyncadd.s32 $0xFFFFFFFF  }
0xb4: {  	_ =	strace $0x9000004E  }
0xb5: {  	_ =	sfence  }
0xb6: {  	s30 =	sld [smem:$0x0];
	_ =	sdelay $0x2  }
0xb7: {  	s31 =	sshll.u32 s1, $0xD;
	s1 =	sshrl.u32 s1, $0x2  }
0xb8: {  	s3 =	sand.u32 $0x4000, s31;
	s1 =	sadd.s32 s1, s30  }
0xb9: {  	s0 =	sor.u32 s3, s0;
	s1 =	sshll.u32 s1, $0x11  }
0xba: {  	s0 =	sor.u32 s1, s0  }
0xbb: {  	s0 =	sadd.s32 $0x8F2B, s0  }
0xbc: {  	[sflag:s0] =	ssyncadd.remote.s32 $0x1  }
0xbd: {  	_ =	sfence.sel $0xFFFF  }
0xbe: {  	[dreg:$0x0] =	wrdreg $0xFFFFFFFF;
	(pc) =	sbr.abs _section_cstart, $3  }
0xbf: {  	[dreg:$0x1] =	wrdreg $0xFFFFFFFF  }
0xc0: {  	_ =	task.clear_ibuf [dreg:s6], $0x2FFFF;
	_ =	strace $0x9FFFFFFF  }
0xc1: {  	(tm) =	ssettm $0x7FFFFFFF  }
tec
execute0_lowered:
.L_overlay_start_1:
0x0: {  	(tag) =	ssettag $0x1  }
0x1: {  	s1 =	srdreg.scid  }
0x2: {  	s0 =	stileid.u32;
	s6 =	rddreg [dreg:$0x0];
	s2 =	simm.s32 $0x0  }
0x3: {  	s14 =	simm.s32 $0x5000;
	s15 =	simm.s32 $0xA000;
	s16 =	simm.s32 $0xC880  }
0x4: {  	s17 =	simm.s32 $0x7800;
	s18 =	simm.s32 $0xF100;
	s19 =	simm.s32 $0x0  }
0x5: {  	s8 =	sand.u32 $0x1, s1;
	s3 =	sshll.u32 s0, $0x1;
	s1 =	rddreg [dreg:$0x1]  }
0x6: {  	[smem:$0x7FF] =	sst s2;
	s12 =	smul.u32 $0x5100, s0;
	s5 =	sor.u32 s8, s3  }
0x7: {  	s4 =	sadd.s32 $0x3DC00, s6;
	_ =	strace $0x8000004D;
	s7 =	smul.u32 $0x2880, s5  }
0x8: {  	s3 =	sadd.s32 $0x3D600, s6;
	s10 =	ssub.s32 $0x2, s8;
	s9 =	smul.u32 $0x500, s5  }
0x9: {  	s13 =	smul.u32 $0x2880, s8;
	s5 =	sadd.s32 $0x3E200, s6;
	s31 =	sshrl.u32 s10, $0x1  }
0xa: {  	s10 =	ssub.s32 s10, s31;
	s7 =	sshrl.u32 s7, $0x3;
	s9 =	sadd.s32 s9, s6  }
0xb: {  	s10 =	smax.u32 s10, $0x1;
	s11 =	sadd.s32 s7, s6;
	s9 =	sadd.s32 $0x48A00, s9  }
0xc: {  	s6 =	sadd.s32 $0x1200, s11;
	s7 =	sadd.s32 $0xB400, s11;
	s8 =	sadd.s32 $0x3E800, s11  }
0xd: {  	v0 =	vimm.f32 $0.0e+00;
	s11 =	sadd.s32 s13, s12;
	s12 =	simm.s32 $0x1;
	s13 =	simm.s32 $0x2800  }
.LBB2_1:
0xe: {  	[tilespmem:s2], [sflag:$0x1] =	stream.linear.gather [hbm4b:s3+s2], $0x2800, $0x38;
	[tilespmem:$0x11980] =	vst v63  }
0xf: {  	_ =	swait.ge [sflag:s12], $0x2800  }
0x10: {  	[sflag:s12] =	ssyncset.done $0x0  }
0x11: {  	[sflag:s12] =	ssyncadd.s32 $0xFFFFD800  }
0x12: {  	[tilespmem:s13], [sflag:$0x1] =	stream.linear.gather [hbm4b:s4+s2], $0x2800, $0x38;
	[tilespmem:$0x11980] =	vst v63  }
0x13: {  	_ =	swait.ge [sflag:s12], $0x2800  }
0x14: {  	[sflag:s12] =	ssyncset.done $0x0  }
0x15: {  	[sflag:s12] =	ssyncadd.s32 $0xFFFFD800  }
0x16: {  	[tilespmem:s14], [sflag:$0x1] =	stream.linear.gather [hbm4b:s5+s2], $0x2800, $0x38;
	[tilespmem:$0x11980] =	vst v63  }
0x17: {  	_ =	swait.ge [sflag:s12], $0x2800  }
0x18: {  	[sflag:s12] =	ssyncset.done $0x0  }
0x19: {  	[sflag:s12] =	ssyncadd.s32 $0xFFFFD800  }
0x1a: {  	[tilespmem:s15], [sflag:$0x1] =	stream.linear.gather [hbm4b:s6+s2], $0x2880, $0x38;
	[tilespmem:$0x11980] =	vst v63  }
0x1b: {  	_ =	swait.ge [sflag:s12], $0x2880  }
0x1c: {  	[sflag:s12] =	ssyncset.done $0x0  }
0x1d: {  	[sflag:s12] =	ssyncadd.s32 $0xFFFFD780  }
0x1e: {  	[tilespmem:s16], [sflag:$0x1] =	stream.linear.gather [hbm4b:s7+s2], $0x2880, $0x38;
	[tilespmem:$0x11980] =	vst v63  }
0x1f: {  	_ =	swait.ge [sflag:s12], $0x2880  }
0x20: {  	[sflag:s12] =	ssyncset.done $0x0  }
0x21: {  	s20 =	simm.s32 $0x0;
	[sflag:s12] =	ssyncadd.s32 $0xFFFFD780  }
.LBB2_2:
0x22: {  	p0 =	sne.s32 s20, $0x9FC0  }
.Ltmp0:
0x23: {  	_ = 	snop;
	(pc) =	sbr.rel @p0 .LBB2_2-.Ltmp0, $3  }
0x24: {  	_ =	sdelay $0x1  }
0x25: {  	s21 =	sshra.s32 s20, $0x2  }
0x26: {  	s20 =	sadd.s32 $0x40, s20;
	[tilespmem:s21+$0x7800] =	vst v0  }
0x27: {  	s20 =	simm.s32 $0x0  }
0x28: {  	s21 =	simm.s32 $0xA040;
	s22 =	simm.s32 $0xC8C0;
	s23 =	simm.s32 $0xF140  }
.LBB2_4:
0x29: {  	v1 =	vld [tilespmem:s21+$0xFFFFFFC0]  }
0x2a: {  	v2 =	vld [tilespmem:s22+$0xFFFFFFC0];
	_ =	sdelay $0x6  }
0x2b: {  	v1 =	vld.idx.msk [tilespmem:v1+s2+$0x0], $0xffff  }
0x2c: {  	v3 =	vld.idx.msk [tilespmem:v2+s13+$0x0], $0xffff;
	_ =	sdelay $0x4  }
0x2d: {  	v4 =	vld.idx.msk [tilespmem:v2+s14+$0x0], $0xffff;
	v1 =	vadd.f32 v3, v1;
	_ =	sdelay $0x1  }
0x2e: {  	v3 =	vmul.f32 $2.000000030e-01, v1  }
0x2f: {  	vm0 =	vgt.f32 v1, $0.0e+00  }
0x30: {  	v1 =	vsel vm0, v1, v3  }
0x31: {  	v1 =	vsub.f32 v1, v4;
	_ =	sdelay $0x1  }
0x32: {  	v1 =	vmin.f32 v1, $8.000000000e+01  }
0x33: {  	v1 =	vmul.f32 $1.442695020e+00, v1;
	_ =	sdelay $0x1  }
0x34: {  	(erf) = vpow2.f32 v1;
	_ =	sdelay $0x7  }
0x35: {  	s24 =	sadd.s32 s20, s11  }
0x36: {  	p0 =	slt.u32 s24, $0x50910;
	v1 =	vpop (erf)  }
0x37: {  	v1 =	vpsel !p0, $0x0, v1  }
0x38: {  	[tilespmem:s23+$0xFFFFFFC0] =	vst v1  }
0x39: {  	[tilespmem:v2+s17+$0x0] =	vst.idx.add.f32.msk $0xffff, v1  }
0x3a: {  	v1 =	vld [tilespmem:s21+$0xFFFFFFD0]  }
0x3b: {  	v2 =	vld [tilespmem:s22+$0xFFFFFFD0];
	_ =	sdelay $0x6  }
0x3c: {  	v1 =	vld.idx.msk [tilespmem:v1+s2+$0x0], $0xffff  }
0x3d: {  	v3 =	vld.idx.msk [tilespmem:v2+s13+$0x0], $0xffff;
	_ =	sdelay $0x4  }
0x3e: {  	v57 =	vld.idx.msk [tilespmem:v2+s14+$0x0], $0xffff;
	v1 =	vadd.f32 v3, v1;
	_ =	sdelay $0x1  }
0x3f: {  	v3 =	vmul.f32 $2.000000030e-01, v1  }
0x40: {  	vm9 =	vgt.f32 v1, $0.0e+00  }
0x41: {  	v1 =	vsel vm9, v1, v3  }
0x42: {  	v1 =	vsub.f32 v1, v57;
	_ =	sdelay $0x1  }
0x43: {  	v1 =	vmin.f32 v1, $8.000000000e+01  }
0x44: {  	v1 =	vmul.f32 $1.442695020e+00, v1;
	_ =	sdelay $0x1  }
0x45: {  	(erf) = vpow2.f32 v1;
	_ =	sdelay $0x7  }
0x46: {  	s25 =	sadd.s32 $0x10, s24  }
0x47: {  	p6 =	slt.u32 s25, $0x50910;
	v1 =	vpop (erf)  }
0x48: {  	v1 =	vpsel !p6, $0x0, v1  }
0x49: {  	[tilespmem:s23+$0xFFFFFFD0] =	vst v1  }
0x4a: {  	[tilespmem:v2+s17+$0x0] =	vst.idx.add.f32.msk $0xffff, v1  }
0x4b: {  	v1 =	vld [tilespmem:s21+$0xFFFFFFE0]  }
0x4c: {  	v2 =	vld [tilespmem:s22+$0xFFFFFFE0];
	_ =	sdelay $0x6  }
0x4d: {  	v1 =	vld.idx.msk [tilespmem:v1+s2+$0x0], $0xffff  }
0x4e: {  	v3 =	vld.idx.msk [tilespmem:v2+s13+$0x0], $0xffff;
	_ =	sdelay $0x4  }
0x4f: {  	v58 =	vld.idx.msk [tilespmem:v2+s14+$0x0], $0xffff;
	v1 =	vadd.f32 v3, v1;
	_ =	sdelay $0x1  }
0x50: {  	v3 =	vmul.f32 $2.000000030e-01, v1  }
0x51: {  	vm10 =	vgt.f32 v1, $0.0e+00  }
0x52: {  	v1 =	vsel vm10, v1, v3  }
0x53: {  	v1 =	vsub.f32 v1, v58;
	_ =	sdelay $0x1  }
0x54: {  	v1 =	vmin.f32 v1, $8.000000000e+01  }
0x55: {  	v1 =	vmul.f32 $1.442695020e+00, v1;
	_ =	sdelay $0x1  }
0x56: {  	(erf) = vpow2.f32 v1;
	_ =	sdelay $0x7  }
0x57: {  	s26 =	sadd.s32 $0x20, s24  }
0x58: {  	p1 =	slt.u32 s26, $0x50910;
	v1 =	vpop (erf)  }
0x59: {  	v1 =	vpsel !p1, $0x0, v1  }
0x5a: {  	[tilespmem:s23+$0xFFFFFFE0] =	vst v1  }
0x5b: {  	[tilespmem:v2+s17+$0x0] =	vst.idx.add.f32.msk $0xffff, v1  }
0x5c: {  	v1 =	vld [tilespmem:s21+$0xFFFFFFF0]  }
0x5d: {  	v2 =	vld [tilespmem:s22+$0xFFFFFFF0];
	_ =	sdelay $0x6  }
0x5e: {  	v1 =	vld.idx.msk [tilespmem:v1+s2+$0x0], $0xffff  }
0x5f: {  	v3 =	vld.idx.msk [tilespmem:v2+s13+$0x0], $0xffff;
	_ =	sdelay $0x4  }
0x60: {  	v59 =	vld.idx.msk [tilespmem:v2+s14+$0x0], $0xffff;
	v1 =	vadd.f32 v3, v1;
	_ =	sdelay $0x1  }
0x61: {  	v3 =	vmul.f32 $2.000000030e-01, v1  }
0x62: {  	vm11 =	vgt.f32 v1, $0.0e+00  }
0x63: {  	v1 =	vsel vm11, v1, v3  }
0x64: {  	v1 =	vsub.f32 v1, v59;
	_ =	sdelay $0x1  }
0x65: {  	v1 =	vmin.f32 v1, $8.000000000e+01  }
0x66: {  	v1 =	vmul.f32 $1.442695020e+00, v1;
	_ =	sdelay $0x1  }
0x67: {  	(erf) = vpow2.f32 v1;
	_ =	sdelay $0x7  }
0x68: {  	s28 =	sadd.s32 $0x30, s24  }
0x69: {  	p2 =	slt.u32 s28, $0x50910;
	v1 =	vpop (erf)  }
0x6a: {  	v1 =	vpsel !p2, $0x0, v1  }
0x6b: {  	[tilespmem:s23+$0xFFFFFFF0] =	vst v1  }
0x6c: {  	[tilespmem:v2+s17+$0x0] =	vst.idx.add.f32.msk $0xffff, v1  }
0x6d: {  	v1 =	vld [tilespmem:s21+$0x0]  }
0x6e: {  	v2 =	vld [tilespmem:s22+$0x0];
	_ =	sdelay $0x6  }
0x6f: {  	v1 =	vld.idx.msk [tilespmem:v1+s2+$0x0], $0xffff  }
0x70: {  	v3 =	vld.idx.msk [tilespmem:v2+s13+$0x0], $0xffff;
	_ =	sdelay $0x4  }
0x71: {  	v60 =	vld.idx.msk [tilespmem:v2+s14+$0x0], $0xffff;
	v1 =	vadd.f32 v3, v1;
	_ =	sdelay $0x1  }
0x72: {  	v3 =	vmul.f32 $2.000000030e-01, v1  }
0x73: {  	vm12 =	vgt.f32 v1, $0.0e+00  }
0x74: {  	v1 =	vsel vm12, v1, v3  }
0x75: {  	v1 =	vsub.f32 v1, v60;
	_ =	sdelay $0x1  }
0x76: {  	v1 =	vmin.f32 v1, $8.000000000e+01  }
0x77: {  	v1 =	vmul.f32 $1.442695020e+00, v1;
	_ =	sdelay $0x1  }
0x78: {  	(erf) = vpow2.f32 v1;
	_ =	sdelay $0x7  }
0x79: {  	s29 =	sadd.s32 $0x40, s24  }
0x7a: {  	p3 =	slt.u32 s29, $0x50910;
	v1 =	vpop (erf)  }
0x7b: {  	v1 =	vpsel !p3, $0x0, v1  }
0x7c: {  	[tilespmem:s23+$0x0] =	vst v1  }
0x7d: {  	[tilespmem:v2+s17+$0x0] =	vst.idx.add.f32.msk $0xffff, v1  }
0x7e: {  	v1 =	vld [tilespmem:s21+$0x10]  }
0x7f: {  	v2 =	vld [tilespmem:s22+$0x10];
	_ =	sdelay $0x6  }
0x80: {  	v1 =	vld.idx.msk [tilespmem:v1+s2+$0x0], $0xffff  }
0x81: {  	v3 =	vld.idx.msk [tilespmem:v2+s13+$0x0], $0xffff;
	_ =	sdelay $0x4  }
0x82: {  	v61 =	vld.idx.msk [tilespmem:v2+s14+$0x0], $0xffff;
	v1 =	vadd.f32 v3, v1;
	_ =	sdelay $0x1  }
0x83: {  	v3 =	vmul.f32 $2.000000030e-01, v1  }
0x84: {  	vm13 =	vgt.f32 v1, $0.0e+00  }
0x85: {  	v1 =	vsel vm13, v1, v3  }
0x86: {  	v1 =	vsub.f32 v1, v61;
	_ =	sdelay $0x1  }
0x87: {  	v1 =	vmin.f32 v1, $8.000000000e+01  }
0x88: {  	v1 =	vmul.f32 $1.442695020e+00, v1;
	_ =	sdelay $0x1  }
0x89: {  	(erf) = vpow2.f32 v1;
	_ =	sdelay $0x7  }
0x8a: {  	s30 =	sadd.s32 $0x50, s24  }
0x8b: {  	p4 =	slt.u32 s30, $0x50910;
	v1 =	vpop (erf)  }
0x8c: {  	v1 =	vpsel !p4, $0x0, v1  }
0x8d: {  	[tilespmem:s23+$0x10] =	vst v1  }
0x8e: {  	[tilespmem:v2+s17+$0x0] =	vst.idx.add.f32.msk $0xffff, v1  }
0x8f: {  	v1 =	vld [tilespmem:s21+$0x20]  }
0x90: {  	v2 =	vld [tilespmem:s22+$0x20];
	_ =	sdelay $0x6  }
0x91: {  	v1 =	vld.idx.msk [tilespmem:v1+s2+$0x0], $0xffff  }
0x92: {  	v3 =	vld.idx.msk [tilespmem:v2+s13+$0x0], $0xffff;
	_ =	sdelay $0x4  }
0x93: {  	v62 =	vld.idx.msk [tilespmem:v2+s14+$0x0], $0xffff;
	v1 =	vadd.f32 v3, v1;
	_ =	sdelay $0x1  }
0x94: {  	v3 =	vmul.f32 $2.000000030e-01, v1  }
0x95: {  	vm14 =	vgt.f32 v1, $0.0e+00  }
0x96: {  	v1 =	vsel vm14, v1, v3  }
0x97: {  	v1 =	vsub.f32 v1, v62;
	_ =	sdelay $0x1  }
0x98: {  	v1 =	vmin.f32 v1, $8.000000000e+01  }
0x99: {  	v1 =	vmul.f32 $1.442695020e+00, v1;
	_ =	sdelay $0x1  }
0x9a: {  	(erf) = vpow2.f32 v1;
	_ =	sdelay $0x7  }
0x9b: {  	s31 =	sadd.s32 $0x60, s24  }
0x9c: {  	p5 =	slt.u32 s31, $0x50910;
	v1 =	vpop (erf)  }
0x9d: {  	v1 =	vpsel !p5, $0x0, v1  }
0x9e: {  	[tilespmem:s23+$0x20] =	vst v1  }
0x9f: {  	[tilespmem:v2+s17+$0x0] =	vst.idx.add.f32.msk $0xffff, v1  }
0xa0: {  	v1 =	vld [tilespmem:s21+$0x30]  }
0xa1: {  	v2 =	vld [tilespmem:s22+$0x30];
	_ =	sdelay $0x6  }
0xa2: {  	v1 =	vld.idx.msk [tilespmem:v1+s2+$0x0], $0xffff  }
0xa3: {  	v3 =	vld.idx.msk [tilespmem:v2+s13+$0x0], $0xffff;
	_ =	sdelay $0x4  }
0xa4: {  	v63 =	vld.idx.msk [tilespmem:v2+s14+$0x0], $0xffff;
	v1 =	vadd.f32 v3, v1;
	_ =	sdelay $0x1  }
0xa5: {  	v3 =	vmul.f32 $2.000000030e-01, v1  }
0xa6: {  	vm15 =	vgt.f32 v1, $0.0e+00  }
0xa7: {  	v1 =	vsel vm15, v1, v3  }
0xa8: {  	v1 =	vsub.f32 v1, v63;
	_ =	sdelay $0x1  }
0xa9: {  	v1 =	vmin.f32 v1, $8.000000000e+01  }
0xaa: {  	v1 =	vmul.f32 $1.442695020e+00, v1;
	_ =	sdelay $0x1  }
0xab: {  	(erf) = vpow2.f32 v1;
	_ =	sdelay $0x6  }
0xac: {  	p0 =	sne.s32 s20, $0x2800  }
.Ltmp1:
0xad: {  	s24 =	sadd.s32 $0x70, s24;
	(pc) =	sbr.rel @p0 .LBB2_4-.Ltmp1, $4  }
0xae: {  	p6 =	slt.u32 s24, $0x50910;
	v1 =	vpop (erf)  }
0xaf: {  	v1 =	vpsel !p6, $0x0, v1  }
0xb0: {  	s20 =	sadd.s32 $0x80, s20;
	[tilespmem:s23+$0x30] =	vst v1  }
0xb1: {  	s21 =	sadd.s32 $0x80, s21;
	s22 =	sadd.s32 $0x80, s22;
	s23 =	sadd.s32 $0x80, s23;
	[tilespmem:v2+s17+$0x0] =	vst.idx.add.f32.msk $0xffff, v1  }
0xb2: {  	[hbm4b:s8+s2] =	stream.linear.scatter [tilespmem:s18], [sflag:$0x1], $0x2880, $0x38;
	[tilespmem:$0x11980] =	vst v63  }
0xb3: {  	s19 =	sadd.s32 $0x1, s19;
	_ =	swait.ge [sflag:s12], $0x2880  }
0xb4: {  	p0 =	sne.s32 s19, s10;
	[sflag:s12] =	ssyncset.done $0x0  }
.Ltmp2:
0xb5: {  	[sflag:s12] =	ssyncadd.s32 $0xFFFFD780;
	(pc) =	sbr.rel @p0 .LBB2_1-.Ltmp2, $4  }
0xb6: {  	[hbm4b:s9+s2] =	stream.linear.scatter [tilespmem:s17], [sflag:$0x1], $0x2800, $0x38;
	[tilespmem:$0x11980] =	vst v63  }
0xb7: {  	_ =	swait.ge [sflag:s12], $0x2800  }
0xb8: {  	[sflag:s12] =	ssyncset.done $0x0  }
0xb9: {  	[sflag:s12] =	ssyncadd.s32 $0xFFFFD800  }
0xba: {  	_ =	sfence.sel $0x180000  }
0xbb: {  	[bflag:$0x0] =	sbarrier.arrive $0xFFFF  }
0xbc: {  	p0 =	sne.s32 s0, $0x0;
	_ =	strace $0x9000004D  }
0xbd: {  	s0 =	sadd.s32 @!p0 $0x100000, s1;
	[bflag:$0x2] =	sbarrier.arrive $0xFFFF  }
0xbe: {  	[sflag:s0] =	ssyncadd.tile.s32 @!p0 $0x1;
	_ =	shalt  }
.Lfunc_end2:
_tile_overlayer_lowered:
.L_overlay_start_2:
0xbf: {  	(tag) =	ssettag $0x2  }
0xc0: {  	s0 =	rddreg [dreg:$0x0];
	s2 =	stileid.u32  }
0xc1: {  	s1 =	rddreg [dreg:$0x1];
	p0 =	sne.s32 s2, $0x0  }
0xc2: {  	s3 =	rddreg [dreg:$0x2];
	[bflag:$0x3] =	sbarrier.arrive $0xFFFF;
	s2 =	simm.s32 @!p0 $0x1C01  }
0xc3: {  	[timem:s3], [sflag:s2] =	dma.local @!p0 [hbm:s0], s1  }
0xc4: {  	s0 =	simm.s32 @!p0 $0x1  }
0xc5: {  	_ =	swait.ge @!p0 [sflag:s0], s1  }
0xc6: {  	s1 =	ssub.s32 @!p0 $0x0, s1;
	[sflag:s0] =	ssyncset.done @!p0 $0x0  }
0xc7: {  	[sflag:s0] =	ssyncadd.s32 @!p0 s1  }
0xc8: {  	[bflag:$0x3] =	sbarrier.arrive $0xFFFF  }
0xc9: {  	_ =	shalt  }

// kernel: kernel.18.cloned.1.call-start
scs
__scs_entry_jumppad:
0x0: {  	(pc) =	sbr.rel $0x88, $3  }
0x1: {  	(tag) =	ssettag $0x0;
	lr =	simm.s32 $0x1  }
0x2: {  	[smem:$0x3F95] =	sst lr;
	_ =	strace $0xD0000000  }
0x3: {  	_ = 	snop  }
0x4: {  	_ = 	snop  }
0x5: {  	_ = 	snop  }
0x6: {  	_ = 	snop  }
0x7: {  	_ = 	snop  }
__scs_overlays_trampoline_lowered:
0x8: {  	[smem:$0x3FA4] =	sst s0  }
0x9: {  	[smem:$0x3FA5] =	sst s1  }
0xa: {  	[smem:$0x3FA6] =	sst s2  }
0xb: {  	[smem:$0x3FA7] =	sst s3  }
0xc: {  	[smem:$0x3FA8] =	sst s4  }
0xd: {  	[smem:$0x3FA9] =	sst s5  }
0xe: {  	[smem:$0x3FAA] =	sst s6  }
0xf: {  	[smem:$0x3FAB] =	sst s7  }
0x10: {  	[smem:$0x3FAC] =	sst s8  }
0x11: {  	[smem:$0x3FAD] =	sst s9;
	s0 =	simm.s32 @!p0 $0x0  }
0x12: {  	s1 =	sld [smem:$0x3F93];
	s0 =	simm.s32 @p0 $0x1  }
0x13: {  	[smem:$0x3FAE] =	sst s0;
	s0 =	simm.s32 @!p1 $0x0  }
0x14: {  	s2 =	sld [smem:$0x3F92];
	s0 =	simm.s32 @p1 $0x1  }
0x15: {  	[smem:$0x3FAF] =	sst s0;
	s0 =	simm.s32 @!p2 $0x0  }
0x16: {  	s3 =	sld [smem:$0x3FDB];
	s0 =	simm.s32 @p2 $0x1  }
0x17: {  	s4 =	simm.s32 $0x1BF5;
	[smem:$0x3FB1] =	sst s0  }
0x18: {  	s0 =	sld [smem:$0x3F94];
	_ =	swait.ge [sflag:s4], $0x0  }
0x19: {  	s7 =	sld [smem:$0x3F95]  }
0x1a: {  	s8 =	sadd.s32 $0xFFFFE003, lr  }
0x1b: {  	s9 =	sadd.s32 $0xFFFFFEF7, lr;
	s5 =	simm.s32 $0xFFFFFFFF;
	p2 =	slt.u32 s8, $0xFFFFF086  }
0x1c: {  	p1 =	slt.u32 s9, $0xF7A;
	s5 =	simm.s32 @!p2 $0x0  }
0x1d: {  	s5 =	simm.s32 @p1 $0x1;
	p0 =	seq.s32 s7, s2  }
0x1e: {  	s7 =	smul.u32 @!p0 $0xF7A, s2;
	p2 =	seq.s32 @!p0 s5, $0x0  }
0x1f: {  	s9 =	smul.u32 $0xF7A, s1;
	s8 =	simm.s32 @!p0 $0x1BF5;
	p2 =	por !p2, p0  }
0x20: {  	[sflag:s8] =	ssyncset.s32 @!p0 $0xFFFFF086;
	s6 =	sadd.s32 @!p0 s3, s7;
	s7 =	simm.s32 @!p0 $0x108  }
0x21: {  	s3 =	sadd.s32 s3, s9;
	s6 =	sadd.s32 @!p0 $0x88, s6;
	s7 =	simm.s32 @p2 $0x1082  }
0x22: {  	[simem:s7], [sflag:s8] =	dma.local @!p0 [hbm:s6], $0xF7A  }
0x23: {  	s9 =	sor.u32 $0xD0000000, s2;
	s6 =	simm.s32 $0x108;
	_ =	swait.ge @!p0 [sflag:s8], $0x0  }
0x24: {  	s3 =	sadd.s32 $0x88, s3;
	s6 =	simm.s32 @!p1 $0x1082;
	[sflag:s4] =	ssyncset.s32 $0xFFFFF086  }
0x25: {  	[simem:s6], [sflag:s4] =	dma.local [hbm:s3], $0xF7A  }
0x26: {  	[smem:$0x3F95] =	sst s1;
	(tag) =	ssettag s2;
	_ =	strace s9  }
0x27: {  	s1 =	sld [smem:$0x3FA5]  }
0x28: {  	s2 =	sld [smem:$0x3FA6]  }
0x29: {  	s4 =	sld [smem:$0x3FA8]  }
0x2a: {  	p0 =	seq.s32 s5, $0x0;
	s5 =	sld [smem:$0x3FA9]  }
0x2b: {  	s6 =	sld [smem:$0x3FAA]  }
0x2c: {  	s7 =	sld [smem:$0x3FAB]  }
0x2d: {  	s3 =	simm.s32 $0x108;
	s8 =	sld [smem:$0x3FAC]  }
0x2e: {  	s3 =	simm.s32 @!p0 $0x1082;
	s9 =	sld [smem:$0x3FAD]  }
0x2f: {  	lr =	sadd.s32 s0, s3;
	s0 =	sld [smem:$0x3FA4]  }
0x30: {  	s3 =	sld [smem:$0x3FA7]  }
0x31: {  	[smem:$0x3FB0] =	sst s10  }
0x32: {  	s10 =	sld [smem:$0x3FAE];
	_ =	sdelay $0x3  }
0x33: {  	p0 =	seq.s32 s10, $0x1;
	s10 =	sld [smem:$0x3FB0];
	_ =	sdelay $0x3  }
0x34: {  	[smem:$0x3FB0] =	sst s10  }
0x35: {  	s10 =	sld [smem:$0x3FAF];
	_ =	sdelay $0x3  }
0x36: {  	p1 =	seq.s32 s10, $0x1;
	s10 =	sld [smem:$0x3FB0];
	_ =	sdelay $0x3  }
0x37: {  	[smem:$0x3FB0] =	sst s10  }
0x38: {  	s10 =	sld [smem:$0x3FB1]  }
0x39: {  	_ = 	snop;
	(pc) =	sbr.ind lr, $3  }
0x3a: {  	_ = 	snop  }
0x3b: {  	_ = 	snop  }
0x3c: {  	p2 =	seq.s32 s10, $0x1;
	s10 =	sld [smem:$0x3FB0]  }
0x3d: {  	_ =	shalt  }
0x3e: {  	_ =	shalt  }
0x3f: {  	_ =	shalt  }
0x40: {  	_ =	shalt  }
0x41: {  	_ =	shalt  }
0x42: {  	_ =	shalt  }
0x43: {  	_ =	shalt  }
0x44: {  	_ =	shalt  }
0x45: {  	_ =	shalt  }
0x46: {  	_ =	shalt  }
0x47: {  	_ =	shalt  }
0x48: {  	_ =	shalt  }
0x49: {  	_ =	shalt  }
0x4a: {  	_ =	shalt  }
0x4b: {  	_ =	shalt  }
0x4c: {  	_ =	shalt  }
0x4d: {  	_ =	shalt  }
0x4e: {  	_ =	shalt  }
0x4f: {  	_ =	shalt  }
0x50: {  	_ =	shalt  }
0x51: {  	_ =	shalt  }
0x52: {  	_ =	shalt  }
0x53: {  	_ =	shalt  }
0x54: {  	_ =	shalt  }
0x55: {  	_ =	shalt  }
0x56: {  	_ =	shalt  }
0x57: {  	_ =	shalt  }
0x58: {  	_ =	shalt  }
0x59: {  	_ =	shalt  }
0x5a: {  	_ =	shalt  }
0x5b: {  	_ =	shalt  }
0x5c: {  	_ =	shalt  }
0x5d: {  	_ =	shalt  }
0x5e: {  	_ =	shalt  }
0x5f: {  	_ =	shalt  }
0x60: {  	_ =	shalt  }
0x61: {  	_ =	shalt  }
0x62: {  	_ =	shalt  }
0x63: {  	_ =	shalt  }
0x64: {  	_ =	shalt  }
0x65: {  	_ =	shalt  }
0x66: {  	_ =	shalt  }
0x67: {  	_ =	shalt  }
0x68: {  	_ =	shalt  }
0x69: {  	_ =	shalt  }
0x6a: {  	_ =	shalt  }
0x6b: {  	_ =	shalt  }
0x6c: {  	_ =	shalt  }
0x6d: {  	_ =	shalt  }
0x6e: {  	_ =	shalt  }
0x6f: {  	_ =	shalt  }
0x70: {  	_ =	shalt  }
0x71: {  	_ =	shalt  }
0x72: {  	_ =	shalt  }
0x73: {  	_ =	shalt  }
0x74: {  	_ =	shalt  }
0x75: {  	_ =	shalt  }
0x76: {  	_ =	shalt  }
0x77: {  	_ =	shalt  }
0x78: {  	_ =	shalt  }
0x79: {  	_ =	shalt  }
0x7a: {  	_ =	shalt  }
0x7b: {  	_ =	shalt  }
0x7c: {  	_ =	shalt  }
0x7d: {  	_ =	shalt  }
0x7e: {  	_ =	shalt  }
0x7f: {  	_ =	shalt  }
0x80: {  	_ =	shalt  }
0x81: {  	_ =	shalt  }
0x82: {  	_ =	shalt  }
0x83: {  	_ =	shalt  }
0x84: {  	_ =	shalt  }
0x85: {  	_ =	shalt  }
0x86: {  	_ =	shalt  }
0x87: {  	_ =	shalt  }
.Lfunc_end0:
.L_simem_size_0:
called_computation.3_lowered:
.L_overlay_start_0:
0x88: {  	s2 =	sld [smem:$0x3FD9]  }
0x89: {  	s3 =	sld [smem:$0x3FFE];
	_ =	sdelay $0x1  }
0x8a: {  	s1 =	srdreg.scid  }
0x8b: {  	s0 =	sand.u32 $0x1, s1  }
0x8c: {  	s16 =	sshll.u32 s0, $0xA;
	s2 =	sadd.s32 s3, s2  }
0x8d: {  	s2 =	sadd.s32 s2, s16  }
0x8e: {  	[smem:$0x3FBC] =	sst s2  }
0x8f: {  	_ = 	snop  }
0x90: {  	(tm) =	ssettm $0x1  }
0x91: {  	s17 =	sld [smem:$0x3FFB];
	_ =	sdelay $0x3  }
0x92: {  	_ =	strace s17  }
0x93: {  	s2 =	sld [smem:$0x3FFC];
	_ =	sdelay $0x3  }
0x94: {  	_ =	strace s2  }
0x95: {  	s2 =	sld [smem:$0x3FFD];
	_ =	sdelay $0x3  }
0x96: {  	_ =	strace s2  }
0x97: {  	_ =	strace $0x8FFFFFFF  }
0x98: {  	s18 =	sld [smem:$0x3FDB];
	_ =	sdelay $0x1  }
0x99: {  	s19 =	simm.s32 $_scs_section_size  }
0x9a: {  	s4 =	simm.s32 $_size__tile_overlayer_lowered;
	s5 =	simm.s32 $_tile_overlayer_lowered  }
0x9b: {  	s22 =	simm.s32 $0x1BFF;
	s21 =	sshll.u32 s5, $0x1;
	s2 =	sadd.s32 s19, s18  }
0x9c: {  	s6 =	simm.s32 $0x0;
	s20 =	sshll.u32 s4, $0x1;
	s4 =	sadd.s32 s21, s2  }
0x9d: {  	[timem:s6], [sflag:s22] =	dma.local [hbm:s4], s20  }
0x9e: {  	_ =	swait.ge [sflag:s22], s20  }
0x9f: {  	s3 =	ssub.s32 $0x0, s20;
	[sflag:s22] =	ssyncset.done $0x0  }
0xa0: {  	[sflag:s22] =	ssyncadd.s32 s3;
	_ =	sdelay $0x1  }
0xa1: {  	s23 =	simm.s32 $0x1B8B  }
0xa2: {  	_ =	swait.ge [sflag:s23], $0x1  }
0xa3: {  	[sflag:s23] =	ssyncset.done $0x0  }
0xa4: {  	s25 =	simm.s32 $0x1B8E;
	s24 =	sld [smem:$0x3FFE];
	[sflag:s23] =	ssyncadd.s32 $0xFFFFFFFF  }
0xa5: {  	s26 =	simm.s32 $execute0_lowered;
	[smem:$0x3FD2] =	sst s25  }
0xa6: {  	s4 =	sshll.u32 s26, $0x1;
	_ =	strace $0x8000004F;
	[dreg:$0x1] =	wrdreg $0xFFFFFFFF  }
0xa7: {  	s28 =	simm.s32 $_size_execute0_lowered;
	s2 =	sadd.s32 s2, s4;
	[dreg:$0x0] =	wrdreg $0x0  }
0xa8: {  	s4 =	sshll.u32 s28, $0x1;
	[dreg:$0x2] =	wrdreg s2  }
0xa9: {  	[dreg:$0x3] =	wrdreg s4  }
0xaa: {  	[dreg:$0x4] =	wrdreg $0xC0  }
0xab: {  	_ =	task [dreg:s6], $0x5FFFF  }
0xac: {  	[dreg:$0x1] =	wrdreg $0xFFFFFFFF  }
0xad: {  	[dreg:$0x0] =	wrdreg $0x60  }
0xae: {  	[dreg:$0x2] =	wrdreg s24  }
0xaf: {  	[dreg:$0x3] =	wrdreg $0x58000  }
0xb0: {  	[dreg:$0x4] =	wrdreg $0x9  }
0xb1: {  	_ =	task.clear_ibuf [dreg:s6], $0x5FFFF;
	_ =	strace $0x9000004F  }
0xb2: {  	s29 =	simm.s32 $0x9;
	_ =	strace $0x80000051  }
0xb3: {  	_ =	swait.ge [sflag:s29], $0x1  }
0xb4: {  	[sflag:s29] =	ssyncadd.s32 $0xFFFFFFFF  }
0xb5: {  	_ =	strace $0x90000051  }
0xb6: {  	_ =	sfence  }
0xb7: {  	s30 =	sld [smem:$0x0];
	_ =	sdelay $0x2  }
0xb8: {  	s31 =	sshll.u32 s1, $0xD;
	s1 =	sshrl.u32 s1, $0x2  }
0xb9: {  	s3 =	sand.u32 $0x4000, s31;
	s1 =	sadd.s32 s1, s30  }
0xba: {  	s0 =	sor.u32 s3, s0;
	s1 =	sshll.u32 s1, $0x11  }
0xbb: {  	s0 =	sor.u32 s1, s0  }
0xbc: {  	s0 =	sadd.s32 $0x8F2B, s0  }
0xbd: {  	[sflag:s0] =	ssyncadd.remote.s32 $0x1  }
0xbe: {  	_ =	sfence.sel $0xFFFF  }
0xbf: {  	[dreg:$0x0] =	wrdreg $0xFFFFFFFF;
	(pc) =	sbr.abs _section_cstart, $3  }
0xc0: {  	[dreg:$0x1] =	wrdreg $0xFFFFFFFF  }
0xc1: {  	_ =	task.clear_ibuf [dreg:s6], $0x2FFFF;
	_ =	strace $0x9FFFFFFF  }
0xc2: {  	(tm) =	ssettm $0x7FFFFFFF  }
0xc3: {  	_ =	shalt  }
tec
execute0_lowered:
.L_overlay_start_1:
0x0: {  	(tag) =	ssettag $0x1  }
0x1: {  	s0 =	rddreg [dreg:$0x0]  }
0x2: {  	s1 =	rddreg [dreg:$0x1];
	s2 =	srdreg.scid;
	s13 =	simm.s32 $0x0  }
0x3: {  	s10 =	stileid.u32;
	s16 =	simm.s32 $0x1800;
	s17 =	simm.s32 $0x1  }
0x4: {  	s18 =	simm.s32 $0x800;
	s19 =	simm.s32 $0x1000;
	s20 =	simm.s32 $0x80  }
0x5: {  	s28 =	simm.s32 $0xA00;
	s29 =	simm.s32 $0x280;
	s30 =	simm.s32 $0xA80  }
0x6: {  	s31 =	simm.s32 $0x300;
	s11 =	simm.s32 $0x400;
	s12 =	simm.s32 $0xC00  }
0x7: {  	s2 =	sand.u32 $0x1, s2;
	[smem:$0x7FF] =	sst s13;
	s6 =	smul.u32 $0x14000, s10  }
0x8: {  	s4 =	sadd.s32 $0x15600, s0;
	s5 =	sadd.s32 $0x52A00, s0;
	s8 =	smul.u32 $0x50000, s10  }
0x9: {  	s7 =	sadd.s32 $0x1200, s0;
	s10 =	sshll.u32 s10, $0x1;
	s3 =	smul.u32 $0x140000, s2  }
0xa: {  	_ =	strace $0x80000050;
	s21 =	ssub.s32 $0x2, s2;
	s2 =	sor.u32 s2, s10  }
0xb: {  	s10 =	simm.s32 $0xB80;
	s9 =	sshrl.u32 s21, $0x1;
	s8 =	sshrl.u32 s8, $0x2  }
0xc: {  	s3 =	sadd.s32 s6, s3;
	s6 =	sadd.s32 $0x64A00, s0;
	s14 =	sadd.s32 s8, s1  }
0xd: {  	s3 =	sshrl.u32 s3, $0x3;
	s23 =	sadd.s32 $0x4000, s14;
	[dreg:$0x4] =	wrdreg s14  }
0xe: {  	s24 =	sadd.s32 $0x8000, s14;
	s25 =	sadd.s32 $0xC000, s14;
	[dreg:$0x7] =	wrdreg s23  }
0xf: {  	s26 =	sadd.s32 $0x10000, s14;
	s0 =	sadd.s32 s3, s0;
	[dreg:$0x8] =	wrdreg s24  }
0x10: {  	s3 =	ssub.s32 s21, s9;
	s9 =	smul.u32 $0x4800, s2;
	[dreg:$0x9] =	wrdreg s25  }
0x11: {  	[dreg:$0xa] =	wrdreg s26;
	s23 =	simm.s32 $0x900;
	s24 =	simm.s32 $0x180  }
0x12: {  	s25 =	simm.s32 $0x980;
	s26 =	simm.s32 $0x200;
	s0 =	sadd.s32 $0x76A00, s0  }
0x13: {  	s2 =	simm.s32 $0x380;
	s22 =	smax.u32 s3, $0x1;
	[dreg:$0x5] =	wrdreg s0  }
0x14: {  	v0 =	vimm.f32 $0.0e+00;
	[dreg:$0x6] =	wrdreg s22;
	s22 =	simm.s32 $0x100;
	s0 =	simm.s32 $0xB00  }
.LBB2_1:
0x15: {  	[dreg:$0x3] =	wrdreg s13;
	s3 =	simm.s32 $0x0;
	s8 =	simm.s32 $0x200  }
.LBB2_2:
0x16: {  	p0 =	sne.s32 s8, $0xFE00;
	[tilespmem:s3+$0x1870] =	vst v0  }
0x17: {  	[tilespmem:s3+$0x1800] =	vst v0  }
0x18: {  	[tilespmem:s3+$0x1810] =	vst v0  }
.Ltmp0:
0x19: {  	[tilespmem:s3+$0x1820] =	vst v0;
	(pc) =	sbr.rel @p0 .LBB2_2-.Ltmp0, $4  }
0x1a: {  	[tilespmem:s3+$0x1830] =	vst v0  }
0x1b: {  	[tilespmem:s3+$0x1840] =	vst v0  }
0x1c: {  	[tilespmem:s3+$0x1850] =	vst v0  }
0x1d: {  	[tilespmem:s3+$0x1860] =	vst v0;
	s3 =	sshra.s32 s8, $0x2;
	s8 =	sadd.s32 $0x200, s8  }
0x1e: {  	[tilespmem:s3+$0x1870] =	vst v0  }
0x1f: {  	[tilespmem:s3+$0x1800] =	vst v0  }
0x20: {  	[tilespmem:s3+$0x1810] =	vst v0  }
0x21: {  	[tilespmem:s3+$0x1820] =	vst v0  }
0x22: {  	[tilespmem:s3+$0x1830] =	vst v0  }
0x23: {  	[tilespmem:s3+$0x1840] =	vst v0  }
0x24: {  	[tilespmem:s3+$0x1850] =	vst v0  }
0x25: {  	[tilespmem:s3+$0x1860] =	vst v0  }
0x26: {  	[spmem:s14] =	stream.linear.scatter [tilespmem:s16], [sflag:$0x1], $0x4000, $0x38;
	[tilespmem:$0x19800] =	vst v63  }
0x27: {  	_ =	swait.ge [sflag:s17], $0x4000  }
0x28: {  	[sflag:s17] =	ssyncset.done $0x0  }
0x29: {  	s13 =	rddreg [dreg:$0x7];
	[sflag:s17] =	ssyncadd.s32 $0xFFFFC000  }
0x2a: {  	[spmem:s13] =	stream.linear.scatter [tilespmem:s16], [sflag:$0x1], $0x4000, $0x38;
	[tilespmem:$0x19800] =	vst v63  }
0x2b: {  	_ =	swait.ge [sflag:s17], $0x4000  }
0x2c: {  	[sflag:s17] =	ssyncset.done $0x0  }
0x2d: {  	s14 =	rddreg [dreg:$0x8];
	[sflag:s17] =	ssyncadd.s32 $0xFFFFC000  }
0x2e: {  	[spmem:s14] =	stream.linear.scatter [tilespmem:s16], [sflag:$0x1], $0x4000, $0x38;
	[tilespmem:$0x19800] =	vst v63  }
0x2f: {  	_ =	swait.ge [sflag:s17], $0x4000  }
0x30: {  	[sflag:s17] =	ssyncset.done $0x0  }
0x31: {  	s15 =	rddreg [dreg:$0x9];
	[sflag:s17] =	ssyncadd.s32 $0xFFFFC000  }
0x32: {  	[spmem:s15] =	stream.linear.scatter [tilespmem:s16], [sflag:$0x1], $0x4000, $0x38;
	[tilespmem:$0x19800] =	vst v63  }
0x33: {  	_ =	swait.ge [sflag:s17], $0x4000  }
0x34: {  	[sflag:s17] =	ssyncset.done $0x0  }
0x35: {  	s21 =	rddreg [dreg:$0xa];
	[sflag:s17] =	ssyncadd.s32 $0xFFFFC000  }
0x36: {  	[spmem:s21] =	stream.linear.scatter [tilespmem:s16], [sflag:$0x1], $0x4000, $0x38;
	[tilespmem:$0x19800] =	vst v63  }
0x37: {  	_ =	swait.ge [sflag:s17], $0x4000  }
0x38: {  	[sflag:s17] =	ssyncset.done $0x0  }
0x39: {  	[sflag:s17] =	ssyncadd.s32 $0xFFFFC000  }
0x3a: {  	s13 =	simm.s32 $0x0;
	s14 =	simm.s32 $0x0;
	[bflag:$0x0] =	sbarrier.arrive $0xFFFF  }
.LBB2_4:
0x3b: {  	s3 =	sshll.u32 s14, $0xB  }
0x3c: {  	s3 =	sadd.s32 s9, s3  }
0x3d: {  	s3 =	sshrl.u32 s3, $0x3  }
0x3e: {  	s8 =	sadd.s32 s5, s3  }
0x3f: {  	[tilespmem:s13], [sflag:$0x1] =	stream.linear.gather [hbm4b:s8+s13], $0x480, $0x38;
	[tilespmem:$0x19800] =	vst v63  }
0x40: {  	_ =	swait.ge [sflag:s17], $0x480  }
0x41: {  	[sflag:s17] =	ssyncset.done $0x0  }
0x42: {  	s21 =	sadd.s32 s6, s3;
	[sflag:s17] =	ssyncadd.s32 $0xFFFFFB80  }
0x43: {  	[tilespmem:s18], [sflag:$0x1] =	stream.linear.gather [hbm4b:s21+s13], $0x480, $0x38;
	[tilespmem:$0x19800] =	vst v63  }
0x44: {  	_ =	swait.ge [sflag:s17], $0x480  }
0x45: {  	[sflag:s17] =	ssyncset.done $0x0  }
0x46: {  	s3 =	sadd.s32 s7, s3;
	[sflag:s17] =	ssyncadd.s32 $0xFFFFFB80  }
0x47: {  	[tilespmem:s19], [sflag:$0x1] =	stream.linear.gather [hbm4b:s3+s13], $0x480, $0x38;
	[tilespmem:$0x19800] =	vst v63  }
0x48: {  	_ =	swait.ge [sflag:s17], $0x480  }
0x49: {  	[sflag:s17] =	ssyncset.done $0x0  }
0x4a: {  	[sflag:s17] =	ssyncadd.s32 $0xFFFFFB80  }
0x4b: {  	[tilespmem:s16], [sflag:$0x1] =	stream.indirect.gather [hbm4b:s4+s20], $0x80, s13, s20, $0xb8;
	[tilespmem:$0x19800] =	vst v63  }
0x4c: {  	_ =	swait.ge [sflag:s17], $0x4000  }
0x4d: {  	v1 =	vmov s13;
	[sflag:s17] =	ssyncset.done $0x0  }
0x4e: {  	s15 =	simm.s32 $0x1840;
	[sflag:s17] =	ssyncadd.s32 $0xFFFFC000  }
0x4f: {  	v5 =	vld [tilespmem:s15+$0x30]  }
0x50: {  	v8 =	vld [tilespmem:s15+$0x10]  }
0x51: {  	v6 =	vld [tilespmem:s15+$0xFFFFFFC0]  }
0x52: {  	v2 =	vld.idx.msk [tilespmem:v1+s19+$0x0], $0xffff  }
0x53: {  	v10 =	vld [tilespmem:s15+$0xFFFFFFE0]  }
0x54: {  	v1 =	vld [tilespmem:s15+$0xFFFFFFF0]  }
0x55: {  	v3 =	vld [tilespmem:s15+$0x20]  }
0x56: {  	v4 =	vld [tilespmem:s15+$0xFFFFFFD0]  }
0x57: {  	v9 =	vmul.f32 v5, v2;
	v5 =	vld [tilespmem:s15+$0x0]  }
0x58: {  	v7 =	vmul.f32 v6, v2  }
0x59: {  	s8 =	simm.s32 $0x1840;
	s3 =	simm.s32 $0x1;
	v6 =	vmul.f32 v10, v2;
	v8 =	vmul.f32 v8, v2  }
.LBB2_5:
0x5a: {  	p0 =	sne.s32 s3, $0x7F  }
0x5b: {  	v4 =	vmul.f32 v4, v2;
	v3 =	vmul.f32 v3, v2;
	[tilespmem:s15+$0x30] =	vst v9;
	s8 =	sadd.s32 $0x80, s8;
	s21 =	smov.u32 s3;
	s3 =	sadd.s32 $0x1, s3  }
0x5c: {  	[tilespmem:s15+$0xFFFFFFC0] =	vst v7;
	v7 =	vmul.f32 v1, v2;
	v2 =	vmul.f32 v5, v2  }
0x5d: {  	[tilespmem:s15+$0x10] =	vst v8  }
0x5e: {  	v5 =	vmov s21;
	[tilespmem:s15+$0xFFFFFFE0] =	vst v6  }
0x5f: {  	v1 =	vld [tilespmem:s8+$0xFFFFFFF0];
	[tilespmem:s15+$0xFFFFFFF0] =	vst v7  }
0x60: {  	v6 =	vld [tilespmem:s8+$0x30];
	[tilespmem:s15+$0x0] =	vst v2  }
0x61: {  	v8 =	vld [tilespmem:s8+$0x10];
	[tilespmem:s15+$0x20] =	vst v3  }
0x62: {  	v7 =	vld [tilespmem:s8+$0xFFFFFFC0];
	[tilespmem:s15+$0xFFFFFFD0] =	vst v4;
	s15 =	smov.u32 s8  }
0x63: {  	v2 =	vld.idx.msk [tilespmem:v5+s19+$0x0], $0xffff  }
0x64: {  	v10 =	vld [tilespmem:s8+$0xFFFFFFE0]  }
0x65: {  	v3 =	vld [tilespmem:s8+$0x20]  }
.Ltmp1:
0x66: {  	v4 =	vld [tilespmem:s8+$0xFFFFFFD0];
	(pc) =	sbr.rel @p0 .LBB2_5-.Ltmp1, $3  }
0x67: {  	v5 =	vld [tilespmem:s8+$0x0];
	_ =	sdelay $0x1  }
0x68: {  	v7 =	vmul.f32 v7, v2;
	v9 =	vmul.f32 v6, v2  }
0x69: {  	v8 =	vmul.f32 v8, v2;
	v6 =	vmul.f32 v10, v2  }
0x6a: {  	[tilespmem:s15+$0x30] =	vst v9  }
0x6b: {  	[tilespmem:s15+$0xFFFFFFC0] =	vst v7  }
0x6c: {  	v1 =	vmul.f32 v1, v2;
	[tilespmem:s15+$0x10] =	vst v8  }
0x6d: {  	v3 =	vmul.f32 v3, v2;
	[tilespmem:s15+$0xFFFFFFE0] =	vst v6  }
0x6e: {  	v5 =	vmul.f32 v5, v2;
	[tilespmem:s15+$0xFFFFFFF0] =	vst v1  }
0x6f: {  	v1 =	vmul.f32 v4, v2;
	[tilespmem:s15+$0x20] =	vst v3  }
0x70: {  	[tilespmem:s15+$0x0] =	vst v5  }
0x71: {  	[tilespmem:s15+$0xFFFFFFD0] =	vst v1  }
0x72: {  	[spmem:s1] =	stream.indirect.scatter.add.f32 [tilespmem:s16], [sflag:$0x1], $0x80, s18, s20, $0xb8;
	[tilespmem:$0x19800] =	vst v63  }
0x73: {  	s3 =	simm.s32 $0x0;
	_ =	swait.ge [sflag:s17], $0x4000  }
0x74: {  	v1 =	vmov s3;
	[sflag:s17] =	ssyncset.done $0x0  }
0x75: {  	v1 =	vand.u32 $0x7F, v1;
	[sflag:s17] =	ssyncadd.s32 $0xFFFFC000  }
0x76: {  	v1 =	vor.u32 $0x80, v1;
	[tilespmem:s16], [sflag:$0x1] =	stream.indirect.gather [hbm4b:s4+s20], $0x80, s20, s20, $0xb8;
	[tilespmem:$0x19800] =	vst v63  }
0x77: {  	v1 =	vbroadcast v1, $0x0;
	_ =	swait.ge [sflag:s17], $0x4000  }
0x78: {  	[sflag:s17] =	ssyncset.done $0x0  }
0x79: {  	s15 =	simm.s32 $0x1840;
	[sflag:s17] =	ssyncadd.s32 $0xFFFFC000  }
0x7a: {  	v5 =	vld [tilespmem:s15+$0x30]  }
0x7b: {  	v8 =	vld [tilespmem:s15+$0x10]  }
0x7c: {  	v6 =	vld [tilespmem:s15+$0xFFFFFFC0]  }
0x7d: {  	v2 =	vld.idx.msk [tilespmem:v1+s19+$0x0], $0xffff  }
0x7e: {  	v11 =	vld [tilespmem:s15+$0xFFFFFFE0]  }
0x7f: {  	v1 =	vld [tilespmem:s15+$0xFFFFFFF0]  }
0x80: {  	v3 =	vld [tilespmem:s15+$0x20]  }
0x81: {  	v4 =	vld [tilespmem:s15+$0xFFFFFFD0]  }
0x82: {  	v9 =	vmul.f32 v5, v2;
	v5 =	vld [tilespmem:s15+$0x0]  }
0x83: {  	s8 =	simm.s32 $0x1;
	v7 =	vmul.f32 v6, v2  }
0x84: {  	v10 =	vmov s8;
	s8 =	simm.s32 $0x1840;
	s3 =	simm.s32 $0x2;
	v6 =	vmul.f32 v11, v2;
	v8 =	vmul.f32 v8, v2  }
.LBB2_7:
0x85: {  	p0 =	sne.s32 s3, $0x7F  }
0x86: {  	v10 =	vand.u32 $0x7F, v10;
	v4 =	vmul.f32 v4, v2;
	v3 =	vmul.f32 v3, v2;
	[tilespmem:s15+$0x30] =	vst v9;
	s8 =	sadd.s32 $0x80, s8;
	s21 =	smov.u32 s3;
	s3 =	sadd.s32 $0x1, s3  }
0x87: {  	v9 =	vor.u32 $0x80, v10;
	[tilespmem:s15+$0xFFFFFFC0] =	vst v7;
	v7 =	vmul.f32 v1, v2;
	v2 =	vmul.f32 v5, v2  }
0x88: {  	v5 =	vbroadcast v9, $0x0;
	[tilespmem:s15+$0x10] =	vst v8  }
0x89: {  	[tilespmem:s15+$0xFFFFFFE0] =	vst v6  }
0x8a: {  	v1 =	vld [tilespmem:s8+$0xFFFFFFF0];
	[tilespmem:s15+$0xFFFFFFF0] =	vst v7  }
0x8b: {  	v6 =	vld [tilespmem:s8+$0x30];
	[tilespmem:s15+$0x0] =	vst v2  }
0x8c: {  	v8 =	vld [tilespmem:s8+$0x10];
	[tilespmem:s15+$0x20] =	vst v3  }
0x8d: {  	v7 =	vld [tilespmem:s8+$0xFFFFFFC0];
	[tilespmem:s15+$0xFFFFFFD0] =	vst v4;
	s15 =	smov.u32 s8  }
0x8e: {  	v2 =	vld.idx.msk [tilespmem:v5+s19+$0x0], $0xffff  }
0x8f: {  	v11 =	vld [tilespmem:s8+$0xFFFFFFE0]  }
0x90: {  	v3 =	vld [tilespmem:s8+$0x20]  }
.Ltmp2:
0x91: {  	v4 =	vld [tilespmem:s8+$0xFFFFFFD0];
	(pc) =	sbr.rel @p0 .LBB2_7-.Ltmp2, $3  }
0x92: {  	v5 =	vld [tilespmem:s8+$0x0];
	_ =	sdelay $0x1  }
0x93: {  	v7 =	vmul.f32 v7, v2;
	v9 =	vmul.f32 v6, v2  }
0x94: {  	v10 =	vmov s21;
	v8 =	vmul.f32 v8, v2;
	v6 =	vmul.f32 v11, v2  }
0x95: {  	[tilespmem:s15+$0xFFFFFFC0] =	vst v7;
	v7 =	vand.u32 $0x7F, v10  }
0x96: {  	[tilespmem:s15+$0x30] =	vst v9;
	v7 =	vor.u32 $0x80, v7  }
0x97: {  	v1 =	vmul.f32 v1, v2;
	[tilespmem:s15+$0xFFFFFFE0] =	vst v6;
	v6 =	vbroadcast v7, $0x0  }
0x98: {  	s3 =	sadd.s32 $0x80, s8;
	[tilespmem:s15+$0x10] =	vst v8;
	v5 =	vmul.f32 v5, v2  }
0x99: {  	v3 =	vmul.f32 v3, v2;
	v7 =	vld [tilespmem:s3+$0xFFFFFFF0];
	[tilespmem:s15+$0xFFFFFFF0] =	vst v1  }
0x9a: {  	v2 =	vmul.f32 v4, v2;
	v1 =	vld [tilespmem:s3+$0x30];
	[tilespmem:s15+$0x0] =	vst v5  }
0x9b: {  	v4 =	vld [tilespmem:s3+$0x10];
	[tilespmem:s15+$0x20] =	vst v3  }
0x9c: {  	v3 =	vld [tilespmem:s3+$0xFFFFFFC0];
	[tilespmem:s15+$0xFFFFFFD0] =	vst v2  }
0x9d: {  	v2 =	vld.idx.msk [tilespmem:v6+s19+$0x0], $0xffff;
	_ =	sdelay $0x2  }
0x9e: {  	v5 =	vld [tilespmem:s3+$0xFFFFFFE0];
	_ =	sdelay $0x1  }
0x9f: {  	v6 =	vld [tilespmem:s3+$0x0];
	v1 =	vmul.f32 v1, v2  }
0xa0: {  	v8 =	vld [tilespmem:s3+$0x20];
	v3 =	vmul.f32 v3, v2  }
0xa1: {  	v9 =	vld [tilespmem:s3+$0xFFFFFFD0];
	v4 =	vmul.f32 v4, v2;
	[tilespmem:s3+$0x30] =	vst v1  }
0xa2: {  	v1 =	vmul.f32 v5, v2;
	[tilespmem:s3+$0xFFFFFFC0] =	vst v3  }
0xa3: {  	v3 =	vmul.f32 v7, v2;
	[tilespmem:s3+$0x10] =	vst v4  }
0xa4: {  	v4 =	vmul.f32 v6, v2;
	[tilespmem:s3+$0xFFFFFFE0] =	vst v1  }
0xa5: {  	v1 =	vmul.f32 v8, v2;
	[tilespmem:s3+$0xFFFFFFF0] =	vst v3  }
0xa6: {  	v2 =	vmul.f32 v9, v2;
	[tilespmem:s3+$0x0] =	vst v4  }
0xa7: {  	[tilespmem:s3+$0x20] =	vst v1  }
0xa8: {  	s8 =	simm.s32 $0x880;
	[tilespmem:s3+$0xFFFFFFD0] =	vst v2  }
0xa9: {  	[spmem:s1] =	stream.indirect.scatter.add.f32 [tilespmem:s16], [sflag:$0x1], $0x80, s8, s20, $0xb8;
	[tilespmem:$0x19800] =	vst v63  }
0xaa: {  	s15 =	simm.s32 $0x0;
	_ =	swait.ge [sflag:s17], $0x4000  }
0xab: {  	v1 =	vmov s15;
	[sflag:s17] =	ssyncset.done $0x0  }
0xac: {  	v1 =	vand.u32 $0x7F, v1;
	[sflag:s17] =	ssyncadd.s32 $0xFFFFC000  }
0xad: {  	v1 =	vor.u32 $0x100, v1;
	[tilespmem:s16], [sflag:$0x1] =	stream.indirect.gather [hbm4b:s4+s20], $0x80, s22, s20, $0xb8;
	[tilespmem:$0x19800] =	vst v63  }
0xae: {  	v1 =	vbroadcast v1, $0x0;
	_ =	swait.ge [sflag:s17], $0x4000  }
0xaf: {  	[sflag:s17] =	ssyncset.done $0x0  }
0xb0: {  	s15 =	simm.s32 $0x1840;
	[sflag:s17] =	ssyncadd.s32 $0xFFFFC000  }
0xb1: {  	v5 =	vld [tilespmem:s15+$0x30]  }
0xb2: {  	v8 =	vld [tilespmem:s15+$0x10]  }
0xb3: {  	v6 =	vld [tilespmem:s15+$0xFFFFFFC0]  }
0xb4: {  	v2 =	vld.idx.msk [tilespmem:v1+s19+$0x0], $0xffff  }
0xb5: {  	v11 =	vld [tilespmem:s15+$0xFFFFFFE0]  }
0xb6: {  	v1 =	vld [tilespmem:s15+$0xFFFFFFF0]  }
0xb7: {  	v3 =	vld [tilespmem:s15+$0x20]  }
0xb8: {  	v4 =	vld [tilespmem:s15+$0xFFFFFFD0]  }
0xb9: {  	v9 =	vmul.f32 v5, v2;
	v5 =	vld [tilespmem:s15+$0x0]  }
0xba: {  	s21 =	simm.s32 $0x1;
	v7 =	vmul.f32 v6, v2  }
0xbb: {  	v10 =	vmov s21;
	s3 =	simm.s32 $0x2;
	s8 =	simm.s32 $0x1840;
	v6 =	vmul.f32 v11, v2;
	v8 =	vmul.f32 v8, v2  }
.LBB2_9:
0xbc: {  	p0 =	sne.s32 s3, $0x7F  }
0xbd: {  	v10 =	vand.u32 $0x7F, v10;
	v4 =	vmul.f32 v4, v2;
	v3 =	vmul.f32 v3, v2;
	[tilespmem:s15+$0x30] =	vst v9;
	s8 =	sadd.s32 $0x80, s8;
	s21 =	smov.u32 s3;
	s3 =	sadd.s32 $0x1, s3  }
0xbe: {  	v9 =	vor.u32 $0x100, v10;
	[tilespmem:s15+$0xFFFFFFC0] =	vst v7;
	v7 =	vmul.f32 v1, v2;
	v2 =	vmul.f32 v5, v2  }
0xbf: {  	v5 =	vbroadcast v9, $0x0;
	[tilespmem:s15+$0x10] =	vst v8  }
0xc0: {  	[tilespmem:s15+$0xFFFFFFE0] =	vst v6  }
0xc1: {  	v1 =	vld [tilespmem:s8+$0xFFFFFFF0];
	[tilespmem:s15+$0xFFFFFFF0] =	vst v7  }
0xc2: {  	v6 =	vld [tilespmem:s8+$0x30];
	[tilespmem:s15+$0x0] =	vst v2  }
0xc3: {  	v8 =	vld [tilespmem:s8+$0x10];
	[tilespmem:s15+$0x20] =	vst v3  }
0xc4: {  	v7 =	vld [tilespmem:s8+$0xFFFFFFC0];
	[tilespmem:s15+$0xFFFFFFD0] =	vst v4;
	s15 =	smov.u32 s8  }
0xc5: {  	v2 =	vld.idx.msk [tilespmem:v5+s19+$0x0], $0xffff  }
0xc6: {  	v11 =	vld [tilespmem:s8+$0xFFFFFFE0]  }
0xc7: {  	v3 =	vld [tilespmem:s8+$0x20]  }
.Ltmp3:
0xc8: {  	v4 =	vld [tilespmem:s8+$0xFFFFFFD0];
	(pc) =	sbr.rel @p0 .LBB2_9-.Ltmp3, $3  }
0xc9: {  	v5 =	vld [tilespmem:s8+$0x0];
	_ =	sdelay $0x1  }
0xca: {  	v7 =	vmul.f32 v7, v2;
	v9 =	vmul.f32 v6, v2  }
0xcb: {  	v10 =	vmov s21;
	v8 =	vmul.f32 v8, v2;
	v6 =	vmul.f32 v11, v2  }
0xcc: {  	[tilespmem:s15+$0xFFFFFFC0] =	vst v7;
	v7 =	vand.u32 $0x7F, v10  }
0xcd: {  	[tilespmem:s15+$0x30] =	vst v9;
	v7 =	vor.u32 $0x100, v7  }
0xce: {  	v1 =	vmul.f32 v1, v2;
	[tilespmem:s15+$0xFFFFFFE0] =	vst v6;
	v6 =	vbroadcast v7, $0x0  }
0xcf: {  	s3 =	sadd.s32 $0x80, s8;
	[tilespmem:s15+$0x10] =	vst v8;
	v5 =	vmul.f32 v5, v2  }
0xd0: {  	v3 =	vmul.f32 v3, v2;
	v7 =	vld [tilespmem:s3+$0xFFFFFFF0];
	[tilespmem:s15+$0xFFFFFFF0] =	vst v1  }
0xd1: {  	v2 =	vmul.f32 v4, v2;
	v1 =	vld [tilespmem:s3+$0x30];
	[tilespmem:s15+$0x0] =	vst v5  }
0xd2: {  	v4 =	vld [tilespmem:s3+$0x10];
	[tilespmem:s15+$0x20] =	vst v3  }
0xd3: {  	v3 =	vld [tilespmem:s3+$0xFFFFFFC0];
	[tilespmem:s15+$0xFFFFFFD0] =	vst v2  }
0xd4: {  	v2 =	vld.idx.msk [tilespmem:v6+s19+$0x0], $0xffff;
	_ =	sdelay $0x2  }
0xd5: {  	v5 =	vld [tilespmem:s3+$0xFFFFFFE0];
	_ =	sdelay $0x1  }
0xd6: {  	v6 =	vld [tilespmem:s3+$0x0];
	v1 =	vmul.f32 v1, v2  }
0xd7: {  	v8 =	vld [tilespmem:s3+$0x20];
	v3 =	vmul.f32 v3, v2  }
0xd8: {  	v9 =	vld [tilespmem:s3+$0xFFFFFFD0];
	v4 =	vmul.f32 v4, v2;
	[tilespmem:s3+$0x30] =	vst v1  }
0xd9: {  	v1 =	vmul.f32 v5, v2;
	[tilespmem:s3+$0xFFFFFFC0] =	vst v3  }
0xda: {  	v3 =	vmul.f32 v7, v2;
	[tilespmem:s3+$0x10] =	vst v4  }
0xdb: {  	v4 =	vmul.f32 v6, v2;
	[tilespmem:s3+$0xFFFFFFE0] =	vst v1  }
0xdc: {  	v1 =	vmul.f32 v8, v2;
	[tilespmem:s3+$0xFFFFFFF0] =	vst v3  }
0xdd: {  	v2 =	vmul.f32 v9, v2;
	[tilespmem:s3+$0x0] =	vst v4  }
0xde: {  	[tilespmem:s3+$0x20] =	vst v1  }
0xdf: {  	[tilespmem:s3+$0xFFFFFFD0] =	vst v2  }
0xe0: {  	[spmem:s1] =	stream.indirect.scatter.add.f32 [tilespmem:s16], [sflag:$0x1], $0x80, s23, s20, $0xb8;
	[tilespmem:$0x19800] =	vst v63  }
0xe1: {  	s15 =	simm.s32 $0x0;
	_ =	swait.ge [sflag:s17], $0x4000  }
0xe2: {  	v1 =	vmov s15;
	[sflag:s17] =	ssyncset.done $0x0  }
0xe3: {  	v1 =	vand.u32 $0x7F, v1;
	[sflag:s17] =	ssyncadd.s32 $0xFFFFC000  }
0xe4: {  	v1 =	vor.u32 $0x180, v1;
	[tilespmem:s16], [sflag:$0x1] =	stream.indirect.gather [hbm4b:s4+s20], $0x80, s24, s20, $0xb8;
	[tilespmem:$0x19800] =	vst v63  }
0xe5: {  	v1 =	vbroadcast v1, $0x0;
	_ =	swait.ge [sflag:s17], $0x4000  }
0xe6: {  	[sflag:s17] =	ssyncset.done $0x0  }
0xe7: {  	s15 =	simm.s32 $0x1840;
	[sflag:s17] =	ssyncadd.s32 $0xFFFFC000  }
0xe8: {  	v5 =	vld [tilespmem:s15+$0x30]  }
0xe9: {  	v8 =	vld [tilespmem:s15+$0x10]  }
0xea: {  	v6 =	vld [tilespmem:s15+$0xFFFFFFC0]  }
0xeb: {  	v2 =	vld.idx.msk [tilespmem:v1+s19+$0x0], $0xffff  }
0xec: {  	v11 =	vld [tilespmem:s15+$0xFFFFFFE0]  }
0xed: {  	v1 =	vld [tilespmem:s15+$0xFFFFFFF0]  }
0xee: {  	v3 =	vld [tilespmem:s15+$0x20]  }
0xef: {  	v4 =	vld [tilespmem:s15+$0xFFFFFFD0]  }
0xf0: {  	v9 =	vmul.f32 v5, v2;
	v5 =	vld [tilespmem:s15+$0x0]  }
0xf1: {  	s21 =	simm.s32 $0x1;
	v7 =	vmul.f32 v6, v2  }
0xf2: {  	s8 =	simm.s32 $0x1840;
	v10 =	vmov s21;
	s3 =	simm.s32 $0x2;
	v6 =	vmul.f32 v11, v2;
	v8 =	vmul.f32 v8, v2  }
.LBB2_11:
0xf3: {  	p0 =	sne.s32 s3, $0x7F  }
0xf4: {  	v10 =	vand.u32 $0x7F, v10;
	v4 =	vmul.f32 v4, v2;
	v3 =	vmul.f32 v3, v2;
	[tilespmem:s15+$0x30] =	vst v9;
	s8 =	sadd.s32 $0x80, s8;
	s21 =	smov.u32 s3;
	s3 =	sadd.s32 $0x1, s3  }
0xf5: {  	v9 =	vor.u32 $0x180, v10;
	[tilespmem:s15+$0xFFFFFFC0] =	vst v7;
	v7 =	vmul.f32 v1, v2;
	v2 =	vmul.f32 v5, v2  }
0xf6: {  	v5 =	vbroadcast v9, $0x0;
	[tilespmem:s15+$0x10] =	vst v8  }
0xf7: {  	[tilespmem:s15+$0xFFFFFFE0] =	vst v6  }
0xf8: {  	v1 =	vld [tilespmem:s8+$0xFFFFFFF0];
	[tilespmem:s15+$0xFFFFFFF0] =	vst v7  }
0xf9: {  	v6 =	vld [tilespmem:s8+$0x30];
	[tilespmem:s15+$0x0] =	vst v2  }
0xfa: {  	v8 =	vld [tilespmem:s8+$0x10];
	[tilespmem:s15+$0x20] =	vst v3  }
0xfb: {  	v7 =	vld [tilespmem:s8+$0xFFFFFFC0];
	[tilespmem:s15+$0xFFFFFFD0] =	vst v4;
	s15 =	smov.u32 s8  }
0xfc: {  	v2 =	vld.idx.msk [tilespmem:v5+s19+$0x0], $0xffff  }
0xfd: {  	v11 =	vld [tilespmem:s8+$0xFFFFFFE0]  }
0xfe: {  	v3 =	vld [tilespmem:s8+$0x20]  }
.Ltmp4:
0xff: {  	v4 =	vld [tilespmem:s8+$0xFFFFFFD0];
	(pc) =	sbr.rel @p0 .LBB2_11-.Ltmp4, $3  }
0x100: {  	v5 =	vld [tilespmem:s8+$0x0];
	_ =	sdelay $0x1  }
0x101: {  	v7 =	vmul.f32 v7, v2;
	v9 =	vmul.f32 v6, v2  }
0x102: {  	v10 =	vmov s21;
	v8 =	vmul.f32 v8, v2;
	v6 =	vmul.f32 v11, v2  }
0x103: {  	[tilespmem:s15+$0xFFFFFFC0] =	vst v7;
	v7 =	vand.u32 $0x7F, v10  }
0x104: {  	[tilespmem:s15+$0x30] =	vst v9;
	v7 =	vor.u32 $0x180, v7  }
0x105: {  	v1 =	vmul.f32 v1, v2;
	[tilespmem:s15+$0xFFFFFFE0] =	vst v6;
	v6 =	vbroadcast v7, $0x0  }
0x106: {  	s3 =	sadd.s32 $0x80, s8;
	[tilespmem:s15+$0x10] =	vst v8;
	v5 =	vmul.f32 v5, v2  }
0x107: {  	v3 =	vmul.f32 v3, v2;
	v7 =	vld [tilespmem:s3+$0xFFFFFFF0];
	[tilespmem:s15+$0xFFFFFFF0] =	vst v1  }
0x108: {  	v2 =	vmul.f32 v4, v2;
	v1 =	vld [tilespmem:s3+$0x30];
	[tilespmem:s15+$0x0] =	vst v5  }
0x109: {  	v4 =	vld [tilespmem:s3+$0x10];
	[tilespmem:s15+$0x20] =	vst v3  }
0x10a: {  	v3 =	vld [tilespmem:s3+$0xFFFFFFC0];
	[tilespmem:s15+$0xFFFFFFD0] =	vst v2  }
0x10b: {  	v2 =	vld.idx.msk [tilespmem:v6+s19+$0x0], $0xffff;
	_ =	sdelay $0x2  }
0x10c: {  	v5 =	vld [tilespmem:s3+$0xFFFFFFE0];
	_ =	sdelay $0x1  }
0x10d: {  	v6 =	vld [tilespmem:s3+$0x0];
	v1 =	vmul.f32 v1, v2  }
0x10e: {  	v8 =	vld [tilespmem:s3+$0x20];
	v3 =	vmul.f32 v3, v2  }
0x10f: {  	v9 =	vld [tilespmem:s3+$0xFFFFFFD0];
	v4 =	vmul.f32 v4, v2;
	[tilespmem:s3+$0x30] =	vst v1  }
0x110: {  	v1 =	vmul.f32 v5, v2;
	[tilespmem:s3+$0xFFFFFFC0] =	vst v3  }
0x111: {  	v3 =	vmul.f32 v7, v2;
	[tilespmem:s3+$0x10] =	vst v4  }
0x112: {  	v4 =	vmul.f32 v6, v2;
	[tilespmem:s3+$0xFFFFFFE0] =	vst v1  }
0x113: {  	v1 =	vmul.f32 v8, v2;
	[tilespmem:s3+$0xFFFFFFF0] =	vst v3  }
0x114: {  	v2 =	vmul.f32 v9, v2;
	[tilespmem:s3+$0x0] =	vst v4  }
0x115: {  	[tilespmem:s3+$0x20] =	vst v1  }
0x116: {  	[tilespmem:s3+$0xFFFFFFD0] =	vst v2  }
0x117: {  	[spmem:s1] =	stream.indirect.scatter.add.f32 [tilespmem:s16], [sflag:$0x1], $0x80, s25, s20, $0xb8;
	[tilespmem:$0x19800] =	vst v63  }
0x118: {  	s15 =	simm.s32 $0x0;
	_ =	swait.ge [sflag:s17], $0x4000  }
0x119: {  	v1 =	vmov s15;
	[sflag:s17] =	ssyncset.done $0x0  }
0x11a: {  	v1 =	vand.u32 $0x7F, v1;
	[sflag:s17] =	ssyncadd.s32 $0xFFFFC000  }
0x11b: {  	v1 =	vor.u32 $0x200, v1;
	[tilespmem:s16], [sflag:$0x1] =	stream.indirect.gather [hbm4b:s4+s20], $0x80, s26, s20, $0xb8;
	[tilespmem:$0x19800] =	vst v63  }
0x11c: {  	v1 =	vbroadcast v1, $0x0;
	_ =	swait.ge [sflag:s17], $0x4000  }
0x11d: {  	[sflag:s17] =	ssyncset.done $0x0  }
0x11e: {  	s15 =	simm.s32 $0x1840;
	[sflag:s17] =	ssyncadd.s32 $0xFFFFC000  }
0x11f: {  	v5 =	vld [tilespmem:s15+$0x30]  }
0x120: {  	v8 =	vld [tilespmem:s15+$0x10]  }
0x121: {  	v6 =	vld [tilespmem:s15+$0xFFFFFFC0]  }
0x122: {  	v2 =	vld.idx.msk [tilespmem:v1+s19+$0x0], $0xffff  }
0x123: {  	v11 =	vld [tilespmem:s15+$0xFFFFFFE0]  }
0x124: {  	v1 =	vld [tilespmem:s15+$0xFFFFFFF0]  }
0x125: {  	v3 =	vld [tilespmem:s15+$0x20]  }
0x126: {  	v4 =	vld [tilespmem:s15+$0xFFFFFFD0]  }
0x127: {  	v9 =	vmul.f32 v5, v2;
	v5 =	vld [tilespmem:s15+$0x0]  }
0x128: {  	s21 =	simm.s32 $0x1;
	v7 =	vmul.f32 v6, v2  }
0x129: {  	s8 =	simm.s32 $0x1840;
	v10 =	vmov s21;
	s3 =	simm.s32 $0x2;
	v6 =	vmul.f32 v11, v2;
	v8 =	vmul.f32 v8, v2  }
.LBB2_13:
0x12a: {  	p0 =	sne.s32 s3, $0x7F  }
0x12b: {  	v10 =	vand.u32 $0x7F, v10;
	v4 =	vmul.f32 v4, v2;
	v3 =	vmul.f32 v3, v2;
	[tilespmem:s15+$0x30] =	vst v9;
	s8 =	sadd.s32 $0x80, s8;
	s21 =	smov.u32 s3;
	s3 =	sadd.s32 $0x1, s3  }
0x12c: {  	v9 =	vor.u32 $0x200, v10;
	[tilespmem:s15+$0xFFFFFFC0] =	vst v7;
	v7 =	vmul.f32 v1, v2;
	v2 =	vmul.f32 v5, v2  }
0x12d: {  	v5 =	vbroadcast v9, $0x0;
	[tilespmem:s15+$0x10] =	vst v8  }
0x12e: {  	[tilespmem:s15+$0xFFFFFFE0] =	vst v6  }
0x12f: {  	v1 =	vld [tilespmem:s8+$0xFFFFFFF0];
	[tilespmem:s15+$0xFFFFFFF0] =	vst v7  }
0x130: {  	v6 =	vld [tilespmem:s8+$0x30];
	[tilespmem:s15+$0x0] =	vst v2  }
0x131: {  	v8 =	vld [tilespmem:s8+$0x10];
	[tilespmem:s15+$0x20] =	vst v3  }
0x132: {  	v7 =	vld [tilespmem:s8+$0xFFFFFFC0];
	[tilespmem:s15+$0xFFFFFFD0] =	vst v4;
	s15 =	smov.u32 s8  }
0x133: {  	v2 =	vld.idx.msk [tilespmem:v5+s19+$0x0], $0xffff  }
0x134: {  	v11 =	vld [tilespmem:s8+$0xFFFFFFE0]  }
0x135: {  	v3 =	vld [tilespmem:s8+$0x20]  }
.Ltmp5:
0x136: {  	v4 =	vld [tilespmem:s8+$0xFFFFFFD0];
	(pc) =	sbr.rel @p0 .LBB2_13-.Ltmp5, $3  }
0x137: {  	v5 =	vld [tilespmem:s8+$0x0];
	_ =	sdelay $0x1  }
0x138: {  	v7 =	vmul.f32 v7, v2;
	v9 =	vmul.f32 v6, v2  }
0x139: {  	v10 =	vmov s21;
	v8 =	vmul.f32 v8, v2;
	v6 =	vmul.f32 v11, v2  }
0x13a: {  	[tilespmem:s15+$0xFFFFFFC0] =	vst v7;
	v7 =	vand.u32 $0x7F, v10  }
0x13b: {  	[tilespmem:s15+$0x30] =	vst v9;
	v7 =	vor.u32 $0x200, v7  }
0x13c: {  	v1 =	vmul.f32 v1, v2;
	[tilespmem:s15+$0xFFFFFFE0] =	vst v6;
	v6 =	vbroadcast v7, $0x0  }
0x13d: {  	s3 =	sadd.s32 $0x80, s8;
	[tilespmem:s15+$0x10] =	vst v8;
	v5 =	vmul.f32 v5, v2  }
0x13e: {  	v3 =	vmul.f32 v3, v2;
	v7 =	vld [tilespmem:s3+$0xFFFFFFF0];
	[tilespmem:s15+$0xFFFFFFF0] =	vst v1  }
0x13f: {  	v2 =	vmul.f32 v4, v2;
	v1 =	vld [tilespmem:s3+$0x30];
	[tilespmem:s15+$0x0] =	vst v5  }
0x140: {  	v4 =	vld [tilespmem:s3+$0x10];
	[tilespmem:s15+$0x20] =	vst v3  }
0x141: {  	v3 =	vld [tilespmem:s3+$0xFFFFFFC0];
	[tilespmem:s15+$0xFFFFFFD0] =	vst v2  }
0x142: {  	v2 =	vld.idx.msk [tilespmem:v6+s19+$0x0], $0xffff;
	_ =	sdelay $0x2  }
0x143: {  	v5 =	vld [tilespmem:s3+$0xFFFFFFE0];
	_ =	sdelay $0x1  }
0x144: {  	v6 =	vld [tilespmem:s3+$0x0];
	v1 =	vmul.f32 v1, v2  }
0x145: {  	v8 =	vld [tilespmem:s3+$0x20];
	v3 =	vmul.f32 v3, v2  }
0x146: {  	v9 =	vld [tilespmem:s3+$0xFFFFFFD0];
	v4 =	vmul.f32 v4, v2;
	[tilespmem:s3+$0x30] =	vst v1  }
0x147: {  	v1 =	vmul.f32 v5, v2;
	[tilespmem:s3+$0xFFFFFFC0] =	vst v3  }
0x148: {  	v3 =	vmul.f32 v7, v2;
	[tilespmem:s3+$0x10] =	vst v4  }
0x149: {  	v4 =	vmul.f32 v6, v2;
	[tilespmem:s3+$0xFFFFFFE0] =	vst v1  }
0x14a: {  	v1 =	vmul.f32 v8, v2;
	[tilespmem:s3+$0xFFFFFFF0] =	vst v3  }
0x14b: {  	v2 =	vmul.f32 v9, v2;
	[tilespmem:s3+$0x0] =	vst v4  }
0x14c: {  	[tilespmem:s3+$0x20] =	vst v1  }
0x14d: {  	[tilespmem:s3+$0xFFFFFFD0] =	vst v2  }
0x14e: {  	[spmem:s1] =	stream.indirect.scatter.add.f32 [tilespmem:s16], [sflag:$0x1], $0x80, s28, s20, $0xb8;
	[tilespmem:$0x19800] =	vst v63  }
0x14f: {  	s15 =	simm.s32 $0x0;
	_ =	swait.ge [sflag:s17], $0x4000  }
0x150: {  	v1 =	vmov s15;
	[sflag:s17] =	ssyncset.done $0x0  }
0x151: {  	v1 =	vand.u32 $0x7F, v1;
	[sflag:s17] =	ssyncadd.s32 $0xFFFFC000  }
0x152: {  	v1 =	vor.u32 $0x280, v1;
	[tilespmem:s16], [sflag:$0x1] =	stream.indirect.gather [hbm4b:s4+s20], $0x80, s29, s20, $0xb8;
	[tilespmem:$0x19800] =	vst v63  }
0x153: {  	v1 =	vbroadcast v1, $0x0;
	_ =	swait.ge [sflag:s17], $0x4000  }
0x154: {  	[sflag:s17] =	ssyncset.done $0x0  }
0x155: {  	s15 =	simm.s32 $0x1840;
	[sflag:s17] =	ssyncadd.s32 $0xFFFFC000  }
0x156: {  	v5 =	vld [tilespmem:s15+$0x30]  }
0x157: {  	v8 =	vld [tilespmem:s15+$0x10]  }
0x158: {  	v6 =	vld [tilespmem:s15+$0xFFFFFFC0]  }
0x159: {  	v2 =	vld.idx.msk [tilespmem:v1+s19+$0x0], $0xffff  }
0x15a: {  	v11 =	vld [tilespmem:s15+$0xFFFFFFE0]  }
0x15b: {  	v1 =	vld [tilespmem:s15+$0xFFFFFFF0]  }
0x15c: {  	v3 =	vld [tilespmem:s15+$0x20]  }
0x15d: {  	v4 =	vld [tilespmem:s15+$0xFFFFFFD0]  }
0x15e: {  	v9 =	vmul.f32 v5, v2;
	v5 =	vld [tilespmem:s15+$0x0]  }
0x15f: {  	s21 =	simm.s32 $0x1;
	v7 =	vmul.f32 v6, v2  }
0x160: {  	s8 =	simm.s32 $0x1840;
	v10 =	vmov s21;
	s3 =	simm.s32 $0x2;
	v6 =	vmul.f32 v11, v2;
	v8 =	vmul.f32 v8, v2  }
.LBB2_15:
0x161: {  	p0 =	sne.s32 s3, $0x7F  }
0x162: {  	v10 =	vand.u32 $0x7F, v10;
	v4 =	vmul.f32 v4, v2;
	v3 =	vmul.f32 v3, v2;
	[tilespmem:s15+$0x30] =	vst v9;
	s8 =	sadd.s32 $0x80, s8;
	s21 =	smov.u32 s3;
	s3 =	sadd.s32 $0x1, s3  }
0x163: {  	v9 =	vor.u32 $0x280, v10;
	[tilespmem:s15+$0xFFFFFFC0] =	vst v7;
	v7 =	vmul.f32 v1, v2;
	v2 =	vmul.f32 v5, v2  }
0x164: {  	v5 =	vbroadcast v9, $0x0;
	[tilespmem:s15+$0x10] =	vst v8  }
0x165: {  	[tilespmem:s15+$0xFFFFFFE0] =	vst v6  }
0x166: {  	v1 =	vld [tilespmem:s8+$0xFFFFFFF0];
	[tilespmem:s15+$0xFFFFFFF0] =	vst v7  }
0x167: {  	v6 =	vld [tilespmem:s8+$0x30];
	[tilespmem:s15+$0x0] =	vst v2  }
0x168: {  	v8 =	vld [tilespmem:s8+$0x10];
	[tilespmem:s15+$0x20] =	vst v3  }
0x169: {  	v7 =	vld [tilespmem:s8+$0xFFFFFFC0];
	[tilespmem:s15+$0xFFFFFFD0] =	vst v4;
	s15 =	smov.u32 s8  }
0x16a: {  	v2 =	vld.idx.msk [tilespmem:v5+s19+$0x0], $0xffff  }
0x16b: {  	v11 =	vld [tilespmem:s8+$0xFFFFFFE0]  }
0x16c: {  	v3 =	vld [tilespmem:s8+$0x20]  }
.Ltmp6:
0x16d: {  	v4 =	vld [tilespmem:s8+$0xFFFFFFD0];
	(pc) =	sbr.rel @p0 .LBB2_15-.Ltmp6, $3  }
0x16e: {  	v5 =	vld [tilespmem:s8+$0x0];
	_ =	sdelay $0x1  }
0x16f: {  	v7 =	vmul.f32 v7, v2;
	v9 =	vmul.f32 v6, v2  }
0x170: {  	v10 =	vmov s21;
	v8 =	vmul.f32 v8, v2;
	v6 =	vmul.f32 v11, v2  }
0x171: {  	[tilespmem:s15+$0xFFFFFFC0] =	vst v7;
	v7 =	vand.u32 $0x7F, v10  }
0x172: {  	[tilespmem:s15+$0x30] =	vst v9;
	v7 =	vor.u32 $0x280, v7  }
0x173: {  	v1 =	vmul.f32 v1, v2;
	[tilespmem:s15+$0xFFFFFFE0] =	vst v6;
	v6 =	vbroadcast v7, $0x0  }
0x174: {  	s3 =	sadd.s32 $0x80, s8;
	[tilespmem:s15+$0x10] =	vst v8;
	v5 =	vmul.f32 v5, v2  }
0x175: {  	v3 =	vmul.f32 v3, v2;
	v7 =	vld [tilespmem:s3+$0xFFFFFFF0];
	[tilespmem:s15+$0xFFFFFFF0] =	vst v1  }
0x176: {  	v2 =	vmul.f32 v4, v2;
	v1 =	vld [tilespmem:s3+$0x30];
	[tilespmem:s15+$0x0] =	vst v5  }
0x177: {  	v4 =	vld [tilespmem:s3+$0x10];
	[tilespmem:s15+$0x20] =	vst v3  }
0x178: {  	v3 =	vld [tilespmem:s3+$0xFFFFFFC0];
	[tilespmem:s15+$0xFFFFFFD0] =	vst v2  }
0x179: {  	v2 =	vld.idx.msk [tilespmem:v6+s19+$0x0], $0xffff;
	_ =	sdelay $0x2  }
0x17a: {  	v5 =	vld [tilespmem:s3+$0xFFFFFFE0];
	_ =	sdelay $0x1  }
0x17b: {  	v6 =	vld [tilespmem:s3+$0x0];
	v1 =	vmul.f32 v1, v2  }
0x17c: {  	v8 =	vld [tilespmem:s3+$0x20];
	v3 =	vmul.f32 v3, v2  }
0x17d: {  	v9 =	vld [tilespmem:s3+$0xFFFFFFD0];
	v4 =	vmul.f32 v4, v2;
	[tilespmem:s3+$0x30] =	vst v1  }
0x17e: {  	v1 =	vmul.f32 v5, v2;
	[tilespmem:s3+$0xFFFFFFC0] =	vst v3  }
0x17f: {  	v3 =	vmul.f32 v7, v2;
	[tilespmem:s3+$0x10] =	vst v4  }
0x180: {  	v4 =	vmul.f32 v6, v2;
	[tilespmem:s3+$0xFFFFFFE0] =	vst v1  }
0x181: {  	v1 =	vmul.f32 v8, v2;
	[tilespmem:s3+$0xFFFFFFF0] =	vst v3  }
0x182: {  	v2 =	vmul.f32 v9, v2;
	[tilespmem:s3+$0x0] =	vst v4  }
0x183: {  	[tilespmem:s3+$0x20] =	vst v1  }
0x184: {  	[tilespmem:s3+$0xFFFFFFD0] =	vst v2  }
0x185: {  	[spmem:s1] =	stream.indirect.scatter.add.f32 [tilespmem:s16], [sflag:$0x1], $0x80, s30, s20, $0xb8;
	[tilespmem:$0x19800] =	vst v63  }
0x186: {  	s15 =	simm.s32 $0x0;
	_ =	swait.ge [sflag:s17], $0x4000  }
0x187: {  	v1 =	vmov s15;
	[sflag:s17] =	ssyncset.done $0x0  }
0x188: {  	v1 =	vand.u32 $0x7F, v1;
	[sflag:s17] =	ssyncadd.s32 $0xFFFFC000  }
0x189: {  	v1 =	vor.u32 $0x300, v1;
	[tilespmem:s16], [sflag:$0x1] =	stream.indirect.gather [hbm4b:s4+s20], $0x80, s31, s20, $0xb8;
	[tilespmem:$0x19800] =	vst v63  }
0x18a: {  	v1 =	vbroadcast v1, $0x0;
	_ =	swait.ge [sflag:s17], $0x4000  }
0x18b: {  	[sflag:s17] =	ssyncset.done $0x0  }
0x18c: {  	s15 =	simm.s32 $0x1840;
	[sflag:s17] =	ssyncadd.s32 $0xFFFFC000  }
0x18d: {  	v5 =	vld [tilespmem:s15+$0x30]  }
0x18e: {  	v8 =	vld [tilespmem:s15+$0x10]  }
0x18f: {  	v6 =	vld [tilespmem:s15+$0xFFFFFFC0]  }
0x190: {  	v2 =	vld.idx.msk [tilespmem:v1+s19+$0x0], $0xffff  }
0x191: {  	v11 =	vld [tilespmem:s15+$0xFFFFFFE0]  }
0x192: {  	v1 =	vld [tilespmem:s15+$0xFFFFFFF0]  }
0x193: {  	v3 =	vld [tilespmem:s15+$0x20]  }
0x194: {  	v4 =	vld [tilespmem:s15+$0xFFFFFFD0]  }
0x195: {  	v9 =	vmul.f32 v5, v2;
	v5 =	vld [tilespmem:s15+$0x0]  }
0x196: {  	s21 =	simm.s32 $0x1;
	v7 =	vmul.f32 v6, v2  }
0x197: {  	s8 =	simm.s32 $0x1840;
	v10 =	vmov s21;
	s3 =	simm.s32 $0x2;
	v6 =	vmul.f32 v11, v2;
	v8 =	vmul.f32 v8, v2  }
.LBB2_17:
0x198: {  	p0 =	sne.s32 s3, $0x7F  }
0x199: {  	v10 =	vand.u32 $0x7F, v10;
	v4 =	vmul.f32 v4, v2;
	v3 =	vmul.f32 v3, v2;
	[tilespmem:s15+$0x30] =	vst v9;
	s8 =	sadd.s32 $0x80, s8;
	s21 =	smov.u32 s3;
	s3 =	sadd.s32 $0x1, s3  }
0x19a: {  	v9 =	vor.u32 $0x300, v10;
	[tilespmem:s15+$0xFFFFFFC0] =	vst v7;
	v7 =	vmul.f32 v1, v2;
	v2 =	vmul.f32 v5, v2  }
0x19b: {  	v5 =	vbroadcast v9, $0x0;
	[tilespmem:s15+$0x10] =	vst v8  }
0x19c: {  	[tilespmem:s15+$0xFFFFFFE0] =	vst v6  }
0x19d: {  	v1 =	vld [tilespmem:s8+$0xFFFFFFF0];
	[tilespmem:s15+$0xFFFFFFF0] =	vst v7  }
0x19e: {  	v6 =	vld [tilespmem:s8+$0x30];
	[tilespmem:s15+$0x0] =	vst v2  }
0x19f: {  	v8 =	vld [tilespmem:s8+$0x10];
	[tilespmem:s15+$0x20] =	vst v3  }
0x1a0: {  	v7 =	vld [tilespmem:s8+$0xFFFFFFC0];
	[tilespmem:s15+$0xFFFFFFD0] =	vst v4;
	s15 =	smov.u32 s8  }
0x1a1: {  	v2 =	vld.idx.msk [tilespmem:v5+s19+$0x0], $0xffff  }
0x1a2: {  	v11 =	vld [tilespmem:s8+$0xFFFFFFE0]  }
0x1a3: {  	v3 =	vld [tilespmem:s8+$0x20]  }
.Ltmp7:
0x1a4: {  	v4 =	vld [tilespmem:s8+$0xFFFFFFD0];
	(pc) =	sbr.rel @p0 .LBB2_17-.Ltmp7, $3  }
0x1a5: {  	v5 =	vld [tilespmem:s8+$0x0];
	_ =	sdelay $0x1  }
0x1a6: {  	v7 =	vmul.f32 v7, v2;
	v9 =	vmul.f32 v6, v2  }
0x1a7: {  	v10 =	vmov s21;
	v8 =	vmul.f32 v8, v2;
	v6 =	vmul.f32 v11, v2  }
0x1a8: {  	[tilespmem:s15+$0xFFFFFFC0] =	vst v7;
	v7 =	vand.u32 $0x7F, v10  }
0x1a9: {  	[tilespmem:s15+$0x30] =	vst v9;
	v7 =	vor.u32 $0x300, v7  }
0x1aa: {  	v1 =	vmul.f32 v1, v2;
	[tilespmem:s15+$0xFFFFFFE0] =	vst v6;
	v6 =	vbroadcast v7, $0x0  }
0x1ab: {  	s3 =	sadd.s32 $0x80, s8;
	[tilespmem:s15+$0x10] =	vst v8;
	v5 =	vmul.f32 v5, v2  }
0x1ac: {  	v3 =	vmul.f32 v3, v2;
	v7 =	vld [tilespmem:s3+$0xFFFFFFF0];
	[tilespmem:s15+$0xFFFFFFF0] =	vst v1  }
0x1ad: {  	v2 =	vmul.f32 v4, v2;
	v1 =	vld [tilespmem:s3+$0x30];
	[tilespmem:s15+$0x0] =	vst v5  }
0x1ae: {  	v4 =	vld [tilespmem:s3+$0x10];
	[tilespmem:s15+$0x20] =	vst v3  }
0x1af: {  	v3 =	vld [tilespmem:s3+$0xFFFFFFC0];
	[tilespmem:s15+$0xFFFFFFD0] =	vst v2  }
0x1b0: {  	v2 =	vld.idx.msk [tilespmem:v6+s19+$0x0], $0xffff;
	_ =	sdelay $0x2  }
0x1b1: {  	v5 =	vld [tilespmem:s3+$0xFFFFFFE0];
	_ =	sdelay $0x1  }
0x1b2: {  	v6 =	vld [tilespmem:s3+$0x0];
	v1 =	vmul.f32 v1, v2  }
0x1b3: {  	v8 =	vld [tilespmem:s3+$0x20];
	v3 =	vmul.f32 v3, v2  }
0x1b4: {  	v9 =	vld [tilespmem:s3+$0xFFFFFFD0];
	v4 =	vmul.f32 v4, v2;
	[tilespmem:s3+$0x30] =	vst v1  }
0x1b5: {  	v1 =	vmul.f32 v5, v2;
	[tilespmem:s3+$0xFFFFFFC0] =	vst v3  }
0x1b6: {  	v3 =	vmul.f32 v7, v2;
	[tilespmem:s3+$0x10] =	vst v4  }
0x1b7: {  	v4 =	vmul.f32 v6, v2;
	[tilespmem:s3+$0xFFFFFFE0] =	vst v1  }
0x1b8: {  	v1 =	vmul.f32 v8, v2;
	[tilespmem:s3+$0xFFFFFFF0] =	vst v3  }
0x1b9: {  	v2 =	vmul.f32 v9, v2;
	[tilespmem:s3+$0x0] =	vst v4  }
0x1ba: {  	[tilespmem:s3+$0x20] =	vst v1  }
0x1bb: {  	[tilespmem:s3+$0xFFFFFFD0] =	vst v2  }
0x1bc: {  	[spmem:s1] =	stream.indirect.scatter.add.f32 [tilespmem:s16], [sflag:$0x1], $0x80, s0, s20, $0xb8;
	[tilespmem:$0x19800] =	vst v63  }
0x1bd: {  	s15 =	simm.s32 $0x0;
	_ =	swait.ge [sflag:s17], $0x4000  }
0x1be: {  	v1 =	vmov s15;
	[sflag:s17] =	ssyncset.done $0x0  }
0x1bf: {  	v1 =	vand.u32 $0x7F, v1;
	[sflag:s17] =	ssyncadd.s32 $0xFFFFC000  }
0x1c0: {  	v1 =	vor.u32 $0x380, v1;
	[tilespmem:s16], [sflag:$0x1] =	stream.indirect.gather [hbm4b:s4+s20], $0x80, s2, s20, $0xb8;
	[tilespmem:$0x19800] =	vst v63  }
0x1c1: {  	v1 =	vbroadcast v1, $0x0;
	_ =	swait.ge [sflag:s17], $0x4000  }
0x1c2: {  	[sflag:s17] =	ssyncset.done $0x0  }
0x1c3: {  	s15 =	simm.s32 $0x1840;
	[sflag:s17] =	ssyncadd.s32 $0xFFFFC000  }
0x1c4: {  	v5 =	vld [tilespmem:s15+$0x30]  }
0x1c5: {  	v8 =	vld [tilespmem:s15+$0x10]  }
0x1c6: {  	v6 =	vld [tilespmem:s15+$0xFFFFFFC0]  }
0x1c7: {  	v2 =	vld.idx.msk [tilespmem:v1+s19+$0x0], $0xffff  }
0x1c8: {  	v11 =	vld [tilespmem:s15+$0xFFFFFFE0]  }
0x1c9: {  	v1 =	vld [tilespmem:s15+$0xFFFFFFF0]  }
0x1ca: {  	v3 =	vld [tilespmem:s15+$0x20]  }
0x1cb: {  	v4 =	vld [tilespmem:s15+$0xFFFFFFD0]  }
0x1cc: {  	v9 =	vmul.f32 v5, v2;
	v5 =	vld [tilespmem:s15+$0x0]  }
0x1cd: {  	s21 =	simm.s32 $0x1;
	v7 =	vmul.f32 v6, v2  }
0x1ce: {  	s8 =	simm.s32 $0x1840;
	v10 =	vmov s21;
	s3 =	simm.s32 $0x2;
	v6 =	vmul.f32 v11, v2;
	v8 =	vmul.f32 v8, v2  }
.LBB2_19:
0x1cf: {  	p0 =	sne.s32 s3, $0x7F  }
0x1d0: {  	v10 =	vand.u32 $0x7F, v10;
	v4 =	vmul.f32 v4, v2;
	v3 =	vmul.f32 v3, v2;
	[tilespmem:s15+$0x30] =	vst v9;
	s8 =	sadd.s32 $0x80, s8;
	s21 =	smov.u32 s3;
	s3 =	sadd.s32 $0x1, s3  }
0x1d1: {  	v9 =	vor.u32 $0x380, v10;
	[tilespmem:s15+$0xFFFFFFC0] =	vst v7;
	v7 =	vmul.f32 v1, v2;
	v2 =	vmul.f32 v5, v2  }
0x1d2: {  	v5 =	vbroadcast v9, $0x0;
	[tilespmem:s15+$0x10] =	vst v8  }
0x1d3: {  	[tilespmem:s15+$0xFFFFFFE0] =	vst v6  }
0x1d4: {  	v1 =	vld [tilespmem:s8+$0xFFFFFFF0];
	[tilespmem:s15+$0xFFFFFFF0] =	vst v7  }
0x1d5: {  	v6 =	vld [tilespmem:s8+$0x30];
	[tilespmem:s15+$0x0] =	vst v2  }
0x1d6: {  	v8 =	vld [tilespmem:s8+$0x10];
	[tilespmem:s15+$0x20] =	vst v3  }
0x1d7: {  	v7 =	vld [tilespmem:s8+$0xFFFFFFC0];
	[tilespmem:s15+$0xFFFFFFD0] =	vst v4;
	s15 =	smov.u32 s8  }
0x1d8: {  	v2 =	vld.idx.msk [tilespmem:v5+s19+$0x0], $0xffff  }
0x1d9: {  	v11 =	vld [tilespmem:s8+$0xFFFFFFE0]  }
0x1da: {  	v3 =	vld [tilespmem:s8+$0x20]  }
.Ltmp8:
0x1db: {  	v4 =	vld [tilespmem:s8+$0xFFFFFFD0];
	(pc) =	sbr.rel @p0 .LBB2_19-.Ltmp8, $3  }
0x1dc: {  	v5 =	vld [tilespmem:s8+$0x0];
	_ =	sdelay $0x1  }
0x1dd: {  	v7 =	vmul.f32 v7, v2;
	v9 =	vmul.f32 v6, v2  }
0x1de: {  	v10 =	vmov s21;
	v8 =	vmul.f32 v8, v2;
	v6 =	vmul.f32 v11, v2  }
0x1df: {  	[tilespmem:s15+$0xFFFFFFC0] =	vst v7;
	v7 =	vand.u32 $0x7F, v10  }
0x1e0: {  	[tilespmem:s15+$0x30] =	vst v9;
	v7 =	vor.u32 $0x380, v7  }
0x1e1: {  	v1 =	vmul.f32 v1, v2;
	[tilespmem:s15+$0xFFFFFFE0] =	vst v6;
	v6 =	vbroadcast v7, $0x0  }
0x1e2: {  	s3 =	sadd.s32 $0x80, s8;
	[tilespmem:s15+$0x10] =	vst v8;
	v5 =	vmul.f32 v5, v2  }
0x1e3: {  	v3 =	vmul.f32 v3, v2;
	v7 =	vld [tilespmem:s3+$0xFFFFFFF0];
	[tilespmem:s15+$0xFFFFFFF0] =	vst v1  }
0x1e4: {  	v2 =	vmul.f32 v4, v2;
	v1 =	vld [tilespmem:s3+$0x30];
	[tilespmem:s15+$0x0] =	vst v5  }
0x1e5: {  	v4 =	vld [tilespmem:s3+$0x10];
	[tilespmem:s15+$0x20] =	vst v3  }
0x1e6: {  	v3 =	vld [tilespmem:s3+$0xFFFFFFC0];
	[tilespmem:s15+$0xFFFFFFD0] =	vst v2  }
0x1e7: {  	v2 =	vld.idx.msk [tilespmem:v6+s19+$0x0], $0xffff;
	_ =	sdelay $0x2  }
0x1e8: {  	v5 =	vld [tilespmem:s3+$0xFFFFFFE0];
	_ =	sdelay $0x1  }
0x1e9: {  	v6 =	vld [tilespmem:s3+$0x0];
	v1 =	vmul.f32 v1, v2  }
0x1ea: {  	v8 =	vld [tilespmem:s3+$0x20];
	v3 =	vmul.f32 v3, v2  }
0x1eb: {  	v9 =	vld [tilespmem:s3+$0xFFFFFFD0];
	v4 =	vmul.f32 v4, v2;
	[tilespmem:s3+$0x30] =	vst v1  }
0x1ec: {  	v1 =	vmul.f32 v5, v2;
	[tilespmem:s3+$0xFFFFFFC0] =	vst v3  }
0x1ed: {  	v3 =	vmul.f32 v7, v2;
	[tilespmem:s3+$0x10] =	vst v4  }
0x1ee: {  	v4 =	vmul.f32 v6, v2;
	[tilespmem:s3+$0xFFFFFFE0] =	vst v1  }
0x1ef: {  	v1 =	vmul.f32 v8, v2;
	[tilespmem:s3+$0xFFFFFFF0] =	vst v3  }
0x1f0: {  	v2 =	vmul.f32 v9, v2;
	[tilespmem:s3+$0x0] =	vst v4  }
0x1f1: {  	[tilespmem:s3+$0x20] =	vst v1  }
0x1f2: {  	[tilespmem:s3+$0xFFFFFFD0] =	vst v2  }
0x1f3: {  	[spmem:s1] =	stream.indirect.scatter.add.f32 [tilespmem:s16], [sflag:$0x1], $0x80, s10, s20, $0xb8;
	[tilespmem:$0x19800] =	vst v63  }
0x1f4: {  	s15 =	simm.s32 $0x0;
	_ =	swait.ge [sflag:s17], $0x4000  }
0x1f5: {  	v1 =	vmov s15;
	[sflag:s17] =	ssyncset.done $0x0  }
0x1f6: {  	v1 =	vand.u32 $0x7F, v1;
	[sflag:s17] =	ssyncadd.s32 $0xFFFFC000  }
0x1f7: {  	v1 =	vor.u32 $0x400, v1;
	[tilespmem:s16], [sflag:$0x1] =	stream.indirect.gather [hbm4b:s4+s20], $0x80, s11, s20, $0xb8;
	[tilespmem:$0x19800] =	vst v63  }
0x1f8: {  	v1 =	vbroadcast v1, $0x0;
	_ =	swait.ge [sflag:s17], $0x4000  }
0x1f9: {  	[sflag:s17] =	ssyncset.done $0x0  }
0x1fa: {  	s15 =	simm.s32 $0x1840;
	[sflag:s17] =	ssyncadd.s32 $0xFFFFC000  }
0x1fb: {  	v5 =	vld [tilespmem:s15+$0x30]  }
0x1fc: {  	v8 =	vld [tilespmem:s15+$0x10]  }
0x1fd: {  	v6 =	vld [tilespmem:s15+$0xFFFFFFC0]  }
0x1fe: {  	v2 =	vld.idx.msk [tilespmem:v1+s19+$0x0], $0xffff  }
0x1ff: {  	v11 =	vld [tilespmem:s15+$0xFFFFFFE0]  }
0x200: {  	v1 =	vld [tilespmem:s15+$0xFFFFFFF0]  }
0x201: {  	v3 =	vld [tilespmem:s15+$0x20]  }
0x202: {  	v4 =	vld [tilespmem:s15+$0xFFFFFFD0]  }
0x203: {  	v9 =	vmul.f32 v5, v2;
	v5 =	vld [tilespmem:s15+$0x0]  }
0x204: {  	s21 =	simm.s32 $0x1;
	v7 =	vmul.f32 v6, v2  }
0x205: {  	s8 =	simm.s32 $0x1840;
	v10 =	vmov s21;
	s3 =	simm.s32 $0x2;
	v6 =	vmul.f32 v11, v2;
	v8 =	vmul.f32 v8, v2  }
.LBB2_21:
0x206: {  	p0 =	sne.s32 s3, $0x7F  }
0x207: {  	v10 =	vand.u32 $0x7F, v10;
	v4 =	vmul.f32 v4, v2;
	v3 =	vmul.f32 v3, v2;
	[tilespmem:s15+$0x30] =	vst v9;
	s8 =	sadd.s32 $0x80, s8;
	s21 =	smov.u32 s3;
	s3 =	sadd.s32 $0x1, s3  }
0x208: {  	v9 =	vor.u32 $0x400, v10;
	[tilespmem:s15+$0xFFFFFFC0] =	vst v7;
	v7 =	vmul.f32 v1, v2;
	v2 =	vmul.f32 v5, v2  }
0x209: {  	v5 =	vbroadcast v9, $0x0;
	[tilespmem:s15+$0x10] =	vst v8  }
0x20a: {  	[tilespmem:s15+$0xFFFFFFE0] =	vst v6  }
0x20b: {  	v1 =	vld [tilespmem:s8+$0xFFFFFFF0];
	[tilespmem:s15+$0xFFFFFFF0] =	vst v7  }
0x20c: {  	v6 =	vld [tilespmem:s8+$0x30];
	[tilespmem:s15+$0x0] =	vst v2  }
0x20d: {  	v8 =	vld [tilespmem:s8+$0x10];
	[tilespmem:s15+$0x20] =	vst v3  }
0x20e: {  	v7 =	vld [tilespmem:s8+$0xFFFFFFC0];
	[tilespmem:s15+$0xFFFFFFD0] =	vst v4;
	s15 =	smov.u32 s8  }
0x20f: {  	v2 =	vld.idx.msk [tilespmem:v5+s19+$0x0], $0xffff  }
0x210: {  	v11 =	vld [tilespmem:s8+$0xFFFFFFE0]  }
0x211: {  	v3 =	vld [tilespmem:s8+$0x20]  }
.Ltmp9:
0x212: {  	v4 =	vld [tilespmem:s8+$0xFFFFFFD0];
	(pc) =	sbr.rel @p0 .LBB2_21-.Ltmp9, $3  }
0x213: {  	v5 =	vld [tilespmem:s8+$0x0];
	_ =	sdelay $0x1  }
0x214: {  	v7 =	vmul.f32 v7, v2;
	v9 =	vmul.f32 v6, v2  }
0x215: {  	v10 =	vmov s21;
	v8 =	vmul.f32 v8, v2;
	v6 =	vmul.f32 v11, v2  }
0x216: {  	[tilespmem:s15+$0x30] =	vst v9;
	v57 =	vand.u32 $0x7F, v10  }
0x217: {  	[tilespmem:s15+$0xFFFFFFC0] =	vst v7;
	v7 =	vor.u32 $0x400, v57  }
0x218: {  	v1 =	vmul.f32 v1, v2;
	[tilespmem:s15+$0x10] =	vst v8;
	v58 =	vbroadcast v7, $0x0  }
0x219: {  	s3 =	sadd.s32 $0x80, s8;
	[tilespmem:s15+$0xFFFFFFE0] =	vst v6;
	v5 =	vmul.f32 v5, v2  }
0x21a: {  	v3 =	vmul.f32 v3, v2;
	v59 =	vld [tilespmem:s3+$0xFFFFFFF0];
	[tilespmem:s15+$0xFFFFFFF0] =	vst v1  }
0x21b: {  	v2 =	vmul.f32 v4, v2;
	v1 =	vld [tilespmem:s3+$0x30];
	[tilespmem:s15+$0x0] =	vst v5  }
0x21c: {  	v60 =	vld [tilespmem:s3+$0x10];
	[tilespmem:s15+$0x20] =	vst v3  }
0x21d: {  	v3 =	vld [tilespmem:s3+$0xFFFFFFC0];
	[tilespmem:s15+$0xFFFFFFD0] =	vst v2  }
0x21e: {  	v2 =	vld.idx.msk [tilespmem:v58+s19+$0x0], $0xffff;
	_ =	sdelay $0x2  }
0x21f: {  	v61 =	vld [tilespmem:s3+$0x0]  }
0x220: {  	v5 =	vld [tilespmem:s3+$0xFFFFFFE0]  }
0x221: {  	v1 =	vmul.f32 v1, v2  }
0x222: {  	v8 =	vld [tilespmem:s3+$0x20];
	v3 =	vmul.f32 v3, v2  }
0x223: {  	v62 =	vld [tilespmem:s3+$0xFFFFFFD0];
	v4 =	vmul.f32 v60, v2;
	[tilespmem:s3+$0x30] =	vst v1  }
0x224: {  	v63 =	vmul.f32 v61, v2;
	[tilespmem:s3+$0xFFFFFFC0] =	vst v3  }
0x225: {  	v1 =	vmul.f32 v5, v2;
	[tilespmem:s3+$0x10] =	vst v4  }
0x226: {  	v3 =	vmul.f32 v59, v2;
	[tilespmem:s3+$0x0] =	vst v63  }
0x227: {  	[tilespmem:s3+$0xFFFFFFE0] =	vst v1;
	v1 =	vmul.f32 v8, v2  }
0x228: {  	s14 =	sadd.s32 $0x1, s14;
	[tilespmem:s3+$0xFFFFFFF0] =	vst v3;
	v2 =	vmul.f32 v62, v2  }
0x229: {  	p0 =	sne.s32 s14, $0x9;
	[tilespmem:s3+$0x20] =	vst v1  }
.Ltmp10:
0x22a: {  	[tilespmem:s3+$0xFFFFFFD0] =	vst v2;
	(pc) =	sbr.rel @p0 .LBB2_4-.Ltmp10, $4  }
0x22b: {  	[spmem:s1] =	stream.indirect.scatter.add.f32 [tilespmem:s16], [sflag:$0x1], $0x80, s12, s20, $0xb8;
	[tilespmem:$0x19800] =	vst v63  }
0x22c: {  	_ =	swait.ge [sflag:s17], $0x4000  }
0x22d: {  	[sflag:s17] =	ssyncset.done $0x0  }
0x22e: {  	[sflag:s17] =	ssyncadd.s32 $0xFFFFC000  }
0x22f: {  	s3 =	stileid.u32;
	[bflag:$0x0] =	sbarrier.arrive $0xFFFF  }
0x230: {  	s3 =	sshll.u32 s3, $0x6;
	s14 =	rddreg [dreg:$0x4]  }
0x231: {  	s13 =	rddreg [dreg:$0x5];
	s3 =	sor.u32 $0x1C01, s3;
	s8 =	sshrl.u32 s14, $0x3  }
0x232: {  	[hbm:s13], [sflag:s3] =	dma.local [spmem:s8], $0x2800  }
0x233: {  	_ =	swait.ge [sflag:s17], $0x2800  }
0x234: {  	s15 =	rddreg [dreg:$0x3]  }
0x235: {  	s21 =	rddreg [dreg:$0x6];
	s13 =	sadd.s32 $0x1, s15  }
0x236: {  	p0 =	sne.s32 s13, s21  }
.Ltmp11:
0x237: {  	_ = 	snop;
	(pc) =	sbr.rel @p0 .LBB2_1-.Ltmp11, $3  }
0x238: {  	_ =	sdelay $0x1  }
0x239: {  	[sflag:s17] =	ssyncset.done $0x0  }
0x23a: {  	[sflag:s17] =	ssyncadd.s32 $0xFFFFD800  }
0x23b: {  	_ =	sfence.sel $0x180000  }
0x23c: {  	[bflag:$0x0] =	sbarrier.arrive $0xFFFF  }
0x23d: {  	_ =	strace $0x90000050  }
0x23e: {  	s0 =	stileid.u32;
	[bflag:$0x2] =	sbarrier.arrive $0xFFFF  }
0x23f: {  	p0 =	sne.s32 s0, $0x0;
	s0 =	rddreg [dreg:$0x2]  }
0x240: {  	s0 =	sadd.s32 @!p0 $0x100000, s0  }
0x241: {  	[sflag:s0] =	ssyncadd.tile.s32 @!p0 $0x1;
	_ =	shalt  }
.Lfunc_end2:
_tile_overlayer_lowered:
.L_overlay_start_2:
0x242: {  	(tag) =	ssettag $0x2  }
0x243: {  	s0 =	rddreg [dreg:$0x0];
	s2 =	stileid.u32  }
0x244: {  	s1 =	rddreg [dreg:$0x1];
	p0 =	sne.s32 s2, $0x0  }
0x245: {  	s3 =	rddreg [dreg:$0x2];
	[bflag:$0x3] =	sbarrier.arrive $0xFFFF;
	s2 =	simm.s32 @!p0 $0x1C01  }
0x246: {  	[timem:s3], [sflag:s2] =	dma.local @!p0 [hbm:s0], s1  }
0x247: {  	s0 =	simm.s32 @!p0 $0x1  }
0x248: {  	_ =	swait.ge @!p0 [sflag:s0], s1  }
0x249: {  	s1 =	ssub.s32 @!p0 $0x0, s1;
	[sflag:s0] =	ssyncset.done @!p0 $0x0  }
0x24a: {  	[sflag:s0] =	ssyncadd.s32 @!p0 s1  }
0x24b: {  	[bflag:$0x3] =	sbarrier.arrive $0xFFFF  }
0x24c: {  	_ =	shalt  }

// kernel: kernel.9.cloned.1.call-start
scs
__scs_entry_jumppad:
0x0: {  	(pc) =	sbr.rel $0x88, $3  }
0x1: {  	(tag) =	ssettag $0x0;
	lr =	simm.s32 $0x1  }
0x2: {  	[smem:$0x3F95] =	sst lr;
	_ =	strace $0xD0000000  }
0x3: {  	_ = 	snop  }
0x4: {  	_ = 	snop  }
0x5: {  	_ = 	snop  }
0x6: {  	_ = 	snop  }
0x7: {  	_ = 	snop  }
__scs_overlays_trampoline_lowered:
0x8: {  	[smem:$0x3FA4] =	sst s0  }
0x9: {  	[smem:$0x3FA5] =	sst s1  }
0xa: {  	[smem:$0x3FA6] =	sst s2  }
0xb: {  	[smem:$0x3FA7] =	sst s3  }
0xc: {  	[smem:$0x3FA8] =	sst s4  }
0xd: {  	[smem:$0x3FA9] =	sst s5  }
0xe: {  	[smem:$0x3FAA] =	sst s6  }
0xf: {  	[smem:$0x3FAB] =	sst s7  }
0x10: {  	[smem:$0x3FAC] =	sst s8  }
0x11: {  	[smem:$0x3FAD] =	sst s9;
	s0 =	simm.s32 @!p0 $0x0  }
0x12: {  	s1 =	sld [smem:$0x3F93];
	s0 =	simm.s32 @p0 $0x1  }
0x13: {  	[smem:$0x3FAE] =	sst s0;
	s0 =	simm.s32 @!p1 $0x0  }
0x14: {  	s2 =	sld [smem:$0x3F92];
	s0 =	simm.s32 @p1 $0x1  }
0x15: {  	[smem:$0x3FAF] =	sst s0;
	s0 =	simm.s32 @!p2 $0x0  }
0x16: {  	s3 =	sld [smem:$0x3FDB];
	s0 =	simm.s32 @p2 $0x1  }
0x17: {  	s4 =	simm.s32 $0x1BF5;
	[smem:$0x3FB1] =	sst s0  }
0x18: {  	s0 =	sld [smem:$0x3F94];
	_ =	swait.ge [sflag:s4], $0x0  }
0x19: {  	s7 =	sld [smem:$0x3F95]  }
0x1a: {  	s8 =	sadd.s32 $0xFFFFE003, lr  }
0x1b: {  	s9 =	sadd.s32 $0xFFFFFEF7, lr;
	s5 =	simm.s32 $0xFFFFFFFF;
	p2 =	slt.u32 s8, $0xFFFFF086  }
0x1c: {  	p1 =	slt.u32 s9, $0xF7A;
	s5 =	simm.s32 @!p2 $0x0  }
0x1d: {  	s5 =	simm.s32 @p1 $0x1;
	p0 =	seq.s32 s7, s2  }
0x1e: {  	s7 =	smul.u32 @!p0 $0xF7A, s2;
	p2 =	seq.s32 @!p0 s5, $0x0  }
0x1f: {  	s9 =	smul.u32 $0xF7A, s1;
	s8 =	simm.s32 @!p0 $0x1BF5;
	p2 =	por !p2, p0  }
0x20: {  	[sflag:s8] =	ssyncset.s32 @!p0 $0xFFFFF086;
	s6 =	sadd.s32 @!p0 s3, s7;
	s7 =	simm.s32 @!p0 $0x108  }
0x21: {  	s3 =	sadd.s32 s3, s9;
	s6 =	sadd.s32 @!p0 $0x88, s6;
	s7 =	simm.s32 @p2 $0x1082  }
0x22: {  	[simem:s7], [sflag:s8] =	dma.local @!p0 [hbm:s6], $0xF7A  }
0x23: {  	s9 =	sor.u32 $0xD0000000, s2;
	s6 =	simm.s32 $0x108;
	_ =	swait.ge @!p0 [sflag:s8], $0x0  }
0x24: {  	s3 =	sadd.s32 $0x88, s3;
	s6 =	simm.s32 @!p1 $0x1082;
	[sflag:s4] =	ssyncset.s32 $0xFFFFF086  }
0x25: {  	[simem:s6], [sflag:s4] =	dma.local [hbm:s3], $0xF7A  }
0x26: {  	[smem:$0x3F95] =	sst s1;
	(tag) =	ssettag s2;
	_ =	strace s9  }
0x27: {  	s1 =	sld [smem:$0x3FA5]  }
0x28: {  	s2 =	sld [smem:$0x3FA6]  }
0x29: {  	s4 =	sld [smem:$0x3FA8]  }
0x2a: {  	p0 =	seq.s32 s5, $0x0;
	s5 =	sld [smem:$0x3FA9]  }
0x2b: {  	s6 =	sld [smem:$0x3FAA]  }
0x2c: {  	s7 =	sld [smem:$0x3FAB]  }
0x2d: {  	s3 =	simm.s32 $0x108;
	s8 =	sld [smem:$0x3FAC]  }
0x2e: {  	s3 =	simm.s32 @!p0 $0x1082;
	s9 =	sld [smem:$0x3FAD]  }
0x2f: {  	lr =	sadd.s32 s0, s3;
	s0 =	sld [smem:$0x3FA4]  }
0x30: {  	s3 =	sld [smem:$0x3FA7]  }
0x31: {  	[smem:$0x3FB0] =	sst s10  }
0x32: {  	s10 =	sld [smem:$0x3FAE];
	_ =	sdelay $0x3  }
0x33: {  	p0 =	seq.s32 s10, $0x1;
	s10 =	sld [smem:$0x3FB0];
	_ =	sdelay $0x3  }
0x34: {  	[smem:$0x3FB0] =	sst s10  }
0x35: {  	s10 =	sld [smem:$0x3FAF];
	_ =	sdelay $0x3  }
0x36: {  	p1 =	seq.s32 s10, $0x1;
	s10 =	sld [smem:$0x3FB0];
	_ =	sdelay $0x3  }
0x37: {  	[smem:$0x3FB0] =	sst s10  }
0x38: {  	s10 =	sld [smem:$0x3FB1]  }
0x39: {  	_ = 	snop;
	(pc) =	sbr.ind lr, $3  }
0x3a: {  	_ = 	snop  }
0x3b: {  	_ = 	snop  }
0x3c: {  	p2 =	seq.s32 s10, $0x1;
	s10 =	sld [smem:$0x3FB0]  }
0x3d: {  	_ =	shalt  }
0x3e: {  	_ =	shalt  }
0x3f: {  	_ =	shalt  }
0x40: {  	_ =	shalt  }
0x41: {  	_ =	shalt  }
0x42: {  	_ =	shalt  }
0x43: {  	_ =	shalt  }
0x44: {  	_ =	shalt  }
0x45: {  	_ =	shalt  }
0x46: {  	_ =	shalt  }
0x47: {  	_ =	shalt  }
0x48: {  	_ =	shalt  }
0x49: {  	_ =	shalt  }
0x4a: {  	_ =	shalt  }
0x4b: {  	_ =	shalt  }
0x4c: {  	_ =	shalt  }
0x4d: {  	_ =	shalt  }
0x4e: {  	_ =	shalt  }
0x4f: {  	_ =	shalt  }
0x50: {  	_ =	shalt  }
0x51: {  	_ =	shalt  }
0x52: {  	_ =	shalt  }
0x53: {  	_ =	shalt  }
0x54: {  	_ =	shalt  }
0x55: {  	_ =	shalt  }
0x56: {  	_ =	shalt  }
0x57: {  	_ =	shalt  }
0x58: {  	_ =	shalt  }
0x59: {  	_ =	shalt  }
0x5a: {  	_ =	shalt  }
0x5b: {  	_ =	shalt  }
0x5c: {  	_ =	shalt  }
0x5d: {  	_ =	shalt  }
0x5e: {  	_ =	shalt  }
0x5f: {  	_ =	shalt  }
0x60: {  	_ =	shalt  }
0x61: {  	_ =	shalt  }
0x62: {  	_ =	shalt  }
0x63: {  	_ =	shalt  }
0x64: {  	_ =	shalt  }
0x65: {  	_ =	shalt  }
0x66: {  	_ =	shalt  }
0x67: {  	_ =	shalt  }
0x68: {  	_ =	shalt  }
0x69: {  	_ =	shalt  }
0x6a: {  	_ =	shalt  }
0x6b: {  	_ =	shalt  }
0x6c: {  	_ =	shalt  }
0x6d: {  	_ =	shalt  }
0x6e: {  	_ =	shalt  }
0x6f: {  	_ =	shalt  }
0x70: {  	_ =	shalt  }
0x71: {  	_ =	shalt  }
0x72: {  	_ =	shalt  }
0x73: {  	_ =	shalt  }
0x74: {  	_ =	shalt  }
0x75: {  	_ =	shalt  }
0x76: {  	_ =	shalt  }
0x77: {  	_ =	shalt  }
0x78: {  	_ =	shalt  }
0x79: {  	_ =	shalt  }
0x7a: {  	_ =	shalt  }
0x7b: {  	_ =	shalt  }
0x7c: {  	_ =	shalt  }
0x7d: {  	_ =	shalt  }
0x7e: {  	_ =	shalt  }
0x7f: {  	_ =	shalt  }
0x80: {  	_ =	shalt  }
0x81: {  	_ =	shalt  }
0x82: {  	_ =	shalt  }
0x83: {  	_ =	shalt  }
0x84: {  	_ =	shalt  }
0x85: {  	_ =	shalt  }
0x86: {  	_ =	shalt  }
0x87: {  	_ =	shalt  }
.Lfunc_end0:
.L_simem_size_0:
called_computation_lowered:
.L_overlay_start_0:
0x88: {  	s2 =	sld [smem:$0x3FD9]  }
0x89: {  	s3 =	sld [smem:$0x3FFE];
	_ =	sdelay $0x1  }
0x8a: {  	s1 =	srdreg.scid  }
0x8b: {  	s0 =	sand.u32 $0x1, s1  }
0x8c: {  	s16 =	sshll.u32 s0, $0xA;
	s2 =	sadd.s32 s3, s2  }
0x8d: {  	s2 =	sadd.s32 s2, s16  }
0x8e: {  	[smem:$0x3FBC] =	sst s2  }
0x8f: {  	_ = 	snop  }
0x90: {  	(tm) =	ssettm $0x1  }
0x91: {  	s17 =	sld [smem:$0x3FFB];
	_ =	sdelay $0x3  }
0x92: {  	_ =	strace s17  }
0x93: {  	s2 =	sld [smem:$0x3FFC];
	_ =	sdelay $0x3  }
0x94: {  	_ =	strace s2  }
0x95: {  	s2 =	sld [smem:$0x3FFD];
	_ =	sdelay $0x3  }
0x96: {  	_ =	strace s2  }
0x97: {  	_ =	strace $0x8FFFFFFF  }
0x98: {  	s18 =	sld [smem:$0x3FDB];
	_ =	sdelay $0x1  }
0x99: {  	s19 =	simm.s32 $_scs_section_size  }
0x9a: {  	s4 =	simm.s32 $_size__tile_overlayer_lowered;
	s5 =	simm.s32 $_tile_overlayer_lowered  }
0x9b: {  	s22 =	simm.s32 $0x1BFF;
	s21 =	sshll.u32 s5, $0x1;
	s2 =	sadd.s32 s19, s18  }
0x9c: {  	s6 =	simm.s32 $0x0;
	s20 =	sshll.u32 s4, $0x1;
	s4 =	sadd.s32 s21, s2  }
0x9d: {  	[timem:s6], [sflag:s22] =	dma.local [hbm:s4], s20  }
0x9e: {  	_ =	swait.ge [sflag:s22], s20  }
0x9f: {  	s3 =	ssub.s32 $0x0, s20;
	[sflag:s22] =	ssyncset.done $0x0  }
0xa0: {  	[sflag:s22] =	ssyncadd.s32 s3;
	_ =	sdelay $0x1  }
0xa1: {  	s23 =	simm.s32 $0x1B8B  }
0xa2: {  	_ =	swait.ge [sflag:s23], $0x1  }
0xa3: {  	[sflag:s23] =	ssyncset.done $0x0  }
0xa4: {  	s25 =	simm.s32 $0x1B8E;
	s24 =	sld [smem:$0x3FFE];
	[sflag:s23] =	ssyncadd.s32 $0xFFFFFFFF  }
0xa5: {  	s26 =	simm.s32 $execute0_lowered;
	[smem:$0x3FD2] =	sst s25  }
0xa6: {  	s4 =	sshll.u32 s26, $0x1;
	_ =	strace $0x80000046;
	[dreg:$0x1] =	wrdreg $0xFFFFFFFF  }
0xa7: {  	s28 =	simm.s32 $_size_execute0_lowered;
	s2 =	sadd.s32 s2, s4;
	[dreg:$0x0] =	wrdreg $0x0  }
0xa8: {  	s4 =	sshll.u32 s28, $0x1;
	[dreg:$0x2] =	wrdreg s2  }
0xa9: {  	[dreg:$0x3] =	wrdreg s4  }
0xaa: {  	[dreg:$0x4] =	wrdreg $0xC0  }
0xab: {  	_ =	task [dreg:s6], $0x5FFFF  }
0xac: {  	[dreg:$0x1] =	wrdreg $0xFFFFFFFF  }
0xad: {  	[dreg:$0x0] =	wrdreg $0x60  }
0xae: {  	[dreg:$0x2] =	wrdreg s24  }
0xaf: {  	[dreg:$0x3] =	wrdreg $0x9  }
0xb0: {  	_ =	task.clear_ibuf [dreg:s6], $0x4FFFF;
	_ =	strace $0x90000046  }
0xb1: {  	s29 =	simm.s32 $0x9;
	_ =	strace $0x80000048  }
0xb2: {  	_ =	swait.ge [sflag:s29], $0x1  }
0xb3: {  	[sflag:s29] =	ssyncadd.s32 $0xFFFFFFFF  }
0xb4: {  	_ =	strace $0x90000048  }
0xb5: {  	_ =	sfence  }
0xb6: {  	s30 =	sld [smem:$0x0];
	_ =	sdelay $0x2  }
0xb7: {  	s31 =	sshll.u32 s1, $0xD;
	s1 =	sshrl.u32 s1, $0x2  }
0xb8: {  	s3 =	sand.u32 $0x4000, s31;
	s1 =	sadd.s32 s1, s30  }
0xb9: {  	s0 =	sor.u32 s3, s0;
	s1 =	sshll.u32 s1, $0x11  }
0xba: {  	s0 =	sor.u32 s1, s0  }
0xbb: {  	s0 =	sadd.s32 $0x8F2B, s0  }
0xbc: {  	[sflag:s0] =	ssyncadd.remote.s32 $0x1  }
0xbd: {  	_ =	sfence.sel $0xFFFF  }
0xbe: {  	[dreg:$0x0] =	wrdreg $0xFFFFFFFF;
	(pc) =	sbr.abs _section_cstart, $3  }
0xbf: {  	[dreg:$0x1] =	wrdreg $0xFFFFFFFF  }
0xc0: {  	_ =	task.clear_ibuf [dreg:s6], $0x2FFFF;
	_ =	strace $0x9FFFFFFF  }
0xc1: {  	(tm) =	ssettm $0x7FFFFFFF  }
tec
execute0_lowered:
.L_overlay_start_1:
0x0: {  	(tag) =	ssettag $0x1  }
0x1: {  	s1 =	srdreg.scid  }
0x2: {  	s0 =	stileid.u32;
	s6 =	rddreg [dreg:$0x0];
	s2 =	simm.s32 $0x0  }
0x3: {  	s14 =	simm.s32 $0x5000;
	s15 =	simm.s32 $0xA000;
	s16 =	simm.s32 $0xC880  }
0x4: {  	s17 =	simm.s32 $0x7800;
	s18 =	simm.s32 $0xF100;
	s19 =	simm.s32 $0x0  }
0x5: {  	s8 =	sand.u32 $0x1, s1;
	s3 =	sshll.u32 s0, $0x1;
	s1 =	rddreg [dreg:$0x1]  }
0x6: {  	[smem:$0x7FF] =	sst s2;
	s12 =	smul.u32 $0x5100, s0;
	s5 =	sor.u32 s8, s3  }
0x7: {  	s4 =	sadd.s32 $0x3DC00, s6;
	_ =	strace $0x80000047;
	s7 =	smul.u32 $0x2880, s5  }
0x8: {  	s3 =	sadd.s32 $0x3D600, s6;
	s10 =	ssub.s32 $0x2, s8;
	s9 =	smul.u32 $0x500, s5  }
0x9: {  	s13 =	smul.u32 $0x2880, s8;
	s5 =	sadd.s32 $0x3E200, s6;
	s31 =	sshrl.u32 s10, $0x1  }
0xa: {  	s10 =	ssub.s32 s10, s31;
	s7 =	sshrl.u32 s7, $0x3;
	s9 =	sadd.s32 s9, s6  }
0xb: {  	s10 =	smax.u32 s10, $0x1;
	s11 =	sadd.s32 s7, s6;
	s9 =	sadd.s32 $0x48A00, s9  }
0xc: {  	s6 =	sadd.s32 $0x1200, s11;
	s7 =	sadd.s32 $0xB400, s11;
	s8 =	sadd.s32 $0x3E800, s11  }
0xd: {  	v0 =	vimm.f32 $0.0e+00;
	s11 =	sadd.s32 s13, s12;
	s12 =	simm.s32 $0x1;
	s13 =	simm.s32 $0x2800  }
.LBB2_1:
0xe: {  	[tilespmem:s2], [sflag:$0x1] =	stream.linear.gather [hbm4b:s3+s2], $0x2800, $0x38;
	[tilespmem:$0x11980] =	vst v63  }
0xf: {  	_ =	swait.ge [sflag:s12], $0x2800  }
0x10: {  	[sflag:s12] =	ssyncset.done $0x0  }
0x11: {  	[sflag:s12] =	ssyncadd.s32 $0xFFFFD800  }
0x12: {  	[tilespmem:s13], [sflag:$0x1] =	stream.linear.gather [hbm4b:s4+s2], $0x2800, $0x38;
	[tilespmem:$0x11980] =	vst v63  }
0x13: {  	_ =	swait.ge [sflag:s12], $0x2800  }
0x14: {  	[sflag:s12] =	ssyncset.done $0x0  }
0x15: {  	[sflag:s12] =	ssyncadd.s32 $0xFFFFD800  }
0x16: {  	[tilespmem:s14], [sflag:$0x1] =	stream.linear.gather [hbm4b:s5+s2], $0x2800, $0x38;
	[tilespmem:$0x11980] =	vst v63  }
0x17: {  	_ =	swait.ge [sflag:s12], $0x2800  }
0x18: {  	[sflag:s12] =	ssyncset.done $0x0  }
0x19: {  	[sflag:s12] =	ssyncadd.s32 $0xFFFFD800  }
0x1a: {  	[tilespmem:s15], [sflag:$0x1] =	stream.linear.gather [hbm4b:s6+s2], $0x2880, $0x38;
	[tilespmem:$0x11980] =	vst v63  }
0x1b: {  	_ =	swait.ge [sflag:s12], $0x2880  }
0x1c: {  	[sflag:s12] =	ssyncset.done $0x0  }
0x1d: {  	[sflag:s12] =	ssyncadd.s32 $0xFFFFD780  }
0x1e: {  	[tilespmem:s16], [sflag:$0x1] =	stream.linear.gather [hbm4b:s7+s2], $0x2880, $0x38;
	[tilespmem:$0x11980] =	vst v63  }
0x1f: {  	_ =	swait.ge [sflag:s12], $0x2880  }
0x20: {  	[sflag:s12] =	ssyncset.done $0x0  }
0x21: {  	s20 =	simm.s32 $0x0;
	[sflag:s12] =	ssyncadd.s32 $0xFFFFD780  }
.LBB2_2:
0x22: {  	p0 =	sne.s32 s20, $0x9FC0  }
.Ltmp0:
0x23: {  	_ = 	snop;
	(pc) =	sbr.rel @p0 .LBB2_2-.Ltmp0, $3  }
0x24: {  	_ =	sdelay $0x1  }
0x25: {  	s21 =	sshra.s32 s20, $0x2  }
0x26: {  	s20 =	sadd.s32 $0x40, s20;
	[tilespmem:s21+$0x7800] =	vst v0  }
0x27: {  	s20 =	simm.s32 $0x0  }
0x28: {  	s21 =	simm.s32 $0xA040;
	s22 =	simm.s32 $0xC8C0;
	s23 =	simm.s32 $0xF140  }
.LBB2_4:
0x29: {  	v1 =	vld [tilespmem:s21+$0xFFFFFFC0]  }
0x2a: {  	v2 =	vld [tilespmem:s22+$0xFFFFFFC0];
	_ =	sdelay $0x6  }
0x2b: {  	v1 =	vld.idx.msk [tilespmem:v1+s2+$0x0], $0xffff  }
0x2c: {  	v3 =	vld.idx.msk [tilespmem:v2+s13+$0x0], $0xffff;
	_ =	sdelay $0x4  }
0x2d: {  	v4 =	vld.idx.msk [tilespmem:v2+s14+$0x0], $0xffff;
	v1 =	vadd.f32 v3, v1;
	_ =	sdelay $0x1  }
0x2e: {  	v3 =	vmul.f32 $2.000000030e-01, v1  }
0x2f: {  	vm0 =	vgt.f32 v1, $0.0e+00  }
0x30: {  	v1 =	vsel vm0, v1, v3  }
0x31: {  	v1 =	vsub.f32 v1, v4;
	_ =	sdelay $0x1  }
0x32: {  	v1 =	vmin.f32 v1, $8.000000000e+01  }
0x33: {  	v1 =	vmul.f32 $1.442695020e+00, v1;
	_ =	sdelay $0x1  }
0x34: {  	(erf) = vpow2.f32 v1;
	_ =	sdelay $0x7  }
0x35: {  	s24 =	sadd.s32 s20, s11  }
0x36: {  	p0 =	slt.u32 s24, $0x50910;
	v1 =	vpop (erf)  }
0x37: {  	v1 =	vpsel !p0, $0x0, v1  }
0x38: {  	[tilespmem:s23+$0xFFFFFFC0] =	vst v1  }
0x39: {  	[tilespmem:v2+s17+$0x0] =	vst.idx.add.f32.msk $0xffff, v1  }
0x3a: {  	v1 =	vld [tilespmem:s21+$0xFFFFFFD0]  }
0x3b: {  	v2 =	vld [tilespmem:s22+$0xFFFFFFD0];
	_ =	sdelay $0x6  }
0x3c: {  	v1 =	vld.idx.msk [tilespmem:v1+s2+$0x0], $0xffff  }
0x3d: {  	v3 =	vld.idx.msk [tilespmem:v2+s13+$0x0], $0xffff;
	_ =	sdelay $0x4  }
0x3e: {  	v57 =	vld.idx.msk [tilespmem:v2+s14+$0x0], $0xffff;
	v1 =	vadd.f32 v3, v1;
	_ =	sdelay $0x1  }
0x3f: {  	v3 =	vmul.f32 $2.000000030e-01, v1  }
0x40: {  	vm9 =	vgt.f32 v1, $0.0e+00  }
0x41: {  	v1 =	vsel vm9, v1, v3  }
0x42: {  	v1 =	vsub.f32 v1, v57;
	_ =	sdelay $0x1  }
0x43: {  	v1 =	vmin.f32 v1, $8.000000000e+01  }
0x44: {  	v1 =	vmul.f32 $1.442695020e+00, v1;
	_ =	sdelay $0x1  }
0x45: {  	(erf) = vpow2.f32 v1;
	_ =	sdelay $0x7  }
0x46: {  	s25 =	sadd.s32 $0x10, s24  }
0x47: {  	p6 =	slt.u32 s25, $0x50910;
	v1 =	vpop (erf)  }
0x48: {  	v1 =	vpsel !p6, $0x0, v1  }
0x49: {  	[tilespmem:s23+$0xFFFFFFD0] =	vst v1  }
0x4a: {  	[tilespmem:v2+s17+$0x0] =	vst.idx.add.f32.msk $0xffff, v1  }
0x4b: {  	v1 =	vld [tilespmem:s21+$0xFFFFFFE0]  }
0x4c: {  	v2 =	vld [tilespmem:s22+$0xFFFFFFE0];
	_ =	sdelay $0x6  }
0x4d: {  	v1 =	vld.idx.msk [tilespmem:v1+s2+$0x0], $0xffff  }
0x4e: {  	v3 =	vld.idx.msk [tilespmem:v2+s13+$0x0], $0xffff;
	_ =	sdelay $0x4  }
0x4f: {  	v58 =	vld.idx.msk [tilespmem:v2+s14+$0x0], $0xffff;
	v1 =	vadd.f32 v3, v1;
	_ =	sdelay $0x1  }
0x50: {  	v3 =	vmul.f32 $2.000000030e-01, v1  }
0x51: {  	vm10 =	vgt.f32 v1, $0.0e+00  }
0x52: {  	v1 =	vsel vm10, v1, v3  }
0x53: {  	v1 =	vsub.f32 v1, v58;
	_ =	sdelay $0x1  }
0x54: {  	v1 =	vmin.f32 v1, $8.000000000e+01  }
0x55: {  	v1 =	vmul.f32 $1.442695020e+00, v1;
	_ =	sdelay $0x1  }
0x56: {  	(erf) = vpow2.f32 v1;
	_ =	sdelay $0x7  }
0x57: {  	s26 =	sadd.s32 $0x20, s24  }
0x58: {  	p1 =	slt.u32 s26, $0x50910;
	v1 =	vpop (erf)  }
0x59: {  	v1 =	vpsel !p1, $0x0, v1  }
0x5a: {  	[tilespmem:s23+$0xFFFFFFE0] =	vst v1  }
0x5b: {  	[tilespmem:v2+s17+$0x0] =	vst.idx.add.f32.msk $0xffff, v1  }
0x5c: {  	v1 =	vld [tilespmem:s21+$0xFFFFFFF0]  }
0x5d: {  	v2 =	vld [tilespmem:s22+$0xFFFFFFF0];
	_ =	sdelay $0x6  }
0x5e: {  	v1 =	vld.idx.msk [tilespmem:v1+s2+$0x0], $0xffff  }
0x5f: {  	v3 =	vld.idx.msk [tilespmem:v2+s13+$0x0], $0xffff;
	_ =	sdelay $0x4  }
0x60: {  	v59 =	vld.idx.msk [tilespmem:v2+s14+$0x0], $0xffff;
	v1 =	vadd.f32 v3, v1;
	_ =	sdelay $0x1  }
0x61: {  	v3 =	vmul.f32 $2.000000030e-01, v1  }
0x62: {  	vm11 =	vgt.f32 v1, $0.0e+00  }
0x63: {  	v1 =	vsel vm11, v1, v3  }
0x64: {  	v1 =	vsub.f32 v1, v59;
	_ =	sdelay $0x1  }
0x65: {  	v1 =	vmin.f32 v1, $8.000000000e+01  }
0x66: {  	v1 =	vmul.f32 $1.442695020e+00, v1;
	_ =	sdelay $0x1  }
0x67: {  	(erf) = vpow2.f32 v1;
	_ =	sdelay $0x7  }
0x68: {  	s28 =	sadd.s32 $0x30, s24  }
0x69: {  	p2 =	slt.u32 s28, $0x50910;
	v1 =	vpop (erf)  }
0x6a: {  	v1 =	vpsel !p2, $0x0, v1  }
0x6b: {  	[tilespmem:s23+$0xFFFFFFF0] =	vst v1  }
0x6c: {  	[tilespmem:v2+s17+$0x0] =	vst.idx.add.f32.msk $0xffff, v1  }
0x6d: {  	v1 =	vld [tilespmem:s21+$0x0]  }
0x6e: {  	v2 =	vld [tilespmem:s22+$0x0];
	_ =	sdelay $0x6  }
0x6f: {  	v1 =	vld.idx.msk [tilespmem:v1+s2+$0x0], $0xffff  }
0x70: {  	v3 =	vld.idx.msk [tilespmem:v2+s13+$0x0], $0xffff;
	_ =	sdelay $0x4  }
0x71: {  	v60 =	vld.idx.msk [tilespmem:v2+s14+$0x0], $0xffff;
	v1 =	vadd.f32 v3, v1;
	_ =	sdelay $0x1  }
0x72: {  	v3 =	vmul.f32 $2.000000030e-01, v1  }
0x73: {  	vm12 =	vgt.f32 v1, $0.0e+00  }
0x74: {  	v1 =	vsel vm12, v1, v3  }
0x75: {  	v1 =	vsub.f32 v1, v60;
	_ =	sdelay $0x1  }
0x76: {  	v1 =	vmin.f32 v1, $8.000000000e+01  }
0x77: {  	v1 =	vmul.f32 $1.442695020e+00, v1;
	_ =	sdelay $0x1  }
0x78: {  	(erf) = vpow2.f32 v1;
	_ =	sdelay $0x7  }
0x79: {  	s29 =	sadd.s32 $0x40, s24  }
0x7a: {  	p3 =	slt.u32 s29, $0x50910;
	v1 =	vpop (erf)  }
0x7b: {  	v1 =	vpsel !p3, $0x0, v1  }
0x7c: {  	[tilespmem:s23+$0x0] =	vst v1  }
0x7d: {  	[tilespmem:v2+s17+$0x0] =	vst.idx.add.f32.msk $0xffff, v1  }
0x7e: {  	v1 =	vld [tilespmem:s21+$0x10]  }
0x7f: {  	v2 =	vld [tilespmem:s22+$0x10];
	_ =	sdelay $0x6  }
0x80: {  	v1 =	vld.idx.msk [tilespmem:v1+s2+$0x0], $0xffff  }
0x81: {  	v3 =	vld.idx.msk [tilespmem:v2+s13+$0x0], $0xffff;
	_ =	sdelay $0x4  }
0x82: {  	v61 =	vld.idx.msk [tilespmem:v2+s14+$0x0], $0xffff;
	v1 =	vadd.f32 v3, v1;
	_ =	sdelay $0x1  }
0x83: {  	v3 =	vmul.f32 $2.000000030e-01, v1  }
0x84: {  	vm13 =	vgt.f32 v1, $0.0e+00  }
0x85: {  	v1 =	vsel vm13, v1, v3  }
0x86: {  	v1 =	vsub.f32 v1, v61;
	_ =	sdelay $0x1  }
0x87: {  	v1 =	vmin.f32 v1, $8.000000000e+01  }
0x88: {  	v1 =	vmul.f32 $1.442695020e+00, v1;
	_ =	sdelay $0x1  }
0x89: {  	(erf) = vpow2.f32 v1;
	_ =	sdelay $0x7  }
0x8a: {  	s30 =	sadd.s32 $0x50, s24  }
0x8b: {  	p4 =	slt.u32 s30, $0x50910;
	v1 =	vpop (erf)  }
0x8c: {  	v1 =	vpsel !p4, $0x0, v1  }
0x8d: {  	[tilespmem:s23+$0x10] =	vst v1  }
0x8e: {  	[tilespmem:v2+s17+$0x0] =	vst.idx.add.f32.msk $0xffff, v1  }
0x8f: {  	v1 =	vld [tilespmem:s21+$0x20]  }
0x90: {  	v2 =	vld [tilespmem:s22+$0x20];
	_ =	sdelay $0x6  }
0x91: {  	v1 =	vld.idx.msk [tilespmem:v1+s2+$0x0], $0xffff  }
0x92: {  	v3 =	vld.idx.msk [tilespmem:v2+s13+$0x0], $0xffff;
	_ =	sdelay $0x4  }
0x93: {  	v62 =	vld.idx.msk [tilespmem:v2+s14+$0x0], $0xffff;
	v1 =	vadd.f32 v3, v1;
	_ =	sdelay $0x1  }
0x94: {  	v3 =	vmul.f32 $2.000000030e-01, v1  }
0x95: {  	vm14 =	vgt.f32 v1, $0.0e+00  }
0x96: {  	v1 =	vsel vm14, v1, v3  }
0x97: {  	v1 =	vsub.f32 v1, v62;
	_ =	sdelay $0x1  }
0x98: {  	v1 =	vmin.f32 v1, $8.000000000e+01  }
0x99: {  	v1 =	vmul.f32 $1.442695020e+00, v1;
	_ =	sdelay $0x1  }
0x9a: {  	(erf) = vpow2.f32 v1;
	_ =	sdelay $0x7  }
0x9b: {  	s31 =	sadd.s32 $0x60, s24  }
0x9c: {  	p5 =	slt.u32 s31, $0x50910;
	v1 =	vpop (erf)  }
0x9d: {  	v1 =	vpsel !p5, $0x0, v1  }
0x9e: {  	[tilespmem:s23+$0x20] =	vst v1  }
0x9f: {  	[tilespmem:v2+s17+$0x0] =	vst.idx.add.f32.msk $0xffff, v1  }
0xa0: {  	v1 =	vld [tilespmem:s21+$0x30]  }
0xa1: {  	v2 =	vld [tilespmem:s22+$0x30];
	_ =	sdelay $0x6  }
0xa2: {  	v1 =	vld.idx.msk [tilespmem:v1+s2+$0x0], $0xffff  }
0xa3: {  	v3 =	vld.idx.msk [tilespmem:v2+s13+$0x0], $0xffff;
	_ =	sdelay $0x4  }
0xa4: {  	v63 =	vld.idx.msk [tilespmem:v2+s14+$0x0], $0xffff;
	v1 =	vadd.f32 v3, v1;
	_ =	sdelay $0x1  }
0xa5: {  	v3 =	vmul.f32 $2.000000030e-01, v1  }
0xa6: {  	vm15 =	vgt.f32 v1, $0.0e+00  }
0xa7: {  	v1 =	vsel vm15, v1, v3  }
0xa8: {  	v1 =	vsub.f32 v1, v63;
	_ =	sdelay $0x1  }
0xa9: {  	v1 =	vmin.f32 v1, $8.000000000e+01  }
0xaa: {  	v1 =	vmul.f32 $1.442695020e+00, v1;
	_ =	sdelay $0x1  }
0xab: {  	(erf) = vpow2.f32 v1;
	_ =	sdelay $0x6  }
0xac: {  	p0 =	sne.s32 s20, $0x2800  }
.Ltmp1:
0xad: {  	s24 =	sadd.s32 $0x70, s24;
	(pc) =	sbr.rel @p0 .LBB2_4-.Ltmp1, $4  }
0xae: {  	p6 =	slt.u32 s24, $0x50910;
	v1 =	vpop (erf)  }
0xaf: {  	v1 =	vpsel !p6, $0x0, v1  }
0xb0: {  	s20 =	sadd.s32 $0x80, s20;
	[tilespmem:s23+$0x30] =	vst v1  }
0xb1: {  	s21 =	sadd.s32 $0x80, s21;
	s22 =	sadd.s32 $0x80, s22;
	s23 =	sadd.s32 $0x80, s23;
	[tilespmem:v2+s17+$0x0] =	vst.idx.add.f32.msk $0xffff, v1  }
0xb2: {  	[hbm4b:s8+s2] =	stream.linear.scatter [tilespmem:s18], [sflag:$0x1], $0x2880, $0x38;
	[tilespmem:$0x11980] =	vst v63  }
0xb3: {  	s19 =	sadd.s32 $0x1, s19;
	_ =	swait.ge [sflag:s12], $0x2880  }
0xb4: {  	p0 =	sne.s32 s19, s10;
	[sflag:s12] =	ssyncset.done $0x0  }
.Ltmp2:
0xb5: {  	[sflag:s12] =	ssyncadd.s32 $0xFFFFD780;
	(pc) =	sbr.rel @p0 .LBB2_1-.Ltmp2, $4  }
0xb6: {  	[hbm4b:s9+s2] =	stream.linear.scatter [tilespmem:s17], [sflag:$0x1], $0x2800, $0x38;
	[tilespmem:$0x11980] =	vst v63  }
0xb7: {  	_ =	swait.ge [sflag:s12], $0x2800  }
0xb8: {  	[sflag:s12] =	ssyncset.done $0x0  }
0xb9: {  	[sflag:s12] =	ssyncadd.s32 $0xFFFFD800  }
0xba: {  	_ =	sfence.sel $0x180000  }
0xbb: {  	[bflag:$0x0] =	sbarrier.arrive $0xFFFF  }
0xbc: {  	p0 =	sne.s32 s0, $0x0;
	_ =	strace $0x90000047  }
0xbd: {  	s0 =	sadd.s32 @!p0 $0x100000, s1;
	[bflag:$0x2] =	sbarrier.arrive $0xFFFF  }
0xbe: {  	[sflag:s0] =	ssyncadd.tile.s32 @!p0 $0x1;
	_ =	shalt  }
.Lfunc_end2:
_tile_overlayer_lowered:
.L_overlay_start_2:
0xbf: {  	(tag) =	ssettag $0x2  }
0xc0: {  	s0 =	rddreg [dreg:$0x0];
	s2 =	stileid.u32  }
0xc1: {  	s1 =	rddreg [dreg:$0x1];
	p0 =	sne.s32 s2, $0x0  }
0xc2: {  	s3 =	rddreg [dreg:$0x2];
	[bflag:$0x3] =	sbarrier.arrive $0xFFFF;
	s2 =	simm.s32 @!p0 $0x1C01  }
0xc3: {  	[timem:s3], [sflag:s2] =	dma.local @!p0 [hbm:s0], s1  }
0xc4: {  	s0 =	simm.s32 @!p0 $0x1  }
0xc5: {  	_ =	swait.ge @!p0 [sflag:s0], s1  }
0xc6: {  	s1 =	ssub.s32 @!p0 $0x0, s1;
	[sflag:s0] =	ssyncset.done @!p0 $0x0  }
0xc7: {  	[sflag:s0] =	ssyncadd.s32 @!p0 s1  }
0xc8: {  	[bflag:$0x3] =	sbarrier.arrive $0xFFFF  }
0xc9: {  	_ =	shalt  }

</sc_bundles>
